<compile_context>
chip_gen: v7x
topology: tpu7x:2x2x1
jax: 0.10.2.dev20260603
libtpu: 0.0.44.dev20260713+nightly
codegen_flags: <defaults>
</compile_context>

<pallas_src>
import functools

import jax
import jax.numpy as jnp
from jax import lax
from jax.experimental import pallas as pl
from jax.experimental.pallas import tpu as pltpu
from jax.experimental.pallas import tpu_sc as plsc

N = 10000
E = 320000
D = 128

NC = 2
NS = 16
NW = NC * NS
EW = E // NW
CH = 80
NCHUNK = EW // CH
NTRI = -(-NCHUNK // 3)
WCH = 200
NWCH = N // WCH
WPT = -(-NWCH // NS)
WCHP = 80
NWCHP = N // WCHP
WPTP = -(-NWCHP // NS)

_mesh = plsc.VectorSubcoreMesh(core_axis_name="c", subcore_axis_name="s",
                               num_cores=NC)


def _worker(c, s):
    return c * NS + s


@functools.partial(
    pl.kernel,
    out_type=jax.ShapeDtypeStruct((NC, N, D), jnp.float32),
    mesh=_mesh,
    scratch_types=[
        pltpu.VMEM_SHARED((N, D), jnp.float32),
        pltpu.VMEM((NCHUNK, CH), jnp.int32),
        pltpu.VMEM((CH, D), jnp.float32),
    ],
)
def _sc_deg(rows_hbm, out_hbm, acc_sh, idx_v, ones_v):
    c = lax.axis_index("c")
    s = lax.axis_index("s")
    w = _worker(c, s)

    one16 = jnp.ones((16,), jnp.float32)
    zero16 = jnp.zeros((16,), jnp.float32)

    def frow(i, _):
        def fcol(k, _):
            ones_v[i, pl.ds(k * 16, 16)] = zero16
            return 0
        lax.fori_loop(0, D // 16, fcol, 0)
        return 0

    lax.fori_loop(0, CH, frow, 0)

    def zslab(k, _):
        cid = k * NS + s

        @pl.when(cid < NWCHP)
        def _():
            pltpu.sync_copy(ones_v.at[pl.ds(0, WCHP)],
                            acc_sh.at[pl.ds(cid * WCHP, WCHP)])
        return 0

    lax.fori_loop(0, WPTP, zslab, 0)
    plsc.subcore_barrier()

    def orow(i, _):
        def ocol(k, _):
            ones_v[i, pl.ds(k * 16, 16)] = one16
            return 0
        lax.fori_loop(0, D // 16, ocol, 0)
        return 0

    lax.fori_loop(0, CH, orow, 0)

    pltpu.sync_copy(rows_hbm.at[w], idx_v)

    def step(j, _):
        pltpu.sync_copy(ones_v, acc_sh.at[idx_v.at[j]], add=True)
        return 0

    lax.fori_loop(0, NCHUNK, step, 0)
    plsc.subcore_barrier()

    def wslab(k, _):
        cid = k * NS + s

        @pl.when(cid < NWCHP)
        def _():
            base = cid * WCHP
            pltpu.sync_copy(acc_sh.at[pl.ds(base, WCHP)],
                            ones_v.at[pl.ds(0, WCHP)])
            pltpu.sync_copy(ones_v.at[pl.ds(0, WCHP)],
                            out_hbm.at[c, pl.ds(base, WCHP)])
        return 0

    lax.fori_loop(0, WPTP, wslab, 0)


@functools.partial(
    pl.kernel,
    out_type=jax.ShapeDtypeStruct((NC, N, D), jnp.float32),
    mesh=_mesh,
    scratch_types=[
        pltpu.VMEM_SHARED((N, D), jnp.float32),
        pltpu.VMEM((EW,), jnp.int32),
        pltpu.VMEM((1, CH), jnp.int32),
        pltpu.VMEM((1, CH), jnp.int32),
        pltpu.VMEM((1, CH), jnp.int32),
        pltpu.VMEM((CH, D), jnp.float32),
        pltpu.VMEM((CH, D), jnp.float32),
        pltpu.VMEM((CH, D), jnp.float32),
        pltpu.SemaphoreType.DMA,
        pltpu.SemaphoreType.DMA,
        pltpu.SemaphoreType.DMA,
        pltpu.SemaphoreType.DMA,
        pltpu.SemaphoreType.DMA,
        pltpu.SemaphoreType.DMA,
    ],
)
def _sc_prop(g_hbm, rows_hbm, cols_hbm, out_hbm, acc_sh, ridx_v, cidx_a,
             cidx_b, cidx_c, rows_a, rows_b, rows_c,
             sem_a, sem_b, sem_c, sem_ca, sem_cb, sem_cc):
    c = lax.axis_index("c")
    s = lax.axis_index("s")
    w = _worker(c, s)

    zero16 = jnp.zeros((16,), jnp.float32)

    def zrow(i, _):
        def zcol(k, _):
            rows_a[i, pl.ds(k * 16, 16)] = zero16
            return 0
        lax.fori_loop(0, D // 16, zcol, 0)
        return 0

    lax.fori_loop(0, CH, zrow, 0)

    def zslab(k, _):
        cid = k * NS + s

        @pl.when(cid < NWCHP)
        def _():
            pltpu.sync_copy(rows_a.at[pl.ds(0, WCHP)],
                            acc_sh.at[pl.ds(cid * WCHP, WCHP)])
        return 0

    lax.fori_loop(0, WPTP, zslab, 0)
    plsc.subcore_barrier()

    pltpu.sync_copy(rows_hbm.at[pl.ds(w * EW, EW)], ridx_v)

    cbase = w * NCHUNK
    rbufs = (rows_a, rows_b, rows_c)
    gsems = (sem_a, sem_b, sem_c)
    cbufs = (cidx_a, cidx_b, cidx_c)
    csems = (sem_ca, sem_cb, sem_cc)

    def _gidx(j):
        return ridx_v.at[pl.ds(j * CH, CH)]

    pltpu.async_copy(g_hbm.at[_gidx(0)], rows_a, sem_a)
    pltpu.async_copy(g_hbm.at[_gidx(1)], rows_b, sem_b)
    pltpu.async_copy(cols_hbm.at[cbase + 0], cidx_a, sem_ca)
    pltpu.async_copy(cols_hbm.at[cbase + 1], cidx_b, sem_cb)
    pltpu.async_copy(cols_hbm.at[cbase + 2], cidx_c, sem_cc)

    def tri(t, _):
        for k in range(3):
            j = 3 * t + k
            rx, gx = rbufs[k], gsems[k]
            ry, gy = rbufs[(k + 2) % 3], gsems[(k + 2) % 3]
            cx, csx = cbufs[k], csems[k]

            @pl.when(j < NCHUNK)
            def _():
                pltpu.make_async_copy(g_hbm.at[_gidx(j)], rx, gx).wait()

                @pl.when(j + 2 < NCHUNK)
                def _():
                    pltpu.async_copy(g_hbm.at[_gidx(j + 2)], ry, gy)

                pltpu.make_async_copy(cols_hbm.at[cbase + j], cx, csx).wait()
                pltpu.sync_copy(rx, acc_sh.at[cx.at[0]], add=True)

                @pl.when(j + 3 < NCHUNK)
                def _():
                    pltpu.async_copy(cols_hbm.at[cbase + j + 3], cx, csx)
        return 0

    lax.fori_loop(0, NTRI, tri, 0)
    plsc.subcore_barrier()

    def wslab(k, _):
        cid = k * NS + s

        @pl.when(cid < NWCHP)
        def _():
            base = cid * WCHP
            pltpu.sync_copy(acc_sh.at[pl.ds(base, WCHP)],
                            rows_a.at[pl.ds(0, WCHP)])
            pltpu.sync_copy(rows_a.at[pl.ds(0, WCHP)],
                            out_hbm.at[c, pl.ds(base, WCHP)])
        return 0

    lax.fori_loop(0, WPTP, wslab, 0)


BM = 2000
GRID = (N // BM,)


def _tc_pre(degp, x):
    def body(degp_ref, x_ref, dis_ref, g_ref):
        d = degp_ref[0, :, 0:1] + degp_ref[1, :, 0:1]
        dis = jnp.where(d > 0, lax.rsqrt(jnp.maximum(d, 1.0)), 0.0)
        dis_ref[...] = dis
        g_ref[...] = dis * x_ref[...]

    return pl.pallas_call(
        body,
        grid=GRID,
        in_specs=[pl.BlockSpec((NC, BM, D), lambda i: (0, i, 0)),
                  pl.BlockSpec((BM, D), lambda i: (i, 0))],
        out_specs=[pl.BlockSpec((BM, 1), lambda i: (i, 0)),
                   pl.BlockSpec((BM, D), lambda i: (i, 0))],
        out_shape=[jax.ShapeDtypeStruct((N, 1), jnp.float32),
                   jax.ShapeDtypeStruct((N, D), jnp.float32)],
    )(degp, x)


def _tc_comb(sp, dis):
    def body(sp_ref, dis_ref, t_ref, g_ref):
        dis = dis_ref[...]
        t = -dis * (sp_ref[0] + sp_ref[1])
        t_ref[...] = t
        g_ref[...] = dis * t

    return pl.pallas_call(
        body,
        grid=GRID,
        in_specs=[pl.BlockSpec((NC, BM, D), lambda i: (0, i, 0)),
                  pl.BlockSpec((BM, 1), lambda i: (i, 0))],
        out_specs=[pl.BlockSpec((BM, D), lambda i: (i, 0)),
                   pl.BlockSpec((BM, D), lambda i: (i, 0))],
        out_shape=[jax.ShapeDtypeStruct((N, D), jnp.float32),
                   jax.ShapeDtypeStruct((N, D), jnp.float32)],
    )(sp, dis)


def _tc_layer(xin, t1, sp2, dis, w0, w1, w2, b, want_relu):
    def body(x_ref, t1_ref, sp2_ref, dis_ref, w0_ref, w1_ref, w2_ref, b_ref,
             *out_refs):
        x = x_ref[...]
        dis = dis_ref[...]
        t2 = -2.0 * dis * (sp2_ref[0] + sp2_ref[1]) - x
        acc = jnp.dot(x, w0_ref[...], preferred_element_type=jnp.float32)
        acc += jnp.dot(t1_ref[...], w1_ref[...],
                       preferred_element_type=jnp.float32)
        acc += jnp.dot(t2, w2_ref[...], preferred_element_type=jnp.float32)
        acc += b_ref[...]
        if want_relu:
            h = jnp.maximum(acc, 0.0)
            out_refs[0][...] = h
            out_refs[1][...] = dis * h
        else:
            out_refs[0][...] = acc

    nout = 2 if want_relu else 1
    full = pl.BlockSpec((D, D), lambda i: (0, 0))
    res = pl.pallas_call(
        body,
        grid=GRID,
        in_specs=[pl.BlockSpec((BM, D), lambda i: (i, 0)),
                  pl.BlockSpec((BM, D), lambda i: (i, 0)),
                  pl.BlockSpec((NC, BM, D), lambda i: (0, i, 0)),
                  pl.BlockSpec((BM, 1), lambda i: (i, 0)),
                  full, full, full,
                  pl.BlockSpec((1, D), lambda i: (0, 0))],
        out_specs=[pl.BlockSpec((BM, D), lambda i: (i, 0))] * nout,
        out_shape=[jax.ShapeDtypeStruct((N, D), jnp.float32)] * nout,
    )(xin, t1, sp2, dis, w0, w1, w2, b)
    return res


def kernel(x, edge_index, W10, W11, W12, b1, W20, W21, W22, b2):
    rows_flat = edge_index[0].astype(jnp.int32)
    rows2d = rows_flat.reshape(NW, NCHUNK, CH)
    cols = edge_index[1].astype(jnp.int32).reshape(NW * NCHUNK, 1, CH)
    b1r = b1.reshape(1, D)
    b2r = b2.reshape(1, D)

    degp = _sc_deg(rows2d)
    dis, g1 = _tc_pre(degp, x)
    s1 = _sc_prop(g1, rows_flat, cols)
    t1, g2 = _tc_comb(s1, dis)
    s2 = _sc_prop(g2, rows_flat, cols)
    h, g3 = _tc_layer(x, t1, s2, dis, W10, W11, W12, b1r, True)
    s3 = _sc_prop(g3, rows_flat, cols)
    u1, g4 = _tc_comb(s3, dis)
    s4 = _sc_prop(g4, rows_flat, cols)
    (out,) = _tc_layer(h, u1, s4, dis, W20, W21, W22, b2r, False)
    return out

# --- scband reference (transcript-rebuilt; emitter-appended) ---
"""Pipeline reference for scband-spatial-encoder-26568667693641 (READ-ONLY COPY).

The authoritative reference and input builder live on the scoring server;
editing this copy changes nothing except your own understanding.
"""

import jax, jax.numpy as jnp
import numpy as np

N = 10000
E = 320000
D_IN = 128
D_HID = 128
D_OUT = 128
K = 3


def setup_inputs(seed: int = 0) -> dict:
    key = jax.random.key(seed)
    ks = jax.random.split(key, 12)
    x = jax.random.normal(ks[0], (N, D_IN), dtype=jnp.float32)
    edge_index = jax.random.randint(ks[1], (2, E), 0, N, dtype=jnp.int64)
    s1 = 1.0 / np.sqrt(D_IN)
    s2 = 1.0 / np.sqrt(D_HID)
    W10 = jax.random.normal(ks[2], (D_IN, D_HID), dtype=jnp.float32) * s1
    W11 = jax.random.normal(ks[3], (D_IN, D_HID), dtype=jnp.float32) * s1
    W12 = jax.random.normal(ks[4], (D_IN, D_HID), dtype=jnp.float32) * s1
    b1 = jnp.zeros((D_HID,), dtype=jnp.float32)
    W20 = jax.random.normal(ks[5], (D_HID, D_OUT), dtype=jnp.float32) * s2
    W21 = jax.random.normal(ks[6], (D_HID, D_OUT), dtype=jnp.float32) * s2
    W22 = jax.random.normal(ks[7], (D_HID, D_OUT), dtype=jnp.float32) * s2
    b2 = jnp.zeros((D_OUT,), dtype=jnp.float32)
    return {"x": x, "edge_index": edge_index, "W10": W10, "W11": W11, "W12": W12,
            "b1": b1, "W20": W20, "W21": W21, "W22": W22, "b2": b2}


def _cheb_norm(edge_index, num_nodes):
    # PyG ChebConv.__norm__ with normalization='sym', lambda_max=2.0:
    # L = I - D^-1/2 A D^-1/2 ; Lhat = 2L/lambda_max - I = -D^-1/2 A D^-1/2
    # (diag terms: +1 from laplacian self-loops and -1 from add_self_loops cancel)
    row = edge_index[0]
    col = edge_index[1]
    w = jnp.ones((edge_index.shape[1],), dtype=jnp.float32)
    deg = jnp.zeros((num_nodes,), dtype=jnp.float32).at[row].add(w)
    deg_inv_sqrt = jnp.where(deg > 0, 1.0 / jnp.sqrt(jnp.where(deg > 0, deg, 1.0)), 0.0)
    norm = -deg_inv_sqrt[row] * w * deg_inv_sqrt[col]
    norm = norm * (2.0 / 2.0)  # scale by 2/lambda_max
    return norm


def _cheb_conv(x, edge_index, norm, Ws, b, num_nodes):
    row = edge_index[0]
    col = edge_index[1]

    def prop(h):
        msg = norm[:, None] * jnp.take(h, row, axis=0)
        return jnp.zeros((num_nodes, h.shape[1]), dtype=h.dtype).at[col].add(msg)

    Tx0 = x
    out = Tx0 @ Ws[0]
    Tx1 = prop(x)
    out = out + Tx1 @ Ws[1]
    for k in range(2, len(Ws)):
        Tx2 = 2.0 * prop(Tx1) - Tx0
        out = out + Tx2 @ Ws[k]
        Tx0, Tx1 = Tx1, Tx2
    return out + b


def reference(x, edge_index, W10, W11, W12, b1, W20, W21, W22, b2):
    norm = _cheb_norm(edge_index, N)
    h = _cheb_conv(x, edge_index, norm, [W10, W11, W12], b1, N)
    h = jax.nn.relu(h)
    out = _cheb_conv(h, edge_index, norm, [W20, W21, W22], b2, N)
    return out

if __name__ == "__main__":
    import jax
    _d = setup_inputs()
    print(jax.jit(kernel)(*tuple(_d.values())))

</pallas_src>

<mosaic_0001>
#map = affine_map<(d0, d1) -> (0, 0, 0)>
module attributes {stable_mosaic.version = 14 : i64} {
  func.func @_sc_deg(%arg0: i32, %arg1: i32, %arg2: memref<32x125x80xi32, #tpu.memory_space<hbm>>, %arg3: memref<2x10000x128xf32, #tpu.memory_space<hbm>>, %arg4: memref<10000x128xf32, #tpu.memory_space<vmem_shared>>, %arg5: memref<125x80xi32, #tpu.memory_space<vmem>>, %arg6: memref<80x128xf32, #tpu.memory_space<vmem>>) attributes {dimension_semantics = [#tpu.dimension_semantics<core_parallel>, #tpu.dimension_semantics<subcore_parallel>], iteration_bounds = array<i64: 2, 16>, scalar_prefetch = 0 : i64, scratch_operands = 3 : i64, tpu.core_type = #tpu.core_type<sc_vector_subcore>, window_params = [{transform_indices = #map}, {transform_indices = #map}]} {
    %mul3A = arith.constant 16 : i32
    %mul3A_0 = arith.muli %arg0, %mul3A : i32
    %add3A = arith.addi %mul3A_0, %arg1 : i32
    %broadcast_in_dim3A = arith.constant 1.000000e+00 : f32
    %broadcast_in_dim3A_1 = vector.broadcast %broadcast_in_dim3A : f32 to vector<16xf32>
    %broadcast_in_dim3A_2 = arith.constant 0.000000e+00 : f32
    %broadcast_in_dim3A_3 = vector.broadcast %broadcast_in_dim3A_2 : f32 to vector<16xf32>
    %scan3A = arith.constant 0 : i32
    %scan3A_4 = arith.constant 0 : i32
    %scan3A_5 = arith.constant 80 : i32
    %scan3A_6 = arith.addi %scan3A_4, %scan3A_5 : i32
    %scan3A_7 = arith.constant 1 : i32
    %scan3A_8 = scf.for %scan3A_39 = %scan3A_4 to %scan3A_6 step %scan3A_7 iter_args(%scan3A_40 = %scan3A) -> (i32)  : i32 {
      %scan3A_41 = arith.constant 0 : i32
      %scan3A_42 = arith.constant 0 : i32
      %scan3A_43 = arith.constant 8 : i32
      %scan3A_44 = arith.addi %scan3A_42, %scan3A_43 : i32
      %scan3A_45 = arith.constant 1 : i32
      %scan3A_46 = scf.for %scan3A_49 = %scan3A_42 to %scan3A_44 step %scan3A_45 iter_args(%scan3A_50 = %scan3A_41) -> (i32)  : i32 {
        %mul3A_51 = arith.constant 16 : i32
        %mul3A_52 = arith.muli %scan3A_49, %mul3A_51 : i32
        %swap3A = arith.index_cast %scan3A_39 : i32 to index
        %swap3A_53 = arith.index_cast %mul3A_52 : i32 to index
        %swap3A_54 = tpu.vector_load %arg6[%swap3A, %swap3A_53] {strides = array<i32>} : memref<80x128xf32, #tpu.memory_space<vmem>>, vector<1x16xf32>,
        %swap3A_55 = vector.shape_cast %swap3A_54 : vector<1x16xf32> to vector<16xf32>
        %swap3A_56 = vector.shape_cast %broadcast_in_dim3A_3 : vector<16xf32> to vector<1x16xf32>
        tpu.vector_store %arg6[%swap3A, %swap3A_53], %swap3A_56 {strides = array<i32>} : memref<80x128xf32, #tpu.memory_space<vmem>>, vector<1x16xf32>,
        %scan3A_57 = arith.constant 0 : i32
        scf.yield %scan3A_57 : i32
      }
      %scan3A_47 = arith.constant 8 : i32
      %scan3A_48 = arith.constant 0 : i32
      scf.yield %scan3A_48 : i32
    }
    %scan3A_9 = arith.constant 80 : i32
    %scan3A_10 = arith.constant 0 : i32
    %scan3A_11 = arith.constant 0 : i32
    %scan3A_12 = arith.constant 8 : i32
    %scan3A_13 = arith.addi %scan3A_11, %scan3A_12 : i32
    %scan3A_14 = arith.constant 1 : i32
    %scan3A_15 = scf.for %scan3A_39 = %scan3A_11 to %scan3A_13 step %scan3A_14 iter_args(%scan3A_40 = %scan3A_10) -> (i32)  : i32 {
      %mul3A_41 = arith.constant 16 : i32
      %mul3A_42 = arith.muli %scan3A_39, %mul3A_41 : i32
      %add3A_43 = arith.addi %mul3A_42, %arg1 : i32
      %lt3A = arith.constant 125 : i32
      %lt3A_44 = arith.cmpi slt, %add3A_43, %lt3A : i32
      %convert_element_type3A = arith.extui %lt3A_44 : i1 to i32
      %cond3A = arith.constant 0 : i32
      %cond3A_45 = arith.cmpi ne, %convert_element_type3A, %cond3A : i32
      scf.if %cond3A_45 {
        %mul3A_47 = arith.constant 80 : i32
        %mul3A_48 = arith.muli %add3A_43, %mul3A_47 : i32
        "tpu.region"() ({
          %run_scoped3A = tpu.sem_alloc : memref<!tpu.dma_semaphore, #tpu.memory_space<semaphore_mem>>
          %dma_start3A = arith.constant 0 : i32
          %dma_start3A_49 = arith.constant 0 : i32
          %dma_start3A_50 = tpu.memref_slice %arg6[%dma_start3A, %dma_start3A_49] : memref<80x128xf32, #tpu.memory_space<vmem>> -> memref<80x128xf32, #tpu.memory_space<vmem>>
          %dma_start3A_51 = arith.constant 0 : i32
          %dma_start3A_52 = tpu.memref_slice %arg4[%mul3A_48, %dma_start3A_51] : memref<10000x128xf32, #tpu.memory_space<vmem_shared>> -> memref<80x128xf32, #tpu.memory_space<vmem_shared>>
          %dma_start3A_53 = arith.constant 0 : i32
          %dma_start3A_54 = tpu.memref_slice %arg4[%mul3A_48, %dma_start3A_53] : memref<10000x128xf32, #tpu.memory_space<vmem_shared>> -> memref<80x128xf32, #tpu.memory_space<vmem_shared>>
          %dma_start3A_55 = arith.constant 0 : i32
          %dma_start3A_56 = arith.constant 0 : i32
          %dma_start3A_57 = tpu.memref_slice %arg6[%dma_start3A_55, %dma_start3A_56] : memref<80x128xf32, #tpu.memory_space<vmem>> -> memref<80x128xf32, #tpu.memory_space<vmem>>
          tpu.enqueue_dma source(%dma_start3A_57 : memref<80x128xf32, #tpu.memory_space<vmem>>) target(%dma_start3A_54 : memref<80x128xf32, #tpu.memory_space<vmem_shared>>) target_semaphore(%run_scoped3A : memref<!tpu.dma_semaphore, #tpu.memory_space<semaphore_mem>>)
          %dma_wait3A = arith.constant 0 : i32
          %dma_wait3A_58 = arith.constant 0 : i32
          %dma_wait3A_59 = tpu.memref_slice %arg6[%dma_wait3A, %dma_wait3A_58] : memref<80x128xf32, #tpu.memory_space<vmem>> -> memref<80x128xf32, #tpu.memory_space<vmem>>
          %dma_wait3A_60 = arith.constant 0 : i32
          %dma_wait3A_61 = tpu.memref_slice %arg4[%mul3A_48, %dma_wait3A_60] : memref<10000x128xf32, #tpu.memory_space<vmem_shared>> -> memref<80x128xf32, #tpu.memory_space<vmem_shared>>
          %dma_wait3A_62 = arith.constant 0 : i32
          %dma_wait3A_63 = tpu.memref_slice %arg4[%mul3A_48, %dma_wait3A_62] : memref<10000x128xf32, #tpu.memory_space<vmem_shared>> -> memref<80x128xf32, #tpu.memory_space<vmem_shared>>
          %dma_wait3A_64 = arith.constant 0 : i32
          %dma_wait3A_65 = arith.constant 0 : i32
          %dma_wait3A_66 = tpu.memref_slice %arg6[%dma_wait3A_64, %dma_wait3A_65] : memref<80x128xf32, #tpu.memory_space<vmem>> -> memref<80x128xf32, #tpu.memory_space<vmem>>
          tpu.wait_dma2 semaphore(%run_scoped3A : memref<!tpu.dma_semaphore, #tpu.memory_space<semaphore_mem>>) src(%dma_wait3A_66 : memref<80x128xf32, #tpu.memory_space<vmem>>) dst(%dma_wait3A_63 : memref<80x128xf32, #tpu.memory_space<vmem_shared>>)
          tpu.yield
        }) : () -> ()
      } else {
      }
      %scan3A_46 = arith.constant 0 : i32
      scf.yield %scan3A_46 : i32
    }
    %scan3A_16 = arith.constant 8 : i32
    %barrier3A = arith.constant 0 : index
    tpu.barrier barrier_id(%barrier3A)
    %scan3A_17 = arith.constant 0 : i32
    %scan3A_18 = arith.constant 0 : i32
    %scan3A_19 = arith.constant 80 : i32
    %scan3A_20 = arith.addi %scan3A_18, %scan3A_19 : i32
    %scan3A_21 = arith.constant 1 : i32
    %scan3A_22 = scf.for %scan3A_39 = %scan3A_18 to %scan3A_20 step %scan3A_21 iter_args(%scan3A_40 = %scan3A_17) -> (i32)  : i32 {
      %scan3A_41 = arith.constant 0 : i32
      %scan3A_42 = arith.constant 0 : i32
      %scan3A_43 = arith.constant 8 : i32
      %scan3A_44 = arith.addi %scan3A_42, %scan3A_43 : i32
      %scan3A_45 = arith.constant 1 : i32
      %scan3A_46 = scf.for %scan3A_49 = %scan3A_42 to %scan3A_44 step %scan3A_45 iter_args(%scan3A_50 = %scan3A_41) -> (i32)  : i32 {
        %mul3A_51 = arith.constant 16 : i32
        %mul3A_52 = arith.muli %scan3A_49, %mul3A_51 : i32
        %swap3A = arith.index_cast %scan3A_39 : i32 to index
        %swap3A_53 = arith.index_cast %mul3A_52 : i32 to index
        %swap3A_54 = tpu.vector_load %arg6[%swap3A, %swap3A_53] {strides = array<i32>} : memref<80x128xf32, #tpu.memory_space<vmem>>, vector<1x16xf32>,
        %swap3A_55 = vector.shape_cast %swap3A_54 : vector<1x16xf32> to vector<16xf32>
        %swap3A_56 = vector.shape_cast %broadcast_in_dim3A_1 : vector<16xf32> to vector<1x16xf32>
        tpu.vector_store %arg6[%swap3A, %swap3A_53], %swap3A_56 {strides = array<i32>} : memref<80x128xf32, #tpu.memory_space<vmem>>, vector<1x16xf32>,
        %scan3A_57 = arith.constant 0 : i32
        scf.yield %scan3A_57 : i32
      }
      %scan3A_47 = arith.constant 8 : i32
      %scan3A_48 = arith.constant 0 : i32
      scf.yield %scan3A_48 : i32
    }
    %scan3A_23 = arith.constant 80 : i32
    "tpu.region"() ({
      %run_scoped3A = tpu.sem_alloc : memref<!tpu.dma_semaphore, #tpu.memory_space<semaphore_mem>>
      %dma_start3A = arith.constant 0 : i32
      %dma_start3A_39 = arith.constant 0 : i32
      %dma_start3A_40 = tpu.memref_slice %arg2[%add3A, %dma_start3A, %dma_start3A_39] : memref<32x125x80xi32, #tpu.memory_space<hbm>> -> memref<1x125x80xi32, #tpu.memory_space<hbm>>
      %dma_start3A_41 = tpu.memref_squeeze %dma_start3A_40 : memref<1x125x80xi32, #tpu.memory_space<hbm>> -> memref<125x80xi32, #tpu.memory_space<hbm>>
      %dma_start3A_42 = arith.constant 0 : i32
      %dma_start3A_43 = arith.constant 0 : i32
      %dma_start3A_44 = tpu.memref_slice %arg2[%add3A, %dma_start3A_42, %dma_start3A_43] : memref<32x125x80xi32, #tpu.memory_space<hbm>> -> memref<1x125x80xi32, #tpu.memory_space<hbm>>
      %dma_start3A_45 = tpu.memref_squeeze %dma_start3A_44 : memref<1x125x80xi32, #tpu.memory_space<hbm>> -> memref<125x80xi32, #tpu.memory_space<hbm>>
      tpu.enqueue_dma source(%dma_start3A_45 : memref<125x80xi32, #tpu.memory_space<hbm>>) target(%arg5 : memref<125x80xi32, #tpu.memory_space<vmem>>) target_semaphore(%run_scoped3A : memref<!tpu.dma_semaphore, #tpu.memory_space<semaphore_mem>>)
      %dma_wait3A = arith.constant 0 : i32
      %dma_wait3A_46 = arith.constant 0 : i32
      %dma_wait3A_47 = tpu.memref_slice %arg2[%add3A, %dma_wait3A, %dma_wait3A_46] : memref<32x125x80xi32, #tpu.memory_space<hbm>> -> memref<1x125x80xi32, #tpu.memory_space<hbm>>
      %dma_wait3A_48 = tpu.memref_squeeze %dma_wait3A_47 : memref<1x125x80xi32, #tpu.memory_space<hbm>> -> memref<125x80xi32, #tpu.memory_space<hbm>>
      %dma_wait3A_49 = arith.constant 0 : i32
      %dma_wait3A_50 = arith.constant 0 : i32
      %dma_wait3A_51 = tpu.memref_slice %arg2[%add3A, %dma_wait3A_49, %dma_wait3A_50] : memref<32x125x80xi32, #tpu.memory_space<hbm>> -> memref<1x125x80xi32, #tpu.memory_space<hbm>>
      %dma_wait3A_52 = tpu.memref_squeeze %dma_wait3A_51 : memref<1x125x80xi32, #tpu.memory_space<hbm>> -> memref<125x80xi32, #tpu.memory_space<hbm>>
      tpu.wait_dma2 semaphore(%run_scoped3A : memref<!tpu.dma_semaphore, #tpu.memory_space<semaphore_mem>>) src(%dma_wait3A_52 : memref<125x80xi32, #tpu.memory_space<hbm>>) dst(%arg5 : memref<125x80xi32, #tpu.memory_space<vmem>>)
      tpu.yield
    }) : () -> ()
    %scan3A_24 = arith.constant 0 : i32
    %scan3A_25 = arith.constant 0 : i32
    %scan3A_26 = arith.constant 125 : i32
    %scan3A_27 = arith.addi %scan3A_25, %scan3A_26 : i32
    %scan3A_28 = arith.constant 1 : i32
    %scan3A_29 = scf.for %scan3A_39 = %scan3A_25 to %scan3A_27 step %scan3A_28 iter_args(%scan3A_40 = %scan3A_24) -> (i32)  : i32 {
      "tpu.region"() ({
        %run_scoped3A = tpu.sem_alloc : memref<!tpu.dma_semaphore, #tpu.memory_space<semaphore_mem>>
        %dma_start3A = arith.constant 0 : i32
        %dma_start3A_42 = tpu.memref_slice %arg5[%scan3A_39, %dma_start3A] : memref<125x80xi32, #tpu.memory_space<vmem>> -> memref<1x80xi32, #tpu.memory_space<vmem>>
        %dma_start3A_43 = tpu.memref_squeeze %dma_start3A_42 : memref<1x80xi32, #tpu.memory_space<vmem>> -> memref<80xi32, #tpu.memory_space<vmem>>
        %dma_start3A_44 = arith.constant 0 : i32
        %dma_start3A_45 = arith.constant 0 : i32
        %dma_start3A_46 = tpu.memref_slice %arg4[%dma_start3A_44, %dma_start3A_45] : memref<10000x128xf32, #tpu.memory_space<vmem_shared>> -> memref<10000x128xf32, #tpu.memory_space<vmem_shared>>
        tpu.enqueue_indirect_dma source(%arg6 : memref<80x128xf32, #tpu.memory_space<vmem>>) target(%dma_start3A_46 : memref<10000x128xf32, #tpu.memory_space<vmem_shared>>) offsets(%dma_start3A_43 : memref<80xi32, #tpu.memory_space<vmem>>) semaphore(%run_scoped3A : memref<!tpu.dma_semaphore, #tpu.memory_space<semaphore_mem>>) {add = true}
        %dma_wait3A = arith.constant 0 : i32
        %dma_wait3A_47 = tpu.memref_slice %arg5[%scan3A_39, %dma_wait3A] : memref<125x80xi32, #tpu.memory_space<vmem>> -> memref<1x80xi32, #tpu.memory_space<vmem>>
        %dma_wait3A_48 = tpu.memref_squeeze %dma_wait3A_47 : memref<1x80xi32, #tpu.memory_space<vmem>> -> memref<80xi32, #tpu.memory_space<vmem>>
        %dma_wait3A_49 = arith.constant 0 : i32
        %dma_wait3A_50 = arith.constant 0 : i32
        %dma_wait3A_51 = tpu.memref_slice %arg4[%dma_wait3A_49, %dma_wait3A_50] : memref<10000x128xf32, #tpu.memory_space<vmem_shared>> -> memref<10000x128xf32, #tpu.memory_space<vmem_shared>>
        tpu.wait_indirect_dma semaphore(%run_scoped3A : memref<!tpu.dma_semaphore, #tpu.memory_space<semaphore_mem>>) src(%arg6 : memref<80x128xf32, #tpu.memory_space<vmem>>) dst(%dma_wait3A_51 : memref<10000x128xf32, #tpu.memory_space<vmem_shared>>)
        tpu.yield
      }) : () -> ()
      %scan3A_41 = arith.constant 0 : i32
      scf.yield %scan3A_41 : i32
    }
    %scan3A_30 = arith.constant 125 : i32
    %barrier3A_31 = arith.constant 0 : index
    tpu.barrier barrier_id(%barrier3A_31)
    %scan3A_32 = arith.constant 0 : i32
    %scan3A_33 = arith.constant 0 : i32
    %scan3A_34 = arith.constant 8 : i32
    %scan3A_35 = arith.addi %scan3A_33, %scan3A_34 : i32
    %scan3A_36 = arith.constant 1 : i32
    %scan3A_37 = scf.for %scan3A_39 = %scan3A_33 to %scan3A_35 step %scan3A_36 iter_args(%scan3A_40 = %scan3A_32) -> (i32)  : i32 {
      %mul3A_41 = arith.constant 16 : i32
      %mul3A_42 = arith.muli %scan3A_39, %mul3A_41 : i32
      %add3A_43 = arith.addi %mul3A_42, %arg1 : i32
      %lt3A = arith.constant 125 : i32
      %lt3A_44 = arith.cmpi slt, %add3A_43, %lt3A : i32
      %convert_element_type3A = arith.extui %lt3A_44 : i1 to i32
      %cond3A = arith.constant 0 : i32
      %cond3A_45 = arith.cmpi ne, %convert_element_type3A, %cond3A : i32
      scf.if %cond3A_45 {
        %mul3A_47 = arith.constant 80 : i32
        %mul3A_48 = arith.muli %add3A_43, %mul3A_47 : i32
        "tpu.region"() ({
          %run_scoped3A = tpu.sem_alloc : memref<!tpu.dma_semaphore, #tpu.memory_space<semaphore_mem>>
          %dma_start3A = arith.constant 0 : i32
          %dma_start3A_49 = arith.constant 0 : i32
          %dma_start3A_50 = tpu.memref_slice %arg6[%dma_start3A, %dma_start3A_49] : memref<80x128xf32, #tpu.memory_space<vmem>> -> memref<80x128xf32, #tpu.memory_space<vmem>>
          %dma_start3A_51 = arith.constant 0 : i32
          %dma_start3A_52 = tpu.memref_slice %arg4[%mul3A_48, %dma_start3A_51] : memref<10000x128xf32, #tpu.memory_space<vmem_shared>> -> memref<80x128xf32, #tpu.memory_space<vmem_shared>>
          %dma_start3A_53 = arith.constant 0 : i32
          %dma_start3A_54 = arith.constant 0 : i32
          %dma_start3A_55 = tpu.memref_slice %arg6[%dma_start3A_53, %dma_start3A_54] : memref<80x128xf32, #tpu.memory_space<vmem>> -> memref<80x128xf32, #tpu.memory_space<vmem>>
          %dma_start3A_56 = arith.constant 0 : i32
          %dma_start3A_57 = tpu.memref_slice %arg4[%mul3A_48, %dma_start3A_56] : memref<10000x128xf32, #tpu.memory_space<vmem_shared>> -> memref<80x128xf32, #tpu.memory_space<vmem_shared>>
          tpu.enqueue_dma source(%dma_start3A_57 : memref<80x128xf32, #tpu.memory_space<vmem_shared>>) target(%dma_start3A_55 : memref<80x128xf32, #tpu.memory_space<vmem>>) target_semaphore(%run_scoped3A : memref<!tpu.dma_semaphore, #tpu.memory_space<semaphore_mem>>)
          %dma_wait3A = arith.constant 0 : i32
          %dma_wait3A_58 = arith.constant 0 : i32
          %dma_wait3A_59 = tpu.memref_slice %arg6[%dma_wait3A, %dma_wait3A_58] : memref<80x128xf32, #tpu.memory_space<vmem>> -> memref<80x128xf32, #tpu.memory_space<vmem>>
          %dma_wait3A_60 = arith.constant 0 : i32
          %dma_wait3A_61 = tpu.memref_slice %arg4[%mul3A_48, %dma_wait3A_60] : memref<10000x128xf32, #tpu.memory_space<vmem_shared>> -> memref<80x128xf32, #tpu.memory_space<vmem_shared>>
          %dma_wait3A_62 = arith.constant 0 : i32
          %dma_wait3A_63 = arith.constant 0 : i32
          %dma_wait3A_64 = tpu.memref_slice %arg6[%dma_wait3A_62, %dma_wait3A_63] : memref<80x128xf32, #tpu.memory_space<vmem>> -> memref<80x128xf32, #tpu.memory_space<vmem>>
          %dma_wait3A_65 = arith.constant 0 : i32
          %dma_wait3A_66 = tpu.memref_slice %arg4[%mul3A_48, %dma_wait3A_65] : memref<10000x128xf32, #tpu.memory_space<vmem_shared>> -> memref<80x128xf32, #tpu.memory_space<vmem_shared>>
          tpu.wait_dma2 semaphore(%run_scoped3A : memref<!tpu.dma_semaphore, #tpu.memory_space<semaphore_mem>>) src(%dma_wait3A_66 : memref<80x128xf32, #tpu.memory_space<vmem_shared>>) dst(%dma_wait3A_64 : memref<80x128xf32, #tpu.memory_space<vmem>>)
          tpu.yield
        }) : () -> ()
        "tpu.region"() ({
          %run_scoped3A = tpu.sem_alloc : memref<!tpu.dma_semaphore, #tpu.memory_space<semaphore_mem>>
          %dma_start3A = arith.constant 0 : i32
          %dma_start3A_49 = arith.constant 0 : i32
          %dma_start3A_50 = tpu.memref_slice %arg6[%dma_start3A, %dma_start3A_49] : memref<80x128xf32, #tpu.memory_space<vmem>> -> memref<80x128xf32, #tpu.memory_space<vmem>>
          %dma_start3A_51 = arith.constant 0 : i32
          %dma_start3A_52 = tpu.memref_slice %arg3[%arg0, %mul3A_48, %dma_start3A_51] : memref<2x10000x128xf32, #tpu.memory_space<hbm>> -> memref<1x80x128xf32, #tpu.memory_space<hbm>>
          %dma_start3A_53 = tpu.memref_squeeze %dma_start3A_52 : memref<1x80x128xf32, #tpu.memory_space<hbm>> -> memref<80x128xf32, #tpu.memory_space<hbm>>
          %dma_start3A_54 = arith.constant 0 : i32
          %dma_start3A_55 = tpu.memref_slice %arg3[%arg0, %mul3A_48, %dma_start3A_54] : memref<2x10000x128xf32, #tpu.memory_space<hbm>> -> memref<1x80x128xf32, #tpu.memory_space<hbm>>
          %dma_start3A_56 = tpu.memref_squeeze %dma_start3A_55 : memref<1x80x128xf32, #tpu.memory_space<hbm>> -> memref<80x128xf32, #tpu.memory_space<hbm>>
          %dma_start3A_57 = arith.constant 0 : i32
          %dma_start3A_58 = arith.constant 0 : i32
          %dma_start3A_59 = tpu.memref_slice %arg6[%dma_start3A_57, %dma_start3A_58] : memref<80x128xf32, #tpu.memory_space<vmem>> -> memref<80x128xf32, #tpu.memory_space<vmem>>
          tpu.enqueue_dma source(%dma_start3A_59 : memref<80x128xf32, #tpu.memory_space<vmem>>) target(%dma_start3A_56 : memref<80x128xf32, #tpu.memory_space<hbm>>) target_semaphore(%run_scoped3A : memref<!tpu.dma_semaphore, #tpu.memory_space<semaphore_mem>>)
          %dma_wait3A = arith.constant 0 : i32
          %dma_wait3A_60 = arith.constant 0 : i32
          %dma_wait3A_61 = tpu.memref_slice %arg6[%dma_wait3A, %dma_wait3A_60] : memref<80x128xf32, #tpu.memory_space<vmem>> -> memref<80x128xf32, #tpu.memory_space<vmem>>
          %dma_wait3A_62 = arith.constant 0 : i32
          %dma_wait3A_63 = tpu.memref_slice %arg3[%arg0, %mul3A_48, %dma_wait3A_62] : memref<2x10000x128xf32, #tpu.memory_space<hbm>> -> memref<1x80x128xf32, #tpu.memory_space<hbm>>
          %dma_wait3A_64 = tpu.memref_squeeze %dma_wait3A_63 : memref<1x80x128xf32, #tpu.memory_space<hbm>> -> memref<80x128xf32, #tpu.memory_space<hbm>>
          %dma_wait3A_65 = arith.constant 0 : i32
          %dma_wait3A_66 = tpu.memref_slice %arg3[%arg0, %mul3A_48, %dma_wait3A_65] : memref<2x10000x128xf32, #tpu.memory_space<hbm>> -> memref<1x80x128xf32, #tpu.memory_space<hbm>>
          %dma_wait3A_67 = tpu.memref_squeeze %dma_wait3A_66 : memref<1x80x128xf32, #tpu.memory_space<hbm>> -> memref<80x128xf32, #tpu.memory_space<hbm>>
          %dma_wait3A_68 = arith.constant 0 : i32
          %dma_wait3A_69 = arith.constant 0 : i32
          %dma_wait3A_70 = tpu.memref_slice %arg6[%dma_wait3A_68, %dma_wait3A_69] : memref<80x128xf32, #tpu.memory_space<vmem>> -> memref<80x128xf32, #tpu.memory_space<vmem>>
          tpu.wait_dma2 semaphore(%run_scoped3A : memref<!tpu.dma_semaphore, #tpu.memory_space<semaphore_mem>>) src(%dma_wait3A_70 : memref<80x128xf32, #tpu.memory_space<vmem>>) dst(%dma_wait3A_67 : memref<80x128xf32, #tpu.memory_space<hbm>>)
          tpu.yield
        }) : () -> ()
      } else {
      }
      %scan3A_46 = arith.constant 0 : i32
      scf.yield %scan3A_46 : i32
    }
    %scan3A_38 = arith.constant 8 : i32
    return
  }
}

#map = affine_map<(d0, d1) -> (0, 0)>
#map1 = affine_map<(d0, d1) -> (0)>
#map2 = affine_map<(d0, d1) -> (0, 0, 0)>
module attributes {stable_mosaic.version = 14 : i64} {
  func.func @_sc_prop(%arg0: i32, %arg1: i32, %arg2: memref<10000x128xf32, #tpu.memory_space<hbm>>, %arg3: memref<320000xi32, #tpu.memory_space<hbm>>, %arg4: memref<4000x1x80xi32, #tpu.memory_space<hbm>>, %arg5: memref<2x10000x128xf32, #tpu.memory_space<hbm>>, %arg6: memref<10000x128xf32, #tpu.memory_space<vmem_shared>>, %arg7: memref<10000xi32, #tpu.memory_space<vmem>>, %arg8: memref<1x80xi32, #tpu.memory_space<vmem>>, %arg9: memref<1x80xi32, #tpu.memory_space<vmem>>, %arg10: memref<1x80xi32, #tpu.memory_space<vmem>>, %arg11: memref<80x128xf32, #tpu.memory_space<vmem>>, %arg12: memref<80x128xf32, #tpu.memory_space<vmem>>, %arg13: memref<80x128xf32, #tpu.memory_space<vmem>>, %arg14: memref<!tpu.dma_semaphore, #tpu.memory_space<semaphore_mem>>, %arg15: memref<!tpu.dma_semaphore, #tpu.memory_space<semaphore_mem>>, %arg16: memref<!tpu.dma_semaphore, #tpu.memory_space<semaphore_mem>>, %arg17: memref<!tpu.dma_semaphore, #tpu.memory_space<semaphore_mem>>, %arg18: memref<!tpu.dma_semaphore, #tpu.memory_space<semaphore_mem>>, %arg19: memref<!tpu.dma_semaphore, #tpu.memory_space<semaphore_mem>>) attributes {dimension_semantics = [#tpu.dimension_semantics<core_parallel>, #tpu.dimension_semantics<subcore_parallel>], iteration_bounds = array<i64: 2, 16>, scalar_prefetch = 0 : i64, scratch_operands = 14 : i64, tpu.core_type = #tpu.core_type<sc_vector_subcore>, window_params = [{transform_indices = #map}, {transform_indices = #map1}, {transform_indices = #map2}, {transform_indices = #map2}]} {
    %mul3A = arith.constant 16 : i32
    %mul3A_0 = arith.muli %arg0, %mul3A : i32
    %add3A = arith.addi %mul3A_0, %arg1 : i32
    %broadcast_in_dim3A = arith.constant 0.000000e+00 : f32
    %broadcast_in_dim3A_1 = vector.broadcast %broadcast_in_dim3A : f32 to vector<16xf32>
    %scan3A = arith.constant 0 : i32
    %scan3A_2 = arith.constant 0 : i32
    %scan3A_3 = arith.constant 80 : i32
    %scan3A_4 = arith.addi %scan3A_2, %scan3A_3 : i32
    %scan3A_5 = arith.constant 1 : i32
    %scan3A_6 = scf.for %scan3A_73 = %scan3A_2 to %scan3A_4 step %scan3A_5 iter_args(%scan3A_74 = %scan3A) -> (i32)  : i32 {
      %scan3A_75 = arith.constant 0 : i32
      %scan3A_76 = arith.constant 0 : i32
      %scan3A_77 = arith.constant 8 : i32
      %scan3A_78 = arith.addi %scan3A_76, %scan3A_77 : i32
      %scan3A_79 = arith.constant 1 : i32
      %scan3A_80 = scf.for %scan3A_83 = %scan3A_76 to %scan3A_78 step %scan3A_79 iter_args(%scan3A_84 = %scan3A_75) -> (i32)  : i32 {
        %mul3A_85 = arith.constant 16 : i32
        %mul3A_86 = arith.muli %scan3A_83, %mul3A_85 : i32
        %swap3A = arith.index_cast %scan3A_73 : i32 to index
        %swap3A_87 = arith.index_cast %mul3A_86 : i32 to index
        %swap3A_88 = tpu.vector_load %arg11[%swap3A, %swap3A_87] {strides = array<i32>} : memref<80x128xf32, #tpu.memory_space<vmem>>, vector<1x16xf32>,
        %swap3A_89 = vector.shape_cast %swap3A_88 : vector<1x16xf32> to vector<16xf32>
        %swap3A_90 = vector.shape_cast %broadcast_in_dim3A_1 : vector<16xf32> to vector<1x16xf32>
        tpu.vector_store %arg11[%swap3A, %swap3A_87], %swap3A_90 {strides = array<i32>} : memref<80x128xf32, #tpu.memory_space<vmem>>, vector<1x16xf32>,
        %scan3A_91 = arith.constant 0 : i32
        scf.yield %scan3A_91 : i32
      }
      %scan3A_81 = arith.constant 8 : i32
      %scan3A_82 = arith.constant 0 : i32
      scf.yield %scan3A_82 : i32
    }
    %scan3A_7 = arith.constant 80 : i32
    %scan3A_8 = arith.constant 0 : i32
    %scan3A_9 = arith.constant 0 : i32
    %scan3A_10 = arith.constant 8 : i32
    %scan3A_11 = arith.addi %scan3A_9, %scan3A_10 : i32
    %scan3A_12 = arith.constant 1 : i32
    %scan3A_13 = scf.for %scan3A_73 = %scan3A_9 to %scan3A_11 step %scan3A_12 iter_args(%scan3A_74 = %scan3A_8) -> (i32)  : i32 {
      %mul3A_75 = arith.constant 16 : i32
      %mul3A_76 = arith.muli %scan3A_73, %mul3A_75 : i32
      %add3A_77 = arith.addi %mul3A_76, %arg1 : i32
      %lt3A = arith.constant 125 : i32
      %lt3A_78 = arith.cmpi slt, %add3A_77, %lt3A : i32
      %convert_element_type3A = arith.extui %lt3A_78 : i1 to i32
      %cond3A = arith.constant 0 : i32
      %cond3A_79 = arith.cmpi ne, %convert_element_type3A, %cond3A : i32
      scf.if %cond3A_79 {
        %mul3A_81 = arith.constant 80 : i32
        %mul3A_82 = arith.muli %add3A_77, %mul3A_81 : i32
        "tpu.region"() ({
          %run_scoped3A = tpu.sem_alloc : memref<!tpu.dma_semaphore, #tpu.memory_space<semaphore_mem>>
          %dma_start3A_83 = arith.constant 0 : i32
          %dma_start3A_84 = arith.constant 0 : i32
          %dma_start3A_85 = tpu.memref_slice %arg11[%dma_start3A_83, %dma_start3A_84] : memref<80x128xf32, #tpu.memory_space<vmem>> -> memref<80x128xf32, #tpu.memory_space<vmem>>
          %dma_start3A_86 = arith.constant 0 : i32
          %dma_start3A_87 = tpu.memref_slice %arg6[%mul3A_82, %dma_start3A_86] : memref<10000x128xf32, #tpu.memory_space<vmem_shared>> -> memref<80x128xf32, #tpu.memory_space<vmem_shared>>
          %dma_start3A_88 = arith.constant 0 : i32
          %dma_start3A_89 = tpu.memref_slice %arg6[%mul3A_82, %dma_start3A_88] : memref<10000x128xf32, #tpu.memory_space<vmem_shared>> -> memref<80x128xf32, #tpu.memory_space<vmem_shared>>
          %dma_start3A_90 = arith.constant 0 : i32
          %dma_start3A_91 = arith.constant 0 : i32
          %dma_start3A_92 = tpu.memref_slice %arg11[%dma_start3A_90, %dma_start3A_91] : memref<80x128xf32, #tpu.memory_space<vmem>> -> memref<80x128xf32, #tpu.memory_space<vmem>>
          tpu.enqueue_dma source(%dma_start3A_92 : memref<80x128xf32, #tpu.memory_space<vmem>>) target(%dma_start3A_89 : memref<80x128xf32, #tpu.memory_space<vmem_shared>>) target_semaphore(%run_scoped3A : memref<!tpu.dma_semaphore, #tpu.memory_space<semaphore_mem>>)
          %dma_wait3A = arith.constant 0 : i32
          %dma_wait3A_93 = arith.constant 0 : i32
          %dma_wait3A_94 = tpu.memref_slice %arg11[%dma_wait3A, %dma_wait3A_93] : memref<80x128xf32, #tpu.memory_space<vmem>> -> memref<80x128xf32, #tpu.memory_space<vmem>>
          %dma_wait3A_95 = arith.constant 0 : i32
          %dma_wait3A_96 = tpu.memref_slice %arg6[%mul3A_82, %dma_wait3A_95] : memref<10000x128xf32, #tpu.memory_space<vmem_shared>> -> memref<80x128xf32, #tpu.memory_space<vmem_shared>>
          %dma_wait3A_97 = arith.constant 0 : i32
          %dma_wait3A_98 = tpu.memref_slice %arg6[%mul3A_82, %dma_wait3A_97] : memref<10000x128xf32, #tpu.memory_space<vmem_shared>> -> memref<80x128xf32, #tpu.memory_space<vmem_shared>>
          %dma_wait3A_99 = arith.constant 0 : i32
          %dma_wait3A_100 = arith.constant 0 : i32
          %dma_wait3A_101 = tpu.memref_slice %arg11[%dma_wait3A_99, %dma_wait3A_100] : memref<80x128xf32, #tpu.memory_space<vmem>> -> memref<80x128xf32, #tpu.memory_space<vmem>>
          tpu.wait_dma2 semaphore(%run_scoped3A : memref<!tpu.dma_semaphore, #tpu.memory_space<semaphore_mem>>) src(%dma_wait3A_101 : memref<80x128xf32, #tpu.memory_space<vmem>>) dst(%dma_wait3A_98 : memref<80x128xf32, #tpu.memory_space<vmem_shared>>)
          tpu.yield
        }) : () -> ()
      } else {
      }
      %scan3A_80 = arith.constant 0 : i32
      scf.yield %scan3A_80 : i32
    }
    %scan3A_14 = arith.constant 8 : i32
    %barrier3A = arith.constant 0 : index
    tpu.barrier barrier_id(%barrier3A)
    %mul3A_15 = arith.constant 10000 : i32
    %mul3A_16 = arith.muli %add3A, %mul3A_15 : i32
    "tpu.region"() ({
      %run_scoped3A = tpu.sem_alloc : memref<!tpu.dma_semaphore, #tpu.memory_space<semaphore_mem>>
      %dma_start3A_73 = tpu.memref_slice %arg3[%mul3A_16] : memref<320000xi32, #tpu.memory_space<hbm>> -> memref<10000xi32, #tpu.memory_space<hbm>>
      %dma_start3A_74 = tpu.memref_slice %arg3[%mul3A_16] : memref<320000xi32, #tpu.memory_space<hbm>> -> memref<10000xi32, #tpu.memory_space<hbm>>
      tpu.enqueue_dma source(%dma_start3A_74 : memref<10000xi32, #tpu.memory_space<hbm>>) target(%arg7 : memref<10000xi32, #tpu.memory_space<vmem>>) target_semaphore(%run_scoped3A : memref<!tpu.dma_semaphore, #tpu.memory_space<semaphore_mem>>)
      %dma_wait3A = tpu.memref_slice %arg3[%mul3A_16] : memref<320000xi32, #tpu.memory_space<hbm>> -> memref<10000xi32, #tpu.memory_space<hbm>>
      %dma_wait3A_75 = tpu.memref_slice %arg3[%mul3A_16] : memref<320000xi32, #tpu.memory_space<hbm>> -> memref<10000xi32, #tpu.memory_space<hbm>>
      tpu.wait_dma2 semaphore(%run_scoped3A : memref<!tpu.dma_semaphore, #tpu.memory_space<semaphore_mem>>) src(%dma_wait3A_75 : memref<10000xi32, #tpu.memory_space<hbm>>) dst(%arg7 : memref<10000xi32, #tpu.memory_space<vmem>>)
      tpu.yield
    }) : () -> ()
    %mul3A_17 = arith.constant 125 : i32
    %mul3A_18 = arith.muli %add3A, %mul3A_17 : i32
    %dma_start3A = arith.constant 0 : i32
    %dma_start3A_19 = tpu.memref_slice %arg7[%dma_start3A] : memref<10000xi32, #tpu.memory_space<vmem>> -> memref<80xi32, #tpu.memory_space<vmem>>
    %dma_start3A_20 = arith.constant 0 : i32
    %dma_start3A_21 = arith.constant 0 : i32
    %dma_start3A_22 = tpu.memref_slice %arg2[%dma_start3A_20, %dma_start3A_21] : memref<10000x128xf32, #tpu.memory_space<hbm>> -> memref<10000x128xf32, #tpu.memory_space<hbm>>
    tpu.enqueue_indirect_dma source(%dma_start3A_22 : memref<10000x128xf32, #tpu.memory_space<hbm>>) target(%arg11 : memref<80x128xf32, #tpu.memory_space<vmem>>) offsets(%dma_start3A_19 : memref<80xi32, #tpu.memory_space<vmem>>) semaphore(%arg14 : memref<!tpu.dma_semaphore, #tpu.memory_space<semaphore_mem>>)
    %dma_start3A_23 = arith.constant 80 : i32
    %dma_start3A_24 = tpu.memref_slice %arg7[%dma_start3A_23] : memref<10000xi32, #tpu.memory_space<vmem>> -> memref<80xi32, #tpu.memory_space<vmem>>
    %dma_start3A_25 = arith.constant 0 : i32
    %dma_start3A_26 = arith.constant 0 : i32
    %dma_start3A_27 = tpu.memref_slice %arg2[%dma_start3A_25, %dma_start3A_26] : memref<10000x128xf32, #tpu.memory_space<hbm>> -> memref<10000x128xf32, #tpu.memory_space<hbm>>
    tpu.enqueue_indirect_dma source(%dma_start3A_27 : memref<10000x128xf32, #tpu.memory_space<hbm>>) target(%arg12 : memref<80x128xf32, #tpu.memory_space<vmem>>) offsets(%dma_start3A_24 : memref<80xi32, #tpu.memory_space<vmem>>) semaphore(%arg15 : memref<!tpu.dma_semaphore, #tpu.memory_space<semaphore_mem>>)
    %add3A_28 = arith.constant 0 : i32
    %add3A_29 = arith.addi %mul3A_18, %add3A_28 : i32
    %dma_start3A_30 = arith.constant 0 : i32
    %dma_start3A_31 = arith.constant 0 : i32
    %dma_start3A_32 = tpu.memref_slice %arg4[%add3A_29, %dma_start3A_30, %dma_start3A_31] : memref<4000x1x80xi32, #tpu.memory_space<hbm>> -> memref<1x1x80xi32, #tpu.memory_space<hbm>>
    %dma_start3A_33 = tpu.memref_squeeze %dma_start3A_32 : memref<1x1x80xi32, #tpu.memory_space<hbm>> -> memref<1x80xi32, #tpu.memory_space<hbm>>
    %dma_start3A_34 = arith.constant 0 : i32
    %dma_start3A_35 = arith.constant 0 : i32
    %dma_start3A_36 = tpu.memref_slice %arg4[%add3A_29, %dma_start3A_34, %dma_start3A_35] : memref<4000x1x80xi32, #tpu.memory_space<hbm>> -> memref<1x1x80xi32, #tpu.memory_space<hbm>>
    %dma_start3A_37 = tpu.memref_squeeze %dma_start3A_36 : memref<1x1x80xi32, #tpu.memory_space<hbm>> -> memref<1x80xi32, #tpu.memory_space<hbm>>
    tpu.enqueue_dma source(%dma_start3A_37 : memref<1x80xi32, #tpu.memory_space<hbm>>) target(%arg8 : memref<1x80xi32, #tpu.memory_space<vmem>>) target_semaphore(%arg17 : memref<!tpu.dma_semaphore, #tpu.memory_space<semaphore_mem>>)
    %add3A_38 = arith.constant 1 : i32
    %add3A_39 = arith.addi %mul3A_18, %add3A_38 : i32
    %dma_start3A_40 = arith.constant 0 : i32
    %dma_start3A_41 = arith.constant 0 : i32
    %dma_start3A_42 = tpu.memref_slice %arg4[%add3A_39, %dma_start3A_40, %dma_start3A_41] : memref<4000x1x80xi32, #tpu.memory_space<hbm>> -> memref<1x1x80xi32, #tpu.memory_space<hbm>>
    %dma_start3A_43 = tpu.memref_squeeze %dma_start3A_42 : memref<1x1x80xi32, #tpu.memory_space<hbm>> -> memref<1x80xi32, #tpu.memory_space<hbm>>
    %dma_start3A_44 = arith.constant 0 : i32
    %dma_start3A_45 = arith.constant 0 : i32
    %dma_start3A_46 = tpu.memref_slice %arg4[%add3A_39, %dma_start3A_44, %dma_start3A_45] : memref<4000x1x80xi32, #tpu.memory_space<hbm>> -> memref<1x1x80xi32, #tpu.memory_space<hbm>>
    %dma_start3A_47 = tpu.memref_squeeze %dma_start3A_46 : memref<1x1x80xi32, #tpu.memory_space<hbm>> -> memref<1x80xi32, #tpu.memory_space<hbm>>
    tpu.enqueue_dma source(%dma_start3A_47 : memref<1x80xi32, #tpu.memory_space<hbm>>) target(%arg9 : memref<1x80xi32, #tpu.memory_space<vmem>>) target_semaphore(%arg18 : memref<!tpu.dma_semaphore, #tpu.memory_space<semaphore_mem>>)
    %add3A_48 = arith.constant 2 : i32
    %add3A_49 = arith.addi %mul3A_18, %add3A_48 : i32
    %dma_start3A_50 = arith.constant 0 : i32
    %dma_start3A_51 = arith.constant 0 : i32
    %dma_start3A_52 = tpu.memref_slice %arg4[%add3A_49, %dma_start3A_50, %dma_start3A_51] : memref<4000x1x80xi32, #tpu.memory_space<hbm>> -> memref<1x1x80xi32, #tpu.memory_space<hbm>>
    %dma_start3A_53 = tpu.memref_squeeze %dma_start3A_52 : memref<1x1x80xi32, #tpu.memory_space<hbm>> -> memref<1x80xi32, #tpu.memory_space<hbm>>
    %dma_start3A_54 = arith.constant 0 : i32
    %dma_start3A_55 = arith.constant 0 : i32
    %dma_start3A_56 = tpu.memref_slice %arg4[%add3A_49, %dma_start3A_54, %dma_start3A_55] : memref<4000x1x80xi32, #tpu.memory_space<hbm>> -> memref<1x1x80xi32, #tpu.memory_space<hbm>>
    %dma_start3A_57 = tpu.memref_squeeze %dma_start3A_56 : memref<1x1x80xi32, #tpu.memory_space<hbm>> -> memref<1x80xi32, #tpu.memory_space<hbm>>
    tpu.enqueue_dma source(%dma_start3A_57 : memref<1x80xi32, #tpu.memory_space<hbm>>) target(%arg10 : memref<1x80xi32, #tpu.memory_space<vmem>>) target_semaphore(%arg19 : memref<!tpu.dma_semaphore, #tpu.memory_space<semaphore_mem>>)
    %scan3A_58 = arith.constant 0 : i32
    %scan3A_59 = arith.constant 0 : i32
    %scan3A_60 = arith.constant 42 : i32
    %scan3A_61 = arith.addi %scan3A_59, %scan3A_60 : i32
    %scan3A_62 = arith.constant 1 : i32
    %scan3A_63 = scf.for %scan3A_73 = %scan3A_59 to %scan3A_61 step %scan3A_62 iter_args(%scan3A_74 = %scan3A_58) -> (i32)  : i32 {
      %mul3A_75 = arith.constant 3 : i32
      %mul3A_76 = arith.muli %mul3A_75, %scan3A_73 : i32
      %add3A_77 = arith.constant 0 : i32
      %add3A_78 = arith.addi %mul3A_76, %add3A_77 : i32
      %lt3A = arith.constant 125 : i32
      %lt3A_79 = arith.cmpi slt, %add3A_78, %lt3A : i32
      %convert_element_type3A = arith.extui %lt3A_79 : i1 to i32
      %cond3A = arith.constant 0 : i32
      %cond3A_80 = arith.cmpi ne, %convert_element_type3A, %cond3A : i32
      scf.if %cond3A_80 {
        %mul3A_100 = arith.constant 80 : i32
        %mul3A_101 = arith.muli %add3A_78, %mul3A_100 : i32
        %dma_wait3A = tpu.memref_slice %arg7[%mul3A_101] : memref<10000xi32, #tpu.memory_space<vmem>> -> memref<80xi32, #tpu.memory_space<vmem>>
        %dma_wait3A_102 = arith.constant 0 : i32
        %dma_wait3A_103 = arith.constant 0 : i32
        %dma_wait3A_104 = tpu.memref_slice %arg2[%dma_wait3A_102, %dma_wait3A_103] : memref<10000x128xf32, #tpu.memory_space<hbm>> -> memref<10000x128xf32, #tpu.memory_space<hbm>>
        tpu.wait_indirect_dma semaphore(%arg14 : memref<!tpu.dma_semaphore, #tpu.memory_space<semaphore_mem>>) src(%dma_wait3A_104 : memref<10000x128xf32, #tpu.memory_space<hbm>>) dst(%arg11 : memref<80x128xf32, #tpu.memory_space<vmem>>)
        %add3A_105 = arith.constant 2 : i32
        %add3A_106 = arith.addi %add3A_78, %add3A_105 : i32
        %lt3A_107 = arith.constant 125 : i32
        %lt3A_108 = arith.cmpi slt, %add3A_106, %lt3A_107 : i32
        %convert_element_type3A_109 = arith.extui %lt3A_108 : i1 to i32
        %cond3A_110 = arith.constant 0 : i32
        %cond3A_111 = arith.cmpi ne, %convert_element_type3A_109, %cond3A_110 : i32
        scf.if %cond3A_111 {
          %add3A_128 = arith.constant 2 : i32
          %add3A_129 = arith.addi %add3A_78, %add3A_128 : i32
          %mul3A_130 = arith.constant 80 : i32
          %mul3A_131 = arith.muli %add3A_129, %mul3A_130 : i32
          %dma_start3A_132 = tpu.memref_slice %arg7[%mul3A_131] : memref<10000xi32, #tpu.memory_space<vmem>> -> memref<80xi32, #tpu.memory_space<vmem>>
          %dma_start3A_133 = arith.constant 0 : i32
          %dma_start3A_134 = arith.constant 0 : i32
          %dma_start3A_135 = tpu.memref_slice %arg2[%dma_start3A_133, %dma_start3A_134] : memref<10000x128xf32, #tpu.memory_space<hbm>> -> memref<10000x128xf32, #tpu.memory_space<hbm>>
          tpu.enqueue_indirect_dma source(%dma_start3A_135 : memref<10000x128xf32, #tpu.memory_space<hbm>>) target(%arg13 : memref<80x128xf32, #tpu.memory_space<vmem>>) offsets(%dma_start3A_132 : memref<80xi32, #tpu.memory_space<vmem>>) semaphore(%arg16 : memref<!tpu.dma_semaphore, #tpu.memory_space<semaphore_mem>>)
        } else {
        }
        %add3A_112 = arith.addi %mul3A_18, %add3A_78 : i32
        %dma_wait3A_113 = arith.constant 0 : i32
        %dma_wait3A_114 = arith.constant 0 : i32
        %dma_wait3A_115 = tpu.memref_slice %arg4[%add3A_112, %dma_wait3A_113, %dma_wait3A_114] : memref<4000x1x80xi32, #tpu.memory_space<hbm>> -> memref<1x1x80xi32, #tpu.memory_space<hbm>>
        %dma_wait3A_116 = tpu.memref_squeeze %dma_wait3A_115 : memref<1x1x80xi32, #tpu.memory_space<hbm>> -> memref<1x80xi32, #tpu.memory_space<hbm>>
        %dma_wait3A_117 = arith.constant 0 : i32
        %dma_wait3A_118 = arith.constant 0 : i32
        %dma_wait3A_119 = tpu.memref_slice %arg4[%add3A_112, %dma_wait3A_117, %dma_wait3A_118] : memref<4000x1x80xi32, #tpu.memory_space<hbm>> -> memref<1x1x80xi32, #tpu.memory_space<hbm>>
        %dma_wait3A_120 = tpu.memref_squeeze %dma_wait3A_119 : memref<1x1x80xi32, #tpu.memory_space<hbm>> -> memref<1x80xi32, #tpu.memory_space<hbm>>
        tpu.wait_dma2 semaphore(%arg17 : memref<!tpu.dma_semaphore, #tpu.memory_space<semaphore_mem>>) src(%dma_wait3A_120 : memref<1x80xi32, #tpu.memory_space<hbm>>) dst(%arg8 : memref<1x80xi32, #tpu.memory_space<vmem>>)
        %run_scoped3A = arith.constant 0 : i32
        "tpu.region"() ({
          %run_scoped3A_128 = tpu.sem_alloc : memref<!tpu.dma_semaphore, #tpu.memory_space<semaphore_mem>>
          %dma_start3A_129 = arith.constant 0 : i32
          %dma_start3A_130 = tpu.memref_slice %arg8[%run_scoped3A, %dma_start3A_129] : memref<1x80xi32, #tpu.memory_space<vmem>> -> memref<1x80xi32, #tpu.memory_space<vmem>>
          %dma_start3A_131 = tpu.memref_squeeze %dma_start3A_130 : memref<1x80xi32, #tpu.memory_space<vmem>> -> memref<80xi32, #tpu.memory_space<vmem>>
          %dma_start3A_132 = arith.constant 0 : i32
          %dma_start3A_133 = arith.constant 0 : i32
          %dma_start3A_134 = tpu.memref_slice %arg6[%dma_start3A_132, %dma_start3A_133] : memref<10000x128xf32, #tpu.memory_space<vmem_shared>> -> memref<10000x128xf32, #tpu.memory_space<vmem_shared>>
          tpu.enqueue_indirect_dma source(%arg11 : memref<80x128xf32, #tpu.memory_space<vmem>>) target(%dma_start3A_134 : memref<10000x128xf32, #tpu.memory_space<vmem_shared>>) offsets(%dma_start3A_131 : memref<80xi32, #tpu.memory_space<vmem>>) semaphore(%run_scoped3A_128 : memref<!tpu.dma_semaphore, #tpu.memory_space<semaphore_mem>>) {add = true}
          %dma_wait3A_135 = arith.constant 0 : i32
          %dma_wait3A_136 = tpu.memref_slice %arg8[%run_scoped3A, %dma_wait3A_135] : memref<1x80xi32, #tpu.memory_space<vmem>> -> memref<1x80xi32, #tpu.memory_space<vmem>>
          %dma_wait3A_137 = tpu.memref_squeeze %dma_wait3A_136 : memref<1x80xi32, #tpu.memory_space<vmem>> -> memref<80xi32, #tpu.memory_space<vmem>>
          %dma_wait3A_138 = arith.constant 0 : i32
          %dma_wait3A_139 = arith.constant 0 : i32
          %dma_wait3A_140 = tpu.memref_slice %arg6[%dma_wait3A_138, %dma_wait3A_139] : memref<10000x128xf32, #tpu.memory_space<vmem_shared>> -> memref<10000x128xf32, #tpu.memory_space<vmem_shared>>
          tpu.wait_indirect_dma semaphore(%run_scoped3A_128 : memref<!tpu.dma_semaphore, #tpu.memory_space<semaphore_mem>>) src(%arg11 : memref<80x128xf32, #tpu.memory_space<vmem>>) dst(%dma_wait3A_140 : memref<10000x128xf32, #tpu.memory_space<vmem_shared>>)
          tpu.yield
        }) : () -> ()
        %add3A_121 = arith.constant 3 : i32
        %add3A_122 = arith.addi %add3A_78, %add3A_121 : i32
        %lt3A_123 = arith.constant 125 : i32
        %lt3A_124 = arith.cmpi slt, %add3A_122, %lt3A_123 : i32
        %convert_element_type3A_125 = arith.extui %lt3A_124 : i1 to i32
        %cond3A_126 = arith.constant 0 : i32
        %cond3A_127 = arith.cmpi ne, %convert_element_type3A_125, %cond3A_126 : i32
        scf.if %cond3A_127 {
          %add3A_128 = arith.addi %mul3A_18, %add3A_78 : i32
          %add3A_129 = arith.constant 3 : i32
          %add3A_130 = arith.addi %add3A_128, %add3A_129 : i32
          %dma_start3A_131 = arith.constant 0 : i32
          %dma_start3A_132 = arith.constant 0 : i32
          %dma_start3A_133 = tpu.memref_slice %arg4[%add3A_130, %dma_start3A_131, %dma_start3A_132] : memref<4000x1x80xi32, #tpu.memory_space<hbm>> -> memref<1x1x80xi32, #tpu.memory_space<hbm>>
          %dma_start3A_134 = tpu.memref_squeeze %dma_start3A_133 : memref<1x1x80xi32, #tpu.memory_space<hbm>> -> memref<1x80xi32, #tpu.memory_space<hbm>>
          %dma_start3A_135 = arith.constant 0 : i32
          %dma_start3A_136 = arith.constant 0 : i32
          %dma_start3A_137 = tpu.memref_slice %arg4[%add3A_130, %dma_start3A_135, %dma_start3A_136] : memref<4000x1x80xi32, #tpu.memory_space<hbm>> -> memref<1x1x80xi32, #tpu.memory_space<hbm>>
          %dma_start3A_138 = tpu.memref_squeeze %dma_start3A_137 : memref<1x1x80xi32, #tpu.memory_space<hbm>> -> memref<1x80xi32, #tpu.memory_space<hbm>>
          tpu.enqueue_dma source(%dma_start3A_138 : memref<1x80xi32, #tpu.memory_space<hbm>>) target(%arg8 : memref<1x80xi32, #tpu.memory_space<vmem>>) target_semaphore(%arg17 : memref<!tpu.dma_semaphore, #tpu.memory_space<semaphore_mem>>)
        } else {
        }
      } else {
      }
      %mul3A_81 = arith.constant 3 : i32
      %mul3A_82 = arith.muli %mul3A_81, %scan3A_73 : i32
      %add3A_83 = arith.constant 1 : i32
      %add3A_84 = arith.addi %mul3A_82, %add3A_83 : i32
      %lt3A_85 = arith.constant 125 : i32
      %lt3A_86 = arith.cmpi slt, %add3A_84, %lt3A_85 : i32
      %convert_element_type3A_87 = arith.extui %lt3A_86 : i1 to i32
      %cond3A_88 = arith.constant 0 : i32
      %cond3A_89 = arith.cmpi ne, %convert_element_type3A_87, %cond3A_88 : i32
      scf.if %cond3A_89 {
        %mul3A_100 = arith.constant 80 : i32
        %mul3A_101 = arith.muli %add3A_84, %mul3A_100 : i32
        %dma_wait3A = tpu.memref_slice %arg7[%mul3A_101] : memref<10000xi32, #tpu.memory_space<vmem>> -> memref<80xi32, #tpu.memory_space<vmem>>
        %dma_wait3A_102 = arith.constant 0 : i32
        %dma_wait3A_103 = arith.constant 0 : i32
        %dma_wait3A_104 = tpu.memref_slice %arg2[%dma_wait3A_102, %dma_wait3A_103] : memref<10000x128xf32, #tpu.memory_space<hbm>> -> memref<10000x128xf32, #tpu.memory_space<hbm>>
        tpu.wait_indirect_dma semaphore(%arg15 : memref<!tpu.dma_semaphore, #tpu.memory_space<semaphore_mem>>) src(%dma_wait3A_104 : memref<10000x128xf32, #tpu.memory_space<hbm>>) dst(%arg12 : memref<80x128xf32, #tpu.memory_space<vmem>>)
        %add3A_105 = arith.constant 2 : i32
        %add3A_106 = arith.addi %add3A_84, %add3A_105 : i32
        %lt3A_107 = arith.constant 125 : i32
        %lt3A_108 = arith.cmpi slt, %add3A_106, %lt3A_107 : i32
        %convert_element_type3A_109 = arith.extui %lt3A_108 : i1 to i32
        %cond3A_110 = arith.constant 0 : i32
        %cond3A_111 = arith.cmpi ne, %convert_element_type3A_109, %cond3A_110 : i32
        scf.if %cond3A_111 {
          %add3A_128 = arith.constant 2 : i32
          %add3A_129 = arith.addi %add3A_84, %add3A_128 : i32
          %mul3A_130 = arith.constant 80 : i32
          %mul3A_131 = arith.muli %add3A_129, %mul3A_130 : i32
          %dma_start3A_132 = tpu.memref_slice %arg7[%mul3A_131] : memref<10000xi32, #tpu.memory_space<vmem>> -> memref<80xi32, #tpu.memory_space<vmem>>
          %dma_start3A_133 = arith.constant 0 : i32
          %dma_start3A_134 = arith.constant 0 : i32
          %dma_start3A_135 = tpu.memref_slice %arg2[%dma_start3A_133, %dma_start3A_134] : memref<10000x128xf32, #tpu.memory_space<hbm>> -> memref<10000x128xf32, #tpu.memory_space<hbm>>
          tpu.enqueue_indirect_dma source(%dma_start3A_135 : memref<10000x128xf32, #tpu.memory_space<hbm>>) target(%arg11 : memref<80x128xf32, #tpu.memory_space<vmem>>) offsets(%dma_start3A_132 : memref<80xi32, #tpu.memory_space<vmem>>) semaphore(%arg14 : memref<!tpu.dma_semaphore, #tpu.memory_space<semaphore_mem>>)
        } else {
        }
        %add3A_112 = arith.addi %mul3A_18, %add3A_84 : i32
        %dma_wait3A_113 = arith.constant 0 : i32
        %dma_wait3A_114 = arith.constant 0 : i32
        %dma_wait3A_115 = tpu.memref_slice %arg4[%add3A_112, %dma_wait3A_113, %dma_wait3A_114] : memref<4000x1x80xi32, #tpu.memory_space<hbm>> -> memref<1x1x80xi32, #tpu.memory_space<hbm>>
        %dma_wait3A_116 = tpu.memref_squeeze %dma_wait3A_115 : memref<1x1x80xi32, #tpu.memory_space<hbm>> -> memref<1x80xi32, #tpu.memory_space<hbm>>
        %dma_wait3A_117 = arith.constant 0 : i32
        %dma_wait3A_118 = arith.constant 0 : i32
        %dma_wait3A_119 = tpu.memref_slice %arg4[%add3A_112, %dma_wait3A_117, %dma_wait3A_118] : memref<4000x1x80xi32, #tpu.memory_space<hbm>> -> memref<1x1x80xi32, #tpu.memory_space<hbm>>
        %dma_wait3A_120 = tpu.memref_squeeze %dma_wait3A_119 : memref<1x1x80xi32, #tpu.memory_space<hbm>> -> memref<1x80xi32, #tpu.memory_space<hbm>>
        tpu.wait_dma2 semaphore(%arg18 : memref<!tpu.dma_semaphore, #tpu.memory_space<semaphore_mem>>) src(%dma_wait3A_120 : memref<1x80xi32, #tpu.memory_space<hbm>>) dst(%arg9 : memref<1x80xi32, #tpu.memory_space<vmem>>)
        %run_scoped3A = arith.constant 0 : i32
        "tpu.region"() ({
          %run_scoped3A_128 = tpu.sem_alloc : memref<!tpu.dma_semaphore, #tpu.memory_space<semaphore_mem>>
          %dma_start3A_129 = arith.constant 0 : i32
          %dma_start3A_130 = tpu.memref_slice %arg9[%run_scoped3A, %dma_start3A_129] : memref<1x80xi32, #tpu.memory_space<vmem>> -> memref<1x80xi32, #tpu.memory_space<vmem>>
          %dma_start3A_131 = tpu.memref_squeeze %dma_start3A_130 : memref<1x80xi32, #tpu.memory_space<vmem>> -> memref<80xi32, #tpu.memory_space<vmem>>
          %dma_start3A_132 = arith.constant 0 : i32
          %dma_start3A_133 = arith.constant 0 : i32
          %dma_start3A_134 = tpu.memref_slice %arg6[%dma_start3A_132, %dma_start3A_133] : memref<10000x128xf32, #tpu.memory_space<vmem_shared>> -> memref<10000x128xf32, #tpu.memory_space<vmem_shared>>
          tpu.enqueue_indirect_dma source(%arg12 : memref<80x128xf32, #tpu.memory_space<vmem>>) target(%dma_start3A_134 : memref<10000x128xf32, #tpu.memory_space<vmem_shared>>) offsets(%dma_start3A_131 : memref<80xi32, #tpu.memory_space<vmem>>) semaphore(%run_scoped3A_128 : memref<!tpu.dma_semaphore, #tpu.memory_space<semaphore_mem>>) {add = true}
          %dma_wait3A_135 = arith.constant 0 : i32
          %dma_wait3A_136 = tpu.memref_slice %arg9[%run_scoped3A, %dma_wait3A_135] : memref<1x80xi32, #tpu.memory_space<vmem>> -> memref<1x80xi32, #tpu.memory_space<vmem>>
          %dma_wait3A_137 = tpu.memref_squeeze %dma_wait3A_136 : memref<1x80xi32, #tpu.memory_space<vmem>> -> memref<80xi32, #tpu.memory_space<vmem>>
          %dma_wait3A_138 = arith.constant 0 : i32
          %dma_wait3A_139 = arith.constant 0 : i32
          %dma_wait3A_140 = tpu.memref_slice %arg6[%dma_wait3A_138, %dma_wait3A_139] : memref<10000x128xf32, #tpu.memory_space<vmem_shared>> -> memref<10000x128xf32, #tpu.memory_space<vmem_shared>>
          tpu.wait_indirect_dma semaphore(%run_scoped3A_128 : memref<!tpu.dma_semaphore, #tpu.memory_space<semaphore_mem>>) src(%arg12 : memref<80x128xf32, #tpu.memory_space<vmem>>) dst(%dma_wait3A_140 : memref<10000x128xf32, #tpu.memory_space<vmem_shared>>)
          tpu.yield
        }) : () -> ()
        %add3A_121 = arith.constant 3 : i32
        %add3A_122 = arith.addi %add3A_84, %add3A_121 : i32
        %lt3A_123 = arith.constant 125 : i32
        %lt3A_124 = arith.cmpi slt, %add3A_122, %lt3A_123 : i32
        %convert_element_type3A_125 = arith.extui %lt3A_124 : i1 to i32
        %cond3A_126 = arith.constant 0 : i32
        %cond3A_127 = arith.cmpi ne, %convert_element_type3A_125, %cond3A_126 : i32
        scf.if %cond3A_127 {
          %add3A_128 = arith.addi %mul3A_18, %add3A_84 : i32
          %add3A_129 = arith.constant 3 : i32
          %add3A_130 = arith.addi %add3A_128, %add3A_129 : i32
          %dma_start3A_131 = arith.constant 0 : i32
          %dma_start3A_132 = arith.constant 0 : i32
          %dma_start3A_133 = tpu.memref_slice %arg4[%add3A_130, %dma_start3A_131, %dma_start3A_132] : memref<4000x1x80xi32, #tpu.memory_space<hbm>> -> memref<1x1x80xi32, #tpu.memory_space<hbm>>
          %dma_start3A_134 = tpu.memref_squeeze %dma_start3A_133 : memref<1x1x80xi32, #tpu.memory_space<hbm>> -> memref<1x80xi32, #tpu.memory_space<hbm>>
          %dma_start3A_135 = arith.constant 0 : i32
          %dma_start3A_136 = arith.constant 0 : i32
          %dma_start3A_137 = tpu.memref_slice %arg4[%add3A_130, %dma_start3A_135, %dma_start3A_136] : memref<4000x1x80xi32, #tpu.memory_space<hbm>> -> memref<1x1x80xi32, #tpu.memory_space<hbm>>
          %dma_start3A_138 = tpu.memref_squeeze %dma_start3A_137 : memref<1x1x80xi32, #tpu.memory_space<hbm>> -> memref<1x80xi32, #tpu.memory_space<hbm>>
          tpu.enqueue_dma source(%dma_start3A_138 : memref<1x80xi32, #tpu.memory_space<hbm>>) target(%arg9 : memref<1x80xi32, #tpu.memory_space<vmem>>) target_semaphore(%arg18 : memref<!tpu.dma_semaphore, #tpu.memory_space<semaphore_mem>>)
        } else {
        }
      } else {
      }
      %mul3A_90 = arith.constant 3 : i32
      %mul3A_91 = arith.muli %mul3A_90, %scan3A_73 : i32
      %add3A_92 = arith.constant 2 : i32
      %add3A_93 = arith.addi %mul3A_91, %add3A_92 : i32
      %lt3A_94 = arith.constant 125 : i32
      %lt3A_95 = arith.cmpi slt, %add3A_93, %lt3A_94 : i32
      %convert_element_type3A_96 = arith.extui %lt3A_95 : i1 to i32
      %cond3A_97 = arith.constant 0 : i32
      %cond3A_98 = arith.cmpi ne, %convert_element_type3A_96, %cond3A_97 : i32
      scf.if %cond3A_98 {
        %mul3A_100 = arith.constant 80 : i32
        %mul3A_101 = arith.muli %add3A_93, %mul3A_100 : i32
        %dma_wait3A = tpu.memref_slice %arg7[%mul3A_101] : memref<10000xi32, #tpu.memory_space<vmem>> -> memref<80xi32, #tpu.memory_space<vmem>>
        %dma_wait3A_102 = arith.constant 0 : i32
        %dma_wait3A_103 = arith.constant 0 : i32
        %dma_wait3A_104 = tpu.memref_slice %arg2[%dma_wait3A_102, %dma_wait3A_103] : memref<10000x128xf32, #tpu.memory_space<hbm>> -> memref<10000x128xf32, #tpu.memory_space<hbm>>
        tpu.wait_indirect_dma semaphore(%arg16 : memref<!tpu.dma_semaphore, #tpu.memory_space<semaphore_mem>>) src(%dma_wait3A_104 : memref<10000x128xf32, #tpu.memory_space<hbm>>) dst(%arg13 : memref<80x128xf32, #tpu.memory_space<vmem>>)
        %add3A_105 = arith.constant 2 : i32
        %add3A_106 = arith.addi %add3A_93, %add3A_105 : i32
        %lt3A_107 = arith.constant 125 : i32
        %lt3A_108 = arith.cmpi slt, %add3A_106, %lt3A_107 : i32
        %convert_element_type3A_109 = arith.extui %lt3A_108 : i1 to i32
        %cond3A_110 = arith.constant 0 : i32
        %cond3A_111 = arith.cmpi ne, %convert_element_type3A_109, %cond3A_110 : i32
        scf.if %cond3A_111 {
          %add3A_128 = arith.constant 2 : i32
          %add3A_129 = arith.addi %add3A_93, %add3A_128 : i32
          %mul3A_130 = arith.constant 80 : i32
          %mul3A_131 = arith.muli %add3A_129, %mul3A_130 : i32
          %dma_start3A_132 = tpu.memref_slice %arg7[%mul3A_131] : memref<10000xi32, #tpu.memory_space<vmem>> -> memref<80xi32, #tpu.memory_space<vmem>>
          %dma_start3A_133 = arith.constant 0 : i32
          %dma_start3A_134 = arith.constant 0 : i32
          %dma_start3A_135 = tpu.memref_slice %arg2[%dma_start3A_133, %dma_start3A_134] : memref<10000x128xf32, #tpu.memory_space<hbm>> -> memref<10000x128xf32, #tpu.memory_space<hbm>>
          tpu.enqueue_indirect_dma source(%dma_start3A_135 : memref<10000x128xf32, #tpu.memory_space<hbm>>) target(%arg12 : memref<80x128xf32, #tpu.memory_space<vmem>>) offsets(%dma_start3A_132 : memref<80xi32, #tpu.memory_space<vmem>>) semaphore(%arg15 : memref<!tpu.dma_semaphore, #tpu.memory_space<semaphore_mem>>)
        } else {
        }
        %add3A_112 = arith.addi %mul3A_18, %add3A_93 : i32
        %dma_wait3A_113 = arith.constant 0 : i32
        %dma_wait3A_114 = arith.constant 0 : i32
        %dma_wait3A_115 = tpu.memref_slice %arg4[%add3A_112, %dma_wait3A_113, %dma_wait3A_114] : memref<4000x1x80xi32, #tpu.memory_space<hbm>> -> memref<1x1x80xi32, #tpu.memory_space<hbm>>
        %dma_wait3A_116 = tpu.memref_squeeze %dma_wait3A_115 : memref<1x1x80xi32, #tpu.memory_space<hbm>> -> memref<1x80xi32, #tpu.memory_space<hbm>>
        %dma_wait3A_117 = arith.constant 0 : i32
        %dma_wait3A_118 = arith.constant 0 : i32
        %dma_wait3A_119 = tpu.memref_slice %arg4[%add3A_112, %dma_wait3A_117, %dma_wait3A_118] : memref<4000x1x80xi32, #tpu.memory_space<hbm>> -> memref<1x1x80xi32, #tpu.memory_space<hbm>>
        %dma_wait3A_120 = tpu.memref_squeeze %dma_wait3A_119 : memref<1x1x80xi32, #tpu.memory_space<hbm>> -> memref<1x80xi32, #tpu.memory_space<hbm>>
        tpu.wait_dma2 semaphore(%arg19 : memref<!tpu.dma_semaphore, #tpu.memory_space<semaphore_mem>>) src(%dma_wait3A_120 : memref<1x80xi32, #tpu.memory_space<hbm>>) dst(%arg10 : memref<1x80xi32, #tpu.memory_space<vmem>>)
        %run_scoped3A = arith.constant 0 : i32
        "tpu.region"() ({
          %run_scoped3A_128 = tpu.sem_alloc : memref<!tpu.dma_semaphore, #tpu.memory_space<semaphore_mem>>
          %dma_start3A_129 = arith.constant 0 : i32
          %dma_start3A_130 = tpu.memref_slice %arg10[%run_scoped3A, %dma_start3A_129] : memref<1x80xi32, #tpu.memory_space<vmem>> -> memref<1x80xi32, #tpu.memory_space<vmem>>
          %dma_start3A_131 = tpu.memref_squeeze %dma_start3A_130 : memref<1x80xi32, #tpu.memory_space<vmem>> -> memref<80xi32, #tpu.memory_space<vmem>>
          %dma_start3A_132 = arith.constant 0 : i32
          %dma_start3A_133 = arith.constant 0 : i32
          %dma_start3A_134 = tpu.memref_slice %arg6[%dma_start3A_132, %dma_start3A_133] : memref<10000x128xf32, #tpu.memory_space<vmem_shared>> -> memref<10000x128xf32, #tpu.memory_space<vmem_shared>>
          tpu.enqueue_indirect_dma source(%arg13 : memref<80x128xf32, #tpu.memory_space<vmem>>) target(%dma_start3A_134 : memref<10000x128xf32, #tpu.memory_space<vmem_shared>>) offsets(%dma_start3A_131 : memref<80xi32, #tpu.memory_space<vmem>>) semaphore(%run_scoped3A_128 : memref<!tpu.dma_semaphore, #tpu.memory_space<semaphore_mem>>) {add = true}
          %dma_wait3A_135 = arith.constant 0 : i32
          %dma_wait3A_136 = tpu.memref_slice %arg10[%run_scoped3A, %dma_wait3A_135] : memref<1x80xi32, #tpu.memory_space<vmem>> -> memref<1x80xi32, #tpu.memory_space<vmem>>
          %dma_wait3A_137 = tpu.memref_squeeze %dma_wait3A_136 : memref<1x80xi32, #tpu.memory_space<vmem>> -> memref<80xi32, #tpu.memory_space<vmem>>
          %dma_wait3A_138 = arith.constant 0 : i32
          %dma_wait3A_139 = arith.constant 0 : i32
          %dma_wait3A_140 = tpu.memref_slice %arg6[%dma_wait3A_138, %dma_wait3A_139] : memref<10000x128xf32, #tpu.memory_space<vmem_shared>> -> memref<10000x128xf32, #tpu.memory_space<vmem_shared>>
          tpu.wait_indirect_dma semaphore(%run_scoped3A_128 : memref<!tpu.dma_semaphore, #tpu.memory_space<semaphore_mem>>) src(%arg13 : memref<80x128xf32, #tpu.memory_space<vmem>>) dst(%dma_wait3A_140 : memref<10000x128xf32, #tpu.memory_space<vmem_shared>>)
          tpu.yield
        }) : () -> ()
        %add3A_121 = arith.constant 3 : i32
        %add3A_122 = arith.addi %add3A_93, %add3A_121 : i32
        %lt3A_123 = arith.constant 125 : i32
        %lt3A_124 = arith.cmpi slt, %add3A_122, %lt3A_123 : i32
        %convert_element_type3A_125 = arith.extui %lt3A_124 : i1 to i32
        %cond3A_126 = arith.constant 0 : i32
        %cond3A_127 = arith.cmpi ne, %convert_element_type3A_125, %cond3A_126 : i32
        scf.if %cond3A_127 {
          %add3A_128 = arith.addi %mul3A_18, %add3A_93 : i32
          %add3A_129 = arith.constant 3 : i32
          %add3A_130 = arith.addi %add3A_128, %add3A_129 : i32
          %dma_start3A_131 = arith.constant 0 : i32
          %dma_start3A_132 = arith.constant 0 : i32
          %dma_start3A_133 = tpu.memref_slice %arg4[%add3A_130, %dma_start3A_131, %dma_start3A_132] : memref<4000x1x80xi32, #tpu.memory_space<hbm>> -> memref<1x1x80xi32, #tpu.memory_space<hbm>>
          %dma_start3A_134 = tpu.memref_squeeze %dma_start3A_133 : memref<1x1x80xi32, #tpu.memory_space<hbm>> -> memref<1x80xi32, #tpu.memory_space<hbm>>
          %dma_start3A_135 = arith.constant 0 : i32
          %dma_start3A_136 = arith.constant 0 : i32
          %dma_start3A_137 = tpu.memref_slice %arg4[%add3A_130, %dma_start3A_135, %dma_start3A_136] : memref<4000x1x80xi32, #tpu.memory_space<hbm>> -> memref<1x1x80xi32, #tpu.memory_space<hbm>>
          %dma_start3A_138 = tpu.memref_squeeze %dma_start3A_137 : memref<1x1x80xi32, #tpu.memory_space<hbm>> -> memref<1x80xi32, #tpu.memory_space<hbm>>
          tpu.enqueue_dma source(%dma_start3A_138 : memref<1x80xi32, #tpu.memory_space<hbm>>) target(%arg10 : memref<1x80xi32, #tpu.memory_space<vmem>>) target_semaphore(%arg19 : memref<!tpu.dma_semaphore, #tpu.memory_space<semaphore_mem>>)
        } else {
        }
      } else {
      }
      %scan3A_99 = arith.constant 0 : i32
      scf.yield %scan3A_99 : i32
    }
    %scan3A_64 = arith.constant 42 : i32
    %barrier3A_65 = arith.constant 0 : index
    tpu.barrier barrier_id(%barrier3A_65)
    %scan3A_66 = arith.constant 0 : i32
    %scan3A_67 = arith.constant 0 : i32
    %scan3A_68 = arith.constant 8 : i32
    %scan3A_69 = arith.addi %scan3A_67, %scan3A_68 : i32
    %scan3A_70 = arith.constant 1 : i32
    %scan3A_71 = scf.for %scan3A_73 = %scan3A_67 to %scan3A_69 step %scan3A_70 iter_args(%scan3A_74 = %scan3A_66) -> (i32)  : i32 {
      %mul3A_75 = arith.constant 16 : i32
      %mul3A_76 = arith.muli %scan3A_73, %mul3A_75 : i32
      %add3A_77 = arith.addi %mul3A_76, %arg1 : i32
      %lt3A = arith.constant 125 : i32
      %lt3A_78 = arith.cmpi slt, %add3A_77, %lt3A : i32
      %convert_element_type3A = arith.extui %lt3A_78 : i1 to i32
      %cond3A = arith.constant 0 : i32
      %cond3A_79 = arith.cmpi ne, %convert_element_type3A, %cond3A : i32
      scf.if %cond3A_79 {
        %mul3A_81 = arith.constant 80 : i32
        %mul3A_82 = arith.muli %add3A_77, %mul3A_81 : i32
        "tpu.region"() ({
          %run_scoped3A = tpu.sem_alloc : memref<!tpu.dma_semaphore, #tpu.memory_space<semaphore_mem>>
          %dma_start3A_83 = arith.constant 0 : i32
          %dma_start3A_84 = arith.constant 0 : i32
          %dma_start3A_85 = tpu.memref_slice %arg11[%dma_start3A_83, %dma_start3A_84] : memref<80x128xf32, #tpu.memory_space<vmem>> -> memref<80x128xf32, #tpu.memory_space<vmem>>
          %dma_start3A_86 = arith.constant 0 : i32
          %dma_start3A_87 = tpu.memref_slice %arg6[%mul3A_82, %dma_start3A_86] : memref<10000x128xf32, #tpu.memory_space<vmem_shared>> -> memref<80x128xf32, #tpu.memory_space<vmem_shared>>
          %dma_start3A_88 = arith.constant 0 : i32
          %dma_start3A_89 = arith.constant 0 : i32
          %dma_start3A_90 = tpu.memref_slice %arg11[%dma_start3A_88, %dma_start3A_89] : memref<80x128xf32, #tpu.memory_space<vmem>> -> memref<80x128xf32, #tpu.memory_space<vmem>>
          %dma_start3A_91 = arith.constant 0 : i32
          %dma_start3A_92 = tpu.memref_slice %arg6[%mul3A_82, %dma_start3A_91] : memref<10000x128xf32, #tpu.memory_space<vmem_shared>> -> memref<80x128xf32, #tpu.memory_space<vmem_shared>>
          tpu.enqueue_dma source(%dma_start3A_92 : memref<80x128xf32, #tpu.memory_space<vmem_shared>>) target(%dma_start3A_90 : memref<80x128xf32, #tpu.memory_space<vmem>>) target_semaphore(%run_scoped3A : memref<!tpu.dma_semaphore, #tpu.memory_space<semaphore_mem>>)
          %dma_wait3A = arith.constant 0 : i32
          %dma_wait3A_93 = arith.constant 0 : i32
          %dma_wait3A_94 = tpu.memref_slice %arg11[%dma_wait3A, %dma_wait3A_93] : memref<80x128xf32, #tpu.memory_space<vmem>> -> memref<80x128xf32, #tpu.memory_space<vmem>>
          %dma_wait3A_95 = arith.constant 0 : i32
          %dma_wait3A_96 = tpu.memref_slice %arg6[%mul3A_82, %dma_wait3A_95] : memref<10000x128xf32, #tpu.memory_space<vmem_shared>> -> memref<80x128xf32, #tpu.memory_space<vmem_shared>>
          %dma_wait3A_97 = arith.constant 0 : i32
          %dma_wait3A_98 = arith.constant 0 : i32
          %dma_wait3A_99 = tpu.memref_slice %arg11[%dma_wait3A_97, %dma_wait3A_98] : memref<80x128xf32, #tpu.memory_space<vmem>> -> memref<80x128xf32, #tpu.memory_space<vmem>>
          %dma_wait3A_100 = arith.constant 0 : i32
          %dma_wait3A_101 = tpu.memref_slice %arg6[%mul3A_82, %dma_wait3A_100] : memref<10000x128xf32, #tpu.memory_space<vmem_shared>> -> memref<80x128xf32, #tpu.memory_space<vmem_shared>>
          tpu.wait_dma2 semaphore(%run_scoped3A : memref<!tpu.dma_semaphore, #tpu.memory_space<semaphore_mem>>) src(%dma_wait3A_101 : memref<80x128xf32, #tpu.memory_space<vmem_shared>>) dst(%dma_wait3A_99 : memref<80x128xf32, #tpu.memory_space<vmem>>)
          tpu.yield
        }) : () -> ()
        "tpu.region"() ({
          %run_scoped3A = tpu.sem_alloc : memref<!tpu.dma_semaphore, #tpu.memory_space<semaphore_mem>>
          %dma_start3A_83 = arith.constant 0 : i32
          %dma_start3A_84 = arith.constant 0 : i32
          %dma_start3A_85 = tpu.memref_slice %arg11[%dma_start3A_83, %dma_start3A_84] : memref<80x128xf32, #tpu.memory_space<vmem>> -> memref<80x128xf32, #tpu.memory_space<vmem>>
          %dma_start3A_86 = arith.constant 0 : i32
          %dma_start3A_87 = tpu.memref_slice %arg5[%arg0, %mul3A_82, %dma_start3A_86] : memref<2x10000x128xf32, #tpu.memory_space<hbm>> -> memref<1x80x128xf32, #tpu.memory_space<hbm>>
          %dma_start3A_88 = tpu.memref_squeeze %dma_start3A_87 : memref<1x80x128xf32, #tpu.memory_space<hbm>> -> memref<80x128xf32, #tpu.memory_space<hbm>>
          %dma_start3A_89 = arith.constant 0 : i32
          %dma_start3A_90 = tpu.memref_slice %arg5[%arg0, %mul3A_82, %dma_start3A_89] : memref<2x10000x128xf32, #tpu.memory_space<hbm>> -> memref<1x80x128xf32, #tpu.memory_space<hbm>>
          %dma_start3A_91 = tpu.memref_squeeze %dma_start3A_90 : memref<1x80x128xf32, #tpu.memory_space<hbm>> -> memref<80x128xf32, #tpu.memory_space<hbm>>
          %dma_start3A_92 = arith.constant 0 : i32
          %dma_start3A_93 = arith.constant 0 : i32
          %dma_start3A_94 = tpu.memref_slice %arg11[%dma_start3A_92, %dma_start3A_93] : memref<80x128xf32, #tpu.memory_space<vmem>> -> memref<80x128xf32, #tpu.memory_space<vmem>>
          tpu.enqueue_dma source(%dma_start3A_94 : memref<80x128xf32, #tpu.memory_space<vmem>>) target(%dma_start3A_91 : memref<80x128xf32, #tpu.memory_space<hbm>>) target_semaphore(%run_scoped3A : memref<!tpu.dma_semaphore, #tpu.memory_space<semaphore_mem>>)
          %dma_wait3A = arith.constant 0 : i32
          %dma_wait3A_95 = arith.constant 0 : i32
          %dma_wait3A_96 = tpu.memref_slice %arg11[%dma_wait3A, %dma_wait3A_95] : memref<80x128xf32, #tpu.memory_space<vmem>> -> memref<80x128xf32, #tpu.memory_space<vmem>>
          %dma_wait3A_97 = arith.constant 0 : i32
          %dma_wait3A_98 = tpu.memref_slice %arg5[%arg0, %mul3A_82, %dma_wait3A_97] : memref<2x10000x128xf32, #tpu.memory_space<hbm>> -> memref<1x80x128xf32, #tpu.memory_space<hbm>>
          %dma_wait3A_99 = tpu.memref_squeeze %dma_wait3A_98 : memref<1x80x128xf32, #tpu.memory_space<hbm>> -> memref<80x128xf32, #tpu.memory_space<hbm>>
          %dma_wait3A_100 = arith.constant 0 : i32
          %dma_wait3A_101 = tpu.memref_slice %arg5[%arg0, %mul3A_82, %dma_wait3A_100] : memref<2x10000x128xf32, #tpu.memory_space<hbm>> -> memref<1x80x128xf32, #tpu.memory_space<hbm>>
          %dma_wait3A_102 = tpu.memref_squeeze %dma_wait3A_101 : memref<1x80x128xf32, #tpu.memory_space<hbm>> -> memref<80x128xf32, #tpu.memory_space<hbm>>
          %dma_wait3A_103 = arith.constant 0 : i32
          %dma_wait3A_104 = arith.constant 0 : i32
          %dma_wait3A_105 = tpu.memref_slice %arg11[%dma_wait3A_103, %dma_wait3A_104] : memref<80x128xf32, #tpu.memory_space<vmem>> -> memref<80x128xf32, #tpu.memory_space<vmem>>
          tpu.wait_dma2 semaphore(%run_scoped3A : memref<!tpu.dma_semaphore, #tpu.memory_space<semaphore_mem>>) src(%dma_wait3A_105 : memref<80x128xf32, #tpu.memory_space<vmem>>) dst(%dma_wait3A_102 : memref<80x128xf32, #tpu.memory_space<hbm>>)
          tpu.yield
        }) : () -> ()
      } else {
      }
      %scan3A_80 = arith.constant 0 : i32
      scf.yield %scan3A_80 : i32
    }
    %scan3A_72 = arith.constant 8 : i32
    return
  }
}

#map = affine_map<(d0, d1) -> (0, 0)>
#map1 = affine_map<(d0, d1) -> (0)>
#map2 = affine_map<(d0, d1) -> (0, 0, 0)>
module attributes {stable_mosaic.version = 14 : i64} {
  func.func @_sc_prop(%arg0: i32, %arg1: i32, %arg2: memref<10000x128xf32, #tpu.memory_space<hbm>>, %arg3: memref<320000xi32, #tpu.memory_space<hbm>>, %arg4: memref<4000x1x80xi32, #tpu.memory_space<hbm>>, %arg5: memref<2x10000x128xf32, #tpu.memory_space<hbm>>, %arg6: memref<10000x128xf32, #tpu.memory_space<vmem_shared>>, %arg7: memref<10000xi32, #tpu.memory_space<vmem>>, %arg8: memref<1x80xi32, #tpu.memory_space<vmem>>, %arg9: memref<1x80xi32, #tpu.memory_space<vmem>>, %arg10: memref<1x80xi32, #tpu.memory_space<vmem>>, %arg11: memref<80x128xf32, #tpu.memory_space<vmem>>, %arg12: memref<80x128xf32, #tpu.memory_space<vmem>>, %arg13: memref<80x128xf32, #tpu.memory_space<vmem>>, %arg14: memref<!tpu.dma_semaphore, #tpu.memory_space<semaphore_mem>>, %arg15: memref<!tpu.dma_semaphore, #tpu.memory_space<semaphore_mem>>, %arg16: memref<!tpu.dma_semaphore, #tpu.memory_space<semaphore_mem>>, %arg17: memref<!tpu.dma_semaphore, #tpu.memory_space<semaphore_mem>>, %arg18: memref<!tpu.dma_semaphore, #tpu.memory_space<semaphore_mem>>, %arg19: memref<!tpu.dma_semaphore, #tpu.memory_space<semaphore_mem>>) attributes {dimension_semantics = [#tpu.dimension_semantics<core_parallel>, #tpu.dimension_semantics<subcore_parallel>], iteration_bounds = array<i64: 2, 16>, scalar_prefetch = 0 : i64, scratch_operands = 14 : i64, tpu.core_type = #tpu.core_type<sc_vector_subcore>, window_params = [{transform_indices = #map}, {transform_indices = #map1}, {transform_indices = #map2}, {transform_indices = #map2}]} {
    %mul3A = arith.constant 16 : i32
    %mul3A_0 = arith.muli %arg0, %mul3A : i32
    %add3A = arith.addi %mul3A_0, %arg1 : i32
    %broadcast_in_dim3A = arith.constant 0.000000e+00 : f32
    %broadcast_in_dim3A_1 = vector.broadcast %broadcast_in_dim3A : f32 to vector<16xf32>
    %scan3A = arith.constant 0 : i32
    %scan3A_2 = arith.constant 0 : i32
    %scan3A_3 = arith.constant 80 : i32
    %scan3A_4 = arith.addi %scan3A_2, %scan3A_3 : i32
    %scan3A_5 = arith.constant 1 : i32
    %scan3A_6 = scf.for %scan3A_73 = %scan3A_2 to %scan3A_4 step %scan3A_5 iter_args(%scan3A_74 = %scan3A) -> (i32)  : i32 {
      %scan3A_75 = arith.constant 0 : i32
      %scan3A_76 = arith.constant 0 : i32
      %scan3A_77 = arith.constant 8 : i32
      %scan3A_78 = arith.addi %scan3A_76, %scan3A_77 : i32
      %scan3A_79 = arith.constant 1 : i32
      %scan3A_80 = scf.for %scan3A_83 = %scan3A_76 to %scan3A_78 step %scan3A_79 iter_args(%scan3A_84 = %scan3A_75) -> (i32)  : i32 {
        %mul3A_85 = arith.constant 16 : i32
        %mul3A_86 = arith.muli %scan3A_83, %mul3A_85 : i32
        %swap3A = arith.index_cast %scan3A_73 : i32 to index
        %swap3A_87 = arith.index_cast %mul3A_86 : i32 to index
        %swap3A_88 = tpu.vector_load %arg11[%swap3A, %swap3A_87] {strides = array<i32>} : memref<80x128xf32, #tpu.memory_space<vmem>>, vector<1x16xf32>,
        %swap3A_89 = vector.shape_cast %swap3A_88 : vector<1x16xf32> to vector<16xf32>
        %swap3A_90 = vector.shape_cast %broadcast_in_dim3A_1 : vector<16xf32> to vector<1x16xf32>
        tpu.vector_store %arg11[%swap3A, %swap3A_87], %swap3A_90 {strides = array<i32>} : memref<80x128xf32, #tpu.memory_space<vmem>>, vector<1x16xf32>,
        %scan3A_91 = arith.constant 0 : i32
        scf.yield %scan3A_91 : i32
      }
      %scan3A_81 = arith.constant 8 : i32
      %scan3A_82 = arith.constant 0 : i32
      scf.yield %scan3A_82 : i32
    }
    %scan3A_7 = arith.constant 80 : i32
    %scan3A_8 = arith.constant 0 : i32
    %scan3A_9 = arith.constant 0 : i32
    %scan3A_10 = arith.constant 8 : i32
    %scan3A_11 = arith.addi %scan3A_9, %scan3A_10 : i32
    %scan3A_12 = arith.constant 1 : i32
    %scan3A_13 = scf.for %scan3A_73 = %scan3A_9 to %scan3A_11 step %scan3A_12 iter_args(%scan3A_74 = %scan3A_8) -> (i32)  : i32 {
      %mul3A_75 = arith.constant 16 : i32
      %mul3A_76 = arith.muli %scan3A_73, %mul3A_75 : i32
      %add3A_77 = arith.addi %mul3A_76, %arg1 : i32
      %lt3A = arith.constant 125 : i32
      %lt3A_78 = arith.cmpi slt, %add3A_77, %lt3A : i32
      %convert_element_type3A = arith.extui %lt3A_78 : i1 to i32
      %cond3A = arith.constant 0 : i32
      %cond3A_79 = arith.cmpi ne, %convert_element_type3A, %cond3A : i32
      scf.if %cond3A_79 {
        %mul3A_81 = arith.constant 80 : i32
        %mul3A_82 = arith.muli %add3A_77, %mul3A_81 : i32
        "tpu.region"() ({
          %run_scoped3A = tpu.sem_alloc : memref<!tpu.dma_semaphore, #tpu.memory_space<semaphore_mem>>
          %dma_start3A_83 = arith.constant 0 : i32
          %dma_start3A_84 = arith.constant 0 : i32
          %dma_start3A_85 = tpu.memref_slice %arg11[%dma_start3A_83, %dma_start3A_84] : memref<80x128xf32, #tpu.memory_space<vmem>> -> memref<80x128xf32, #tpu.memory_space<vmem>>
          %dma_start3A_86 = arith.constant 0 : i32
          %dma_start3A_87 = tpu.memref_slice %arg6[%mul3A_82, %dma_start3A_86] : memref<10000x128xf32, #tpu.memory_space<vmem_shared>> -> memref<80x128xf32, #tpu.memory_space<vmem_shared>>
          %dma_start3A_88 = arith.constant 0 : i32
          %dma_start3A_89 = tpu.memref_slice %arg6[%mul3A_82, %dma_start3A_88] : memref<10000x128xf32, #tpu.memory_space<vmem_shared>> -> memref<80x128xf32, #tpu.memory_space<vmem_shared>>
          %dma_start3A_90 = arith.constant 0 : i32
          %dma_start3A_91 = arith.constant 0 : i32
          %dma_start3A_92 = tpu.memref_slice %arg11[%dma_start3A_90, %dma_start3A_91] : memref<80x128xf32, #tpu.memory_space<vmem>> -> memref<80x128xf32, #tpu.memory_space<vmem>>
          tpu.enqueue_dma source(%dma_start3A_92 : memref<80x128xf32, #tpu.memory_space<vmem>>) target(%dma_start3A_89 : memref<80x128xf32, #tpu.memory_space<vmem_shared>>) target_semaphore(%run_scoped3A : memref<!tpu.dma_semaphore, #tpu.memory_space<semaphore_mem>>)
          %dma_wait3A = arith.constant 0 : i32
          %dma_wait3A_93 = arith.constant 0 : i32
          %dma_wait3A_94 = tpu.memref_slice %arg11[%dma_wait3A, %dma_wait3A_93] : memref<80x128xf32, #tpu.memory_space<vmem>> -> memref<80x128xf32, #tpu.memory_space<vmem>>
          %dma_wait3A_95 = arith.constant 0 : i32
          %dma_wait3A_96 = tpu.memref_slice %arg6[%mul3A_82, %dma_wait3A_95] : memref<10000x128xf32, #tpu.memory_space<vmem_shared>> -> memref<80x128xf32, #tpu.memory_space<vmem_shared>>
          %dma_wait3A_97 = arith.constant 0 : i32
          %dma_wait3A_98 = tpu.memref_slice %arg6[%mul3A_82, %dma_wait3A_97] : memref<10000x128xf32, #tpu.memory_space<vmem_shared>> -> memref<80x128xf32, #tpu.memory_space<vmem_shared>>
          %dma_wait3A_99 = arith.constant 0 : i32
          %dma_wait3A_100 = arith.constant 0 : i32
          %dma_wait3A_101 = tpu.memref_slice %arg11[%dma_wait3A_99, %dma_wait3A_100] : memref<80x128xf32, #tpu.memory_space<vmem>> -> memref<80x128xf32, #tpu.memory_space<vmem>>
          tpu.wait_dma2 semaphore(%run_scoped3A : memref<!tpu.dma_semaphore, #tpu.memory_space<semaphore_mem>>) src(%dma_wait3A_101 : memref<80x128xf32, #tpu.memory_space<vmem>>) dst(%dma_wait3A_98 : memref<80x128xf32, #tpu.memory_space<vmem_shared>>)
          tpu.yield
        }) : () -> ()
      } else {
      }
      %scan3A_80 = arith.constant 0 : i32
      scf.yield %scan3A_80 : i32
    }
    %scan3A_14 = arith.constant 8 : i32
    %barrier3A = arith.constant 0 : index
    tpu.barrier barrier_id(%barrier3A)
    %mul3A_15 = arith.constant 10000 : i32
    %mul3A_16 = arith.muli %add3A, %mul3A_15 : i32
    "tpu.region"() ({
      %run_scoped3A = tpu.sem_alloc : memref<!tpu.dma_semaphore, #tpu.memory_space<semaphore_mem>>
      %dma_start3A_73 = tpu.memref_slice %arg3[%mul3A_16] : memref<320000xi32, #tpu.memory_space<hbm>> -> memref<10000xi32, #tpu.memory_space<hbm>>
      %dma_start3A_74 = tpu.memref_slice %arg3[%mul3A_16] : memref<320000xi32, #tpu.memory_space<hbm>> -> memref<10000xi32, #tpu.memory_space<hbm>>
      tpu.enqueue_dma source(%dma_start3A_74 : memref<10000xi32, #tpu.memory_space<hbm>>) target(%arg7 : memref<10000xi32, #tpu.memory_space<vmem>>) target_semaphore(%run_scoped3A : memref<!tpu.dma_semaphore, #tpu.memory_space<semaphore_mem>>)
      %dma_wait3A = tpu.memref_slice %arg3[%mul3A_16] : memref<320000xi32, #tpu.memory_space<hbm>> -> memref<10000xi32, #tpu.memory_space<hbm>>
      %dma_wait3A_75 = tpu.memref_slice %arg3[%mul3A_16] : memref<320000xi32, #tpu.memory_space<hbm>> -> memref<10000xi32, #tpu.memory_space<hbm>>
      tpu.wait_dma2 semaphore(%run_scoped3A : memref<!tpu.dma_semaphore, #tpu.memory_space<semaphore_mem>>) src(%dma_wait3A_75 : memref<10000xi32, #tpu.memory_space<hbm>>) dst(%arg7 : memref<10000xi32, #tpu.memory_space<vmem>>)
      tpu.yield
    }) : () -> ()
    %mul3A_17 = arith.constant 125 : i32
    %mul3A_18 = arith.muli %add3A, %mul3A_17 : i32
    %dma_start3A = arith.constant 0 : i32
    %dma_start3A_19 = tpu.memref_slice %arg7[%dma_start3A] : memref<10000xi32, #tpu.memory_space<vmem>> -> memref<80xi32, #tpu.memory_space<vmem>>
    %dma_start3A_20 = arith.constant 0 : i32
    %dma_start3A_21 = arith.constant 0 : i32
    %dma_start3A_22 = tpu.memref_slice %arg2[%dma_start3A_20, %dma_start3A_21] : memref<10000x128xf32, #tpu.memory_space<hbm>> -> memref<10000x128xf32, #tpu.memory_space<hbm>>
    tpu.enqueue_indirect_dma source(%dma_start3A_22 : memref<10000x128xf32, #tpu.memory_space<hbm>>) target(%arg11 : memref<80x128xf32, #tpu.memory_space<vmem>>) offsets(%dma_start3A_19 : memref<80xi32, #tpu.memory_space<vmem>>) semaphore(%arg14 : memref<!tpu.dma_semaphore, #tpu.memory_space<semaphore_mem>>)
    %dma_start3A_23 = arith.constant 80 : i32
    %dma_start3A_24 = tpu.memref_slice %arg7[%dma_start3A_23] : memref<10000xi32, #tpu.memory_space<vmem>> -> memref<80xi32, #tpu.memory_space<vmem>>
    %dma_start3A_25 = arith.constant 0 : i32
    %dma_start3A_26 = arith.constant 0 : i32
    %dma_start3A_27 = tpu.memref_slice %arg2[%dma_start3A_25, %dma_start3A_26] : memref<10000x128xf32, #tpu.memory_space<hbm>> -> memref<10000x128xf32, #tpu.memory_space<hbm>>
    tpu.enqueue_indirect_dma source(%dma_start3A_27 : memref<10000x128xf32, #tpu.memory_space<hbm>>) target(%arg12 : memref<80x128xf32, #tpu.memory_space<vmem>>) offsets(%dma_start3A_24 : memref<80xi32, #tpu.memory_space<vmem>>) semaphore(%arg15 : memref<!tpu.dma_semaphore, #tpu.memory_space<semaphore_mem>>)
    %add3A_28 = arith.constant 0 : i32
    %add3A_29 = arith.addi %mul3A_18, %add3A_28 : i32
    %dma_start3A_30 = arith.constant 0 : i32
    %dma_start3A_31 = arith.constant 0 : i32
    %dma_start3A_32 = tpu.memref_slice %arg4[%add3A_29, %dma_start3A_30, %dma_start3A_31] : memref<4000x1x80xi32, #tpu.memory_space<hbm>> -> memref<1x1x80xi32, #tpu.memory_space<hbm>>
    %dma_start3A_33 = tpu.memref_squeeze %dma_start3A_32 : memref<1x1x80xi32, #tpu.memory_space<hbm>> -> memref<1x80xi32, #tpu.memory_space<hbm>>
    %dma_start3A_34 = arith.constant 0 : i32
    %dma_start3A_35 = arith.constant 0 : i32
    %dma_start3A_36 = tpu.memref_slice %arg4[%add3A_29, %dma_start3A_34, %dma_start3A_35] : memref<4000x1x80xi32, #tpu.memory_space<hbm>> -> memref<1x1x80xi32, #tpu.memory_space<hbm>>
    %dma_start3A_37 = tpu.memref_squeeze %dma_start3A_36 : memref<1x1x80xi32, #tpu.memory_space<hbm>> -> memref<1x80xi32, #tpu.memory_space<hbm>>
    tpu.enqueue_dma source(%dma_start3A_37 : memref<1x80xi32, #tpu.memory_space<hbm>>) target(%arg8 : memref<1x80xi32, #tpu.memory_space<vmem>>) target_semaphore(%arg17 : memref<!tpu.dma_semaphore, #tpu.memory_space<semaphore_mem>>)
    %add3A_38 = arith.constant 1 : i32
    %add3A_39 = arith.addi %mul3A_18, %add3A_38 : i32
    %dma_start3A_40 = arith.constant 0 : i32
    %dma_start3A_41 = arith.constant 0 : i32
    %dma_start3A_42 = tpu.memref_slice %arg4[%add3A_39, %dma_start3A_40, %dma_start3A_41] : memref<4000x1x80xi32, #tpu.memory_space<hbm>> -> memref<1x1x80xi32, #tpu.memory_space<hbm>>
    %dma_start3A_43 = tpu.memref_squeeze %dma_start3A_42 : memref<1x1x80xi32, #tpu.memory_space<hbm>> -> memref<1x80xi32, #tpu.memory_space<hbm>>
    %dma_start3A_44 = arith.constant 0 : i32
    %dma_start3A_45 = arith.constant 0 : i32
    %dma_start3A_46 = tpu.memref_slice %arg4[%add3A_39, %dma_start3A_44, %dma_start3A_45] : memref<4000x1x80xi32, #tpu.memory_space<hbm>> -> memref<1x1x80xi32, #tpu.memory_space<hbm>>
    %dma_start3A_47 = tpu.memref_squeeze %dma_start3A_46 : memref<1x1x80xi32, #tpu.memory_space<hbm>> -> memref<1x80xi32, #tpu.memory_space<hbm>>
    tpu.enqueue_dma source(%dma_start3A_47 : memref<1x80xi32, #tpu.memory_space<hbm>>) target(%arg9 : memref<1x80xi32, #tpu.memory_space<vmem>>) target_semaphore(%arg18 : memref<!tpu.dma_semaphore, #tpu.memory_space<semaphore_mem>>)
    %add3A_48 = arith.constant 2 : i32
    %add3A_49 = arith.addi %mul3A_18, %add3A_48 : i32
    %dma_start3A_50 = arith.constant 0 : i32
    %dma_start3A_51 = arith.constant 0 : i32
    %dma_start3A_52 = tpu.memref_slice %arg4[%add3A_49, %dma_start3A_50, %dma_start3A_51] : memref<4000x1x80xi32, #tpu.memory_space<hbm>> -> memref<1x1x80xi32, #tpu.memory_space<hbm>>
    %dma_start3A_53 = tpu.memref_squeeze %dma_start3A_52 : memref<1x1x80xi32, #tpu.memory_space<hbm>> -> memref<1x80xi32, #tpu.memory_space<hbm>>
    %dma_start3A_54 = arith.constant 0 : i32
    %dma_start3A_55 = arith.constant 0 : i32
    %dma_start3A_56 = tpu.memref_slice %arg4[%add3A_49, %dma_start3A_54, %dma_start3A_55] : memref<4000x1x80xi32, #tpu.memory_space<hbm>> -> memref<1x1x80xi32, #tpu.memory_space<hbm>>
    %dma_start3A_57 = tpu.memref_squeeze %dma_start3A_56 : memref<1x1x80xi32, #tpu.memory_space<hbm>> -> memref<1x80xi32, #tpu.memory_space<hbm>>
    tpu.enqueue_dma source(%dma_start3A_57 : memref<1x80xi32, #tpu.memory_space<hbm>>) target(%arg10 : memref<1x80xi32, #tpu.memory_space<vmem>>) target_semaphore(%arg19 : memref<!tpu.dma_semaphore, #tpu.memory_space<semaphore_mem>>)
    %scan3A_58 = arith.constant 0 : i32
    %scan3A_59 = arith.constant 0 : i32
    %scan3A_60 = arith.constant 42 : i32
    %scan3A_61 = arith.addi %scan3A_59, %scan3A_60 : i32
    %scan3A_62 = arith.constant 1 : i32
    %scan3A_63 = scf.for %scan3A_73 = %scan3A_59 to %scan3A_61 step %scan3A_62 iter_args(%scan3A_74 = %scan3A_58) -> (i32)  : i32 {
      %mul3A_75 = arith.constant 3 : i32
      %mul3A_76 = arith.muli %mul3A_75, %scan3A_73 : i32
      %add3A_77 = arith.constant 0 : i32
      %add3A_78 = arith.addi %mul3A_76, %add3A_77 : i32
      %lt3A = arith.constant 125 : i32
      %lt3A_79 = arith.cmpi slt, %add3A_78, %lt3A : i32
      %convert_element_type3A = arith.extui %lt3A_79 : i1 to i32
      %cond3A = arith.constant 0 : i32
      %cond3A_80 = arith.cmpi ne, %convert_element_type3A, %cond3A : i32
      scf.if %cond3A_80 {
        %mul3A_100 = arith.constant 80 : i32
        %mul3A_101 = arith.muli %add3A_78, %mul3A_100 : i32
        %dma_wait3A = tpu.memref_slice %arg7[%mul3A_101] : memref<10000xi32, #tpu.memory_space<vmem>> -> memref<80xi32, #tpu.memory_space<vmem>>
        %dma_wait3A_102 = arith.constant 0 : i32
        %dma_wait3A_103 = arith.constant 0 : i32
        %dma_wait3A_104 = tpu.memref_slice %arg2[%dma_wait3A_102, %dma_wait3A_103] : memref<10000x128xf32, #tpu.memory_space<hbm>> -> memref<10000x128xf32, #tpu.memory_space<hbm>>
        tpu.wait_indirect_dma semaphore(%arg14 : memref<!tpu.dma_semaphore, #tpu.memory_space<semaphore_mem>>) src(%dma_wait3A_104 : memref<10000x128xf32, #tpu.memory_space<hbm>>) dst(%arg11 : memref<80x128xf32, #tpu.memory_space<vmem>>)
        %add3A_105 = arith.constant 2 : i32
        %add3A_106 = arith.addi %add3A_78, %add3A_105 : i32
        %lt3A_107 = arith.constant 125 : i32
        %lt3A_108 = arith.cmpi slt, %add3A_106, %lt3A_107 : i32
        %convert_element_type3A_109 = arith.extui %lt3A_108 : i1 to i32
        %cond3A_110 = arith.constant 0 : i32
        %cond3A_111 = arith.cmpi ne, %convert_element_type3A_109, %cond3A_110 : i32
        scf.if %cond3A_111 {
          %add3A_128 = arith.constant 2 : i32
          %add3A_129 = arith.addi %add3A_78, %add3A_128 : i32
          %mul3A_130 = arith.constant 80 : i32
          %mul3A_131 = arith.muli %add3A_129, %mul3A_130 : i32
          %dma_start3A_132 = tpu.memref_slice %arg7[%mul3A_131] : memref<10000xi32, #tpu.memory_space<vmem>> -> memref<80xi32, #tpu.memory_space<vmem>>
          %dma_start3A_133 = arith.constant 0 : i32
          %dma_start3A_134 = arith.constant 0 : i32
          %dma_start3A_135 = tpu.memref_slice %arg2[%dma_start3A_133, %dma_start3A_134] : memref<10000x128xf32, #tpu.memory_space<hbm>> -> memref<10000x128xf32, #tpu.memory_space<hbm>>
          tpu.enqueue_indirect_dma source(%dma_start3A_135 : memref<10000x128xf32, #tpu.memory_space<hbm>>) target(%arg13 : memref<80x128xf32, #tpu.memory_space<vmem>>) offsets(%dma_start3A_132 : memref<80xi32, #tpu.memory_space<vmem>>) semaphore(%arg16 : memref<!tpu.dma_semaphore, #tpu.memory_space<semaphore_mem>>)
        } else {
        }
        %add3A_112 = arith.addi %mul3A_18, %add3A_78 : i32
        %dma_wait3A_113 = arith.constant 0 : i32
        %dma_wait3A_114 = arith.constant 0 : i32
        %dma_wait3A_115 = tpu.memref_slice %arg4[%add3A_112, %dma_wait3A_113, %dma_wait3A_114] : memref<4000x1x80xi32, #tpu.memory_space<hbm>> -> memref<1x1x80xi32, #tpu.memory_space<hbm>>
        %dma_wait3A_116 = tpu.memref_squeeze %dma_wait3A_115 : memref<1x1x80xi32, #tpu.memory_space<hbm>> -> memref<1x80xi32, #tpu.memory_space<hbm>>
        %dma_wait3A_117 = arith.constant 0 : i32
        %dma_wait3A_118 = arith.constant 0 : i32
        %dma_wait3A_119 = tpu.memref_slice %arg4[%add3A_112, %dma_wait3A_117, %dma_wait3A_118] : memref<4000x1x80xi32, #tpu.memory_space<hbm>> -> memref<1x1x80xi32, #tpu.memory_space<hbm>>
        %dma_wait3A_120 = tpu.memref_squeeze %dma_wait3A_119 : memref<1x1x80xi32, #tpu.memory_space<hbm>> -> memref<1x80xi32, #tpu.memory_space<hbm>>
        tpu.wait_dma2 semaphore(%arg17 : memref<!tpu.dma_semaphore, #tpu.memory_space<semaphore_mem>>) src(%dma_wait3A_120 : memref<1x80xi32, #tpu.memory_space<hbm>>) dst(%arg8 : memref<1x80xi32, #tpu.memory_space<vmem>>)
        %run_scoped3A = arith.constant 0 : i32
        "tpu.region"() ({
          %run_scoped3A_128 = tpu.sem_alloc : memref<!tpu.dma_semaphore, #tpu.memory_space<semaphore_mem>>
          %dma_start3A_129 = arith.constant 0 : i32
          %dma_start3A_130 = tpu.memref_slice %arg8[%run_scoped3A, %dma_start3A_129] : memref<1x80xi32, #tpu.memory_space<vmem>> -> memref<1x80xi32, #tpu.memory_space<vmem>>
          %dma_start3A_131 = tpu.memref_squeeze %dma_start3A_130 : memref<1x80xi32, #tpu.memory_space<vmem>> -> memref<80xi32, #tpu.memory_space<vmem>>
          %dma_start3A_132 = arith.constant 0 : i32
          %dma_start3A_133 = arith.constant 0 : i32
          %dma_start3A_134 = tpu.memref_slice %arg6[%dma_start3A_132, %dma_start3A_133] : memref<10000x128xf32, #tpu.memory_space<vmem_shared>> -> memref<10000x128xf32, #tpu.memory_space<vmem_shared>>
          tpu.enqueue_indirect_dma source(%arg11 : memref<80x128xf32, #tpu.memory_space<vmem>>) target(%dma_start3A_134 : memref<10000x128xf32, #tpu.memory_space<vmem_shared>>) offsets(%dma_start3A_131 : memref<80xi32, #tpu.memory_space<vmem>>) semaphore(%run_scoped3A_128 : memref<!tpu.dma_semaphore, #tpu.memory_space<semaphore_mem>>) {add = true}
          %dma_wait3A_135 = arith.constant 0 : i32
          %dma_wait3A_136 = tpu.memref_slice %arg8[%run_scoped3A, %dma_wait3A_135] : memref<1x80xi32, #tpu.memory_space<vmem>> -> memref<1x80xi32, #tpu.memory_space<vmem>>
          %dma_wait3A_137 = tpu.memref_squeeze %dma_wait3A_136 : memref<1x80xi32, #tpu.memory_space<vmem>> -> memref<80xi32, #tpu.memory_space<vmem>>
          %dma_wait3A_138 = arith.constant 0 : i32
          %dma_wait3A_139 = arith.constant 0 : i32
          %dma_wait3A_140 = tpu.memref_slice %arg6[%dma_wait3A_138, %dma_wait3A_139] : memref<10000x128xf32, #tpu.memory_space<vmem_shared>> -> memref<10000x128xf32, #tpu.memory_space<vmem_shared>>
          tpu.wait_indirect_dma semaphore(%run_scoped3A_128 : memref<!tpu.dma_semaphore, #tpu.memory_space<semaphore_mem>>) src(%arg11 : memref<80x128xf32, #tpu.memory_space<vmem>>) dst(%dma_wait3A_140 : memref<10000x128xf32, #tpu.memory_space<vmem_shared>>)
          tpu.yield
        }) : () -> ()
        %add3A_121 = arith.constant 3 : i32
        %add3A_122 = arith.addi %add3A_78, %add3A_121 : i32
        %lt3A_123 = arith.constant 125 : i32
        %lt3A_124 = arith.cmpi slt, %add3A_122, %lt3A_123 : i32
        %convert_element_type3A_125 = arith.extui %lt3A_124 : i1 to i32
        %cond3A_126 = arith.constant 0 : i32
        %cond3A_127 = arith.cmpi ne, %convert_element_type3A_125, %cond3A_126 : i32
        scf.if %cond3A_127 {
          %add3A_128 = arith.addi %mul3A_18, %add3A_78 : i32
          %add3A_129 = arith.constant 3 : i32
          %add3A_130 = arith.addi %add3A_128, %add3A_129 : i32
          %dma_start3A_131 = arith.constant 0 : i32
          %dma_start3A_132 = arith.constant 0 : i32
          %dma_start3A_133 = tpu.memref_slice %arg4[%add3A_130, %dma_start3A_131, %dma_start3A_132] : memref<4000x1x80xi32, #tpu.memory_space<hbm>> -> memref<1x1x80xi32, #tpu.memory_space<hbm>>
          %dma_start3A_134 = tpu.memref_squeeze %dma_start3A_133 : memref<1x1x80xi32, #tpu.memory_space<hbm>> -> memref<1x80xi32, #tpu.memory_space<hbm>>
          %dma_start3A_135 = arith.constant 0 : i32
          %dma_start3A_136 = arith.constant 0 : i32
          %dma_start3A_137 = tpu.memref_slice %arg4[%add3A_130, %dma_start3A_135, %dma_start3A_136] : memref<4000x1x80xi32, #tpu.memory_space<hbm>> -> memref<1x1x80xi32, #tpu.memory_space<hbm>>
          %dma_start3A_138 = tpu.memref_squeeze %dma_start3A_137 : memref<1x1x80xi32, #tpu.memory_space<hbm>> -> memref<1x80xi32, #tpu.memory_space<hbm>>
          tpu.enqueue_dma source(%dma_start3A_138 : memref<1x80xi32, #tpu.memory_space<hbm>>) target(%arg8 : memref<1x80xi32, #tpu.memory_space<vmem>>) target_semaphore(%arg17 : memref<!tpu.dma_semaphore, #tpu.memory_space<semaphore_mem>>)
        } else {
        }
      } else {
      }
      %mul3A_81 = arith.constant 3 : i32
      %mul3A_82 = arith.muli %mul3A_81, %scan3A_73 : i32
      %add3A_83 = arith.constant 1 : i32
      %add3A_84 = arith.addi %mul3A_82, %add3A_83 : i32
      %lt3A_85 = arith.constant 125 : i32
      %lt3A_86 = arith.cmpi slt, %add3A_84, %lt3A_85 : i32
      %convert_element_type3A_87 = arith.extui %lt3A_86 : i1 to i32
      %cond3A_88 = arith.constant 0 : i32
      %cond3A_89 = arith.cmpi ne, %convert_element_type3A_87, %cond3A_88 : i32
      scf.if %cond3A_89 {
        %mul3A_100 = arith.constant 80 : i32
        %mul3A_101 = arith.muli %add3A_84, %mul3A_100 : i32
        %dma_wait3A = tpu.memref_slice %arg7[%mul3A_101] : memref<10000xi32, #tpu.memory_space<vmem>> -> memref<80xi32, #tpu.memory_space<vmem>>
        %dma_wait3A_102 = arith.constant 0 : i32
        %dma_wait3A_103 = arith.constant 0 : i32
        %dma_wait3A_104 = tpu.memref_slice %arg2[%dma_wait3A_102, %dma_wait3A_103] : memref<10000x128xf32, #tpu.memory_space<hbm>> -> memref<10000x128xf32, #tpu.memory_space<hbm>>
        tpu.wait_indirect_dma semaphore(%arg15 : memref<!tpu.dma_semaphore, #tpu.memory_space<semaphore_mem>>) src(%dma_wait3A_104 : memref<10000x128xf32, #tpu.memory_space<hbm>>) dst(%arg12 : memref<80x128xf32, #tpu.memory_space<vmem>>)
        %add3A_105 = arith.constant 2 : i32
        %add3A_106 = arith.addi %add3A_84, %add3A_105 : i32
        %lt3A_107 = arith.constant 125 : i32
        %lt3A_108 = arith.cmpi slt, %add3A_106, %lt3A_107 : i32
        %convert_element_type3A_109 = arith.extui %lt3A_108 : i1 to i32
        %cond3A_110 = arith.constant 0 : i32
        %cond3A_111 = arith.cmpi ne, %convert_element_type3A_109, %cond3A_110 : i32
        scf.if %cond3A_111 {
          %add3A_128 = arith.constant 2 : i32
          %add3A_129 = arith.addi %add3A_84, %add3A_128 : i32
          %mul3A_130 = arith.constant 80 : i32
          %mul3A_131 = arith.muli %add3A_129, %mul3A_130 : i32
          %dma_start3A_132 = tpu.memref_slice %arg7[%mul3A_131] : memref<10000xi32, #tpu.memory_space<vmem>> -> memref<80xi32, #tpu.memory_space<vmem>>
          %dma_start3A_133 = arith.constant 0 : i32
          %dma_start3A_134 = arith.constant 0 : i32
          %dma_start3A_135 = tpu.memref_slice %arg2[%dma_start3A_133, %dma_start3A_134] : memref<10000x128xf32, #tpu.memory_space<hbm>> -> memref<10000x128xf32, #tpu.memory_space<hbm>>
          tpu.enqueue_indirect_dma source(%dma_start3A_135 : memref<10000x128xf32, #tpu.memory_space<hbm>>) target(%arg11 : memref<80x128xf32, #tpu.memory_space<vmem>>) offsets(%dma_start3A_132 : memref<80xi32, #tpu.memory_space<vmem>>) semaphore(%arg14 : memref<!tpu.dma_semaphore, #tpu.memory_space<semaphore_mem>>)
        } else {
        }
        %add3A_112 = arith.addi %mul3A_18, %add3A_84 : i32
        %dma_wait3A_113 = arith.constant 0 : i32
        %dma_wait3A_114 = arith.constant 0 : i32
        %dma_wait3A_115 = tpu.memref_slice %arg4[%add3A_112, %dma_wait3A_113, %dma_wait3A_114] : memref<4000x1x80xi32, #tpu.memory_space<hbm>> -> memref<1x1x80xi32, #tpu.memory_space<hbm>>
        %dma_wait3A_116 = tpu.memref_squeeze %dma_wait3A_115 : memref<1x1x80xi32, #tpu.memory_space<hbm>> -> memref<1x80xi32, #tpu.memory_space<hbm>>
        %dma_wait3A_117 = arith.constant 0 : i32
        %dma_wait3A_118 = arith.constant 0 : i32
        %dma_wait3A_119 = tpu.memref_slice %arg4[%add3A_112, %dma_wait3A_117, %dma_wait3A_118] : memref<4000x1x80xi32, #tpu.memory_space<hbm>> -> memref<1x1x80xi32, #tpu.memory_space<hbm>>
        %dma_wait3A_120 = tpu.memref_squeeze %dma_wait3A_119 : memref<1x1x80xi32, #tpu.memory_space<hbm>> -> memref<1x80xi32, #tpu.memory_space<hbm>>
        tpu.wait_dma2 semaphore(%arg18 : memref<!tpu.dma_semaphore, #tpu.memory_space<semaphore_mem>>) src(%dma_wait3A_120 : memref<1x80xi32, #tpu.memory_space<hbm>>) dst(%arg9 : memref<1x80xi32, #tpu.memory_space<vmem>>)
        %run_scoped3A = arith.constant 0 : i32
        "tpu.region"() ({
          %run_scoped3A_128 = tpu.sem_alloc : memref<!tpu.dma_semaphore, #tpu.memory_space<semaphore_mem>>
          %dma_start3A_129 = arith.constant 0 : i32
          %dma_start3A_130 = tpu.memref_slice %arg9[%run_scoped3A, %dma_start3A_129] : memref<1x80xi32, #tpu.memory_space<vmem>> -> memref<1x80xi32, #tpu.memory_space<vmem>>
          %dma_start3A_131 = tpu.memref_squeeze %dma_start3A_130 : memref<1x80xi32, #tpu.memory_space<vmem>> -> memref<80xi32, #tpu.memory_space<vmem>>
          %dma_start3A_132 = arith.constant 0 : i32
          %dma_start3A_133 = arith.constant 0 : i32
          %dma_start3A_134 = tpu.memref_slice %arg6[%dma_start3A_132, %dma_start3A_133] : memref<10000x128xf32, #tpu.memory_space<vmem_shared>> -> memref<10000x128xf32, #tpu.memory_space<vmem_shared>>
          tpu.enqueue_indirect_dma source(%arg12 : memref<80x128xf32, #tpu.memory_space<vmem>>) target(%dma_start3A_134 : memref<10000x128xf32, #tpu.memory_space<vmem_shared>>) offsets(%dma_start3A_131 : memref<80xi32, #tpu.memory_space<vmem>>) semaphore(%run_scoped3A_128 : memref<!tpu.dma_semaphore, #tpu.memory_space<semaphore_mem>>) {add = true}
          %dma_wait3A_135 = arith.constant 0 : i32
          %dma_wait3A_136 = tpu.memref_slice %arg9[%run_scoped3A, %dma_wait3A_135] : memref<1x80xi32, #tpu.memory_space<vmem>> -> memref<1x80xi32, #tpu.memory_space<vmem>>
          %dma_wait3A_137 = tpu.memref_squeeze %dma_wait3A_136 : memref<1x80xi32, #tpu.memory_space<vmem>> -> memref<80xi32, #tpu.memory_space<vmem>>
          %dma_wait3A_138 = arith.constant 0 : i32
          %dma_wait3A_139 = arith.constant 0 : i32
          %dma_wait3A_140 = tpu.memref_slice %arg6[%dma_wait3A_138, %dma_wait3A_139] : memref<10000x128xf32, #tpu.memory_space<vmem_shared>> -> memref<10000x128xf32, #tpu.memory_space<vmem_shared>>
          tpu.wait_indirect_dma semaphore(%run_scoped3A_128 : memref<!tpu.dma_semaphore, #tpu.memory_space<semaphore_mem>>) src(%arg12 : memref<80x128xf32, #tpu.memory_space<vmem>>) dst(%dma_wait3A_140 : memref<10000x128xf32, #tpu.memory_space<vmem_shared>>)
          tpu.yield
        }) : () -> ()
        %add3A_121 = arith.constant 3 : i32
        %add3A_122 = arith.addi %add3A_84, %add3A_121 : i32
        %lt3A_123 = arith.constant 125 : i32
        %lt3A_124 = arith.cmpi slt, %add3A_122, %lt3A_123 : i32
        %convert_element_type3A_125 = arith.extui %lt3A_124 : i1 to i32
        %cond3A_126 = arith.constant 0 : i32
        %cond3A_127 = arith.cmpi ne, %convert_element_type3A_125, %cond3A_126 : i32
        scf.if %cond3A_127 {
          %add3A_128 = arith.addi %mul3A_18, %add3A_84 : i32
          %add3A_129 = arith.constant 3 : i32
          %add3A_130 = arith.addi %add3A_128, %add3A_129 : i32
          %dma_start3A_131 = arith.constant 0 : i32
          %dma_start3A_132 = arith.constant 0 : i32
          %dma_start3A_133 = tpu.memref_slice %arg4[%add3A_130, %dma_start3A_131, %dma_start3A_132] : memref<4000x1x80xi32, #tpu.memory_space<hbm>> -> memref<1x1x80xi32, #tpu.memory_space<hbm>>
          %dma_start3A_134 = tpu.memref_squeeze %dma_start3A_133 : memref<1x1x80xi32, #tpu.memory_space<hbm>> -> memref<1x80xi32, #tpu.memory_space<hbm>>
          %dma_start3A_135 = arith.constant 0 : i32
          %dma_start3A_136 = arith.constant 0 : i32
          %dma_start3A_137 = tpu.memref_slice %arg4[%add3A_130, %dma_start3A_135, %dma_start3A_136] : memref<4000x1x80xi32, #tpu.memory_space<hbm>> -> memref<1x1x80xi32, #tpu.memory_space<hbm>>
          %dma_start3A_138 = tpu.memref_squeeze %dma_start3A_137 : memref<1x1x80xi32, #tpu.memory_space<hbm>> -> memref<1x80xi32, #tpu.memory_space<hbm>>
          tpu.enqueue_dma source(%dma_start3A_138 : memref<1x80xi32, #tpu.memory_space<hbm>>) target(%arg9 : memref<1x80xi32, #tpu.memory_space<vmem>>) target_semaphore(%arg18 : memref<!tpu.dma_semaphore, #tpu.memory_space<semaphore_mem>>)
        } else {
        }
      } else {
      }
      %mul3A_90 = arith.constant 3 : i32
      %mul3A_91 = arith.muli %mul3A_90, %scan3A_73 : i32
      %add3A_92 = arith.constant 2 : i32
      %add3A_93 = arith.addi %mul3A_91, %add3A_92 : i32
      %lt3A_94 = arith.constant 125 : i32
      %lt3A_95 = arith.cmpi slt, %add3A_93, %lt3A_94 : i32
      %convert_element_type3A_96 = arith.extui %lt3A_95 : i1 to i32
      %cond3A_97 = arith.constant 0 : i32
      %cond3A_98 = arith.cmpi ne, %convert_element_type3A_96, %cond3A_97 : i32
      scf.if %cond3A_98 {
        %mul3A_100 = arith.constant 80 : i32
        %mul3A_101 = arith.muli %add3A_93, %mul3A_100 : i32
        %dma_wait3A = tpu.memref_slice %arg7[%mul3A_101] : memref<10000xi32, #tpu.memory_space<vmem>> -> memref<80xi32, #tpu.memory_space<vmem>>
        %dma_wait3A_102 = arith.constant 0 : i32
        %dma_wait3A_103 = arith.constant 0 : i32
        %dma_wait3A_104 = tpu.memref_slice %arg2[%dma_wait3A_102, %dma_wait3A_103] : memref<10000x128xf32, #tpu.memory_space<hbm>> -> memref<10000x128xf32, #tpu.memory_space<hbm>>
        tpu.wait_indirect_dma semaphore(%arg16 : memref<!tpu.dma_semaphore, #tpu.memory_space<semaphore_mem>>) src(%dma_wait3A_104 : memref<10000x128xf32, #tpu.memory_space<hbm>>) dst(%arg13 : memref<80x128xf32, #tpu.memory_space<vmem>>)
        %add3A_105 = arith.constant 2 : i32
        %add3A_106 = arith.addi %add3A_93, %add3A_105 : i32
        %lt3A_107 = arith.constant 125 : i32
        %lt3A_108 = arith.cmpi slt, %add3A_106, %lt3A_107 : i32
        %convert_element_type3A_109 = arith.extui %lt3A_108 : i1 to i32
        %cond3A_110 = arith.constant 0 : i32
        %cond3A_111 = arith.cmpi ne, %convert_element_type3A_109, %cond3A_110 : i32
        scf.if %cond3A_111 {
          %add3A_128 = arith.constant 2 : i32
          %add3A_129 = arith.addi %add3A_93, %add3A_128 : i32
          %mul3A_130 = arith.constant 80 : i32
          %mul3A_131 = arith.muli %add3A_129, %mul3A_130 : i32
          %dma_start3A_132 = tpu.memref_slice %arg7[%mul3A_131] : memref<10000xi32, #tpu.memory_space<vmem>> -> memref<80xi32, #tpu.memory_space<vmem>>
          %dma_start3A_133 = arith.constant 0 : i32
          %dma_start3A_134 = arith.constant 0 : i32
          %dma_start3A_135 = tpu.memref_slice %arg2[%dma_start3A_133, %dma_start3A_134] : memref<10000x128xf32, #tpu.memory_space<hbm>> -> memref<10000x128xf32, #tpu.memory_space<hbm>>
          tpu.enqueue_indirect_dma source(%dma_start3A_135 : memref<10000x128xf32, #tpu.memory_space<hbm>>) target(%arg12 : memref<80x128xf32, #tpu.memory_space<vmem>>) offsets(%dma_start3A_132 : memref<80xi32, #tpu.memory_space<vmem>>) semaphore(%arg15 : memref<!tpu.dma_semaphore, #tpu.memory_space<semaphore_mem>>)
        } else {
        }
        %add3A_112 = arith.addi %mul3A_18, %add3A_93 : i32
        %dma_wait3A_113 = arith.constant 0 : i32
        %dma_wait3A_114 = arith.constant 0 : i32
        %dma_wait3A_115 = tpu.memref_slice %arg4[%add3A_112, %dma_wait3A_113, %dma_wait3A_114] : memref<4000x1x80xi32, #tpu.memory_space<hbm>> -> memref<1x1x80xi32, #tpu.memory_space<hbm>>
        %dma_wait3A_116 = tpu.memref_squeeze %dma_wait3A_115 : memref<1x1x80xi32, #tpu.memory_space<hbm>> -> memref<1x80xi32, #tpu.memory_space<hbm>>
        %dma_wait3A_117 = arith.constant 0 : i32
        %dma_wait3A_118 = arith.constant 0 : i32
        %dma_wait3A_119 = tpu.memref_slice %arg4[%add3A_112, %dma_wait3A_117, %dma_wait3A_118] : memref<4000x1x80xi32, #tpu.memory_space<hbm>> -> memref<1x1x80xi32, #tpu.memory_space<hbm>>
        %dma_wait3A_120 = tpu.memref_squeeze %dma_wait3A_119 : memref<1x1x80xi32, #tpu.memory_space<hbm>> -> memref<1x80xi32, #tpu.memory_space<hbm>>
        tpu.wait_dma2 semaphore(%arg19 : memref<!tpu.dma_semaphore, #tpu.memory_space<semaphore_mem>>) src(%dma_wait3A_120 : memref<1x80xi32, #tpu.memory_space<hbm>>) dst(%arg10 : memref<1x80xi32, #tpu.memory_space<vmem>>)
        %run_scoped3A = arith.constant 0 : i32
        "tpu.region"() ({
          %run_scoped3A_128 = tpu.sem_alloc : memref<!tpu.dma_semaphore, #tpu.memory_space<semaphore_mem>>
          %dma_start3A_129 = arith.constant 0 : i32
          %dma_start3A_130 = tpu.memref_slice %arg10[%run_scoped3A, %dma_start3A_129] : memref<1x80xi32, #tpu.memory_space<vmem>> -> memref<1x80xi32, #tpu.memory_space<vmem>>
          %dma_start3A_131 = tpu.memref_squeeze %dma_start3A_130 : memref<1x80xi32, #tpu.memory_space<vmem>> -> memref<80xi32, #tpu.memory_space<vmem>>
          %dma_start3A_132 = arith.constant 0 : i32
          %dma_start3A_133 = arith.constant 0 : i32
          %dma_start3A_134 = tpu.memref_slice %arg6[%dma_start3A_132, %dma_start3A_133] : memref<10000x128xf32, #tpu.memory_space<vmem_shared>> -> memref<10000x128xf32, #tpu.memory_space<vmem_shared>>
          tpu.enqueue_indirect_dma source(%arg13 : memref<80x128xf32, #tpu.memory_space<vmem>>) target(%dma_start3A_134 : memref<10000x128xf32, #tpu.memory_space<vmem_shared>>) offsets(%dma_start3A_131 : memref<80xi32, #tpu.memory_space<vmem>>) semaphore(%run_scoped3A_128 : memref<!tpu.dma_semaphore, #tpu.memory_space<semaphore_mem>>) {add = true}
          %dma_wait3A_135 = arith.constant 0 : i32
          %dma_wait3A_136 = tpu.memref_slice %arg10[%run_scoped3A, %dma_wait3A_135] : memref<1x80xi32, #tpu.memory_space<vmem>> -> memref<1x80xi32, #tpu.memory_space<vmem>>
          %dma_wait3A_137 = tpu.memref_squeeze %dma_wait3A_136 : memref<1x80xi32, #tpu.memory_space<vmem>> -> memref<80xi32, #tpu.memory_space<vmem>>
          %dma_wait3A_138 = arith.constant 0 : i32
          %dma_wait3A_139 = arith.constant 0 : i32
          %dma_wait3A_140 = tpu.memref_slice %arg6[%dma_wait3A_138, %dma_wait3A_139] : memref<10000x128xf32, #tpu.memory_space<vmem_shared>> -> memref<10000x128xf32, #tpu.memory_space<vmem_shared>>
          tpu.wait_indirect_dma semaphore(%run_scoped3A_128 : memref<!tpu.dma_semaphore, #tpu.memory_space<semaphore_mem>>) src(%arg13 : memref<80x128xf32, #tpu.memory_space<vmem>>) dst(%dma_wait3A_140 : memref<10000x128xf32, #tpu.memory_space<vmem_shared>>)
          tpu.yield
        }) : () -> ()
        %add3A_121 = arith.constant 3 : i32
        %add3A_122 = arith.addi %add3A_93, %add3A_121 : i32
        %lt3A_123 = arith.constant 125 : i32
        %lt3A_124 = arith.cmpi slt, %add3A_122, %lt3A_123 : i32
        %convert_element_type3A_125 = arith.extui %lt3A_124 : i1 to i32
        %cond3A_126 = arith.constant 0 : i32
        %cond3A_127 = arith.cmpi ne, %convert_element_type3A_125, %cond3A_126 : i32
        scf.if %cond3A_127 {
          %add3A_128 = arith.addi %mul3A_18, %add3A_93 : i32
          %add3A_129 = arith.constant 3 : i32
          %add3A_130 = arith.addi %add3A_128, %add3A_129 : i32
          %dma_start3A_131 = arith.constant 0 : i32
          %dma_start3A_132 = arith.constant 0 : i32
          %dma_start3A_133 = tpu.memref_slice %arg4[%add3A_130, %dma_start3A_131, %dma_start3A_132] : memref<4000x1x80xi32, #tpu.memory_space<hbm>> -> memref<1x1x80xi32, #tpu.memory_space<hbm>>
          %dma_start3A_134 = tpu.memref_squeeze %dma_start3A_133 : memref<1x1x80xi32, #tpu.memory_space<hbm>> -> memref<1x80xi32, #tpu.memory_space<hbm>>
          %dma_start3A_135 = arith.constant 0 : i32
          %dma_start3A_136 = arith.constant 0 : i32
          %dma_start3A_137 = tpu.memref_slice %arg4[%add3A_130, %dma_start3A_135, %dma_start3A_136] : memref<4000x1x80xi32, #tpu.memory_space<hbm>> -> memref<1x1x80xi32, #tpu.memory_space<hbm>>
          %dma_start3A_138 = tpu.memref_squeeze %dma_start3A_137 : memref<1x1x80xi32, #tpu.memory_space<hbm>> -> memref<1x80xi32, #tpu.memory_space<hbm>>
          tpu.enqueue_dma source(%dma_start3A_138 : memref<1x80xi32, #tpu.memory_space<hbm>>) target(%arg10 : memref<1x80xi32, #tpu.memory_space<vmem>>) target_semaphore(%arg19 : memref<!tpu.dma_semaphore, #tpu.memory_space<semaphore_mem>>)
        } else {
        }
      } else {
      }
      %scan3A_99 = arith.constant 0 : i32
      scf.yield %scan3A_99 : i32
    }
    %scan3A_64 = arith.constant 42 : i32
    %barrier3A_65 = arith.constant 0 : index
    tpu.barrier barrier_id(%barrier3A_65)
    %scan3A_66 = arith.constant 0 : i32
    %scan3A_67 = arith.constant 0 : i32
    %scan3A_68 = arith.constant 8 : i32
    %scan3A_69 = arith.addi %scan3A_67, %scan3A_68 : i32
    %scan3A_70 = arith.constant 1 : i32
    %scan3A_71 = scf.for %scan3A_73 = %scan3A_67 to %scan3A_69 step %scan3A_70 iter_args(%scan3A_74 = %scan3A_66) -> (i32)  : i32 {
      %mul3A_75 = arith.constant 16 : i32
      %mul3A_76 = arith.muli %scan3A_73, %mul3A_75 : i32
      %add3A_77 = arith.addi %mul3A_76, %arg1 : i32
      %lt3A = arith.constant 125 : i32
      %lt3A_78 = arith.cmpi slt, %add3A_77, %lt3A : i32
      %convert_element_type3A = arith.extui %lt3A_78 : i1 to i32
      %cond3A = arith.constant 0 : i32
      %cond3A_79 = arith.cmpi ne, %convert_element_type3A, %cond3A : i32
      scf.if %cond3A_79 {
        %mul3A_81 = arith.constant 80 : i32
        %mul3A_82 = arith.muli %add3A_77, %mul3A_81 : i32
        "tpu.region"() ({
          %run_scoped3A = tpu.sem_alloc : memref<!tpu.dma_semaphore, #tpu.memory_space<semaphore_mem>>
          %dma_start3A_83 = arith.constant 0 : i32
          %dma_start3A_84 = arith.constant 0 : i32
          %dma_start3A_85 = tpu.memref_slice %arg11[%dma_start3A_83, %dma_start3A_84] : memref<80x128xf32, #tpu.memory_space<vmem>> -> memref<80x128xf32, #tpu.memory_space<vmem>>
          %dma_start3A_86 = arith.constant 0 : i32
          %dma_start3A_87 = tpu.memref_slice %arg6[%mul3A_82, %dma_start3A_86] : memref<10000x128xf32, #tpu.memory_space<vmem_shared>> -> memref<80x128xf32, #tpu.memory_space<vmem_shared>>
          %dma_start3A_88 = arith.constant 0 : i32
          %dma_start3A_89 = arith.constant 0 : i32
          %dma_start3A_90 = tpu.memref_slice %arg11[%dma_start3A_88, %dma_start3A_89] : memref<80x128xf32, #tpu.memory_space<vmem>> -> memref<80x128xf32, #tpu.memory_space<vmem>>
          %dma_start3A_91 = arith.constant 0 : i32
          %dma_start3A_92 = tpu.memref_slice %arg6[%mul3A_82, %dma_start3A_91] : memref<10000x128xf32, #tpu.memory_space<vmem_shared>> -> memref<80x128xf32, #tpu.memory_space<vmem_shared>>
          tpu.enqueue_dma source(%dma_start3A_92 : memref<80x128xf32, #tpu.memory_space<vmem_shared>>) target(%dma_start3A_90 : memref<80x128xf32, #tpu.memory_space<vmem>>) target_semaphore(%run_scoped3A : memref<!tpu.dma_semaphore, #tpu.memory_space<semaphore_mem>>)
          %dma_wait3A = arith.constant 0 : i32
          %dma_wait3A_93 = arith.constant 0 : i32
          %dma_wait3A_94 = tpu.memref_slice %arg11[%dma_wait3A, %dma_wait3A_93] : memref<80x128xf32, #tpu.memory_space<vmem>> -> memref<80x128xf32, #tpu.memory_space<vmem>>
          %dma_wait3A_95 = arith.constant 0 : i32
          %dma_wait3A_96 = tpu.memref_slice %arg6[%mul3A_82, %dma_wait3A_95] : memref<10000x128xf32, #tpu.memory_space<vmem_shared>> -> memref<80x128xf32, #tpu.memory_space<vmem_shared>>
          %dma_wait3A_97 = arith.constant 0 : i32
          %dma_wait3A_98 = arith.constant 0 : i32
          %dma_wait3A_99 = tpu.memref_slice %arg11[%dma_wait3A_97, %dma_wait3A_98] : memref<80x128xf32, #tpu.memory_space<vmem>> -> memref<80x128xf32, #tpu.memory_space<vmem>>
          %dma_wait3A_100 = arith.constant 0 : i32
          %dma_wait3A_101 = tpu.memref_slice %arg6[%mul3A_82, %dma_wait3A_100] : memref<10000x128xf32, #tpu.memory_space<vmem_shared>> -> memref<80x128xf32, #tpu.memory_space<vmem_shared>>
          tpu.wait_dma2 semaphore(%run_scoped3A : memref<!tpu.dma_semaphore, #tpu.memory_space<semaphore_mem>>) src(%dma_wait3A_101 : memref<80x128xf32, #tpu.memory_space<vmem_shared>>) dst(%dma_wait3A_99 : memref<80x128xf32, #tpu.memory_space<vmem>>)
          tpu.yield
        }) : () -> ()
        "tpu.region"() ({
          %run_scoped3A = tpu.sem_alloc : memref<!tpu.dma_semaphore, #tpu.memory_space<semaphore_mem>>
          %dma_start3A_83 = arith.constant 0 : i32
          %dma_start3A_84 = arith.constant 0 : i32
          %dma_start3A_85 = tpu.memref_slice %arg11[%dma_start3A_83, %dma_start3A_84] : memref<80x128xf32, #tpu.memory_space<vmem>> -> memref<80x128xf32, #tpu.memory_space<vmem>>
          %dma_start3A_86 = arith.constant 0 : i32
          %dma_start3A_87 = tpu.memref_slice %arg5[%arg0, %mul3A_82, %dma_start3A_86] : memref<2x10000x128xf32, #tpu.memory_space<hbm>> -> memref<1x80x128xf32, #tpu.memory_space<hbm>>
          %dma_start3A_88 = tpu.memref_squeeze %dma_start3A_87 : memref<1x80x128xf32, #tpu.memory_space<hbm>> -> memref<80x128xf32, #tpu.memory_space<hbm>>
          %dma_start3A_89 = arith.constant 0 : i32
          %dma_start3A_90 = tpu.memref_slice %arg5[%arg0, %mul3A_82, %dma_start3A_89] : memref<2x10000x128xf32, #tpu.memory_space<hbm>> -> memref<1x80x128xf32, #tpu.memory_space<hbm>>
          %dma_start3A_91 = tpu.memref_squeeze %dma_start3A_90 : memref<1x80x128xf32, #tpu.memory_space<hbm>> -> memref<80x128xf32, #tpu.memory_space<hbm>>
          %dma_start3A_92 = arith.constant 0 : i32
          %dma_start3A_93 = arith.constant 0 : i32
          %dma_start3A_94 = tpu.memref_slice %arg11[%dma_start3A_92, %dma_start3A_93] : memref<80x128xf32, #tpu.memory_space<vmem>> -> memref<80x128xf32, #tpu.memory_space<vmem>>
          tpu.enqueue_dma source(%dma_start3A_94 : memref<80x128xf32, #tpu.memory_space<vmem>>) target(%dma_start3A_91 : memref<80x128xf32, #tpu.memory_space<hbm>>) target_semaphore(%run_scoped3A : memref<!tpu.dma_semaphore, #tpu.memory_space<semaphore_mem>>)
          %dma_wait3A = arith.constant 0 : i32
          %dma_wait3A_95 = arith.constant 0 : i32
          %dma_wait3A_96 = tpu.memref_slice %arg11[%dma_wait3A, %dma_wait3A_95] : memref<80x128xf32, #tpu.memory_space<vmem>> -> memref<80x128xf32, #tpu.memory_space<vmem>>
          %dma_wait3A_97 = arith.constant 0 : i32
          %dma_wait3A_98 = tpu.memref_slice %arg5[%arg0, %mul3A_82, %dma_wait3A_97] : memref<2x10000x128xf32, #tpu.memory_space<hbm>> -> memref<1x80x128xf32, #tpu.memory_space<hbm>>
          %dma_wait3A_99 = tpu.memref_squeeze %dma_wait3A_98 : memref<1x80x128xf32, #tpu.memory_space<hbm>> -> memref<80x128xf32, #tpu.memory_space<hbm>>
          %dma_wait3A_100 = arith.constant 0 : i32
          %dma_wait3A_101 = tpu.memref_slice %arg5[%arg0, %mul3A_82, %dma_wait3A_100] : memref<2x10000x128xf32, #tpu.memory_space<hbm>> -> memref<1x80x128xf32, #tpu.memory_space<hbm>>
          %dma_wait3A_102 = tpu.memref_squeeze %dma_wait3A_101 : memref<1x80x128xf32, #tpu.memory_space<hbm>> -> memref<80x128xf32, #tpu.memory_space<hbm>>
          %dma_wait3A_103 = arith.constant 0 : i32
          %dma_wait3A_104 = arith.constant 0 : i32
          %dma_wait3A_105 = tpu.memref_slice %arg11[%dma_wait3A_103, %dma_wait3A_104] : memref<80x128xf32, #tpu.memory_space<vmem>> -> memref<80x128xf32, #tpu.memory_space<vmem>>
          tpu.wait_dma2 semaphore(%run_scoped3A : memref<!tpu.dma_semaphore, #tpu.memory_space<semaphore_mem>>) src(%dma_wait3A_105 : memref<80x128xf32, #tpu.memory_space<vmem>>) dst(%dma_wait3A_102 : memref<80x128xf32, #tpu.memory_space<hbm>>)
          tpu.yield
        }) : () -> ()
      } else {
      }
      %scan3A_80 = arith.constant 0 : i32
      scf.yield %scan3A_80 : i32
    }
    %scan3A_72 = arith.constant 8 : i32
    return
  }
}

#map = affine_map<(d0, d1) -> (0, 0)>
#map1 = affine_map<(d0, d1) -> (0)>
#map2 = affine_map<(d0, d1) -> (0, 0, 0)>
module attributes {stable_mosaic.version = 14 : i64} {
  func.func @_sc_prop(%arg0: i32, %arg1: i32, %arg2: memref<10000x128xf32, #tpu.memory_space<hbm>>, %arg3: memref<320000xi32, #tpu.memory_space<hbm>>, %arg4: memref<4000x1x80xi32, #tpu.memory_space<hbm>>, %arg5: memref<2x10000x128xf32, #tpu.memory_space<hbm>>, %arg6: memref<10000x128xf32, #tpu.memory_space<vmem_shared>>, %arg7: memref<10000xi32, #tpu.memory_space<vmem>>, %arg8: memref<1x80xi32, #tpu.memory_space<vmem>>, %arg9: memref<1x80xi32, #tpu.memory_space<vmem>>, %arg10: memref<1x80xi32, #tpu.memory_space<vmem>>, %arg11: memref<80x128xf32, #tpu.memory_space<vmem>>, %arg12: memref<80x128xf32, #tpu.memory_space<vmem>>, %arg13: memref<80x128xf32, #tpu.memory_space<vmem>>, %arg14: memref<!tpu.dma_semaphore, #tpu.memory_space<semaphore_mem>>, %arg15: memref<!tpu.dma_semaphore, #tpu.memory_space<semaphore_mem>>, %arg16: memref<!tpu.dma_semaphore, #tpu.memory_space<semaphore_mem>>, %arg17: memref<!tpu.dma_semaphore, #tpu.memory_space<semaphore_mem>>, %arg18: memref<!tpu.dma_semaphore, #tpu.memory_space<semaphore_mem>>, %arg19: memref<!tpu.dma_semaphore, #tpu.memory_space<semaphore_mem>>) attributes {dimension_semantics = [#tpu.dimension_semantics<core_parallel>, #tpu.dimension_semantics<subcore_parallel>], iteration_bounds = array<i64: 2, 16>, scalar_prefetch = 0 : i64, scratch_operands = 14 : i64, tpu.core_type = #tpu.core_type<sc_vector_subcore>, window_params = [{transform_indices = #map}, {transform_indices = #map1}, {transform_indices = #map2}, {transform_indices = #map2}]} {
    %mul3A = arith.constant 16 : i32
    %mul3A_0 = arith.muli %arg0, %mul3A : i32
    %add3A = arith.addi %mul3A_0, %arg1 : i32
    %broadcast_in_dim3A = arith.constant 0.000000e+00 : f32
    %broadcast_in_dim3A_1 = vector.broadcast %broadcast_in_dim3A : f32 to vector<16xf32>
    %scan3A = arith.constant 0 : i32
    %scan3A_2 = arith.constant 0 : i32
    %scan3A_3 = arith.constant 80 : i32
    %scan3A_4 = arith.addi %scan3A_2, %scan3A_3 : i32
    %scan3A_5 = arith.constant 1 : i32
    %scan3A_6 = scf.for %scan3A_73 = %scan3A_2 to %scan3A_4 step %scan3A_5 iter_args(%scan3A_74 = %scan3A) -> (i32)  : i32 {
      %scan3A_75 = arith.constant 0 : i32
      %scan3A_76 = arith.constant 0 : i32
      %scan3A_77 = arith.constant 8 : i32
      %scan3A_78 = arith.addi %scan3A_76, %scan3A_77 : i32
      %scan3A_79 = arith.constant 1 : i32
      %scan3A_80 = scf.for %scan3A_83 = %scan3A_76 to %scan3A_78 step %scan3A_79 iter_args(%scan3A_84 = %scan3A_75) -> (i32)  : i32 {
        %mul3A_85 = arith.constant 16 : i32
        %mul3A_86 = arith.muli %scan3A_83, %mul3A_85 : i32
        %swap3A = arith.index_cast %scan3A_73 : i32 to index
        %swap3A_87 = arith.index_cast %mul3A_86 : i32 to index
        %swap3A_88 = tpu.vector_load %arg11[%swap3A, %swap3A_87] {strides = array<i32>} : memref<80x128xf32, #tpu.memory_space<vmem>>, vector<1x16xf32>,
        %swap3A_89 = vector.shape_cast %swap3A_88 : vector<1x16xf32> to vector<16xf32>
        %swap3A_90 = vector.shape_cast %broadcast_in_dim3A_1 : vector<16xf32> to vector<1x16xf32>
        tpu.vector_store %arg11[%swap3A, %swap3A_87], %swap3A_90 {strides = array<i32>} : memref<80x128xf32, #tpu.memory_space<vmem>>, vector<1x16xf32>,
        %scan3A_91 = arith.constant 0 : i32
        scf.yield %scan3A_91 : i32
      }
      %scan3A_81 = arith.constant 8 : i32
      %scan3A_82 = arith.constant 0 : i32
      scf.yield %scan3A_82 : i32
    }
    %scan3A_7 = arith.constant 80 : i32
    %scan3A_8 = arith.constant 0 : i32
    %scan3A_9 = arith.constant 0 : i32
    %scan3A_10 = arith.constant 8 : i32
    %scan3A_11 = arith.addi %scan3A_9, %scan3A_10 : i32
    %scan3A_12 = arith.constant 1 : i32
    %scan3A_13 = scf.for %scan3A_73 = %scan3A_9 to %scan3A_11 step %scan3A_12 iter_args(%scan3A_74 = %scan3A_8) -> (i32)  : i32 {
      %mul3A_75 = arith.constant 16 : i32
      %mul3A_76 = arith.muli %scan3A_73, %mul3A_75 : i32
      %add3A_77 = arith.addi %mul3A_76, %arg1 : i32
      %lt3A = arith.constant 125 : i32
      %lt3A_78 = arith.cmpi slt, %add3A_77, %lt3A : i32
      %convert_element_type3A = arith.extui %lt3A_78 : i1 to i32
      %cond3A = arith.constant 0 : i32
      %cond3A_79 = arith.cmpi ne, %convert_element_type3A, %cond3A : i32
      scf.if %cond3A_79 {
        %mul3A_81 = arith.constant 80 : i32
        %mul3A_82 = arith.muli %add3A_77, %mul3A_81 : i32
        "tpu.region"() ({
          %run_scoped3A = tpu.sem_alloc : memref<!tpu.dma_semaphore, #tpu.memory_space<semaphore_mem>>
          %dma_start3A_83 = arith.constant 0 : i32
          %dma_start3A_84 = arith.constant 0 : i32
          %dma_start3A_85 = tpu.memref_slice %arg11[%dma_start3A_83, %dma_start3A_84] : memref<80x128xf32, #tpu.memory_space<vmem>> -> memref<80x128xf32, #tpu.memory_space<vmem>>
          %dma_start3A_86 = arith.constant 0 : i32
          %dma_start3A_87 = tpu.memref_slice %arg6[%mul3A_82, %dma_start3A_86] : memref<10000x128xf32, #tpu.memory_space<vmem_shared>> -> memref<80x128xf32, #tpu.memory_space<vmem_shared>>
          %dma_start3A_88 = arith.constant 0 : i32
          %dma_start3A_89 = tpu.memref_slice %arg6[%mul3A_82, %dma_start3A_88] : memref<10000x128xf32, #tpu.memory_space<vmem_shared>> -> memref<80x128xf32, #tpu.memory_space<vmem_shared>>
          %dma_start3A_90 = arith.constant 0 : i32
          %dma_start3A_91 = arith.constant 0 : i32
          %dma_start3A_92 = tpu.memref_slice %arg11[%dma_start3A_90, %dma_start3A_91] : memref<80x128xf32, #tpu.memory_space<vmem>> -> memref<80x128xf32, #tpu.memory_space<vmem>>
          tpu.enqueue_dma source(%dma_start3A_92 : memref<80x128xf32, #tpu.memory_space<vmem>>) target(%dma_start3A_89 : memref<80x128xf32, #tpu.memory_space<vmem_shared>>) target_semaphore(%run_scoped3A : memref<!tpu.dma_semaphore, #tpu.memory_space<semaphore_mem>>)
          %dma_wait3A = arith.constant 0 : i32
          %dma_wait3A_93 = arith.constant 0 : i32
          %dma_wait3A_94 = tpu.memref_slice %arg11[%dma_wait3A, %dma_wait3A_93] : memref<80x128xf32, #tpu.memory_space<vmem>> -> memref<80x128xf32, #tpu.memory_space<vmem>>
          %dma_wait3A_95 = arith.constant 0 : i32
          %dma_wait3A_96 = tpu.memref_slice %arg6[%mul3A_82, %dma_wait3A_95] : memref<10000x128xf32, #tpu.memory_space<vmem_shared>> -> memref<80x128xf32, #tpu.memory_space<vmem_shared>>
          %dma_wait3A_97 = arith.constant 0 : i32
          %dma_wait3A_98 = tpu.memref_slice %arg6[%mul3A_82, %dma_wait3A_97] : memref<10000x128xf32, #tpu.memory_space<vmem_shared>> -> memref<80x128xf32, #tpu.memory_space<vmem_shared>>
          %dma_wait3A_99 = arith.constant 0 : i32
          %dma_wait3A_100 = arith.constant 0 : i32
          %dma_wait3A_101 = tpu.memref_slice %arg11[%dma_wait3A_99, %dma_wait3A_100] : memref<80x128xf32, #tpu.memory_space<vmem>> -> memref<80x128xf32, #tpu.memory_space<vmem>>
          tpu.wait_dma2 semaphore(%run_scoped3A : memref<!tpu.dma_semaphore, #tpu.memory_space<semaphore_mem>>) src(%dma_wait3A_101 : memref<80x128xf32, #tpu.memory_space<vmem>>) dst(%dma_wait3A_98 : memref<80x128xf32, #tpu.memory_space<vmem_shared>>)
          tpu.yield
        }) : () -> ()
      } else {
      }
      %scan3A_80 = arith.constant 0 : i32
      scf.yield %scan3A_80 : i32
    }
    %scan3A_14 = arith.constant 8 : i32
    %barrier3A = arith.constant 0 : index
    tpu.barrier barrier_id(%barrier3A)
    %mul3A_15 = arith.constant 10000 : i32
    %mul3A_16 = arith.muli %add3A, %mul3A_15 : i32
    "tpu.region"() ({
      %run_scoped3A = tpu.sem_alloc : memref<!tpu.dma_semaphore, #tpu.memory_space<semaphore_mem>>
      %dma_start3A_73 = tpu.memref_slice %arg3[%mul3A_16] : memref<320000xi32, #tpu.memory_space<hbm>> -> memref<10000xi32, #tpu.memory_space<hbm>>
      %dma_start3A_74 = tpu.memref_slice %arg3[%mul3A_16] : memref<320000xi32, #tpu.memory_space<hbm>> -> memref<10000xi32, #tpu.memory_space<hbm>>
      tpu.enqueue_dma source(%dma_start3A_74 : memref<10000xi32, #tpu.memory_space<hbm>>) target(%arg7 : memref<10000xi32, #tpu.memory_space<vmem>>) target_semaphore(%run_scoped3A : memref<!tpu.dma_semaphore, #tpu.memory_space<semaphore_mem>>)
      %dma_wait3A = tpu.memref_slice %arg3[%mul3A_16] : memref<320000xi32, #tpu.memory_space<hbm>> -> memref<10000xi32, #tpu.memory_space<hbm>>
      %dma_wait3A_75 = tpu.memref_slice %arg3[%mul3A_16] : memref<320000xi32, #tpu.memory_space<hbm>> -> memref<10000xi32, #tpu.memory_space<hbm>>
      tpu.wait_dma2 semaphore(%run_scoped3A : memref<!tpu.dma_semaphore, #tpu.memory_space<semaphore_mem>>) src(%dma_wait3A_75 : memref<10000xi32, #tpu.memory_space<hbm>>) dst(%arg7 : memref<10000xi32, #tpu.memory_space<vmem>>)
      tpu.yield
    }) : () -> ()
    %mul3A_17 = arith.constant 125 : i32
    %mul3A_18 = arith.muli %add3A, %mul3A_17 : i32
    %dma_start3A = arith.constant 0 : i32
    %dma_start3A_19 = tpu.memref_slice %arg7[%dma_start3A] : memref<10000xi32, #tpu.memory_space<vmem>> -> memref<80xi32, #tpu.memory_space<vmem>>
    %dma_start3A_20 = arith.constant 0 : i32
    %dma_start3A_21 = arith.constant 0 : i32
    %dma_start3A_22 = tpu.memref_slice %arg2[%dma_start3A_20, %dma_start3A_21] : memref<10000x128xf32, #tpu.memory_space<hbm>> -> memref<10000x128xf32, #tpu.memory_space<hbm>>
    tpu.enqueue_indirect_dma source(%dma_start3A_22 : memref<10000x128xf32, #tpu.memory_space<hbm>>) target(%arg11 : memref<80x128xf32, #tpu.memory_space<vmem>>) offsets(%dma_start3A_19 : memref<80xi32, #tpu.memory_space<vmem>>) semaphore(%arg14 : memref<!tpu.dma_semaphore, #tpu.memory_space<semaphore_mem>>)
    %dma_start3A_23 = arith.constant 80 : i32
    %dma_start3A_24 = tpu.memref_slice %arg7[%dma_start3A_23] : memref<10000xi32, #tpu.memory_space<vmem>> -> memref<80xi32, #tpu.memory_space<vmem>>
    %dma_start3A_25 = arith.constant 0 : i32
    %dma_start3A_26 = arith.constant 0 : i32
    %dma_start3A_27 = tpu.memref_slice %arg2[%dma_start3A_25, %dma_start3A_26] : memref<10000x128xf32, #tpu.memory_space<hbm>> -> memref<10000x128xf32, #tpu.memory_space<hbm>>
    tpu.enqueue_indirect_dma source(%dma_start3A_27 : memref<10000x128xf32, #tpu.memory_space<hbm>>) target(%arg12 : memref<80x128xf32, #tpu.memory_space<vmem>>) offsets(%dma_start3A_24 : memref<80xi32, #tpu.memory_space<vmem>>) semaphore(%arg15 : memref<!tpu.dma_semaphore, #tpu.memory_space<semaphore_mem>>)
    %add3A_28 = arith.constant 0 : i32
    %add3A_29 = arith.addi %mul3A_18, %add3A_28 : i32
    %dma_start3A_30 = arith.constant 0 : i32
    %dma_start3A_31 = arith.constant 0 : i32
    %dma_start3A_32 = tpu.memref_slice %arg4[%add3A_29, %dma_start3A_30, %dma_start3A_31] : memref<4000x1x80xi32, #tpu.memory_space<hbm>> -> memref<1x1x80xi32, #tpu.memory_space<hbm>>
    %dma_start3A_33 = tpu.memref_squeeze %dma_start3A_32 : memref<1x1x80xi32, #tpu.memory_space<hbm>> -> memref<1x80xi32, #tpu.memory_space<hbm>>
    %dma_start3A_34 = arith.constant 0 : i32
    %dma_start3A_35 = arith.constant 0 : i32
    %dma_start3A_36 = tpu.memref_slice %arg4[%add3A_29, %dma_start3A_34, %dma_start3A_35] : memref<4000x1x80xi32, #tpu.memory_space<hbm>> -> memref<1x1x80xi32, #tpu.memory_space<hbm>>
    %dma_start3A_37 = tpu.memref_squeeze %dma_start3A_36 : memref<1x1x80xi32, #tpu.memory_space<hbm>> -> memref<1x80xi32, #tpu.memory_space<hbm>>
    tpu.enqueue_dma source(%dma_start3A_37 : memref<1x80xi32, #tpu.memory_space<hbm>>) target(%arg8 : memref<1x80xi32, #tpu.memory_space<vmem>>) target_semaphore(%arg17 : memref<!tpu.dma_semaphore, #tpu.memory_space<semaphore_mem>>)
    %add3A_38 = arith.constant 1 : i32
    %add3A_39 = arith.addi %mul3A_18, %add3A_38 : i32
    %dma_start3A_40 = arith.constant 0 : i32
    %dma_start3A_41 = arith.constant 0 : i32
    %dma_start3A_42 = tpu.memref_slice %arg4[%add3A_39, %dma_start3A_40, %dma_start3A_41] : memref<4000x1x80xi32, #tpu.memory_space<hbm>> -> memref<1x1x80xi32, #tpu.memory_space<hbm>>
    %dma_start3A_43 = tpu.memref_squeeze %dma_start3A_42 : memref<1x1x80xi32, #tpu.memory_space<hbm>> -> memref<1x80xi32, #tpu.memory_space<hbm>>
    %dma_start3A_44 = arith.constant 0 : i32
    %dma_start3A_45 = arith.constant 0 : i32
    %dma_start3A_46 = tpu.memref_slice %arg4[%add3A_39, %dma_start3A_44, %dma_start3A_45] : memref<4000x1x80xi32, #tpu.memory_space<hbm>> -> memref<1x1x80xi32, #tpu.memory_space<hbm>>
    %dma_start3A_47 = tpu.memref_squeeze %dma_start3A_46 : memref<1x1x80xi32, #tpu.memory_space<hbm>> -> memref<1x80xi32, #tpu.memory_space<hbm>>
    tpu.enqueue_dma source(%dma_start3A_47 : memref<1x80xi32, #tpu.memory_space<hbm>>) target(%arg9 : memref<1x80xi32, #tpu.memory_space<vmem>>) target_semaphore(%arg18 : memref<!tpu.dma_semaphore, #tpu.memory_space<semaphore_mem>>)
    %add3A_48 = arith.constant 2 : i32
    %add3A_49 = arith.addi %mul3A_18, %add3A_48 : i32
    %dma_start3A_50 = arith.constant 0 : i32
    %dma_start3A_51 = arith.constant 0 : i32
    %dma_start3A_52 = tpu.memref_slice %arg4[%add3A_49, %dma_start3A_50, %dma_start3A_51] : memref<4000x1x80xi32, #tpu.memory_space<hbm>> -> memref<1x1x80xi32, #tpu.memory_space<hbm>>
    %dma_start3A_53 = tpu.memref_squeeze %dma_start3A_52 : memref<1x1x80xi32, #tpu.memory_space<hbm>> -> memref<1x80xi32, #tpu.memory_space<hbm>>
    %dma_start3A_54 = arith.constant 0 : i32
    %dma_start3A_55 = arith.constant 0 : i32
    %dma_start3A_56 = tpu.memref_slice %arg4[%add3A_49, %dma_start3A_54, %dma_start3A_55] : memref<4000x1x80xi32, #tpu.memory_space<hbm>> -> memref<1x1x80xi32, #tpu.memory_space<hbm>>
    %dma_start3A_57 = tpu.memref_squeeze %dma_start3A_56 : memref<1x1x80xi32, #tpu.memory_space<hbm>> -> memref<1x80xi32, #tpu.memory_space<hbm>>
    tpu.enqueue_dma source(%dma_start3A_57 : memref<1x80xi32, #tpu.memory_space<hbm>>) target(%arg10 : memref<1x80xi32, #tpu.memory_space<vmem>>) target_semaphore(%arg19 : memref<!tpu.dma_semaphore, #tpu.memory_space<semaphore_mem>>)
    %scan3A_58 = arith.constant 0 : i32
    %scan3A_59 = arith.constant 0 : i32
    %scan3A_60 = arith.constant 42 : i32
    %scan3A_61 = arith.addi %scan3A_59, %scan3A_60 : i32
    %scan3A_62 = arith.constant 1 : i32
    %scan3A_63 = scf.for %scan3A_73 = %scan3A_59 to %scan3A_61 step %scan3A_62 iter_args(%scan3A_74 = %scan3A_58) -> (i32)  : i32 {
      %mul3A_75 = arith.constant 3 : i32
      %mul3A_76 = arith.muli %mul3A_75, %scan3A_73 : i32
      %add3A_77 = arith.constant 0 : i32
      %add3A_78 = arith.addi %mul3A_76, %add3A_77 : i32
      %lt3A = arith.constant 125 : i32
      %lt3A_79 = arith.cmpi slt, %add3A_78, %lt3A : i32
      %convert_element_type3A = arith.extui %lt3A_79 : i1 to i32
      %cond3A = arith.constant 0 : i32
      %cond3A_80 = arith.cmpi ne, %convert_element_type3A, %cond3A : i32
      scf.if %cond3A_80 {
        %mul3A_100 = arith.constant 80 : i32
        %mul3A_101 = arith.muli %add3A_78, %mul3A_100 : i32
        %dma_wait3A = tpu.memref_slice %arg7[%mul3A_101] : memref<10000xi32, #tpu.memory_space<vmem>> -> memref<80xi32, #tpu.memory_space<vmem>>
        %dma_wait3A_102 = arith.constant 0 : i32
        %dma_wait3A_103 = arith.constant 0 : i32
        %dma_wait3A_104 = tpu.memref_slice %arg2[%dma_wait3A_102, %dma_wait3A_103] : memref<10000x128xf32, #tpu.memory_space<hbm>> -> memref<10000x128xf32, #tpu.memory_space<hbm>>
        tpu.wait_indirect_dma semaphore(%arg14 : memref<!tpu.dma_semaphore, #tpu.memory_space<semaphore_mem>>) src(%dma_wait3A_104 : memref<10000x128xf32, #tpu.memory_space<hbm>>) dst(%arg11 : memref<80x128xf32, #tpu.memory_space<vmem>>)
        %add3A_105 = arith.constant 2 : i32
        %add3A_106 = arith.addi %add3A_78, %add3A_105 : i32
        %lt3A_107 = arith.constant 125 : i32
        %lt3A_108 = arith.cmpi slt, %add3A_106, %lt3A_107 : i32
        %convert_element_type3A_109 = arith.extui %lt3A_108 : i1 to i32
        %cond3A_110 = arith.constant 0 : i32
        %cond3A_111 = arith.cmpi ne, %convert_element_type3A_109, %cond3A_110 : i32
        scf.if %cond3A_111 {
          %add3A_128 = arith.constant 2 : i32
          %add3A_129 = arith.addi %add3A_78, %add3A_128 : i32
          %mul3A_130 = arith.constant 80 : i32
          %mul3A_131 = arith.muli %add3A_129, %mul3A_130 : i32
          %dma_start3A_132 = tpu.memref_slice %arg7[%mul3A_131] : memref<10000xi32, #tpu.memory_space<vmem>> -> memref<80xi32, #tpu.memory_space<vmem>>
          %dma_start3A_133 = arith.constant 0 : i32
          %dma_start3A_134 = arith.constant 0 : i32
          %dma_start3A_135 = tpu.memref_slice %arg2[%dma_start3A_133, %dma_start3A_134] : memref<10000x128xf32, #tpu.memory_space<hbm>> -> memref<10000x128xf32, #tpu.memory_space<hbm>>
          tpu.enqueue_indirect_dma source(%dma_start3A_135 : memref<10000x128xf32, #tpu.memory_space<hbm>>) target(%arg13 : memref<80x128xf32, #tpu.memory_space<vmem>>) offsets(%dma_start3A_132 : memref<80xi32, #tpu.memory_space<vmem>>) semaphore(%arg16 : memref<!tpu.dma_semaphore, #tpu.memory_space<semaphore_mem>>)
        } else {
        }
        %add3A_112 = arith.addi %mul3A_18, %add3A_78 : i32
        %dma_wait3A_113 = arith.constant 0 : i32
        %dma_wait3A_114 = arith.constant 0 : i32
        %dma_wait3A_115 = tpu.memref_slice %arg4[%add3A_112, %dma_wait3A_113, %dma_wait3A_114] : memref<4000x1x80xi32, #tpu.memory_space<hbm>> -> memref<1x1x80xi32, #tpu.memory_space<hbm>>
        %dma_wait3A_116 = tpu.memref_squeeze %dma_wait3A_115 : memref<1x1x80xi32, #tpu.memory_space<hbm>> -> memref<1x80xi32, #tpu.memory_space<hbm>>
        %dma_wait3A_117 = arith.constant 0 : i32
        %dma_wait3A_118 = arith.constant 0 : i32
        %dma_wait3A_119 = tpu.memref_slice %arg4[%add3A_112, %dma_wait3A_117, %dma_wait3A_118] : memref<4000x1x80xi32, #tpu.memory_space<hbm>> -> memref<1x1x80xi32, #tpu.memory_space<hbm>>
        %dma_wait3A_120 = tpu.memref_squeeze %dma_wait3A_119 : memref<1x1x80xi32, #tpu.memory_space<hbm>> -> memref<1x80xi32, #tpu.memory_space<hbm>>
        tpu.wait_dma2 semaphore(%arg17 : memref<!tpu.dma_semaphore, #tpu.memory_space<semaphore_mem>>) src(%dma_wait3A_120 : memref<1x80xi32, #tpu.memory_space<hbm>>) dst(%arg8 : memref<1x80xi32, #tpu.memory_space<vmem>>)
        %run_scoped3A = arith.constant 0 : i32
        "tpu.region"() ({
          %run_scoped3A_128 = tpu.sem_alloc : memref<!tpu.dma_semaphore, #tpu.memory_space<semaphore_mem>>
          %dma_start3A_129 = arith.constant 0 : i32
          %dma_start3A_130 = tpu.memref_slice %arg8[%run_scoped3A, %dma_start3A_129] : memref<1x80xi32, #tpu.memory_space<vmem>> -> memref<1x80xi32, #tpu.memory_space<vmem>>
          %dma_start3A_131 = tpu.memref_squeeze %dma_start3A_130 : memref<1x80xi32, #tpu.memory_space<vmem>> -> memref<80xi32, #tpu.memory_space<vmem>>
          %dma_start3A_132 = arith.constant 0 : i32
          %dma_start3A_133 = arith.constant 0 : i32
          %dma_start3A_134 = tpu.memref_slice %arg6[%dma_start3A_132, %dma_start3A_133] : memref<10000x128xf32, #tpu.memory_space<vmem_shared>> -> memref<10000x128xf32, #tpu.memory_space<vmem_shared>>
          tpu.enqueue_indirect_dma source(%arg11 : memref<80x128xf32, #tpu.memory_space<vmem>>) target(%dma_start3A_134 : memref<10000x128xf32, #tpu.memory_space<vmem_shared>>) offsets(%dma_start3A_131 : memref<80xi32, #tpu.memory_space<vmem>>) semaphore(%run_scoped3A_128 : memref<!tpu.dma_semaphore, #tpu.memory_space<semaphore_mem>>) {add = true}
          %dma_wait3A_135 = arith.constant 0 : i32
          %dma_wait3A_136 = tpu.memref_slice %arg8[%run_scoped3A, %dma_wait3A_135] : memref<1x80xi32, #tpu.memory_space<vmem>> -> memref<1x80xi32, #tpu.memory_space<vmem>>
          %dma_wait3A_137 = tpu.memref_squeeze %dma_wait3A_136 : memref<1x80xi32, #tpu.memory_space<vmem>> -> memref<80xi32, #tpu.memory_space<vmem>>
          %dma_wait3A_138 = arith.constant 0 : i32
          %dma_wait3A_139 = arith.constant 0 : i32
          %dma_wait3A_140 = tpu.memref_slice %arg6[%dma_wait3A_138, %dma_wait3A_139] : memref<10000x128xf32, #tpu.memory_space<vmem_shared>> -> memref<10000x128xf32, #tpu.memory_space<vmem_shared>>
          tpu.wait_indirect_dma semaphore(%run_scoped3A_128 : memref<!tpu.dma_semaphore, #tpu.memory_space<semaphore_mem>>) src(%arg11 : memref<80x128xf32, #tpu.memory_space<vmem>>) dst(%dma_wait3A_140 : memref<10000x128xf32, #tpu.memory_space<vmem_shared>>)
          tpu.yield
        }) : () -> ()
        %add3A_121 = arith.constant 3 : i32
        %add3A_122 = arith.addi %add3A_78, %add3A_121 : i32
        %lt3A_123 = arith.constant 125 : i32
        %lt3A_124 = arith.cmpi slt, %add3A_122, %lt3A_123 : i32
        %convert_element_type3A_125 = arith.extui %lt3A_124 : i1 to i32
        %cond3A_126 = arith.constant 0 : i32
        %cond3A_127 = arith.cmpi ne, %convert_element_type3A_125, %cond3A_126 : i32
        scf.if %cond3A_127 {
          %add3A_128 = arith.addi %mul3A_18, %add3A_78 : i32
          %add3A_129 = arith.constant 3 : i32
          %add3A_130 = arith.addi %add3A_128, %add3A_129 : i32
          %dma_start3A_131 = arith.constant 0 : i32
          %dma_start3A_132 = arith.constant 0 : i32
          %dma_start3A_133 = tpu.memref_slice %arg4[%add3A_130, %dma_start3A_131, %dma_start3A_132] : memref<4000x1x80xi32, #tpu.memory_space<hbm>> -> memref<1x1x80xi32, #tpu.memory_space<hbm>>
          %dma_start3A_134 = tpu.memref_squeeze %dma_start3A_133 : memref<1x1x80xi32, #tpu.memory_space<hbm>> -> memref<1x80xi32, #tpu.memory_space<hbm>>
          %dma_start3A_135 = arith.constant 0 : i32
          %dma_start3A_136 = arith.constant 0 : i32
          %dma_start3A_137 = tpu.memref_slice %arg4[%add3A_130, %dma_start3A_135, %dma_start3A_136] : memref<4000x1x80xi32, #tpu.memory_space<hbm>> -> memref<1x1x80xi32, #tpu.memory_space<hbm>>
          %dma_start3A_138 = tpu.memref_squeeze %dma_start3A_137 : memref<1x1x80xi32, #tpu.memory_space<hbm>> -> memref<1x80xi32, #tpu.memory_space<hbm>>
          tpu.enqueue_dma source(%dma_start3A_138 : memref<1x80xi32, #tpu.memory_space<hbm>>) target(%arg8 : memref<1x80xi32, #tpu.memory_space<vmem>>) target_semaphore(%arg17 : memref<!tpu.dma_semaphore, #tpu.memory_space<semaphore_mem>>)
        } else {
        }
      } else {
      }
      %mul3A_81 = arith.constant 3 : i32
      %mul3A_82 = arith.muli %mul3A_81, %scan3A_73 : i32
      %add3A_83 = arith.constant 1 : i32
      %add3A_84 = arith.addi %mul3A_82, %add3A_83 : i32
      %lt3A_85 = arith.constant 125 : i32
      %lt3A_86 = arith.cmpi slt, %add3A_84, %lt3A_85 : i32
      %convert_element_type3A_87 = arith.extui %lt3A_86 : i1 to i32
      %cond3A_88 = arith.constant 0 : i32
      %cond3A_89 = arith.cmpi ne, %convert_element_type3A_87, %cond3A_88 : i32
      scf.if %cond3A_89 {
        %mul3A_100 = arith.constant 80 : i32
        %mul3A_101 = arith.muli %add3A_84, %mul3A_100 : i32
        %dma_wait3A = tpu.memref_slice %arg7[%mul3A_101] : memref<10000xi32, #tpu.memory_space<vmem>> -> memref<80xi32, #tpu.memory_space<vmem>>
        %dma_wait3A_102 = arith.constant 0 : i32
        %dma_wait3A_103 = arith.constant 0 : i32
        %dma_wait3A_104 = tpu.memref_slice %arg2[%dma_wait3A_102, %dma_wait3A_103] : memref<10000x128xf32, #tpu.memory_space<hbm>> -> memref<10000x128xf32, #tpu.memory_space<hbm>>
        tpu.wait_indirect_dma semaphore(%arg15 : memref<!tpu.dma_semaphore, #tpu.memory_space<semaphore_mem>>) src(%dma_wait3A_104 : memref<10000x128xf32, #tpu.memory_space<hbm>>) dst(%arg12 : memref<80x128xf32, #tpu.memory_space<vmem>>)
        %add3A_105 = arith.constant 2 : i32
        %add3A_106 = arith.addi %add3A_84, %add3A_105 : i32
        %lt3A_107 = arith.constant 125 : i32
        %lt3A_108 = arith.cmpi slt, %add3A_106, %lt3A_107 : i32
        %convert_element_type3A_109 = arith.extui %lt3A_108 : i1 to i32
        %cond3A_110 = arith.constant 0 : i32
        %cond3A_111 = arith.cmpi ne, %convert_element_type3A_109, %cond3A_110 : i32
        scf.if %cond3A_111 {
          %add3A_128 = arith.constant 2 : i32
          %add3A_129 = arith.addi %add3A_84, %add3A_128 : i32
          %mul3A_130 = arith.constant 80 : i32
          %mul3A_131 = arith.muli %add3A_129, %mul3A_130 : i32
          %dma_start3A_132 = tpu.memref_slice %arg7[%mul3A_131] : memref<10000xi32, #tpu.memory_space<vmem>> -> memref<80xi32, #tpu.memory_space<vmem>>
          %dma_start3A_133 = arith.constant 0 : i32
          %dma_start3A_134 = arith.constant 0 : i32
          %dma_start3A_135 = tpu.memref_slice %arg2[%dma_start3A_133, %dma_start3A_134] : memref<10000x128xf32, #tpu.memory_space<hbm>> -> memref<10000x128xf32, #tpu.memory_space<hbm>>
          tpu.enqueue_indirect_dma source(%dma_start3A_135 : memref<10000x128xf32, #tpu.memory_space<hbm>>) target(%arg11 : memref<80x128xf32, #tpu.memory_space<vmem>>) offsets(%dma_start3A_132 : memref<80xi32, #tpu.memory_space<vmem>>) semaphore(%arg14 : memref<!tpu.dma_semaphore, #tpu.memory_space<semaphore_mem>>)
        } else {
        }
        %add3A_112 = arith.addi %mul3A_18, %add3A_84 : i32
        %dma_wait3A_113 = arith.constant 0 : i32
        %dma_wait3A_114 = arith.constant 0 : i32
        %dma_wait3A_115 = tpu.memref_slice %arg4[%add3A_112, %dma_wait3A_113, %dma_wait3A_114] : memref<4000x1x80xi32, #tpu.memory_space<hbm>> -> memref<1x1x80xi32, #tpu.memory_space<hbm>>
        %dma_wait3A_116 = tpu.memref_squeeze %dma_wait3A_115 : memref<1x1x80xi32, #tpu.memory_space<hbm>> -> memref<1x80xi32, #tpu.memory_space<hbm>>
        %dma_wait3A_117 = arith.constant 0 : i32
        %dma_wait3A_118 = arith.constant 0 : i32
        %dma_wait3A_119 = tpu.memref_slice %arg4[%add3A_112, %dma_wait3A_117, %dma_wait3A_118] : memref<4000x1x80xi32, #tpu.memory_space<hbm>> -> memref<1x1x80xi32, #tpu.memory_space<hbm>>
        %dma_wait3A_120 = tpu.memref_squeeze %dma_wait3A_119 : memref<1x1x80xi32, #tpu.memory_space<hbm>> -> memref<1x80xi32, #tpu.memory_space<hbm>>
        tpu.wait_dma2 semaphore(%arg18 : memref<!tpu.dma_semaphore, #tpu.memory_space<semaphore_mem>>) src(%dma_wait3A_120 : memref<1x80xi32, #tpu.memory_space<hbm>>) dst(%arg9 : memref<1x80xi32, #tpu.memory_space<vmem>>)
        %run_scoped3A = arith.constant 0 : i32
        "tpu.region"() ({
          %run_scoped3A_128 = tpu.sem_alloc : memref<!tpu.dma_semaphore, #tpu.memory_space<semaphore_mem>>
          %dma_start3A_129 = arith.constant 0 : i32
          %dma_start3A_130 = tpu.memref_slice %arg9[%run_scoped3A, %dma_start3A_129] : memref<1x80xi32, #tpu.memory_space<vmem>> -> memref<1x80xi32, #tpu.memory_space<vmem>>
          %dma_start3A_131 = tpu.memref_squeeze %dma_start3A_130 : memref<1x80xi32, #tpu.memory_space<vmem>> -> memref<80xi32, #tpu.memory_space<vmem>>
          %dma_start3A_132 = arith.constant 0 : i32
          %dma_start3A_133 = arith.constant 0 : i32
          %dma_start3A_134 = tpu.memref_slice %arg6[%dma_start3A_132, %dma_start3A_133] : memref<10000x128xf32, #tpu.memory_space<vmem_shared>> -> memref<10000x128xf32, #tpu.memory_space<vmem_shared>>
          tpu.enqueue_indirect_dma source(%arg12 : memref<80x128xf32, #tpu.memory_space<vmem>>) target(%dma_start3A_134 : memref<10000x128xf32, #tpu.memory_space<vmem_shared>>) offsets(%dma_start3A_131 : memref<80xi32, #tpu.memory_space<vmem>>) semaphore(%run_scoped3A_128 : memref<!tpu.dma_semaphore, #tpu.memory_space<semaphore_mem>>) {add = true}
          %dma_wait3A_135 = arith.constant 0 : i32
          %dma_wait3A_136 = tpu.memref_slice %arg9[%run_scoped3A, %dma_wait3A_135] : memref<1x80xi32, #tpu.memory_space<vmem>> -> memref<1x80xi32, #tpu.memory_space<vmem>>
          %dma_wait3A_137 = tpu.memref_squeeze %dma_wait3A_136 : memref<1x80xi32, #tpu.memory_space<vmem>> -> memref<80xi32, #tpu.memory_space<vmem>>
          %dma_wait3A_138 = arith.constant 0 : i32
          %dma_wait3A_139 = arith.constant 0 : i32
          %dma_wait3A_140 = tpu.memref_slice %arg6[%dma_wait3A_138, %dma_wait3A_139] : memref<10000x128xf32, #tpu.memory_space<vmem_shared>> -> memref<10000x128xf32, #tpu.memory_space<vmem_shared>>
          tpu.wait_indirect_dma semaphore(%run_scoped3A_128 : memref<!tpu.dma_semaphore, #tpu.memory_space<semaphore_mem>>) src(%arg12 : memref<80x128xf32, #tpu.memory_space<vmem>>) dst(%dma_wait3A_140 : memref<10000x128xf32, #tpu.memory_space<vmem_shared>>)
          tpu.yield
        }) : () -> ()
        %add3A_121 = arith.constant 3 : i32
        %add3A_122 = arith.addi %add3A_84, %add3A_121 : i32
        %lt3A_123 = arith.constant 125 : i32
        %lt3A_124 = arith.cmpi slt, %add3A_122, %lt3A_123 : i32
        %convert_element_type3A_125 = arith.extui %lt3A_124 : i1 to i32
        %cond3A_126 = arith.constant 0 : i32
        %cond3A_127 = arith.cmpi ne, %convert_element_type3A_125, %cond3A_126 : i32
        scf.if %cond3A_127 {
          %add3A_128 = arith.addi %mul3A_18, %add3A_84 : i32
          %add3A_129 = arith.constant 3 : i32
          %add3A_130 = arith.addi %add3A_128, %add3A_129 : i32
          %dma_start3A_131 = arith.constant 0 : i32
          %dma_start3A_132 = arith.constant 0 : i32
          %dma_start3A_133 = tpu.memref_slice %arg4[%add3A_130, %dma_start3A_131, %dma_start3A_132] : memref<4000x1x80xi32, #tpu.memory_space<hbm>> -> memref<1x1x80xi32, #tpu.memory_space<hbm>>
          %dma_start3A_134 = tpu.memref_squeeze %dma_start3A_133 : memref<1x1x80xi32, #tpu.memory_space<hbm>> -> memref<1x80xi32, #tpu.memory_space<hbm>>
          %dma_start3A_135 = arith.constant 0 : i32
          %dma_start3A_136 = arith.constant 0 : i32
          %dma_start3A_137 = tpu.memref_slice %arg4[%add3A_130, %dma_start3A_135, %dma_start3A_136] : memref<4000x1x80xi32, #tpu.memory_space<hbm>> -> memref<1x1x80xi32, #tpu.memory_space<hbm>>
          %dma_start3A_138 = tpu.memref_squeeze %dma_start3A_137 : memref<1x1x80xi32, #tpu.memory_space<hbm>> -> memref<1x80xi32, #tpu.memory_space<hbm>>
          tpu.enqueue_dma source(%dma_start3A_138 : memref<1x80xi32, #tpu.memory_space<hbm>>) target(%arg9 : memref<1x80xi32, #tpu.memory_space<vmem>>) target_semaphore(%arg18 : memref<!tpu.dma_semaphore, #tpu.memory_space<semaphore_mem>>)
        } else {
        }
      } else {
      }
      %mul3A_90 = arith.constant 3 : i32
      %mul3A_91 = arith.muli %mul3A_90, %scan3A_73 : i32
      %add3A_92 = arith.constant 2 : i32
      %add3A_93 = arith.addi %mul3A_91, %add3A_92 : i32
      %lt3A_94 = arith.constant 125 : i32
      %lt3A_95 = arith.cmpi slt, %add3A_93, %lt3A_94 : i32
      %convert_element_type3A_96 = arith.extui %lt3A_95 : i1 to i32
      %cond3A_97 = arith.constant 0 : i32
      %cond3A_98 = arith.cmpi ne, %convert_element_type3A_96, %cond3A_97 : i32
      scf.if %cond3A_98 {
        %mul3A_100 = arith.constant 80 : i32
        %mul3A_101 = arith.muli %add3A_93, %mul3A_100 : i32
        %dma_wait3A = tpu.memref_slice %arg7[%mul3A_101] : memref<10000xi32, #tpu.memory_space<vmem>> -> memref<80xi32, #tpu.memory_space<vmem>>
        %dma_wait3A_102 = arith.constant 0 : i32
        %dma_wait3A_103 = arith.constant 0 : i32
        %dma_wait3A_104 = tpu.memref_slice %arg2[%dma_wait3A_102, %dma_wait3A_103] : memref<10000x128xf32, #tpu.memory_space<hbm>> -> memref<10000x128xf32, #tpu.memory_space<hbm>>
        tpu.wait_indirect_dma semaphore(%arg16 : memref<!tpu.dma_semaphore, #tpu.memory_space<semaphore_mem>>) src(%dma_wait3A_104 : memref<10000x128xf32, #tpu.memory_space<hbm>>) dst(%arg13 : memref<80x128xf32, #tpu.memory_space<vmem>>)
        %add3A_105 = arith.constant 2 : i32
        %add3A_106 = arith.addi %add3A_93, %add3A_105 : i32
        %lt3A_107 = arith.constant 125 : i32
        %lt3A_108 = arith.cmpi slt, %add3A_106, %lt3A_107 : i32
        %convert_element_type3A_109 = arith.extui %lt3A_108 : i1 to i32
        %cond3A_110 = arith.constant 0 : i32
        %cond3A_111 = arith.cmpi ne, %convert_element_type3A_109, %cond3A_110 : i32
        scf.if %cond3A_111 {
          %add3A_128 = arith.constant 2 : i32
          %add3A_129 = arith.addi %add3A_93, %add3A_128 : i32
          %mul3A_130 = arith.constant 80 : i32
          %mul3A_131 = arith.muli %add3A_129, %mul3A_130 : i32
          %dma_start3A_132 = tpu.memref_slice %arg7[%mul3A_131] : memref<10000xi32, #tpu.memory_space<vmem>> -> memref<80xi32, #tpu.memory_space<vmem>>
          %dma_start3A_133 = arith.constant 0 : i32
          %dma_start3A_134 = arith.constant 0 : i32
          %dma_start3A_135 = tpu.memref_slice %arg2[%dma_start3A_133, %dma_start3A_134] : memref<10000x128xf32, #tpu.memory_space<hbm>> -> memref<10000x128xf32, #tpu.memory_space<hbm>>
          tpu.enqueue_indirect_dma source(%dma_start3A_135 : memref<10000x128xf32, #tpu.memory_space<hbm>>) target(%arg12 : memref<80x128xf32, #tpu.memory_space<vmem>>) offsets(%dma_start3A_132 : memref<80xi32, #tpu.memory_space<vmem>>) semaphore(%arg15 : memref<!tpu.dma_semaphore, #tpu.memory_space<semaphore_mem>>)
        } else {
        }
        %add3A_112 = arith.addi %mul3A_18, %add3A_93 : i32
        %dma_wait3A_113 = arith.constant 0 : i32
        %dma_wait3A_114 = arith.constant 0 : i32
        %dma_wait3A_115 = tpu.memref_slice %arg4[%add3A_112, %dma_wait3A_113, %dma_wait3A_114] : memref<4000x1x80xi32, #tpu.memory_space<hbm>> -> memref<1x1x80xi32, #tpu.memory_space<hbm>>
        %dma_wait3A_116 = tpu.memref_squeeze %dma_wait3A_115 : memref<1x1x80xi32, #tpu.memory_space<hbm>> -> memref<1x80xi32, #tpu.memory_space<hbm>>
        %dma_wait3A_117 = arith.constant 0 : i32
        %dma_wait3A_118 = arith.constant 0 : i32
        %dma_wait3A_119 = tpu.memref_slice %arg4[%add3A_112, %dma_wait3A_117, %dma_wait3A_118] : memref<4000x1x80xi32, #tpu.memory_space<hbm>> -> memref<1x1x80xi32, #tpu.memory_space<hbm>>
        %dma_wait3A_120 = tpu.memref_squeeze %dma_wait3A_119 : memref<1x1x80xi32, #tpu.memory_space<hbm>> -> memref<1x80xi32, #tpu.memory_space<hbm>>
        tpu.wait_dma2 semaphore(%arg19 : memref<!tpu.dma_semaphore, #tpu.memory_space<semaphore_mem>>) src(%dma_wait3A_120 : memref<1x80xi32, #tpu.memory_space<hbm>>) dst(%arg10 : memref<1x80xi32, #tpu.memory_space<vmem>>)
        %run_scoped3A = arith.constant 0 : i32
        "tpu.region"() ({
          %run_scoped3A_128 = tpu.sem_alloc : memref<!tpu.dma_semaphore, #tpu.memory_space<semaphore_mem>>
          %dma_start3A_129 = arith.constant 0 : i32
          %dma_start3A_130 = tpu.memref_slice %arg10[%run_scoped3A, %dma_start3A_129] : memref<1x80xi32, #tpu.memory_space<vmem>> -> memref<1x80xi32, #tpu.memory_space<vmem>>
          %dma_start3A_131 = tpu.memref_squeeze %dma_start3A_130 : memref<1x80xi32, #tpu.memory_space<vmem>> -> memref<80xi32, #tpu.memory_space<vmem>>
          %dma_start3A_132 = arith.constant 0 : i32
          %dma_start3A_133 = arith.constant 0 : i32
          %dma_start3A_134 = tpu.memref_slice %arg6[%dma_start3A_132, %dma_start3A_133] : memref<10000x128xf32, #tpu.memory_space<vmem_shared>> -> memref<10000x128xf32, #tpu.memory_space<vmem_shared>>
          tpu.enqueue_indirect_dma source(%arg13 : memref<80x128xf32, #tpu.memory_space<vmem>>) target(%dma_start3A_134 : memref<10000x128xf32, #tpu.memory_space<vmem_shared>>) offsets(%dma_start3A_131 : memref<80xi32, #tpu.memory_space<vmem>>) semaphore(%run_scoped3A_128 : memref<!tpu.dma_semaphore, #tpu.memory_space<semaphore_mem>>) {add = true}
          %dma_wait3A_135 = arith.constant 0 : i32
          %dma_wait3A_136 = tpu.memref_slice %arg10[%run_scoped3A, %dma_wait3A_135] : memref<1x80xi32, #tpu.memory_space<vmem>> -> memref<1x80xi32, #tpu.memory_space<vmem>>
          %dma_wait3A_137 = tpu.memref_squeeze %dma_wait3A_136 : memref<1x80xi32, #tpu.memory_space<vmem>> -> memref<80xi32, #tpu.memory_space<vmem>>
          %dma_wait3A_138 = arith.constant 0 : i32
          %dma_wait3A_139 = arith.constant 0 : i32
          %dma_wait3A_140 = tpu.memref_slice %arg6[%dma_wait3A_138, %dma_wait3A_139] : memref<10000x128xf32, #tpu.memory_space<vmem_shared>> -> memref<10000x128xf32, #tpu.memory_space<vmem_shared>>
          tpu.wait_indirect_dma semaphore(%run_scoped3A_128 : memref<!tpu.dma_semaphore, #tpu.memory_space<semaphore_mem>>) src(%arg13 : memref<80x128xf32, #tpu.memory_space<vmem>>) dst(%dma_wait3A_140 : memref<10000x128xf32, #tpu.memory_space<vmem_shared>>)
          tpu.yield
        }) : () -> ()
        %add3A_121 = arith.constant 3 : i32
        %add3A_122 = arith.addi %add3A_93, %add3A_121 : i32
        %lt3A_123 = arith.constant 125 : i32
        %lt3A_124 = arith.cmpi slt, %add3A_122, %lt3A_123 : i32
        %convert_element_type3A_125 = arith.extui %lt3A_124 : i1 to i32
        %cond3A_126 = arith.constant 0 : i32
        %cond3A_127 = arith.cmpi ne, %convert_element_type3A_125, %cond3A_126 : i32
        scf.if %cond3A_127 {
          %add3A_128 = arith.addi %mul3A_18, %add3A_93 : i32
          %add3A_129 = arith.constant 3 : i32
          %add3A_130 = arith.addi %add3A_128, %add3A_129 : i32
          %dma_start3A_131 = arith.constant 0 : i32
          %dma_start3A_132 = arith.constant 0 : i32
          %dma_start3A_133 = tpu.memref_slice %arg4[%add3A_130, %dma_start3A_131, %dma_start3A_132] : memref<4000x1x80xi32, #tpu.memory_space<hbm>> -> memref<1x1x80xi32, #tpu.memory_space<hbm>>
          %dma_start3A_134 = tpu.memref_squeeze %dma_start3A_133 : memref<1x1x80xi32, #tpu.memory_space<hbm>> -> memref<1x80xi32, #tpu.memory_space<hbm>>
          %dma_start3A_135 = arith.constant 0 : i32
          %dma_start3A_136 = arith.constant 0 : i32
          %dma_start3A_137 = tpu.memref_slice %arg4[%add3A_130, %dma_start3A_135, %dma_start3A_136] : memref<4000x1x80xi32, #tpu.memory_space<hbm>> -> memref<1x1x80xi32, #tpu.memory_space<hbm>>
          %dma_start3A_138 = tpu.memref_squeeze %dma_start3A_137 : memref<1x1x80xi32, #tpu.memory_space<hbm>> -> memref<1x80xi32, #tpu.memory_space<hbm>>
          tpu.enqueue_dma source(%dma_start3A_138 : memref<1x80xi32, #tpu.memory_space<hbm>>) target(%arg10 : memref<1x80xi32, #tpu.memory_space<vmem>>) target_semaphore(%arg19 : memref<!tpu.dma_semaphore, #tpu.memory_space<semaphore_mem>>)
        } else {
        }
      } else {
      }
      %scan3A_99 = arith.constant 0 : i32
      scf.yield %scan3A_99 : i32
    }
    %scan3A_64 = arith.constant 42 : i32
    %barrier3A_65 = arith.constant 0 : index
    tpu.barrier barrier_id(%barrier3A_65)
    %scan3A_66 = arith.constant 0 : i32
    %scan3A_67 = arith.constant 0 : i32
    %scan3A_68 = arith.constant 8 : i32
    %scan3A_69 = arith.addi %scan3A_67, %scan3A_68 : i32
    %scan3A_70 = arith.constant 1 : i32
    %scan3A_71 = scf.for %scan3A_73 = %scan3A_67 to %scan3A_69 step %scan3A_70 iter_args(%scan3A_74 = %scan3A_66) -> (i32)  : i32 {
      %mul3A_75 = arith.constant 16 : i32
      %mul3A_76 = arith.muli %scan3A_73, %mul3A_75 : i32
      %add3A_77 = arith.addi %mul3A_76, %arg1 : i32
      %lt3A = arith.constant 125 : i32
      %lt3A_78 = arith.cmpi slt, %add3A_77, %lt3A : i32
      %convert_element_type3A = arith.extui %lt3A_78 : i1 to i32
      %cond3A = arith.constant 0 : i32
      %cond3A_79 = arith.cmpi ne, %convert_element_type3A, %cond3A : i32
      scf.if %cond3A_79 {
        %mul3A_81 = arith.constant 80 : i32
        %mul3A_82 = arith.muli %add3A_77, %mul3A_81 : i32
        "tpu.region"() ({
          %run_scoped3A = tpu.sem_alloc : memref<!tpu.dma_semaphore, #tpu.memory_space<semaphore_mem>>
          %dma_start3A_83 = arith.constant 0 : i32
          %dma_start3A_84 = arith.constant 0 : i32
          %dma_start3A_85 = tpu.memref_slice %arg11[%dma_start3A_83, %dma_start3A_84] : memref<80x128xf32, #tpu.memory_space<vmem>> -> memref<80x128xf32, #tpu.memory_space<vmem>>
          %dma_start3A_86 = arith.constant 0 : i32
          %dma_start3A_87 = tpu.memref_slice %arg6[%mul3A_82, %dma_start3A_86] : memref<10000x128xf32, #tpu.memory_space<vmem_shared>> -> memref<80x128xf32, #tpu.memory_space<vmem_shared>>
          %dma_start3A_88 = arith.constant 0 : i32
          %dma_start3A_89 = arith.constant 0 : i32
          %dma_start3A_90 = tpu.memref_slice %arg11[%dma_start3A_88, %dma_start3A_89] : memref<80x128xf32, #tpu.memory_space<vmem>> -> memref<80x128xf32, #tpu.memory_space<vmem>>
          %dma_start3A_91 = arith.constant 0 : i32
          %dma_start3A_92 = tpu.memref_slice %arg6[%mul3A_82, %dma_start3A_91] : memref<10000x128xf32, #tpu.memory_space<vmem_shared>> -> memref<80x128xf32, #tpu.memory_space<vmem_shared>>
          tpu.enqueue_dma source(%dma_start3A_92 : memref<80x128xf32, #tpu.memory_space<vmem_shared>>) target(%dma_start3A_90 : memref<80x128xf32, #tpu.memory_space<vmem>>) target_semaphore(%run_scoped3A : memref<!tpu.dma_semaphore, #tpu.memory_space<semaphore_mem>>)
          %dma_wait3A = arith.constant 0 : i32
          %dma_wait3A_93 = arith.constant 0 : i32
          %dma_wait3A_94 = tpu.memref_slice %arg11[%dma_wait3A, %dma_wait3A_93] : memref<80x128xf32, #tpu.memory_space<vmem>> -> memref<80x128xf32, #tpu.memory_space<vmem>>
          %dma_wait3A_95 = arith.constant 0 : i32
          %dma_wait3A_96 = tpu.memref_slice %arg6[%mul3A_82, %dma_wait3A_95] : memref<10000x128xf32, #tpu.memory_space<vmem_shared>> -> memref<80x128xf32, #tpu.memory_space<vmem_shared>>
          %dma_wait3A_97 = arith.constant 0 : i32
          %dma_wait3A_98 = arith.constant 0 : i32
          %dma_wait3A_99 = tpu.memref_slice %arg11[%dma_wait3A_97, %dma_wait3A_98] : memref<80x128xf32, #tpu.memory_space<vmem>> -> memref<80x128xf32, #tpu.memory_space<vmem>>
          %dma_wait3A_100 = arith.constant 0 : i32
          %dma_wait3A_101 = tpu.memref_slice %arg6[%mul3A_82, %dma_wait3A_100] : memref<10000x128xf32, #tpu.memory_space<vmem_shared>> -> memref<80x128xf32, #tpu.memory_space<vmem_shared>>
          tpu.wait_dma2 semaphore(%run_scoped3A : memref<!tpu.dma_semaphore, #tpu.memory_space<semaphore_mem>>) src(%dma_wait3A_101 : memref<80x128xf32, #tpu.memory_space<vmem_shared>>) dst(%dma_wait3A_99 : memref<80x128xf32, #tpu.memory_space<vmem>>)
          tpu.yield
        }) : () -> ()
        "tpu.region"() ({
          %run_scoped3A = tpu.sem_alloc : memref<!tpu.dma_semaphore, #tpu.memory_space<semaphore_mem>>
          %dma_start3A_83 = arith.constant 0 : i32
          %dma_start3A_84 = arith.constant 0 : i32
          %dma_start3A_85 = tpu.memref_slice %arg11[%dma_start3A_83, %dma_start3A_84] : memref<80x128xf32, #tpu.memory_space<vmem>> -> memref<80x128xf32, #tpu.memory_space<vmem>>
          %dma_start3A_86 = arith.constant 0 : i32
          %dma_start3A_87 = tpu.memref_slice %arg5[%arg0, %mul3A_82, %dma_start3A_86] : memref<2x10000x128xf32, #tpu.memory_space<hbm>> -> memref<1x80x128xf32, #tpu.memory_space<hbm>>
          %dma_start3A_88 = tpu.memref_squeeze %dma_start3A_87 : memref<1x80x128xf32, #tpu.memory_space<hbm>> -> memref<80x128xf32, #tpu.memory_space<hbm>>
          %dma_start3A_89 = arith.constant 0 : i32
          %dma_start3A_90 = tpu.memref_slice %arg5[%arg0, %mul3A_82, %dma_start3A_89] : memref<2x10000x128xf32, #tpu.memory_space<hbm>> -> memref<1x80x128xf32, #tpu.memory_space<hbm>>
          %dma_start3A_91 = tpu.memref_squeeze %dma_start3A_90 : memref<1x80x128xf32, #tpu.memory_space<hbm>> -> memref<80x128xf32, #tpu.memory_space<hbm>>
          %dma_start3A_92 = arith.constant 0 : i32
          %dma_start3A_93 = arith.constant 0 : i32
          %dma_start3A_94 = tpu.memref_slice %arg11[%dma_start3A_92, %dma_start3A_93] : memref<80x128xf32, #tpu.memory_space<vmem>> -> memref<80x128xf32, #tpu.memory_space<vmem>>
          tpu.enqueue_dma source(%dma_start3A_94 : memref<80x128xf32, #tpu.memory_space<vmem>>) target(%dma_start3A_91 : memref<80x128xf32, #tpu.memory_space<hbm>>) target_semaphore(%run_scoped3A : memref<!tpu.dma_semaphore, #tpu.memory_space<semaphore_mem>>)
          %dma_wait3A = arith.constant 0 : i32
          %dma_wait3A_95 = arith.constant 0 : i32
          %dma_wait3A_96 = tpu.memref_slice %arg11[%dma_wait3A, %dma_wait3A_95] : memref<80x128xf32, #tpu.memory_space<vmem>> -> memref<80x128xf32, #tpu.memory_space<vmem>>
          %dma_wait3A_97 = arith.constant 0 : i32
          %dma_wait3A_98 = tpu.memref_slice %arg5[%arg0, %mul3A_82, %dma_wait3A_97] : memref<2x10000x128xf32, #tpu.memory_space<hbm>> -> memref<1x80x128xf32, #tpu.memory_space<hbm>>
          %dma_wait3A_99 = tpu.memref_squeeze %dma_wait3A_98 : memref<1x80x128xf32, #tpu.memory_space<hbm>> -> memref<80x128xf32, #tpu.memory_space<hbm>>
          %dma_wait3A_100 = arith.constant 0 : i32
          %dma_wait3A_101 = tpu.memref_slice %arg5[%arg0, %mul3A_82, %dma_wait3A_100] : memref<2x10000x128xf32, #tpu.memory_space<hbm>> -> memref<1x80x128xf32, #tpu.memory_space<hbm>>
          %dma_wait3A_102 = tpu.memref_squeeze %dma_wait3A_101 : memref<1x80x128xf32, #tpu.memory_space<hbm>> -> memref<80x128xf32, #tpu.memory_space<hbm>>
          %dma_wait3A_103 = arith.constant 0 : i32
          %dma_wait3A_104 = arith.constant 0 : i32
          %dma_wait3A_105 = tpu.memref_slice %arg11[%dma_wait3A_103, %dma_wait3A_104] : memref<80x128xf32, #tpu.memory_space<vmem>> -> memref<80x128xf32, #tpu.memory_space<vmem>>
          tpu.wait_dma2 semaphore(%run_scoped3A : memref<!tpu.dma_semaphore, #tpu.memory_space<semaphore_mem>>) src(%dma_wait3A_105 : memref<80x128xf32, #tpu.memory_space<vmem>>) dst(%dma_wait3A_102 : memref<80x128xf32, #tpu.memory_space<hbm>>)
          tpu.yield
        }) : () -> ()
      } else {
      }
      %scan3A_80 = arith.constant 0 : i32
      scf.yield %scan3A_80 : i32
    }
    %scan3A_72 = arith.constant 8 : i32
    return
  }
}

#map = affine_map<(d0, d1) -> (0, 0)>
#map1 = affine_map<(d0, d1) -> (0)>
#map2 = affine_map<(d0, d1) -> (0, 0, 0)>
module attributes {stable_mosaic.version = 14 : i64} {
  func.func @_sc_prop(%arg0: i32, %arg1: i32, %arg2: memref<10000x128xf32, #tpu.memory_space<hbm>>, %arg3: memref<320000xi32, #tpu.memory_space<hbm>>, %arg4: memref<4000x1x80xi32, #tpu.memory_space<hbm>>, %arg5: memref<2x10000x128xf32, #tpu.memory_space<hbm>>, %arg6: memref<10000x128xf32, #tpu.memory_space<vmem_shared>>, %arg7: memref<10000xi32, #tpu.memory_space<vmem>>, %arg8: memref<1x80xi32, #tpu.memory_space<vmem>>, %arg9: memref<1x80xi32, #tpu.memory_space<vmem>>, %arg10: memref<1x80xi32, #tpu.memory_space<vmem>>, %arg11: memref<80x128xf32, #tpu.memory_space<vmem>>, %arg12: memref<80x128xf32, #tpu.memory_space<vmem>>, %arg13: memref<80x128xf32, #tpu.memory_space<vmem>>, %arg14: memref<!tpu.dma_semaphore, #tpu.memory_space<semaphore_mem>>, %arg15: memref<!tpu.dma_semaphore, #tpu.memory_space<semaphore_mem>>, %arg16: memref<!tpu.dma_semaphore, #tpu.memory_space<semaphore_mem>>, %arg17: memref<!tpu.dma_semaphore, #tpu.memory_space<semaphore_mem>>, %arg18: memref<!tpu.dma_semaphore, #tpu.memory_space<semaphore_mem>>, %arg19: memref<!tpu.dma_semaphore, #tpu.memory_space<semaphore_mem>>) attributes {dimension_semantics = [#tpu.dimension_semantics<core_parallel>, #tpu.dimension_semantics<subcore_parallel>], iteration_bounds = array<i64: 2, 16>, scalar_prefetch = 0 : i64, scratch_operands = 14 : i64, tpu.core_type = #tpu.core_type<sc_vector_subcore>, window_params = [{transform_indices = #map}, {transform_indices = #map1}, {transform_indices = #map2}, {transform_indices = #map2}]} {
    %mul3A = arith.constant 16 : i32
    %mul3A_0 = arith.muli %arg0, %mul3A : i32
    %add3A = arith.addi %mul3A_0, %arg1 : i32
    %broadcast_in_dim3A = arith.constant 0.000000e+00 : f32
    %broadcast_in_dim3A_1 = vector.broadcast %broadcast_in_dim3A : f32 to vector<16xf32>
    %scan3A = arith.constant 0 : i32
    %scan3A_2 = arith.constant 0 : i32
    %scan3A_3 = arith.constant 80 : i32
    %scan3A_4 = arith.addi %scan3A_2, %scan3A_3 : i32
    %scan3A_5 = arith.constant 1 : i32
    %scan3A_6 = scf.for %scan3A_73 = %scan3A_2 to %scan3A_4 step %scan3A_5 iter_args(%scan3A_74 = %scan3A) -> (i32)  : i32 {
      %scan3A_75 = arith.constant 0 : i32
      %scan3A_76 = arith.constant 0 : i32
      %scan3A_77 = arith.constant 8 : i32
      %scan3A_78 = arith.addi %scan3A_76, %scan3A_77 : i32
      %scan3A_79 = arith.constant 1 : i32
      %scan3A_80 = scf.for %scan3A_83 = %scan3A_76 to %scan3A_78 step %scan3A_79 iter_args(%scan3A_84 = %scan3A_75) -> (i32)  : i32 {
        %mul3A_85 = arith.constant 16 : i32
        %mul3A_86 = arith.muli %scan3A_83, %mul3A_85 : i32
        %swap3A = arith.index_cast %scan3A_73 : i32 to index
        %swap3A_87 = arith.index_cast %mul3A_86 : i32 to index
        %swap3A_88 = tpu.vector_load %arg11[%swap3A, %swap3A_87] {strides = array<i32>} : memref<80x128xf32, #tpu.memory_space<vmem>>, vector<1x16xf32>,
        %swap3A_89 = vector.shape_cast %swap3A_88 : vector<1x16xf32> to vector<16xf32>
        %swap3A_90 = vector.shape_cast %broadcast_in_dim3A_1 : vector<16xf32> to vector<1x16xf32>
        tpu.vector_store %arg11[%swap3A, %swap3A_87], %swap3A_90 {strides = array<i32>} : memref<80x128xf32, #tpu.memory_space<vmem>>, vector<1x16xf32>,
        %scan3A_91 = arith.constant 0 : i32
        scf.yield %scan3A_91 : i32
      }
      %scan3A_81 = arith.constant 8 : i32
      %scan3A_82 = arith.constant 0 : i32
      scf.yield %scan3A_82 : i32
    }
    %scan3A_7 = arith.constant 80 : i32
    %scan3A_8 = arith.constant 0 : i32
    %scan3A_9 = arith.constant 0 : i32
    %scan3A_10 = arith.constant 8 : i32
    %scan3A_11 = arith.addi %scan3A_9, %scan3A_10 : i32
    %scan3A_12 = arith.constant 1 : i32
    %scan3A_13 = scf.for %scan3A_73 = %scan3A_9 to %scan3A_11 step %scan3A_12 iter_args(%scan3A_74 = %scan3A_8) -> (i32)  : i32 {
      %mul3A_75 = arith.constant 16 : i32
      %mul3A_76 = arith.muli %scan3A_73, %mul3A_75 : i32
      %add3A_77 = arith.addi %mul3A_76, %arg1 : i32
      %lt3A = arith.constant 125 : i32
      %lt3A_78 = arith.cmpi slt, %add3A_77, %lt3A : i32
      %convert_element_type3A = arith.extui %lt3A_78 : i1 to i32
      %cond3A = arith.constant 0 : i32
      %cond3A_79 = arith.cmpi ne, %convert_element_type3A, %cond3A : i32
      scf.if %cond3A_79 {
        %mul3A_81 = arith.constant 80 : i32
        %mul3A_82 = arith.muli %add3A_77, %mul3A_81 : i32
        "tpu.region"() ({
          %run_scoped3A = tpu.sem_alloc : memref<!tpu.dma_semaphore, #tpu.memory_space<semaphore_mem>>
          %dma_start3A_83 = arith.constant 0 : i32
          %dma_start3A_84 = arith.constant 0 : i32
          %dma_start3A_85 = tpu.memref_slice %arg11[%dma_start3A_83, %dma_start3A_84] : memref<80x128xf32, #tpu.memory_space<vmem>> -> memref<80x128xf32, #tpu.memory_space<vmem>>
          %dma_start3A_86 = arith.constant 0 : i32
          %dma_start3A_87 = tpu.memref_slice %arg6[%mul3A_82, %dma_start3A_86] : memref<10000x128xf32, #tpu.memory_space<vmem_shared>> -> memref<80x128xf32, #tpu.memory_space<vmem_shared>>
          %dma_start3A_88 = arith.constant 0 : i32
          %dma_start3A_89 = tpu.memref_slice %arg6[%mul3A_82, %dma_start3A_88] : memref<10000x128xf32, #tpu.memory_space<vmem_shared>> -> memref<80x128xf32, #tpu.memory_space<vmem_shared>>
          %dma_start3A_90 = arith.constant 0 : i32
          %dma_start3A_91 = arith.constant 0 : i32
          %dma_start3A_92 = tpu.memref_slice %arg11[%dma_start3A_90, %dma_start3A_91] : memref<80x128xf32, #tpu.memory_space<vmem>> -> memref<80x128xf32, #tpu.memory_space<vmem>>
          tpu.enqueue_dma source(%dma_start3A_92 : memref<80x128xf32, #tpu.memory_space<vmem>>) target(%dma_start3A_89 : memref<80x128xf32, #tpu.memory_space<vmem_shared>>) target_semaphore(%run_scoped3A : memref<!tpu.dma_semaphore, #tpu.memory_space<semaphore_mem>>)
          %dma_wait3A = arith.constant 0 : i32
          %dma_wait3A_93 = arith.constant 0 : i32
          %dma_wait3A_94 = tpu.memref_slice %arg11[%dma_wait3A, %dma_wait3A_93] : memref<80x128xf32, #tpu.memory_space<vmem>> -> memref<80x128xf32, #tpu.memory_space<vmem>>
          %dma_wait3A_95 = arith.constant 0 : i32
          %dma_wait3A_96 = tpu.memref_slice %arg6[%mul3A_82, %dma_wait3A_95] : memref<10000x128xf32, #tpu.memory_space<vmem_shared>> -> memref<80x128xf32, #tpu.memory_space<vmem_shared>>
          %dma_wait3A_97 = arith.constant 0 : i32
          %dma_wait3A_98 = tpu.memref_slice %arg6[%mul3A_82, %dma_wait3A_97] : memref<10000x128xf32, #tpu.memory_space<vmem_shared>> -> memref<80x128xf32, #tpu.memory_space<vmem_shared>>
          %dma_wait3A_99 = arith.constant 0 : i32
          %dma_wait3A_100 = arith.constant 0 : i32
          %dma_wait3A_101 = tpu.memref_slice %arg11[%dma_wait3A_99, %dma_wait3A_100] : memref<80x128xf32, #tpu.memory_space<vmem>> -> memref<80x128xf32, #tpu.memory_space<vmem>>
          tpu.wait_dma2 semaphore(%run_scoped3A : memref<!tpu.dma_semaphore, #tpu.memory_space<semaphore_mem>>) src(%dma_wait3A_101 : memref<80x128xf32, #tpu.memory_space<vmem>>) dst(%dma_wait3A_98 : memref<80x128xf32, #tpu.memory_space<vmem_shared>>)
          tpu.yield
        }) : () -> ()
      } else {
      }
      %scan3A_80 = arith.constant 0 : i32
      scf.yield %scan3A_80 : i32
    }
    %scan3A_14 = arith.constant 8 : i32
    %barrier3A = arith.constant 0 : index
    tpu.barrier barrier_id(%barrier3A)
    %mul3A_15 = arith.constant 10000 : i32
    %mul3A_16 = arith.muli %add3A, %mul3A_15 : i32
    "tpu.region"() ({
      %run_scoped3A = tpu.sem_alloc : memref<!tpu.dma_semaphore, #tpu.memory_space<semaphore_mem>>
      %dma_start3A_73 = tpu.memref_slice %arg3[%mul3A_16] : memref<320000xi32, #tpu.memory_space<hbm>> -> memref<10000xi32, #tpu.memory_space<hbm>>
      %dma_start3A_74 = tpu.memref_slice %arg3[%mul3A_16] : memref<320000xi32, #tpu.memory_space<hbm>> -> memref<10000xi32, #tpu.memory_space<hbm>>
      tpu.enqueue_dma source(%dma_start3A_74 : memref<10000xi32, #tpu.memory_space<hbm>>) target(%arg7 : memref<10000xi32, #tpu.memory_space<vmem>>) target_semaphore(%run_scoped3A : memref<!tpu.dma_semaphore, #tpu.memory_space<semaphore_mem>>)
      %dma_wait3A = tpu.memref_slice %arg3[%mul3A_16] : memref<320000xi32, #tpu.memory_space<hbm>> -> memref<10000xi32, #tpu.memory_space<hbm>>
      %dma_wait3A_75 = tpu.memref_slice %arg3[%mul3A_16] : memref<320000xi32, #tpu.memory_space<hbm>> -> memref<10000xi32, #tpu.memory_space<hbm>>
      tpu.wait_dma2 semaphore(%run_scoped3A : memref<!tpu.dma_semaphore, #tpu.memory_space<semaphore_mem>>) src(%dma_wait3A_75 : memref<10000xi32, #tpu.memory_space<hbm>>) dst(%arg7 : memref<10000xi32, #tpu.memory_space<vmem>>)
      tpu.yield
    }) : () -> ()
    %mul3A_17 = arith.constant 125 : i32
    %mul3A_18 = arith.muli %add3A, %mul3A_17 : i32
    %dma_start3A = arith.constant 0 : i32
    %dma_start3A_19 = tpu.memref_slice %arg7[%dma_start3A] : memref<10000xi32, #tpu.memory_space<vmem>> -> memref<80xi32, #tpu.memory_space<vmem>>
    %dma_start3A_20 = arith.constant 0 : i32
    %dma_start3A_21 = arith.constant 0 : i32
    %dma_start3A_22 = tpu.memref_slice %arg2[%dma_start3A_20, %dma_start3A_21] : memref<10000x128xf32, #tpu.memory_space<hbm>> -> memref<10000x128xf32, #tpu.memory_space<hbm>>
    tpu.enqueue_indirect_dma source(%dma_start3A_22 : memref<10000x128xf32, #tpu.memory_space<hbm>>) target(%arg11 : memref<80x128xf32, #tpu.memory_space<vmem>>) offsets(%dma_start3A_19 : memref<80xi32, #tpu.memory_space<vmem>>) semaphore(%arg14 : memref<!tpu.dma_semaphore, #tpu.memory_space<semaphore_mem>>)
    %dma_start3A_23 = arith.constant 80 : i32
    %dma_start3A_24 = tpu.memref_slice %arg7[%dma_start3A_23] : memref<10000xi32, #tpu.memory_space<vmem>> -> memref<80xi32, #tpu.memory_space<vmem>>
    %dma_start3A_25 = arith.constant 0 : i32
    %dma_start3A_26 = arith.constant 0 : i32
    %dma_start3A_27 = tpu.memref_slice %arg2[%dma_start3A_25, %dma_start3A_26] : memref<10000x128xf32, #tpu.memory_space<hbm>> -> memref<10000x128xf32, #tpu.memory_space<hbm>>
    tpu.enqueue_indirect_dma source(%dma_start3A_27 : memref<10000x128xf32, #tpu.memory_space<hbm>>) target(%arg12 : memref<80x128xf32, #tpu.memory_space<vmem>>) offsets(%dma_start3A_24 : memref<80xi32, #tpu.memory_space<vmem>>) semaphore(%arg15 : memref<!tpu.dma_semaphore, #tpu.memory_space<semaphore_mem>>)
    %add3A_28 = arith.constant 0 : i32
    %add3A_29 = arith.addi %mul3A_18, %add3A_28 : i32
    %dma_start3A_30 = arith.constant 0 : i32
    %dma_start3A_31 = arith.constant 0 : i32
    %dma_start3A_32 = tpu.memref_slice %arg4[%add3A_29, %dma_start3A_30, %dma_start3A_31] : memref<4000x1x80xi32, #tpu.memory_space<hbm>> -> memref<1x1x80xi32, #tpu.memory_space<hbm>>
    %dma_start3A_33 = tpu.memref_squeeze %dma_start3A_32 : memref<1x1x80xi32, #tpu.memory_space<hbm>> -> memref<1x80xi32, #tpu.memory_space<hbm>>
    %dma_start3A_34 = arith.constant 0 : i32
    %dma_start3A_35 = arith.constant 0 : i32
    %dma_start3A_36 = tpu.memref_slice %arg4[%add3A_29, %dma_start3A_34, %dma_start3A_35] : memref<4000x1x80xi32, #tpu.memory_space<hbm>> -> memref<1x1x80xi32, #tpu.memory_space<hbm>>
    %dma_start3A_37 = tpu.memref_squeeze %dma_start3A_36 : memref<1x1x80xi32, #tpu.memory_space<hbm>> -> memref<1x80xi32, #tpu.memory_space<hbm>>
    tpu.enqueue_dma source(%dma_start3A_37 : memref<1x80xi32, #tpu.memory_space<hbm>>) target(%arg8 : memref<1x80xi32, #tpu.memory_space<vmem>>) target_semaphore(%arg17 : memref<!tpu.dma_semaphore, #tpu.memory_space<semaphore_mem>>)
    %add3A_38 = arith.constant 1 : i32
    %add3A_39 = arith.addi %mul3A_18, %add3A_38 : i32
    %dma_start3A_40 = arith.constant 0 : i32
    %dma_start3A_41 = arith.constant 0 : i32
    %dma_start3A_42 = tpu.memref_slice %arg4[%add3A_39, %dma_start3A_40, %dma_start3A_41] : memref<4000x1x80xi32, #tpu.memory_space<hbm>> -> memref<1x1x80xi32, #tpu.memory_space<hbm>>
    %dma_start3A_43 = tpu.memref_squeeze %dma_start3A_42 : memref<1x1x80xi32, #tpu.memory_space<hbm>> -> memref<1x80xi32, #tpu.memory_space<hbm>>
    %dma_start3A_44 = arith.constant 0 : i32
    %dma_start3A_45 = arith.constant 0 : i32
    %dma_start3A_46 = tpu.memref_slice %arg4[%add3A_39, %dma_start3A_44, %dma_start3A_45] : memref<4000x1x80xi32, #tpu.memory_space<hbm>> -> memref<1x1x80xi32, #tpu.memory_space<hbm>>
    %dma_start3A_47 = tpu.memref_squeeze %dma_start3A_46 : memref<1x1x80xi32, #tpu.memory_space<hbm>> -> memref<1x80xi32, #tpu.memory_space<hbm>>
    tpu.enqueue_dma source(%dma_start3A_47 : memref<1x80xi32, #tpu.memory_space<hbm>>) target(%arg9 : memref<1x80xi32, #tpu.memory_space<vmem>>) target_semaphore(%arg18 : memref<!tpu.dma_semaphore, #tpu.memory_space<semaphore_mem>>)
    %add3A_48 = arith.constant 2 : i32
    %add3A_49 = arith.addi %mul3A_18, %add3A_48 : i32
    %dma_start3A_50 = arith.constant 0 : i32
    %dma_start3A_51 = arith.constant 0 : i32
    %dma_start3A_52 = tpu.memref_slice %arg4[%add3A_49, %dma_start3A_50, %dma_start3A_51] : memref<4000x1x80xi32, #tpu.memory_space<hbm>> -> memref<1x1x80xi32, #tpu.memory_space<hbm>>
    %dma_start3A_53 = tpu.memref_squeeze %dma_start3A_52 : memref<1x1x80xi32, #tpu.memory_space<hbm>> -> memref<1x80xi32, #tpu.memory_space<hbm>>
    %dma_start3A_54 = arith.constant 0 : i32
    %dma_start3A_55 = arith.constant 0 : i32
    %dma_start3A_56 = tpu.memref_slice %arg4[%add3A_49, %dma_start3A_54, %dma_start3A_55] : memref<4000x1x80xi32, #tpu.memory_space<hbm>> -> memref<1x1x80xi32, #tpu.memory_space<hbm>>
    %dma_start3A_57 = tpu.memref_squeeze %dma_start3A_56 : memref<1x1x80xi32, #tpu.memory_space<hbm>> -> memref<1x80xi32, #tpu.memory_space<hbm>>
    tpu.enqueue_dma source(%dma_start3A_57 : memref<1x80xi32, #tpu.memory_space<hbm>>) target(%arg10 : memref<1x80xi32, #tpu.memory_space<vmem>>) target_semaphore(%arg19 : memref<!tpu.dma_semaphore, #tpu.memory_space<semaphore_mem>>)
    %scan3A_58 = arith.constant 0 : i32
    %scan3A_59 = arith.constant 0 : i32
    %scan3A_60 = arith.constant 42 : i32
    %scan3A_61 = arith.addi %scan3A_59, %scan3A_60 : i32
    %scan3A_62 = arith.constant 1 : i32
    %scan3A_63 = scf.for %scan3A_73 = %scan3A_59 to %scan3A_61 step %scan3A_62 iter_args(%scan3A_74 = %scan3A_58) -> (i32)  : i32 {
      %mul3A_75 = arith.constant 3 : i32
      %mul3A_76 = arith.muli %mul3A_75, %scan3A_73 : i32
      %add3A_77 = arith.constant 0 : i32
      %add3A_78 = arith.addi %mul3A_76, %add3A_77 : i32
      %lt3A = arith.constant 125 : i32
      %lt3A_79 = arith.cmpi slt, %add3A_78, %lt3A : i32
      %convert_element_type3A = arith.extui %lt3A_79 : i1 to i32
      %cond3A = arith.constant 0 : i32
      %cond3A_80 = arith.cmpi ne, %convert_element_type3A, %cond3A : i32
      scf.if %cond3A_80 {
        %mul3A_100 = arith.constant 80 : i32
        %mul3A_101 = arith.muli %add3A_78, %mul3A_100 : i32
        %dma_wait3A = tpu.memref_slice %arg7[%mul3A_101] : memref<10000xi32, #tpu.memory_space<vmem>> -> memref<80xi32, #tpu.memory_space<vmem>>
        %dma_wait3A_102 = arith.constant 0 : i32
        %dma_wait3A_103 = arith.constant 0 : i32
        %dma_wait3A_104 = tpu.memref_slice %arg2[%dma_wait3A_102, %dma_wait3A_103] : memref<10000x128xf32, #tpu.memory_space<hbm>> -> memref<10000x128xf32, #tpu.memory_space<hbm>>
        tpu.wait_indirect_dma semaphore(%arg14 : memref<!tpu.dma_semaphore, #tpu.memory_space<semaphore_mem>>) src(%dma_wait3A_104 : memref<10000x128xf32, #tpu.memory_space<hbm>>) dst(%arg11 : memref<80x128xf32, #tpu.memory_space<vmem>>)
        %add3A_105 = arith.constant 2 : i32
        %add3A_106 = arith.addi %add3A_78, %add3A_105 : i32
        %lt3A_107 = arith.constant 125 : i32
        %lt3A_108 = arith.cmpi slt, %add3A_106, %lt3A_107 : i32
        %convert_element_type3A_109 = arith.extui %lt3A_108 : i1 to i32
        %cond3A_110 = arith.constant 0 : i32
        %cond3A_111 = arith.cmpi ne, %convert_element_type3A_109, %cond3A_110 : i32
        scf.if %cond3A_111 {
          %add3A_128 = arith.constant 2 : i32
          %add3A_129 = arith.addi %add3A_78, %add3A_128 : i32
          %mul3A_130 = arith.constant 80 : i32
          %mul3A_131 = arith.muli %add3A_129, %mul3A_130 : i32
          %dma_start3A_132 = tpu.memref_slice %arg7[%mul3A_131] : memref<10000xi32, #tpu.memory_space<vmem>> -> memref<80xi32, #tpu.memory_space<vmem>>
          %dma_start3A_133 = arith.constant 0 : i32
          %dma_start3A_134 = arith.constant 0 : i32
          %dma_start3A_135 = tpu.memref_slice %arg2[%dma_start3A_133, %dma_start3A_134] : memref<10000x128xf32, #tpu.memory_space<hbm>> -> memref<10000x128xf32, #tpu.memory_space<hbm>>
          tpu.enqueue_indirect_dma source(%dma_start3A_135 : memref<10000x128xf32, #tpu.memory_space<hbm>>) target(%arg13 : memref<80x128xf32, #tpu.memory_space<vmem>>) offsets(%dma_start3A_132 : memref<80xi32, #tpu.memory_space<vmem>>) semaphore(%arg16 : memref<!tpu.dma_semaphore, #tpu.memory_space<semaphore_mem>>)
        } else {
        }
        %add3A_112 = arith.addi %mul3A_18, %add3A_78 : i32
        %dma_wait3A_113 = arith.constant 0 : i32
        %dma_wait3A_114 = arith.constant 0 : i32
        %dma_wait3A_115 = tpu.memref_slice %arg4[%add3A_112, %dma_wait3A_113, %dma_wait3A_114] : memref<4000x1x80xi32, #tpu.memory_space<hbm>> -> memref<1x1x80xi32, #tpu.memory_space<hbm>>
        %dma_wait3A_116 = tpu.memref_squeeze %dma_wait3A_115 : memref<1x1x80xi32, #tpu.memory_space<hbm>> -> memref<1x80xi32, #tpu.memory_space<hbm>>
        %dma_wait3A_117 = arith.constant 0 : i32
        %dma_wait3A_118 = arith.constant 0 : i32
        %dma_wait3A_119 = tpu.memref_slice %arg4[%add3A_112, %dma_wait3A_117, %dma_wait3A_118] : memref<4000x1x80xi32, #tpu.memory_space<hbm>> -> memref<1x1x80xi32, #tpu.memory_space<hbm>>
        %dma_wait3A_120 = tpu.memref_squeeze %dma_wait3A_119 : memref<1x1x80xi32, #tpu.memory_space<hbm>> -> memref<1x80xi32, #tpu.memory_space<hbm>>
        tpu.wait_dma2 semaphore(%arg17 : memref<!tpu.dma_semaphore, #tpu.memory_space<semaphore_mem>>) src(%dma_wait3A_120 : memref<1x80xi32, #tpu.memory_space<hbm>>) dst(%arg8 : memref<1x80xi32, #tpu.memory_space<vmem>>)
        %run_scoped3A = arith.constant 0 : i32
        "tpu.region"() ({
          %run_scoped3A_128 = tpu.sem_alloc : memref<!tpu.dma_semaphore, #tpu.memory_space<semaphore_mem>>
          %dma_start3A_129 = arith.constant 0 : i32
          %dma_start3A_130 = tpu.memref_slice %arg8[%run_scoped3A, %dma_start3A_129] : memref<1x80xi32, #tpu.memory_space<vmem>> -> memref<1x80xi32, #tpu.memory_space<vmem>>
          %dma_start3A_131 = tpu.memref_squeeze %dma_start3A_130 : memref<1x80xi32, #tpu.memory_space<vmem>> -> memref<80xi32, #tpu.memory_space<vmem>>
          %dma_start3A_132 = arith.constant 0 : i32
          %dma_start3A_133 = arith.constant 0 : i32
          %dma_start3A_134 = tpu.memref_slice %arg6[%dma_start3A_132, %dma_start3A_133] : memref<10000x128xf32, #tpu.memory_space<vmem_shared>> -> memref<10000x128xf32, #tpu.memory_space<vmem_shared>>
          tpu.enqueue_indirect_dma source(%arg11 : memref<80x128xf32, #tpu.memory_space<vmem>>) target(%dma_start3A_134 : memref<10000x128xf32, #tpu.memory_space<vmem_shared>>) offsets(%dma_start3A_131 : memref<80xi32, #tpu.memory_space<vmem>>) semaphore(%run_scoped3A_128 : memref<!tpu.dma_semaphore, #tpu.memory_space<semaphore_mem>>) {add = true}
          %dma_wait3A_135 = arith.constant 0 : i32
          %dma_wait3A_136 = tpu.memref_slice %arg8[%run_scoped3A, %dma_wait3A_135] : memref<1x80xi32, #tpu.memory_space<vmem>> -> memref<1x80xi32, #tpu.memory_space<vmem>>
          %dma_wait3A_137 = tpu.memref_squeeze %dma_wait3A_136 : memref<1x80xi32, #tpu.memory_space<vmem>> -> memref<80xi32, #tpu.memory_space<vmem>>
          %dma_wait3A_138 = arith.constant 0 : i32
          %dma_wait3A_139 = arith.constant 0 : i32
          %dma_wait3A_140 = tpu.memref_slice %arg6[%dma_wait3A_138, %dma_wait3A_139] : memref<10000x128xf32, #tpu.memory_space<vmem_shared>> -> memref<10000x128xf32, #tpu.memory_space<vmem_shared>>
          tpu.wait_indirect_dma semaphore(%run_scoped3A_128 : memref<!tpu.dma_semaphore, #tpu.memory_space<semaphore_mem>>) src(%arg11 : memref<80x128xf32, #tpu.memory_space<vmem>>) dst(%dma_wait3A_140 : memref<10000x128xf32, #tpu.memory_space<vmem_shared>>)
          tpu.yield
        }) : () -> ()
        %add3A_121 = arith.constant 3 : i32
        %add3A_122 = arith.addi %add3A_78, %add3A_121 : i32
        %lt3A_123 = arith.constant 125 : i32
        %lt3A_124 = arith.cmpi slt, %add3A_122, %lt3A_123 : i32
        %convert_element_type3A_125 = arith.extui %lt3A_124 : i1 to i32
        %cond3A_126 = arith.constant 0 : i32
        %cond3A_127 = arith.cmpi ne, %convert_element_type3A_125, %cond3A_126 : i32
        scf.if %cond3A_127 {
          %add3A_128 = arith.addi %mul3A_18, %add3A_78 : i32
          %add3A_129 = arith.constant 3 : i32
          %add3A_130 = arith.addi %add3A_128, %add3A_129 : i32
          %dma_start3A_131 = arith.constant 0 : i32
          %dma_start3A_132 = arith.constant 0 : i32
          %dma_start3A_133 = tpu.memref_slice %arg4[%add3A_130, %dma_start3A_131, %dma_start3A_132] : memref<4000x1x80xi32, #tpu.memory_space<hbm>> -> memref<1x1x80xi32, #tpu.memory_space<hbm>>
          %dma_start3A_134 = tpu.memref_squeeze %dma_start3A_133 : memref<1x1x80xi32, #tpu.memory_space<hbm>> -> memref<1x80xi32, #tpu.memory_space<hbm>>
          %dma_start3A_135 = arith.constant 0 : i32
          %dma_start3A_136 = arith.constant 0 : i32
          %dma_start3A_137 = tpu.memref_slice %arg4[%add3A_130, %dma_start3A_135, %dma_start3A_136] : memref<4000x1x80xi32, #tpu.memory_space<hbm>> -> memref<1x1x80xi32, #tpu.memory_space<hbm>>
          %dma_start3A_138 = tpu.memref_squeeze %dma_start3A_137 : memref<1x1x80xi32, #tpu.memory_space<hbm>> -> memref<1x80xi32, #tpu.memory_space<hbm>>
          tpu.enqueue_dma source(%dma_start3A_138 : memref<1x80xi32, #tpu.memory_space<hbm>>) target(%arg8 : memref<1x80xi32, #tpu.memory_space<vmem>>) target_semaphore(%arg17 : memref<!tpu.dma_semaphore, #tpu.memory_space<semaphore_mem>>)
        } else {
        }
      } else {
      }
      %mul3A_81 = arith.constant 3 : i32
      %mul3A_82 = arith.muli %mul3A_81, %scan3A_73 : i32
      %add3A_83 = arith.constant 1 : i32
      %add3A_84 = arith.addi %mul3A_82, %add3A_83 : i32
      %lt3A_85 = arith.constant 125 : i32
      %lt3A_86 = arith.cmpi slt, %add3A_84, %lt3A_85 : i32
      %convert_element_type3A_87 = arith.extui %lt3A_86 : i1 to i32
      %cond3A_88 = arith.constant 0 : i32
      %cond3A_89 = arith.cmpi ne, %convert_element_type3A_87, %cond3A_88 : i32
      scf.if %cond3A_89 {
        %mul3A_100 = arith.constant 80 : i32
        %mul3A_101 = arith.muli %add3A_84, %mul3A_100 : i32
        %dma_wait3A = tpu.memref_slice %arg7[%mul3A_101] : memref<10000xi32, #tpu.memory_space<vmem>> -> memref<80xi32, #tpu.memory_space<vmem>>
        %dma_wait3A_102 = arith.constant 0 : i32
        %dma_wait3A_103 = arith.constant 0 : i32
        %dma_wait3A_104 = tpu.memref_slice %arg2[%dma_wait3A_102, %dma_wait3A_103] : memref<10000x128xf32, #tpu.memory_space<hbm>> -> memref<10000x128xf32, #tpu.memory_space<hbm>>
        tpu.wait_indirect_dma semaphore(%arg15 : memref<!tpu.dma_semaphore, #tpu.memory_space<semaphore_mem>>) src(%dma_wait3A_104 : memref<10000x128xf32, #tpu.memory_space<hbm>>) dst(%arg12 : memref<80x128xf32, #tpu.memory_space<vmem>>)
        %add3A_105 = arith.constant 2 : i32
        %add3A_106 = arith.addi %add3A_84, %add3A_105 : i32
        %lt3A_107 = arith.constant 125 : i32
        %lt3A_108 = arith.cmpi slt, %add3A_106, %lt3A_107 : i32
        %convert_element_type3A_109 = arith.extui %lt3A_108 : i1 to i32
        %cond3A_110 = arith.constant 0 : i32
        %cond3A_111 = arith.cmpi ne, %convert_element_type3A_109, %cond3A_110 : i32
        scf.if %cond3A_111 {
          %add3A_128 = arith.constant 2 : i32
          %add3A_129 = arith.addi %add3A_84, %add3A_128 : i32
          %mul3A_130 = arith.constant 80 : i32
          %mul3A_131 = arith.muli %add3A_129, %mul3A_130 : i32
          %dma_start3A_132 = tpu.memref_slice %arg7[%mul3A_131] : memref<10000xi32, #tpu.memory_space<vmem>> -> memref<80xi32, #tpu.memory_space<vmem>>
          %dma_start3A_133 = arith.constant 0 : i32
          %dma_start3A_134 = arith.constant 0 : i32
          %dma_start3A_135 = tpu.memref_slice %arg2[%dma_start3A_133, %dma_start3A_134] : memref<10000x128xf32, #tpu.memory_space<hbm>> -> memref<10000x128xf32, #tpu.memory_space<hbm>>
          tpu.enqueue_indirect_dma source(%dma_start3A_135 : memref<10000x128xf32, #tpu.memory_space<hbm>>) target(%arg11 : memref<80x128xf32, #tpu.memory_space<vmem>>) offsets(%dma_start3A_132 : memref<80xi32, #tpu.memory_space<vmem>>) semaphore(%arg14 : memref<!tpu.dma_semaphore, #tpu.memory_space<semaphore_mem>>)
        } else {
        }
        %add3A_112 = arith.addi %mul3A_18, %add3A_84 : i32
        %dma_wait3A_113 = arith.constant 0 : i32
        %dma_wait3A_114 = arith.constant 0 : i32
        %dma_wait3A_115 = tpu.memref_slice %arg4[%add3A_112, %dma_wait3A_113, %dma_wait3A_114] : memref<4000x1x80xi32, #tpu.memory_space<hbm>> -> memref<1x1x80xi32, #tpu.memory_space<hbm>>
        %dma_wait3A_116 = tpu.memref_squeeze %dma_wait3A_115 : memref<1x1x80xi32, #tpu.memory_space<hbm>> -> memref<1x80xi32, #tpu.memory_space<hbm>>
        %dma_wait3A_117 = arith.constant 0 : i32
        %dma_wait3A_118 = arith.constant 0 : i32
        %dma_wait3A_119 = tpu.memref_slice %arg4[%add3A_112, %dma_wait3A_117, %dma_wait3A_118] : memref<4000x1x80xi32, #tpu.memory_space<hbm>> -> memref<1x1x80xi32, #tpu.memory_space<hbm>>
        %dma_wait3A_120 = tpu.memref_squeeze %dma_wait3A_119 : memref<1x1x80xi32, #tpu.memory_space<hbm>> -> memref<1x80xi32, #tpu.memory_space<hbm>>
        tpu.wait_dma2 semaphore(%arg18 : memref<!tpu.dma_semaphore, #tpu.memory_space<semaphore_mem>>) src(%dma_wait3A_120 : memref<1x80xi32, #tpu.memory_space<hbm>>) dst(%arg9 : memref<1x80xi32, #tpu.memory_space<vmem>>)
        %run_scoped3A = arith.constant 0 : i32
        "tpu.region"() ({
          %run_scoped3A_128 = tpu.sem_alloc : memref<!tpu.dma_semaphore, #tpu.memory_space<semaphore_mem>>
          %dma_start3A_129 = arith.constant 0 : i32
          %dma_start3A_130 = tpu.memref_slice %arg9[%run_scoped3A, %dma_start3A_129] : memref<1x80xi32, #tpu.memory_space<vmem>> -> memref<1x80xi32, #tpu.memory_space<vmem>>
          %dma_start3A_131 = tpu.memref_squeeze %dma_start3A_130 : memref<1x80xi32, #tpu.memory_space<vmem>> -> memref<80xi32, #tpu.memory_space<vmem>>
          %dma_start3A_132 = arith.constant 0 : i32
          %dma_start3A_133 = arith.constant 0 : i32
          %dma_start3A_134 = tpu.memref_slice %arg6[%dma_start3A_132, %dma_start3A_133] : memref<10000x128xf32, #tpu.memory_space<vmem_shared>> -> memref<10000x128xf32, #tpu.memory_space<vmem_shared>>
          tpu.enqueue_indirect_dma source(%arg12 : memref<80x128xf32, #tpu.memory_space<vmem>>) target(%dma_start3A_134 : memref<10000x128xf32, #tpu.memory_space<vmem_shared>>) offsets(%dma_start3A_131 : memref<80xi32, #tpu.memory_space<vmem>>) semaphore(%run_scoped3A_128 : memref<!tpu.dma_semaphore, #tpu.memory_space<semaphore_mem>>) {add = true}
          %dma_wait3A_135 = arith.constant 0 : i32
          %dma_wait3A_136 = tpu.memref_slice %arg9[%run_scoped3A, %dma_wait3A_135] : memref<1x80xi32, #tpu.memory_space<vmem>> -> memref<1x80xi32, #tpu.memory_space<vmem>>
          %dma_wait3A_137 = tpu.memref_squeeze %dma_wait3A_136 : memref<1x80xi32, #tpu.memory_space<vmem>> -> memref<80xi32, #tpu.memory_space<vmem>>
          %dma_wait3A_138 = arith.constant 0 : i32
          %dma_wait3A_139 = arith.constant 0 : i32
          %dma_wait3A_140 = tpu.memref_slice %arg6[%dma_wait3A_138, %dma_wait3A_139] : memref<10000x128xf32, #tpu.memory_space<vmem_shared>> -> memref<10000x128xf32, #tpu.memory_space<vmem_shared>>
          tpu.wait_indirect_dma semaphore(%run_scoped3A_128 : memref<!tpu.dma_semaphore, #tpu.memory_space<semaphore_mem>>) src(%arg12 : memref<80x128xf32, #tpu.memory_space<vmem>>) dst(%dma_wait3A_140 : memref<10000x128xf32, #tpu.memory_space<vmem_shared>>)
          tpu.yield
        }) : () -> ()
        %add3A_121 = arith.constant 3 : i32
        %add3A_122 = arith.addi %add3A_84, %add3A_121 : i32
        %lt3A_123 = arith.constant 125 : i32
        %lt3A_124 = arith.cmpi slt, %add3A_122, %lt3A_123 : i32
        %convert_element_type3A_125 = arith.extui %lt3A_124 : i1 to i32
        %cond3A_126 = arith.constant 0 : i32
        %cond3A_127 = arith.cmpi ne, %convert_element_type3A_125, %cond3A_126 : i32
        scf.if %cond3A_127 {
          %add3A_128 = arith.addi %mul3A_18, %add3A_84 : i32
          %add3A_129 = arith.constant 3 : i32
          %add3A_130 = arith.addi %add3A_128, %add3A_129 : i32
          %dma_start3A_131 = arith.constant 0 : i32
          %dma_start3A_132 = arith.constant 0 : i32
          %dma_start3A_133 = tpu.memref_slice %arg4[%add3A_130, %dma_start3A_131, %dma_start3A_132] : memref<4000x1x80xi32, #tpu.memory_space<hbm>> -> memref<1x1x80xi32, #tpu.memory_space<hbm>>
          %dma_start3A_134 = tpu.memref_squeeze %dma_start3A_133 : memref<1x1x80xi32, #tpu.memory_space<hbm>> -> memref<1x80xi32, #tpu.memory_space<hbm>>
          %dma_start3A_135 = arith.constant 0 : i32
          %dma_start3A_136 = arith.constant 0 : i32
          %dma_start3A_137 = tpu.memref_slice %arg4[%add3A_130, %dma_start3A_135, %dma_start3A_136] : memref<4000x1x80xi32, #tpu.memory_space<hbm>> -> memref<1x1x80xi32, #tpu.memory_space<hbm>>
          %dma_start3A_138 = tpu.memref_squeeze %dma_start3A_137 : memref<1x1x80xi32, #tpu.memory_space<hbm>> -> memref<1x80xi32, #tpu.memory_space<hbm>>
          tpu.enqueue_dma source(%dma_start3A_138 : memref<1x80xi32, #tpu.memory_space<hbm>>) target(%arg9 : memref<1x80xi32, #tpu.memory_space<vmem>>) target_semaphore(%arg18 : memref<!tpu.dma_semaphore, #tpu.memory_space<semaphore_mem>>)
        } else {
        }
      } else {
      }
      %mul3A_90 = arith.constant 3 : i32
      %mul3A_91 = arith.muli %mul3A_90, %scan3A_73 : i32
      %add3A_92 = arith.constant 2 : i32
      %add3A_93 = arith.addi %mul3A_91, %add3A_92 : i32
      %lt3A_94 = arith.constant 125 : i32
      %lt3A_95 = arith.cmpi slt, %add3A_93, %lt3A_94 : i32
      %convert_element_type3A_96 = arith.extui %lt3A_95 : i1 to i32
      %cond3A_97 = arith.constant 0 : i32
      %cond3A_98 = arith.cmpi ne, %convert_element_type3A_96, %cond3A_97 : i32
      scf.if %cond3A_98 {
        %mul3A_100 = arith.constant 80 : i32
        %mul3A_101 = arith.muli %add3A_93, %mul3A_100 : i32
        %dma_wait3A = tpu.memref_slice %arg7[%mul3A_101] : memref<10000xi32, #tpu.memory_space<vmem>> -> memref<80xi32, #tpu.memory_space<vmem>>
        %dma_wait3A_102 = arith.constant 0 : i32
        %dma_wait3A_103 = arith.constant 0 : i32
        %dma_wait3A_104 = tpu.memref_slice %arg2[%dma_wait3A_102, %dma_wait3A_103] : memref<10000x128xf32, #tpu.memory_space<hbm>> -> memref<10000x128xf32, #tpu.memory_space<hbm>>
        tpu.wait_indirect_dma semaphore(%arg16 : memref<!tpu.dma_semaphore, #tpu.memory_space<semaphore_mem>>) src(%dma_wait3A_104 : memref<10000x128xf32, #tpu.memory_space<hbm>>) dst(%arg13 : memref<80x128xf32, #tpu.memory_space<vmem>>)
        %add3A_105 = arith.constant 2 : i32
        %add3A_106 = arith.addi %add3A_93, %add3A_105 : i32
        %lt3A_107 = arith.constant 125 : i32
        %lt3A_108 = arith.cmpi slt, %add3A_106, %lt3A_107 : i32
        %convert_element_type3A_109 = arith.extui %lt3A_108 : i1 to i32
        %cond3A_110 = arith.constant 0 : i32
        %cond3A_111 = arith.cmpi ne, %convert_element_type3A_109, %cond3A_110 : i32
        scf.if %cond3A_111 {
          %add3A_128 = arith.constant 2 : i32
          %add3A_129 = arith.addi %add3A_93, %add3A_128 : i32
          %mul3A_130 = arith.constant 80 : i32
          %mul3A_131 = arith.muli %add3A_129, %mul3A_130 : i32
          %dma_start3A_132 = tpu.memref_slice %arg7[%mul3A_131] : memref<10000xi32, #tpu.memory_space<vmem>> -> memref<80xi32, #tpu.memory_space<vmem>>
          %dma_start3A_133 = arith.constant 0 : i32
          %dma_start3A_134 = arith.constant 0 : i32
          %dma_start3A_135 = tpu.memref_slice %arg2[%dma_start3A_133, %dma_start3A_134] : memref<10000x128xf32, #tpu.memory_space<hbm>> -> memref<10000x128xf32, #tpu.memory_space<hbm>>
          tpu.enqueue_indirect_dma source(%dma_start3A_135 : memref<10000x128xf32, #tpu.memory_space<hbm>>) target(%arg12 : memref<80x128xf32, #tpu.memory_space<vmem>>) offsets(%dma_start3A_132 : memref<80xi32, #tpu.memory_space<vmem>>) semaphore(%arg15 : memref<!tpu.dma_semaphore, #tpu.memory_space<semaphore_mem>>)
        } else {
        }
        %add3A_112 = arith.addi %mul3A_18, %add3A_93 : i32
        %dma_wait3A_113 = arith.constant 0 : i32
        %dma_wait3A_114 = arith.constant 0 : i32
        %dma_wait3A_115 = tpu.memref_slice %arg4[%add3A_112, %dma_wait3A_113, %dma_wait3A_114] : memref<4000x1x80xi32, #tpu.memory_space<hbm>> -> memref<1x1x80xi32, #tpu.memory_space<hbm>>
        %dma_wait3A_116 = tpu.memref_squeeze %dma_wait3A_115 : memref<1x1x80xi32, #tpu.memory_space<hbm>> -> memref<1x80xi32, #tpu.memory_space<hbm>>
        %dma_wait3A_117 = arith.constant 0 : i32
        %dma_wait3A_118 = arith.constant 0 : i32
        %dma_wait3A_119 = tpu.memref_slice %arg4[%add3A_112, %dma_wait3A_117, %dma_wait3A_118] : memref<4000x1x80xi32, #tpu.memory_space<hbm>> -> memref<1x1x80xi32, #tpu.memory_space<hbm>>
        %dma_wait3A_120 = tpu.memref_squeeze %dma_wait3A_119 : memref<1x1x80xi32, #tpu.memory_space<hbm>> -> memref<1x80xi32, #tpu.memory_space<hbm>>
        tpu.wait_dma2 semaphore(%arg19 : memref<!tpu.dma_semaphore, #tpu.memory_space<semaphore_mem>>) src(%dma_wait3A_120 : memref<1x80xi32, #tpu.memory_space<hbm>>) dst(%arg10 : memref<1x80xi32, #tpu.memory_space<vmem>>)
        %run_scoped3A = arith.constant 0 : i32
        "tpu.region"() ({
          %run_scoped3A_128 = tpu.sem_alloc : memref<!tpu.dma_semaphore, #tpu.memory_space<semaphore_mem>>
          %dma_start3A_129 = arith.constant 0 : i32
          %dma_start3A_130 = tpu.memref_slice %arg10[%run_scoped3A, %dma_start3A_129] : memref<1x80xi32, #tpu.memory_space<vmem>> -> memref<1x80xi32, #tpu.memory_space<vmem>>
          %dma_start3A_131 = tpu.memref_squeeze %dma_start3A_130 : memref<1x80xi32, #tpu.memory_space<vmem>> -> memref<80xi32, #tpu.memory_space<vmem>>
          %dma_start3A_132 = arith.constant 0 : i32
          %dma_start3A_133 = arith.constant 0 : i32
          %dma_start3A_134 = tpu.memref_slice %arg6[%dma_start3A_132, %dma_start3A_133] : memref<10000x128xf32, #tpu.memory_space<vmem_shared>> -> memref<10000x128xf32, #tpu.memory_space<vmem_shared>>
          tpu.enqueue_indirect_dma source(%arg13 : memref<80x128xf32, #tpu.memory_space<vmem>>) target(%dma_start3A_134 : memref<10000x128xf32, #tpu.memory_space<vmem_shared>>) offsets(%dma_start3A_131 : memref<80xi32, #tpu.memory_space<vmem>>) semaphore(%run_scoped3A_128 : memref<!tpu.dma_semaphore, #tpu.memory_space<semaphore_mem>>) {add = true}
          %dma_wait3A_135 = arith.constant 0 : i32
          %dma_wait3A_136 = tpu.memref_slice %arg10[%run_scoped3A, %dma_wait3A_135] : memref<1x80xi32, #tpu.memory_space<vmem>> -> memref<1x80xi32, #tpu.memory_space<vmem>>
          %dma_wait3A_137 = tpu.memref_squeeze %dma_wait3A_136 : memref<1x80xi32, #tpu.memory_space<vmem>> -> memref<80xi32, #tpu.memory_space<vmem>>
          %dma_wait3A_138 = arith.constant 0 : i32
          %dma_wait3A_139 = arith.constant 0 : i32
          %dma_wait3A_140 = tpu.memref_slice %arg6[%dma_wait3A_138, %dma_wait3A_139] : memref<10000x128xf32, #tpu.memory_space<vmem_shared>> -> memref<10000x128xf32, #tpu.memory_space<vmem_shared>>
          tpu.wait_indirect_dma semaphore(%run_scoped3A_128 : memref<!tpu.dma_semaphore, #tpu.memory_space<semaphore_mem>>) src(%arg13 : memref<80x128xf32, #tpu.memory_space<vmem>>) dst(%dma_wait3A_140 : memref<10000x128xf32, #tpu.memory_space<vmem_shared>>)
          tpu.yield
        }) : () -> ()
        %add3A_121 = arith.constant 3 : i32
        %add3A_122 = arith.addi %add3A_93, %add3A_121 : i32
        %lt3A_123 = arith.constant 125 : i32
        %lt3A_124 = arith.cmpi slt, %add3A_122, %lt3A_123 : i32
        %convert_element_type3A_125 = arith.extui %lt3A_124 : i1 to i32
        %cond3A_126 = arith.constant 0 : i32
        %cond3A_127 = arith.cmpi ne, %convert_element_type3A_125, %cond3A_126 : i32
        scf.if %cond3A_127 {
          %add3A_128 = arith.addi %mul3A_18, %add3A_93 : i32
          %add3A_129 = arith.constant 3 : i32
          %add3A_130 = arith.addi %add3A_128, %add3A_129 : i32
          %dma_start3A_131 = arith.constant 0 : i32
          %dma_start3A_132 = arith.constant 0 : i32
          %dma_start3A_133 = tpu.memref_slice %arg4[%add3A_130, %dma_start3A_131, %dma_start3A_132] : memref<4000x1x80xi32, #tpu.memory_space<hbm>> -> memref<1x1x80xi32, #tpu.memory_space<hbm>>
          %dma_start3A_134 = tpu.memref_squeeze %dma_start3A_133 : memref<1x1x80xi32, #tpu.memory_space<hbm>> -> memref<1x80xi32, #tpu.memory_space<hbm>>
          %dma_start3A_135 = arith.constant 0 : i32
          %dma_start3A_136 = arith.constant 0 : i32
          %dma_start3A_137 = tpu.memref_slice %arg4[%add3A_130, %dma_start3A_135, %dma_start3A_136] : memref<4000x1x80xi32, #tpu.memory_space<hbm>> -> memref<1x1x80xi32, #tpu.memory_space<hbm>>
          %dma_start3A_138 = tpu.memref_squeeze %dma_start3A_137 : memref<1x1x80xi32, #tpu.memory_space<hbm>> -> memref<1x80xi32, #tpu.memory_space<hbm>>
          tpu.enqueue_dma source(%dma_start3A_138 : memref<1x80xi32, #tpu.memory_space<hbm>>) target(%arg10 : memref<1x80xi32, #tpu.memory_space<vmem>>) target_semaphore(%arg19 : memref<!tpu.dma_semaphore, #tpu.memory_space<semaphore_mem>>)
        } else {
        }
      } else {
      }
      %scan3A_99 = arith.constant 0 : i32
      scf.yield %scan3A_99 : i32
    }
    %scan3A_64 = arith.constant 42 : i32
    %barrier3A_65 = arith.constant 0 : index
    tpu.barrier barrier_id(%barrier3A_65)
    %scan3A_66 = arith.constant 0 : i32
    %scan3A_67 = arith.constant 0 : i32
    %scan3A_68 = arith.constant 8 : i32
    %scan3A_69 = arith.addi %scan3A_67, %scan3A_68 : i32
    %scan3A_70 = arith.constant 1 : i32
    %scan3A_71 = scf.for %scan3A_73 = %scan3A_67 to %scan3A_69 step %scan3A_70 iter_args(%scan3A_74 = %scan3A_66) -> (i32)  : i32 {
      %mul3A_75 = arith.constant 16 : i32
      %mul3A_76 = arith.muli %scan3A_73, %mul3A_75 : i32
      %add3A_77 = arith.addi %mul3A_76, %arg1 : i32
      %lt3A = arith.constant 125 : i32
      %lt3A_78 = arith.cmpi slt, %add3A_77, %lt3A : i32
      %convert_element_type3A = arith.extui %lt3A_78 : i1 to i32
      %cond3A = arith.constant 0 : i32
      %cond3A_79 = arith.cmpi ne, %convert_element_type3A, %cond3A : i32
      scf.if %cond3A_79 {
        %mul3A_81 = arith.constant 80 : i32
        %mul3A_82 = arith.muli %add3A_77, %mul3A_81 : i32
        "tpu.region"() ({
          %run_scoped3A = tpu.sem_alloc : memref<!tpu.dma_semaphore, #tpu.memory_space<semaphore_mem>>
          %dma_start3A_83 = arith.constant 0 : i32
          %dma_start3A_84 = arith.constant 0 : i32
          %dma_start3A_85 = tpu.memref_slice %arg11[%dma_start3A_83, %dma_start3A_84] : memref<80x128xf32, #tpu.memory_space<vmem>> -> memref<80x128xf32, #tpu.memory_space<vmem>>
          %dma_start3A_86 = arith.constant 0 : i32
          %dma_start3A_87 = tpu.memref_slice %arg6[%mul3A_82, %dma_start3A_86] : memref<10000x128xf32, #tpu.memory_space<vmem_shared>> -> memref<80x128xf32, #tpu.memory_space<vmem_shared>>
          %dma_start3A_88 = arith.constant 0 : i32
          %dma_start3A_89 = arith.constant 0 : i32
          %dma_start3A_90 = tpu.memref_slice %arg11[%dma_start3A_88, %dma_start3A_89] : memref<80x128xf32, #tpu.memory_space<vmem>> -> memref<80x128xf32, #tpu.memory_space<vmem>>
          %dma_start3A_91 = arith.constant 0 : i32
          %dma_start3A_92 = tpu.memref_slice %arg6[%mul3A_82, %dma_start3A_91] : memref<10000x128xf32, #tpu.memory_space<vmem_shared>> -> memref<80x128xf32, #tpu.memory_space<vmem_shared>>
          tpu.enqueue_dma source(%dma_start3A_92 : memref<80x128xf32, #tpu.memory_space<vmem_shared>>) target(%dma_start3A_90 : memref<80x128xf32, #tpu.memory_space<vmem>>) target_semaphore(%run_scoped3A : memref<!tpu.dma_semaphore, #tpu.memory_space<semaphore_mem>>)
          %dma_wait3A = arith.constant 0 : i32
          %dma_wait3A_93 = arith.constant 0 : i32
          %dma_wait3A_94 = tpu.memref_slice %arg11[%dma_wait3A, %dma_wait3A_93] : memref<80x128xf32, #tpu.memory_space<vmem>> -> memref<80x128xf32, #tpu.memory_space<vmem>>
          %dma_wait3A_95 = arith.constant 0 : i32
          %dma_wait3A_96 = tpu.memref_slice %arg6[%mul3A_82, %dma_wait3A_95] : memref<10000x128xf32, #tpu.memory_space<vmem_shared>> -> memref<80x128xf32, #tpu.memory_space<vmem_shared>>
          %dma_wait3A_97 = arith.constant 0 : i32
          %dma_wait3A_98 = arith.constant 0 : i32
          %dma_wait3A_99 = tpu.memref_slice %arg11[%dma_wait3A_97, %dma_wait3A_98] : memref<80x128xf32, #tpu.memory_space<vmem>> -> memref<80x128xf32, #tpu.memory_space<vmem>>
          %dma_wait3A_100 = arith.constant 0 : i32
          %dma_wait3A_101 = tpu.memref_slice %arg6[%mul3A_82, %dma_wait3A_100] : memref<10000x128xf32, #tpu.memory_space<vmem_shared>> -> memref<80x128xf32, #tpu.memory_space<vmem_shared>>
          tpu.wait_dma2 semaphore(%run_scoped3A : memref<!tpu.dma_semaphore, #tpu.memory_space<semaphore_mem>>) src(%dma_wait3A_101 : memref<80x128xf32, #tpu.memory_space<vmem_shared>>) dst(%dma_wait3A_99 : memref<80x128xf32, #tpu.memory_space<vmem>>)
          tpu.yield
        }) : () -> ()
        "tpu.region"() ({
          %run_scoped3A = tpu.sem_alloc : memref<!tpu.dma_semaphore, #tpu.memory_space<semaphore_mem>>
          %dma_start3A_83 = arith.constant 0 : i32
          %dma_start3A_84 = arith.constant 0 : i32
          %dma_start3A_85 = tpu.memref_slice %arg11[%dma_start3A_83, %dma_start3A_84] : memref<80x128xf32, #tpu.memory_space<vmem>> -> memref<80x128xf32, #tpu.memory_space<vmem>>
          %dma_start3A_86 = arith.constant 0 : i32
          %dma_start3A_87 = tpu.memref_slice %arg5[%arg0, %mul3A_82, %dma_start3A_86] : memref<2x10000x128xf32, #tpu.memory_space<hbm>> -> memref<1x80x128xf32, #tpu.memory_space<hbm>>
          %dma_start3A_88 = tpu.memref_squeeze %dma_start3A_87 : memref<1x80x128xf32, #tpu.memory_space<hbm>> -> memref<80x128xf32, #tpu.memory_space<hbm>>
          %dma_start3A_89 = arith.constant 0 : i32
          %dma_start3A_90 = tpu.memref_slice %arg5[%arg0, %mul3A_82, %dma_start3A_89] : memref<2x10000x128xf32, #tpu.memory_space<hbm>> -> memref<1x80x128xf32, #tpu.memory_space<hbm>>
          %dma_start3A_91 = tpu.memref_squeeze %dma_start3A_90 : memref<1x80x128xf32, #tpu.memory_space<hbm>> -> memref<80x128xf32, #tpu.memory_space<hbm>>
          %dma_start3A_92 = arith.constant 0 : i32
          %dma_start3A_93 = arith.constant 0 : i32
          %dma_start3A_94 = tpu.memref_slice %arg11[%dma_start3A_92, %dma_start3A_93] : memref<80x128xf32, #tpu.memory_space<vmem>> -> memref<80x128xf32, #tpu.memory_space<vmem>>
          tpu.enqueue_dma source(%dma_start3A_94 : memref<80x128xf32, #tpu.memory_space<vmem>>) target(%dma_start3A_91 : memref<80x128xf32, #tpu.memory_space<hbm>>) target_semaphore(%run_scoped3A : memref<!tpu.dma_semaphore, #tpu.memory_space<semaphore_mem>>)
          %dma_wait3A = arith.constant 0 : i32
          %dma_wait3A_95 = arith.constant 0 : i32
          %dma_wait3A_96 = tpu.memref_slice %arg11[%dma_wait3A, %dma_wait3A_95] : memref<80x128xf32, #tpu.memory_space<vmem>> -> memref<80x128xf32, #tpu.memory_space<vmem>>
          %dma_wait3A_97 = arith.constant 0 : i32
          %dma_wait3A_98 = tpu.memref_slice %arg5[%arg0, %mul3A_82, %dma_wait3A_97] : memref<2x10000x128xf32, #tpu.memory_space<hbm>> -> memref<1x80x128xf32, #tpu.memory_space<hbm>>
          %dma_wait3A_99 = tpu.memref_squeeze %dma_wait3A_98 : memref<1x80x128xf32, #tpu.memory_space<hbm>> -> memref<80x128xf32, #tpu.memory_space<hbm>>
          %dma_wait3A_100 = arith.constant 0 : i32
          %dma_wait3A_101 = tpu.memref_slice %arg5[%arg0, %mul3A_82, %dma_wait3A_100] : memref<2x10000x128xf32, #tpu.memory_space<hbm>> -> memref<1x80x128xf32, #tpu.memory_space<hbm>>
          %dma_wait3A_102 = tpu.memref_squeeze %dma_wait3A_101 : memref<1x80x128xf32, #tpu.memory_space<hbm>> -> memref<80x128xf32, #tpu.memory_space<hbm>>
          %dma_wait3A_103 = arith.constant 0 : i32
          %dma_wait3A_104 = arith.constant 0 : i32
          %dma_wait3A_105 = tpu.memref_slice %arg11[%dma_wait3A_103, %dma_wait3A_104] : memref<80x128xf32, #tpu.memory_space<vmem>> -> memref<80x128xf32, #tpu.memory_space<vmem>>
          tpu.wait_dma2 semaphore(%run_scoped3A : memref<!tpu.dma_semaphore, #tpu.memory_space<semaphore_mem>>) src(%dma_wait3A_105 : memref<80x128xf32, #tpu.memory_space<vmem>>) dst(%dma_wait3A_102 : memref<80x128xf32, #tpu.memory_space<hbm>>)
          tpu.yield
        }) : () -> ()
      } else {
      }
      %scan3A_80 = arith.constant 0 : i32
      scf.yield %scan3A_80 : i32
    }
    %scan3A_72 = arith.constant 8 : i32
    return
  }
}

module attributes {stable_mosaic.version = 14 : i64} {
  func.func @body(%arg0: i32, %arg1: memref<2x2000x128xf32, #tpu.memory_space<vmem>>, %arg2: memref<2000x128xf32, #tpu.memory_space<vmem>>, %arg3: memref<2000x1xf32, #tpu.memory_space<vmem>>, %arg4: memref<2000x128xf32, #tpu.memory_space<vmem>>) attributes {dimension_semantics = [#tpu.dimension_semantics<arbitrary>], iteration_bounds = array<i64: 5>, scalar_prefetch = 0 : i64, scratch_operands = 0 : i64, tpu.core_type = #tpu.core_type<tc>, window_params = [{transform_indices = @transform_0, window_bounds = array<i64: 2, 2000, 128>}, {transform_indices = @transform_1, window_bounds = array<i64: 2000, 128>}, {transform_indices = @transform_2, window_bounds = array<i64: 2000, 1>}, {transform_indices = @transform_3, window_bounds = array<i64: 2000, 128>}]} {
    %get3A = arith.constant 0 : index
    %get3A_0 = arith.constant 0 : index
    %get3A_1 = arith.constant 0 : index
    %get3A_2 = vector.load %arg1[%get3A, %get3A_0, %get3A_1] : memref<2x2000x128xf32, #tpu.memory_space<vmem>>, vector<1x2000x1xf32>
    %get3A_3 = vector.shape_cast %get3A_2 : vector<1x2000x1xf32> to vector<2000x1xf32>
    %get3A_4 = arith.constant 1 : index
    %get3A_5 = arith.constant 0 : index
    %get3A_6 = arith.constant 0 : index
    %get3A_7 = vector.load %arg1[%get3A_4, %get3A_5, %get3A_6] : memref<2x2000x128xf32, #tpu.memory_space<vmem>>, vector<1x2000x1xf32>
    %get3A_8 = vector.shape_cast %get3A_7 : vector<1x2000x1xf32> to vector<2000x1xf32>
    %add3A = arith.addf %get3A_3, %get3A_8 : vector<2000x1xf32>
    %gt3A = arith.constant 0.000000e+00 : f32
    %gt3A_9 = vector.broadcast %gt3A : f32 to vector<2000x1xf32>
    %gt3A_10 = arith.cmpf ogt, %add3A, %gt3A_9 : vector<2000x1xf32>
    %max3A = arith.constant 1.000000e+00 : f32
    %max3A_11 = vector.broadcast %max3A : f32 to vector<2000x1xf32>
    %max3A_12 = arith.maximumf %add3A, %max3A_11 : vector<2000x1xf32>
    %rsqrt3A = math.rsqrt %max3A_12 : vector<2000x1xf32>
    %jit3A = arith.constant 0.000000e+00 : f32
    %broadcast_in_dim3A = vector.broadcast %jit3A : f32 to vector<2000x1xf32>
    %select_n3A = arith.select %gt3A_10, %rsqrt3A, %broadcast_in_dim3A : vector<2000x1xi1>, vector<2000x1xf32>
    %swap3A = arith.constant 0 : index
    %swap3A_13 = arith.constant 0 : index
    %swap3A_14 = vector.load %arg3[%swap3A, %swap3A_13] : memref<2000x1xf32, #tpu.memory_space<vmem>>, vector<2000x1xf32>
    tpu.vector_store %arg3[%swap3A, %swap3A_13], %select_n3A {strides = array<i32>} : memref<2000x1xf32, #tpu.memory_space<vmem>>, vector<2000x1xf32>,
    %get3A_15 = arith.constant 0 : index
    %get3A_16 = arith.constant 0 : index
    %get3A_17 = vector.load %arg2[%get3A_15, %get3A_16] : memref<2000x128xf32, #tpu.memory_space<vmem>>, vector<2000x128xf32>
    %mul3A = vector.broadcast %select_n3A : vector<2000x1xf32> to vector<2000x128xf32>
    %mul3A_18 = arith.mulf %mul3A, %get3A_17 : vector<2000x128xf32>
    %swap3A_19 = arith.constant 0 : index
    %swap3A_20 = arith.constant 0 : index
    %swap3A_21 = vector.load %arg4[%swap3A_19, %swap3A_20] : memref<2000x128xf32, #tpu.memory_space<vmem>>, vector<2000x128xf32>
    tpu.vector_store %arg4[%swap3A_19, %swap3A_20], %mul3A_18 {strides = array<i32>} : memref<2000x128xf32, #tpu.memory_space<vmem>>, vector<2000x128xf32>,
    return
  }
  func.func @transform_0(%arg0: i32) -> (i32, i32, i32) {
    %c0_i32 = arith.constant 0 : i32
    %c0_i32_0 = arith.constant 0 : i32
    %c0_i32_1 = arith.constant 0 : i32
    return %c0_i32, %arg0, %c0_i32_0 : i32, i32, i32
  }
  func.func @transform_1(%arg0: i32) -> (i32, i32) {
    %c0_i32 = arith.constant 0 : i32
    %c0_i32_0 = arith.constant 0 : i32
    return %arg0, %c0_i32 : i32, i32
  }
  func.func @transform_2(%arg0: i32) -> (i32, i32) {
    %c0_i32 = arith.constant 0 : i32
    %c0_i32_0 = arith.constant 0 : i32
    return %arg0, %c0_i32 : i32, i32
  }
  func.func @transform_3(%arg0: i32) -> (i32, i32) {
    %c0_i32 = arith.constant 0 : i32
    %c0_i32_0 = arith.constant 0 : i32
    return %arg0, %c0_i32 : i32, i32
  }
}

module attributes {stable_mosaic.version = 14 : i64} {
  func.func @body(%arg0: i32, %arg1: memref<2x2000x128xf32, #tpu.memory_space<vmem>>, %arg2: memref<2000x1xf32, #tpu.memory_space<vmem>>, %arg3: memref<2000x128xf32, #tpu.memory_space<vmem>>, %arg4: memref<2000x128xf32, #tpu.memory_space<vmem>>) attributes {dimension_semantics = [#tpu.dimension_semantics<arbitrary>], iteration_bounds = array<i64: 5>, scalar_prefetch = 0 : i64, scratch_operands = 0 : i64, tpu.core_type = #tpu.core_type<tc>, window_params = [{transform_indices = @transform_0, window_bounds = array<i64: 2, 2000, 128>}, {transform_indices = @transform_1, window_bounds = array<i64: 2000, 1>}, {transform_indices = @transform_2, window_bounds = array<i64: 2000, 128>}, {transform_indices = @transform_3, window_bounds = array<i64: 2000, 128>}]} {
    %get3A = arith.constant 0 : index
    %get3A_0 = arith.constant 0 : index
    %get3A_1 = vector.load %arg2[%get3A, %get3A_0] : memref<2000x1xf32, #tpu.memory_space<vmem>>, vector<2000x1xf32>
    %neg3A = arith.constant 0.000000e+00 : f32
    %neg3A_2 = vector.broadcast %neg3A : f32 to vector<2000x1xf32>
    %neg3A_3 = arith.subf %neg3A_2, %get3A_1 : vector<2000x1xf32>
    %get3A_4 = arith.constant 0 : index
    %get3A_5 = arith.constant 0 : index
    %get3A_6 = arith.constant 0 : index
    %get3A_7 = vector.load %arg1[%get3A_4, %get3A_5, %get3A_6] : memref<2x2000x128xf32, #tpu.memory_space<vmem>>, vector<1x2000x128xf32>
    %get3A_8 = vector.shape_cast %get3A_7 : vector<1x2000x128xf32> to vector<2000x128xf32>
    %get3A_9 = arith.constant 1 : index
    %get3A_10 = arith.constant 0 : index
    %get3A_11 = arith.constant 0 : index
    %get3A_12 = vector.load %arg1[%get3A_9, %get3A_10, %get3A_11] : memref<2x2000x128xf32, #tpu.memory_space<vmem>>, vector<1x2000x128xf32>
    %get3A_13 = vector.shape_cast %get3A_12 : vector<1x2000x128xf32> to vector<2000x128xf32>
    %add3A = arith.addf %get3A_8, %get3A_13 : vector<2000x128xf32>
    %mul3A = vector.broadcast %neg3A_3 : vector<2000x1xf32> to vector<2000x128xf32>
    %mul3A_14 = arith.mulf %mul3A, %add3A : vector<2000x128xf32>
    %swap3A = arith.constant 0 : index
    %swap3A_15 = arith.constant 0 : index
    %swap3A_16 = vector.load %arg3[%swap3A, %swap3A_15] : memref<2000x128xf32, #tpu.memory_space<vmem>>, vector<2000x128xf32>
    tpu.vector_store %arg3[%swap3A, %swap3A_15], %mul3A_14 {strides = array<i32>} : memref<2000x128xf32, #tpu.memory_space<vmem>>, vector<2000x128xf32>,
    %mul3A_17 = vector.broadcast %get3A_1 : vector<2000x1xf32> to vector<2000x128xf32>
    %mul3A_18 = arith.mulf %mul3A_17, %mul3A_14 : vector<2000x128xf32>
    %swap3A_19 = arith.constant 0 : index
    %swap3A_20 = arith.constant 0 : index
    %swap3A_21 = vector.load %arg4[%swap3A_19, %swap3A_20] : memref<2000x128xf32, #tpu.memory_space<vmem>>, vector<2000x128xf32>
    tpu.vector_store %arg4[%swap3A_19, %swap3A_20], %mul3A_18 {strides = array<i32>} : memref<2000x128xf32, #tpu.memory_space<vmem>>, vector<2000x128xf32>,
    return
  }
  func.func @transform_0(%arg0: i32) -> (i32, i32, i32) {
    %c0_i32 = arith.constant 0 : i32
    %c0_i32_0 = arith.constant 0 : i32
    %c0_i32_1 = arith.constant 0 : i32
    return %c0_i32, %arg0, %c0_i32_0 : i32, i32, i32
  }
  func.func @transform_1(%arg0: i32) -> (i32, i32) {
    %c0_i32 = arith.constant 0 : i32
    %c0_i32_0 = arith.constant 0 : i32
    return %arg0, %c0_i32 : i32, i32
  }
  func.func @transform_2(%arg0: i32) -> (i32, i32) {
    %c0_i32 = arith.constant 0 : i32
    %c0_i32_0 = arith.constant 0 : i32
    return %arg0, %c0_i32 : i32, i32
  }
  func.func @transform_3(%arg0: i32) -> (i32, i32) {
    %c0_i32 = arith.constant 0 : i32
    %c0_i32_0 = arith.constant 0 : i32
    return %arg0, %c0_i32 : i32, i32
  }
}

module attributes {stable_mosaic.version = 14 : i64} {
  func.func @body(%arg0: i32, %arg1: memref<2000x128xf32, #tpu.memory_space<vmem>>, %arg2: memref<2000x128xf32, #tpu.memory_space<vmem>>, %arg3: memref<2x2000x128xf32, #tpu.memory_space<vmem>>, %arg4: memref<2000x1xf32, #tpu.memory_space<vmem>>, %arg5: memref<128x128xf32, #tpu.memory_space<vmem>>, %arg6: memref<128x128xf32, #tpu.memory_space<vmem>>, %arg7: memref<128x128xf32, #tpu.memory_space<vmem>>, %arg8: memref<1x128xf32, #tpu.memory_space<vmem>>, %arg9: memref<2000x128xf32, #tpu.memory_space<vmem>>, %arg10: memref<2000x128xf32, #tpu.memory_space<vmem>>) attributes {dimension_semantics = [#tpu.dimension_semantics<arbitrary>], iteration_bounds = array<i64: 5>, scalar_prefetch = 0 : i64, scratch_operands = 0 : i64, tpu.core_type = #tpu.core_type<tc>, window_params = [{transform_indices = @transform_0, window_bounds = array<i64: 2000, 128>}, {transform_indices = @transform_1, window_bounds = array<i64: 2000, 128>}, {transform_indices = @transform_2, window_bounds = array<i64: 2, 2000, 128>}, {transform_indices = @transform_3, window_bounds = array<i64: 2000, 1>}, {pipeline_mode = #tpu.pipeline_mode<synchronous>, transform_indices = @transform_4, window_bounds = array<i64: 128, 128>}, {pipeline_mode = #tpu.pipeline_mode<synchronous>, transform_indices = @transform_5, window_bounds = array<i64: 128, 128>}, {pipeline_mode = #tpu.pipeline_mode<synchronous>, transform_indices = @transform_6, window_bounds = array<i64: 128, 128>}, {pipeline_mode = #tpu.pipeline_mode<synchronous>, transform_indices = @transform_7, window_bounds = array<i64: 1, 128>}, {transform_indices = @transform_8, window_bounds = array<i64: 2000, 128>}, {transform_indices = @transform_9, window_bounds = array<i64: 2000, 128>}]} {
    %get3A = arith.constant 0 : index
    %get3A_0 = arith.constant 0 : index
    %get3A_1 = vector.load %arg1[%get3A, %get3A_0] : memref<2000x128xf32, #tpu.memory_space<vmem>>, vector<2000x128xf32>
    %get3A_2 = arith.constant 0 : index
    %get3A_3 = arith.constant 0 : index
    %get3A_4 = vector.load %arg4[%get3A_2, %get3A_3] : memref<2000x1xf32, #tpu.memory_space<vmem>>, vector<2000x1xf32>
    %mul3A = arith.constant -2.000000e+00 : f32
    %mul3A_5 = vector.broadcast %mul3A : f32 to vector<2000x1xf32>
    %mul3A_6 = arith.mulf %mul3A_5, %get3A_4 : vector<2000x1xf32>
    %get3A_7 = arith.constant 0 : index
    %get3A_8 = arith.constant 0 : index
    %get3A_9 = arith.constant 0 : index
    %get3A_10 = vector.load %arg3[%get3A_7, %get3A_8, %get3A_9] : memref<2x2000x128xf32, #tpu.memory_space<vmem>>, vector<1x2000x128xf32>
    %get3A_11 = vector.shape_cast %get3A_10 : vector<1x2000x128xf32> to vector<2000x128xf32>
    %get3A_12 = arith.constant 1 : index
    %get3A_13 = arith.constant 0 : index
    %get3A_14 = arith.constant 0 : index
    %get3A_15 = vector.load %arg3[%get3A_12, %get3A_13, %get3A_14] : memref<2x2000x128xf32, #tpu.memory_space<vmem>>, vector<1x2000x128xf32>
    %get3A_16 = vector.shape_cast %get3A_15 : vector<1x2000x128xf32> to vector<2000x128xf32>
    %add3A = arith.addf %get3A_11, %get3A_16 : vector<2000x128xf32>
    %mul3A_17 = vector.broadcast %mul3A_6 : vector<2000x1xf32> to vector<2000x128xf32>
    %mul3A_18 = arith.mulf %mul3A_17, %add3A : vector<2000x128xf32>
    %sub3A = arith.subf %mul3A_18, %get3A_1 : vector<2000x128xf32>
    %get3A_19 = arith.constant 0 : index
    %get3A_20 = arith.constant 0 : index
    %get3A_21 = vector.load %arg5[%get3A_19, %get3A_20] : memref<128x128xf32, #tpu.memory_space<vmem>>, vector<128x128xf32>
    %dot_general3A = arith.constant dense<0.000000e+00> : vector<2000x128xf32>
    %dot_general3A_22 = tpu.matmul %get3A_1, %get3A_21, %dot_general3A {dimension_numbers = #tpu.dot_dimension_numbers<[1], [0], [0], [1], [0, 0, 1, 1], [], []>, transpose_lhs_hint = false} : vector<2000x128xf32>, vector<128x128xf32>, vector<2000x128xf32> -> vector<2000x128xf32>
    %get3A_23 = arith.constant 0 : index
    %get3A_24 = arith.constant 0 : index
    %get3A_25 = vector.load %arg2[%get3A_23, %get3A_24] : memref<2000x128xf32, #tpu.memory_space<vmem>>, vector<2000x128xf32>
    %get3A_26 = arith.constant 0 : index
    %get3A_27 = arith.constant 0 : index
    %get3A_28 = vector.load %arg6[%get3A_26, %get3A_27] : memref<128x128xf32, #tpu.memory_space<vmem>>, vector<128x128xf32>
    %dot_general3A_29 = arith.constant dense<0.000000e+00> : vector<2000x128xf32>
    %dot_general3A_30 = tpu.matmul %get3A_25, %get3A_28, %dot_general3A_29 {dimension_numbers = #tpu.dot_dimension_numbers<[1], [0], [0], [1], [0, 0, 1, 1], [], []>, transpose_lhs_hint = false} : vector<2000x128xf32>, vector<128x128xf32>, vector<2000x128xf32> -> vector<2000x128xf32>
    %add3A_31 = arith.addf %dot_general3A_22, %dot_general3A_30 : vector<2000x128xf32>
    %get3A_32 = arith.constant 0 : index
    %get3A_33 = arith.constant 0 : index
    %get3A_34 = vector.load %arg7[%get3A_32, %get3A_33] : memref<128x128xf32, #tpu.memory_space<vmem>>, vector<128x128xf32>
    %dot_general3A_35 = arith.constant dense<0.000000e+00> : vector<2000x128xf32>
    %dot_general3A_36 = tpu.matmul %sub3A, %get3A_34, %dot_general3A_35 {dimension_numbers = #tpu.dot_dimension_numbers<[1], [0], [0], [1], [0, 0, 1, 1], [], []>, transpose_lhs_hint = false} : vector<2000x128xf32>, vector<128x128xf32>, vector<2000x128xf32> -> vector<2000x128xf32>
    %add3A_37 = arith.addf %add3A_31, %dot_general3A_36 : vector<2000x128xf32>
    %get3A_38 = arith.constant 0 : index
    %get3A_39 = arith.constant 0 : index
    %get3A_40 = vector.load %arg8[%get3A_38, %get3A_39] : memref<1x128xf32, #tpu.memory_space<vmem>>, vector<1x128xf32>
    %add3A_41 = vector.broadcast %get3A_40 : vector<1x128xf32> to vector<2000x128xf32>
    %add3A_42 = arith.addf %add3A_37, %add3A_41 : vector<2000x128xf32>
    %max3A = arith.constant 0.000000e+00 : f32
    %max3A_43 = vector.broadcast %max3A : f32 to vector<2000x128xf32>
    %max3A_44 = arith.maximumf %add3A_42, %max3A_43 : vector<2000x128xf32>
    %swap3A = arith.constant 0 : index
    %swap3A_45 = arith.constant 0 : index
    %swap3A_46 = vector.load %arg9[%swap3A, %swap3A_45] : memref<2000x128xf32, #tpu.memory_space<vmem>>, vector<2000x128xf32>
    tpu.vector_store %arg9[%swap3A, %swap3A_45], %max3A_44 {strides = array<i32>} : memref<2000x128xf32, #tpu.memory_space<vmem>>, vector<2000x128xf32>,
    %mul3A_47 = vector.broadcast %get3A_4 : vector<2000x1xf32> to vector<2000x128xf32>
    %mul3A_48 = arith.mulf %mul3A_47, %max3A_44 : vector<2000x128xf32>
    %swap3A_49 = arith.constant 0 : index
    %swap3A_50 = arith.constant 0 : index
    %swap3A_51 = vector.load %arg10[%swap3A_49, %swap3A_50] : memref<2000x128xf32, #tpu.memory_space<vmem>>, vector<2000x128xf32>
    tpu.vector_store %arg10[%swap3A_49, %swap3A_50], %mul3A_48 {strides = array<i32>} : memref<2000x128xf32, #tpu.memory_space<vmem>>, vector<2000x128xf32>,
    return
  }
  func.func @transform_0(%arg0: i32) -> (i32, i32) {
    %c0_i32 = arith.constant 0 : i32
    %c0_i32_0 = arith.constant 0 : i32
    return %arg0, %c0_i32 : i32, i32
  }
  func.func @transform_1(%arg0: i32) -> (i32, i32) {
    %c0_i32 = arith.constant 0 : i32
    %c0_i32_0 = arith.constant 0 : i32
    return %arg0, %c0_i32 : i32, i32
  }
  func.func @transform_2(%arg0: i32) -> (i32, i32, i32) {
    %c0_i32 = arith.constant 0 : i32
    %c0_i32_0 = arith.constant 0 : i32
    %c0_i32_1 = arith.constant 0 : i32
    return %c0_i32, %arg0, %c0_i32_0 : i32, i32, i32
  }
  func.func @transform_3(%arg0: i32) -> (i32, i32) {
    %c0_i32 = arith.constant 0 : i32
    %c0_i32_0 = arith.constant 0 : i32
    return %arg0, %c0_i32 : i32, i32
  }
  func.func @transform_4(%arg0: i32) -> (i32, i32) {
    %c0_i32 = arith.constant 0 : i32
    %c0_i32_0 = arith.constant 0 : i32
    %c0_i32_1 = arith.constant 0 : i32
    return %c0_i32, %c0_i32_0 : i32, i32
  }
  func.func @transform_5(%arg0: i32) -> (i32, i32) {
    %c0_i32 = arith.constant 0 : i32
    %c0_i32_0 = arith.constant 0 : i32
    %c0_i32_1 = arith.constant 0 : i32
    return %c0_i32, %c0_i32_0 : i32, i32
  }
  func.func @transform_6(%arg0: i32) -> (i32, i32) {
    %c0_i32 = arith.constant 0 : i32
    %c0_i32_0 = arith.constant 0 : i32
    %c0_i32_1 = arith.constant 0 : i32
    return %c0_i32, %c0_i32_0 : i32, i32
  }
  func.func @transform_7(%arg0: i32) -> (i32, i32) {
    %c0_i32 = arith.constant 0 : i32
    %c0_i32_0 = arith.constant 0 : i32
    %c0_i32_1 = arith.constant 0 : i32
    return %c0_i32, %c0_i32_0 : i32, i32
  }
  func.func @transform_8(%arg0: i32) -> (i32, i32) {
    %c0_i32 = arith.constant 0 : i32
    %c0_i32_0 = arith.constant 0 : i32
    return %arg0, %c0_i32 : i32, i32
  }
  func.func @transform_9(%arg0: i32) -> (i32, i32) {
    %c0_i32 = arith.constant 0 : i32
    %c0_i32_0 = arith.constant 0 : i32
    return %arg0, %c0_i32 : i32, i32
  }
}

module attributes {stable_mosaic.version = 14 : i64} {
  func.func @body(%arg0: i32, %arg1: memref<2000x128xf32, #tpu.memory_space<vmem>>, %arg2: memref<2000x128xf32, #tpu.memory_space<vmem>>, %arg3: memref<2x2000x128xf32, #tpu.memory_space<vmem>>, %arg4: memref<2000x1xf32, #tpu.memory_space<vmem>>, %arg5: memref<128x128xf32, #tpu.memory_space<vmem>>, %arg6: memref<128x128xf32, #tpu.memory_space<vmem>>, %arg7: memref<128x128xf32, #tpu.memory_space<vmem>>, %arg8: memref<1x128xf32, #tpu.memory_space<vmem>>, %arg9: memref<2000x128xf32, #tpu.memory_space<vmem>>) attributes {dimension_semantics = [#tpu.dimension_semantics<arbitrary>], iteration_bounds = array<i64: 5>, scalar_prefetch = 0 : i64, scratch_operands = 0 : i64, tpu.core_type = #tpu.core_type<tc>, window_params = [{transform_indices = @transform_0, window_bounds = array<i64: 2000, 128>}, {transform_indices = @transform_1, window_bounds = array<i64: 2000, 128>}, {transform_indices = @transform_2, window_bounds = array<i64: 2, 2000, 128>}, {transform_indices = @transform_3, window_bounds = array<i64: 2000, 1>}, {pipeline_mode = #tpu.pipeline_mode<synchronous>, transform_indices = @transform_4, window_bounds = array<i64: 128, 128>}, {pipeline_mode = #tpu.pipeline_mode<synchronous>, transform_indices = @transform_5, window_bounds = array<i64: 128, 128>}, {pipeline_mode = #tpu.pipeline_mode<synchronous>, transform_indices = @transform_6, window_bounds = array<i64: 128, 128>}, {pipeline_mode = #tpu.pipeline_mode<synchronous>, transform_indices = @transform_7, window_bounds = array<i64: 1, 128>}, {transform_indices = @transform_8, window_bounds = array<i64: 2000, 128>}]} {
    %get3A = arith.constant 0 : index
    %get3A_0 = arith.constant 0 : index
    %get3A_1 = vector.load %arg1[%get3A, %get3A_0] : memref<2000x128xf32, #tpu.memory_space<vmem>>, vector<2000x128xf32>
    %get3A_2 = arith.constant 0 : index
    %get3A_3 = arith.constant 0 : index
    %get3A_4 = vector.load %arg4[%get3A_2, %get3A_3] : memref<2000x1xf32, #tpu.memory_space<vmem>>, vector<2000x1xf32>
    %mul3A = arith.constant -2.000000e+00 : f32
    %mul3A_5 = vector.broadcast %mul3A : f32 to vector<2000x1xf32>
    %mul3A_6 = arith.mulf %mul3A_5, %get3A_4 : vector<2000x1xf32>
    %get3A_7 = arith.constant 0 : index
    %get3A_8 = arith.constant 0 : index
    %get3A_9 = arith.constant 0 : index
    %get3A_10 = vector.load %arg3[%get3A_7, %get3A_8, %get3A_9] : memref<2x2000x128xf32, #tpu.memory_space<vmem>>, vector<1x2000x128xf32>
    %get3A_11 = vector.shape_cast %get3A_10 : vector<1x2000x128xf32> to vector<2000x128xf32>
    %get3A_12 = arith.constant 1 : index
    %get3A_13 = arith.constant 0 : index
    %get3A_14 = arith.constant 0 : index
    %get3A_15 = vector.load %arg3[%get3A_12, %get3A_13, %get3A_14] : memref<2x2000x128xf32, #tpu.memory_space<vmem>>, vector<1x2000x128xf32>
    %get3A_16 = vector.shape_cast %get3A_15 : vector<1x2000x128xf32> to vector<2000x128xf32>
    %add3A = arith.addf %get3A_11, %get3A_16 : vector<2000x128xf32>
    %mul3A_17 = vector.broadcast %mul3A_6 : vector<2000x1xf32> to vector<2000x128xf32>
    %mul3A_18 = arith.mulf %mul3A_17, %add3A : vector<2000x128xf32>
    %sub3A = arith.subf %mul3A_18, %get3A_1 : vector<2000x128xf32>
    %get3A_19 = arith.constant 0 : index
    %get3A_20 = arith.constant 0 : index
    %get3A_21 = vector.load %arg5[%get3A_19, %get3A_20] : memref<128x128xf32, #tpu.memory_space<vmem>>, vector<128x128xf32>
    %dot_general3A = arith.constant dense<0.000000e+00> : vector<2000x128xf32>
    %dot_general3A_22 = tpu.matmul %get3A_1, %get3A_21, %dot_general3A {dimension_numbers = #tpu.dot_dimension_numbers<[1], [0], [0], [1], [0, 0, 1, 1], [], []>, transpose_lhs_hint = false} : vector<2000x128xf32>, vector<128x128xf32>, vector<2000x128xf32> -> vector<2000x128xf32>
    %get3A_23 = arith.constant 0 : index
    %get3A_24 = arith.constant 0 : index
    %get3A_25 = vector.load %arg2[%get3A_23, %get3A_24] : memref<2000x128xf32, #tpu.memory_space<vmem>>, vector<2000x128xf32>
    %get3A_26 = arith.constant 0 : index
    %get3A_27 = arith.constant 0 : index
    %get3A_28 = vector.load %arg6[%get3A_26, %get3A_27] : memref<128x128xf32, #tpu.memory_space<vmem>>, vector<128x128xf32>
    %dot_general3A_29 = arith.constant dense<0.000000e+00> : vector<2000x128xf32>
    %dot_general3A_30 = tpu.matmul %get3A_25, %get3A_28, %dot_general3A_29 {dimension_numbers = #tpu.dot_dimension_numbers<[1], [0], [0], [1], [0, 0, 1, 1], [], []>, transpose_lhs_hint = false} : vector<2000x128xf32>, vector<128x128xf32>, vector<2000x128xf32> -> vector<2000x128xf32>
    %add3A_31 = arith.addf %dot_general3A_22, %dot_general3A_30 : vector<2000x128xf32>
    %get3A_32 = arith.constant 0 : index
    %get3A_33 = arith.constant 0 : index
    %get3A_34 = vector.load %arg7[%get3A_32, %get3A_33] : memref<128x128xf32, #tpu.memory_space<vmem>>, vector<128x128xf32>
    %dot_general3A_35 = arith.constant dense<0.000000e+00> : vector<2000x128xf32>
    %dot_general3A_36 = tpu.matmul %sub3A, %get3A_34, %dot_general3A_35 {dimension_numbers = #tpu.dot_dimension_numbers<[1], [0], [0], [1], [0, 0, 1, 1], [], []>, transpose_lhs_hint = false} : vector<2000x128xf32>, vector<128x128xf32>, vector<2000x128xf32> -> vector<2000x128xf32>
    %add3A_37 = arith.addf %add3A_31, %dot_general3A_36 : vector<2000x128xf32>
    %get3A_38 = arith.constant 0 : index
    %get3A_39 = arith.constant 0 : index
    %get3A_40 = vector.load %arg8[%get3A_38, %get3A_39] : memref<1x128xf32, #tpu.memory_space<vmem>>, vector<1x128xf32>
    %add3A_41 = vector.broadcast %get3A_40 : vector<1x128xf32> to vector<2000x128xf32>
    %add3A_42 = arith.addf %add3A_37, %add3A_41 : vector<2000x128xf32>
    %swap3A = arith.constant 0 : index
    %swap3A_43 = arith.constant 0 : index
    %swap3A_44 = vector.load %arg9[%swap3A, %swap3A_43] : memref<2000x128xf32, #tpu.memory_space<vmem>>, vector<2000x128xf32>
    tpu.vector_store %arg9[%swap3A, %swap3A_43], %add3A_42 {strides = array<i32>} : memref<2000x128xf32, #tpu.memory_space<vmem>>, vector<2000x128xf32>,
    return
  }
  func.func @transform_0(%arg0: i32) -> (i32, i32) {
    %c0_i32 = arith.constant 0 : i32
    %c0_i32_0 = arith.constant 0 : i32
    return %arg0, %c0_i32 : i32, i32
  }
  func.func @transform_1(%arg0: i32) -> (i32, i32) {
    %c0_i32 = arith.constant 0 : i32
    %c0_i32_0 = arith.constant 0 : i32
    return %arg0, %c0_i32 : i32, i32
  }
  func.func @transform_2(%arg0: i32) -> (i32, i32, i32) {
    %c0_i32 = arith.constant 0 : i32
    %c0_i32_0 = arith.constant 0 : i32
    %c0_i32_1 = arith.constant 0 : i32
    return %c0_i32, %arg0, %c0_i32_0 : i32, i32, i32
  }
  func.func @transform_3(%arg0: i32) -> (i32, i32) {
    %c0_i32 = arith.constant 0 : i32
    %c0_i32_0 = arith.constant 0 : i32
    return %arg0, %c0_i32 : i32, i32
  }
  func.func @transform_4(%arg0: i32) -> (i32, i32) {
    %c0_i32 = arith.constant 0 : i32
    %c0_i32_0 = arith.constant 0 : i32
    %c0_i32_1 = arith.constant 0 : i32
    return %c0_i32, %c0_i32_0 : i32, i32
  }
  func.func @transform_5(%arg0: i32) -> (i32, i32) {
    %c0_i32 = arith.constant 0 : i32
    %c0_i32_0 = arith.constant 0 : i32
    %c0_i32_1 = arith.constant 0 : i32
    return %c0_i32, %c0_i32_0 : i32, i32
  }
  func.func @transform_6(%arg0: i32) -> (i32, i32) {
    %c0_i32 = arith.constant 0 : i32
    %c0_i32_0 = arith.constant 0 : i32
    %c0_i32_1 = arith.constant 0 : i32
    return %c0_i32, %c0_i32_0 : i32, i32
  }
  func.func @transform_7(%arg0: i32) -> (i32, i32) {
    %c0_i32 = arith.constant 0 : i32
    %c0_i32_0 = arith.constant 0 : i32
    %c0_i32_1 = arith.constant 0 : i32
    return %c0_i32, %c0_i32_0 : i32, i32
  }
  func.func @transform_8(%arg0: i32) -> (i32, i32) {
    %c0_i32 = arith.constant 0 : i32
    %c0_i32_0 = arith.constant 0 : i32
    return %arg0, %c0_i32 : i32, i32
  }
}

</mosaic_0001>

<sc_bundles>
// kernel: kernel.12.cloned.1.call-start
scs
__scs_entry_jumppad:
0x0: {  	(pc) =	sbr.rel $0x88, $3  }
0x1: {  	(tag) =	ssettag $0x0;
	lr =	simm.s32 $0x1  }
0x2: {  	[smem:$0x3F97] =	sst lr;
	_ =	strace $0xD0000000  }
0x3: {  	_ = 	snop  }
0x4: {  	_ = 	snop  }
0x5: {  	_ = 	snop  }
0x6: {  	_ = 	snop  }
0x7: {  	_ = 	snop  }
__scs_overlays_trampoline_lowered:
0x8: {  	[smem:$0x3FA6] =	sst s0  }
0x9: {  	[smem:$0x3FA7] =	sst s1  }
0xa: {  	[smem:$0x3FA8] =	sst s2  }
0xb: {  	[smem:$0x3FA9] =	sst s3  }
0xc: {  	[smem:$0x3FAA] =	sst s4  }
0xd: {  	[smem:$0x3FAB] =	sst s5  }
0xe: {  	[smem:$0x3FAC] =	sst s6  }
0xf: {  	[smem:$0x3FAD] =	sst s7  }
0x10: {  	[smem:$0x3FAE] =	sst s8  }
0x11: {  	[smem:$0x3FAF] =	sst s9;
	s0 =	simm.s32 @!p0 $0x0  }
0x12: {  	s1 =	sld [smem:$0x3F95];
	s0 =	simm.s32 @p0 $0x1  }
0x13: {  	[smem:$0x3FB0] =	sst s0;
	s0 =	simm.s32 @!p1 $0x0  }
0x14: {  	s2 =	sld [smem:$0x3F94];
	s0 =	simm.s32 @p1 $0x1  }
0x15: {  	[smem:$0x3FB1] =	sst s0;
	s0 =	simm.s32 @!p2 $0x0  }
0x16: {  	s3 =	sld [smem:$0x3FDB];
	s0 =	simm.s32 @p2 $0x1  }
0x17: {  	s4 =	simm.s32 $0x1BF5;
	[smem:$0x3FB3] =	sst s0  }
0x18: {  	s0 =	sld [smem:$0x3F96];
	_ =	swait.ge [sflag:s4], $0x0  }
0x19: {  	s7 =	sld [smem:$0x3F97]  }
0x1a: {  	s8 =	sadd.s32 $0xFFFFE003, lr  }
0x1b: {  	s9 =	sadd.s32 $0xFFFFFEF7, lr;
	s5 =	simm.s32 $0xFFFFFFFF;
	p2 =	slt.u32 s8, $0xFFFFF086  }
0x1c: {  	p1 =	slt.u32 s9, $0xF7A;
	s5 =	simm.s32 @!p2 $0x0  }
0x1d: {  	s5 =	simm.s32 @p1 $0x1;
	p0 =	seq.s32 s7, s2  }
0x1e: {  	s7 =	smul.u32 @!p0 $0xF7A, s2;
	p2 =	seq.s32 @!p0 s5, $0x0  }
0x1f: {  	s9 =	smul.u32 $0xF7A, s1;
	s8 =	simm.s32 @!p0 $0x1BF5;
	p2 =	por !p2, p0  }
0x20: {  	[sflag:s8] =	ssyncset.s32 @!p0 $0xFFFFF086;
	s6 =	sadd.s32 @!p0 s3, s7;
	s7 =	simm.s32 @!p0 $0x108  }
0x21: {  	s3 =	sadd.s32 s3, s9;
	s6 =	sadd.s32 @!p0 $0x88, s6;
	s7 =	simm.s32 @p2 $0x1082  }
0x22: {  	[simem:s7], [sflag:s8] =	dma.local @!p0 [hbm:s6], $0xF7A  }
0x23: {  	s9 =	sor.u32 $0xD0000000, s2;
	s6 =	simm.s32 $0x108;
	_ =	swait.ge @!p0 [sflag:s8], $0x0  }
0x24: {  	s3 =	sadd.s32 $0x88, s3;
	s6 =	simm.s32 @!p1 $0x1082;
	[sflag:s4] =	ssyncset.s32 $0xFFFFF086  }
0x25: {  	[simem:s6], [sflag:s4] =	dma.local [hbm:s3], $0xF7A  }
0x26: {  	[smem:$0x3F97] =	sst s1;
	(tag) =	ssettag s2;
	_ =	strace s9  }
0x27: {  	s1 =	sld [smem:$0x3FA7]  }
0x28: {  	s2 =	sld [smem:$0x3FA8]  }
0x29: {  	s4 =	sld [smem:$0x3FAA]  }
0x2a: {  	p0 =	seq.s32 s5, $0x0;
	s5 =	sld [smem:$0x3FAB]  }
0x2b: {  	s6 =	sld [smem:$0x3FAC]  }
0x2c: {  	s7 =	sld [smem:$0x3FAD]  }
0x2d: {  	s3 =	simm.s32 $0x108;
	s8 =	sld [smem:$0x3FAE]  }
0x2e: {  	s3 =	simm.s32 @!p0 $0x1082;
	s9 =	sld [smem:$0x3FAF]  }
0x2f: {  	lr =	sadd.s32 s0, s3;
	s0 =	sld [smem:$0x3FA6]  }
0x30: {  	s3 =	sld [smem:$0x3FA9]  }
0x31: {  	[smem:$0x3FB2] =	sst s10  }
0x32: {  	s10 =	sld [smem:$0x3FB0];
	_ =	sdelay $0x3  }
0x33: {  	p0 =	seq.s32 s10, $0x1;
	s10 =	sld [smem:$0x3FB2];
	_ =	sdelay $0x3  }
0x34: {  	[smem:$0x3FB2] =	sst s10  }
0x35: {  	s10 =	sld [smem:$0x3FB1];
	_ =	sdelay $0x3  }
0x36: {  	p1 =	seq.s32 s10, $0x1;
	s10 =	sld [smem:$0x3FB2];
	_ =	sdelay $0x3  }
0x37: {  	[smem:$0x3FB2] =	sst s10  }
0x38: {  	s10 =	sld [smem:$0x3FB3]  }
0x39: {  	_ = 	snop;
	(pc) =	sbr.ind lr, $3  }
0x3a: {  	_ = 	snop  }
0x3b: {  	_ = 	snop  }
0x3c: {  	p2 =	seq.s32 s10, $0x1;
	s10 =	sld [smem:$0x3FB2]  }
0x3d: {  	_ =	shalt  }
0x3e: {  	_ =	shalt  }
0x3f: {  	_ =	shalt  }
0x40: {  	_ =	shalt  }
0x41: {  	_ =	shalt  }
0x42: {  	_ =	shalt  }
0x43: {  	_ =	shalt  }
0x44: {  	_ =	shalt  }
0x45: {  	_ =	shalt  }
0x46: {  	_ =	shalt  }
0x47: {  	_ =	shalt  }
0x48: {  	_ =	shalt  }
0x49: {  	_ =	shalt  }
0x4a: {  	_ =	shalt  }
0x4b: {  	_ =	shalt  }
0x4c: {  	_ =	shalt  }
0x4d: {  	_ =	shalt  }
0x4e: {  	_ =	shalt  }
0x4f: {  	_ =	shalt  }
0x50: {  	_ =	shalt  }
0x51: {  	_ =	shalt  }
0x52: {  	_ =	shalt  }
0x53: {  	_ =	shalt  }
0x54: {  	_ =	shalt  }
0x55: {  	_ =	shalt  }
0x56: {  	_ =	shalt  }
0x57: {  	_ =	shalt  }
0x58: {  	_ =	shalt  }
0x59: {  	_ =	shalt  }
0x5a: {  	_ =	shalt  }
0x5b: {  	_ =	shalt  }
0x5c: {  	_ =	shalt  }
0x5d: {  	_ =	shalt  }
0x5e: {  	_ =	shalt  }
0x5f: {  	_ =	shalt  }
0x60: {  	_ =	shalt  }
0x61: {  	_ =	shalt  }
0x62: {  	_ =	shalt  }
0x63: {  	_ =	shalt  }
0x64: {  	_ =	shalt  }
0x65: {  	_ =	shalt  }
0x66: {  	_ =	shalt  }
0x67: {  	_ =	shalt  }
0x68: {  	_ =	shalt  }
0x69: {  	_ =	shalt  }
0x6a: {  	_ =	shalt  }
0x6b: {  	_ =	shalt  }
0x6c: {  	_ =	shalt  }
0x6d: {  	_ =	shalt  }
0x6e: {  	_ =	shalt  }
0x6f: {  	_ =	shalt  }
0x70: {  	_ =	shalt  }
0x71: {  	_ =	shalt  }
0x72: {  	_ =	shalt  }
0x73: {  	_ =	shalt  }
0x74: {  	_ =	shalt  }
0x75: {  	_ =	shalt  }
0x76: {  	_ =	shalt  }
0x77: {  	_ =	shalt  }
0x78: {  	_ =	shalt  }
0x79: {  	_ =	shalt  }
0x7a: {  	_ =	shalt  }
0x7b: {  	_ =	shalt  }
0x7c: {  	_ =	shalt  }
0x7d: {  	_ =	shalt  }
0x7e: {  	_ =	shalt  }
0x7f: {  	_ =	shalt  }
0x80: {  	_ =	shalt  }
0x81: {  	_ =	shalt  }
0x82: {  	_ =	shalt  }
0x83: {  	_ =	shalt  }
0x84: {  	_ =	shalt  }
0x85: {  	_ =	shalt  }
0x86: {  	_ =	shalt  }
0x87: {  	_ =	shalt  }
.Lfunc_end0:
.L_simem_size_0:
called_computation_lowered:
.L_overlay_start_0:
0x88: {  	s2 =	sld [smem:$0x3FD9]  }
0x89: {  	s3 =	sld [smem:$0x3FFE];
	_ =	sdelay $0x1  }
0x8a: {  	s1 =	srdreg.scid  }
0x8b: {  	s0 =	sand.u32 $0x1, s1  }
0x8c: {  	s17 =	sshll.u32 s0, $0xA;
	s2 =	sadd.s32 s3, s2  }
0x8d: {  	s2 =	sadd.s32 s2, s17  }
0x8e: {  	[smem:$0x3FBE] =	sst s2  }
0x8f: {  	_ = 	snop  }
0x90: {  	s2 =	sld [smem:$0x3FD0];
	(tm) =	ssettm $0x1  }
0x91: {  	s18 =	sld [smem:$0x3FFB];
	_ =	sdelay $0x3  }
0x92: {  	_ =	strace s18  }
0x93: {  	s3 =	sld [smem:$0x3FFC];
	_ =	sdelay $0x3  }
0x94: {  	_ =	strace s3  }
0x95: {  	s3 =	sld [smem:$0x3FFD];
	_ =	sdelay $0x3  }
0x96: {  	_ =	strace s3  }
0x97: {  	_ =	strace $0x8FFFFFFF  }
0x98: {  	s19 =	sld [smem:$0x3FDB];
	_ =	sdelay $0x1  }
0x99: {  	s4 =	simm.s32 $_scs_section_size  }
0x9a: {  	s5 =	simm.s32 $_size__tile_overlayer_lowered;
	s6 =	simm.s32 $_tile_overlayer_lowered  }
0x9b: {  	s22 =	simm.s32 $0x1BFF;
	s21 =	sshll.u32 s6, $0x1;
	s3 =	sadd.s32 s4, s19  }
0x9c: {  	s7 =	simm.s32 $0x0;
	s20 =	sshll.u32 s5, $0x1;
	s5 =	sadd.s32 s21, s3  }
0x9d: {  	[timem:s7], [sflag:s22] =	dma.local [hbm:s5], s20  }
0x9e: {  	_ =	swait.ge [sflag:s22], s20  }
0x9f: {  	s4 =	ssub.s32 $0x0, s20;
	[sflag:s22] =	ssyncset.done $0x0  }
0xa0: {  	[sflag:s22] =	ssyncadd.s32 s4;
	_ =	sdelay $0x1  }
0xa1: {  	s23 =	simm.s32 $0x1B8B  }
0xa2: {  	_ =	swait.ge [sflag:s23], $0x1  }
0xa3: {  	[sflag:s23] =	ssyncset.done $0x0  }
0xa4: {  	s25 =	simm.s32 $0x1B8E;
	s24 =	sld [smem:$0x3FFE];
	[sflag:s23] =	ssyncadd.s32 $0xFFFFFFFF  }
0xa5: {  	s26 =	simm.s32 $execute0_lowered;
	[smem:$0x3FD2] =	sst s25  }
0xa6: {  	s5 =	sshll.u32 s26, $0x1;
	_ =	strace $0x80000046;
	[dreg:$0x1] =	wrdreg $0xFFFFFFFF  }
0xa7: {  	s28 =	simm.s32 $_size_execute0_lowered;
	s3 =	sadd.s32 s3, s5;
	[dreg:$0x0] =	wrdreg $0x0  }
0xa8: {  	s5 =	sshll.u32 s28, $0x1;
	[dreg:$0x2] =	wrdreg s3  }
0xa9: {  	[dreg:$0x3] =	wrdreg s5  }
0xaa: {  	[dreg:$0x4] =	wrdreg $0xC0  }
0xab: {  	_ =	task [dreg:s7], $0x5FFFF  }
0xac: {  	[dreg:$0x1] =	wrdreg $0xFFFFFFFF  }
0xad: {  	[dreg:$0x0] =	wrdreg $0x60  }
0xae: {  	[dreg:$0x2] =	wrdreg s2  }
0xaf: {  	[dreg:$0x3] =	wrdreg s24  }
0xb0: {  	[dreg:$0x4] =	wrdreg $0x0  }
0xb1: {  	[dreg:$0x5] =	wrdreg $0x9  }
0xb2: {  	_ =	task.clear_ibuf [dreg:s7], $0x6FFFF;
	_ =	strace $0x90000046  }
0xb3: {  	s29 =	simm.s32 $0x9;
	_ =	strace $0x80000048  }
0xb4: {  	_ =	swait.ge [sflag:s29], $0x1  }
0xb5: {  	[sflag:s29] =	ssyncadd.s32 $0xFFFFFFFF  }
0xb6: {  	_ =	strace $0x90000048  }
0xb7: {  	_ =	sfence  }
0xb8: {  	s30 =	sld [smem:$0x0];
	_ =	sdelay $0x2  }
0xb9: {  	s31 =	sshll.u32 s1, $0xD;
	s1 =	sshrl.u32 s1, $0x2  }
0xba: {  	s3 =	sand.u32 $0x4000, s31;
	s1 =	sadd.s32 s1, s30  }
0xbb: {  	s0 =	sor.u32 s3, s0;
	s1 =	sshll.u32 s1, $0x11  }
0xbc: {  	s0 =	sor.u32 s1, s0  }
0xbd: {  	s0 =	sadd.s32 $0x8F2B, s0  }
0xbe: {  	[sflag:s0] =	ssyncadd.remote.s32 $0x1  }
0xbf: {  	_ =	sfence.sel $0xFFFF  }
0xc0: {  	[dreg:$0x0] =	wrdreg $0xFFFFFFFF;
	(pc) =	sbr.abs _section_cstart, $3  }
0xc1: {  	[dreg:$0x1] =	wrdreg $0xFFFFFFFF  }
0xc2: {  	_ =	task.clear_ibuf [dreg:s7], $0x2FFFF;
	_ =	strace $0x9FFFFFFF  }
0xc3: {  	(tm) =	ssettm $0x7FFFFFFF  }
tec
execute0_lowered:
.L_overlay_start_1:
0x0: {  	(tag) =	ssettag $0x1  }
0x1: {  	s4 =	rddreg [dreg:$0x0]  }
0x2: {  	s3 =	rddreg [dreg:$0x1]  }
0x3: {  	s1 =	rddreg [dreg:$0x2]  }
0x4: {  	s5 =	srdreg.scid;
	s21 =	sadd.s32 $0xDE00, s3;
	s3 =	stileid.u32  }
0x5: {  	s0 =	rddreg [dreg:$0x3];
	s5 =	sand.u32 $0x1, s5;
	s16 =	smul.u32 $0xA000, s3  }
0x6: {  	s2 =	simm.s32 $0x0;
	s12 =	sor.u32 $0x10, s3;
	s19 =	smul.u32 $0x138800, s5  }
0x7: {  	s28 =	simm.s32 $0x0;
	s13 =	sor.u32 $0x20, s3;
	s17 =	smul.u32 $0xA000, s12  }
0x8: {  	[smem:$0x7FF] =	sst s2;
	s15 =	sor.u32 $0x30, s3;
	s20 =	smul.u32 $0xA000, s13  }
0x9: {  	_ =	strace $0x80000047;
	s6 =	ssub.s32 $0x2, s5;
	s22 =	smul.u32 $0xA000, s15  }
0xa: {  	s8 =	sshll.u32 s5, $0xF;
	s9 =	sshll.u32 s3, $0xB;
	s24 =	smul.u32 $0x2800, s12  }
0xb: {  	s7 =	sshrl.u32 s6, $0x1;
	s4 =	sadd.s32 s4, s9;
	s25 =	smul.u32 $0x2800, s13  }
0xc: {  	s6 =	ssub.s32 s6, s7;
	s18 =	sshrl.u32 s16, $0x2;
	s16 =	sor.u32 $0x40, s3  }
0xd: {  	s4 =	sadd.s32 s8, s4;
	s5 =	smax.u32 s6, $0x1;
	s10 =	smul.u32 $0xA000, s16  }
0xe: {  	s7 =	sshrl.u32 s17, $0x2;
	s8 =	sshrl.u32 s20, $0x2;
	s20 =	smul.u32 $0x2800, s3  }
0xf: {  	s6 =	sadd.s32 s18, s1;
	s17 =	sor.u32 $0x50, s3;
	s30 =	smul.u32 $0x2800, s16  }
0x10: {  	s9 =	sshrl.u32 s22, $0x2;
	s18 =	sor.u32 $0x60, s3;
	s11 =	smul.u32 $0xA000, s17  }
0x11: {  	s22 =	sor.u32 $0x70, s3;
	s7 =	sadd.s32 s7, s1;
	s14 =	smul.u32 $0xA000, s18  }
0x12: {  	s8 =	sadd.s32 s8, s1;
	s9 =	sadd.s32 s9, s1;
	s23 =	smul.u32 $0xA000, s22  }
0x13: {  	s31 =	smul.u32 $0x2800, s17;
	p0 =	sgt.u32 s22, $0x7C;
	s10 =	sshrl.u32 s10, $0x2  }
0x14: {  	s20 =	sadd.s32 s19, s20;
	s11 =	sshrl.u32 s11, $0x2;
	s10 =	sadd.s32 s10, s1  }
0x15: {  	s14 =	sshrl.u32 s14, $0x2;
	s23 =	sshrl.u32 s23, $0x2;
	s20 =	sshrl.u32 s20, $0x3  }
0x16: {  	s11 =	sadd.s32 s11, s1;
	s12 =	sadd.s32 s14, s1;
	s13 =	sadd.s32 s23, s1  }
0x17: {  	s14 =	sadd.s32 s21, s20;
	s23 =	sadd.s32 s19, s24;
	s24 =	sadd.s32 s19, s25  }
0x18: {  	s25 =	smul.u32 $0x2800, s15;
	s20 =	sadd.s32 s19, s31;
	s26 =	sshrl.u32 s23, $0x3  }
0x19: {  	s29 =	sshrl.u32 s24, $0x3;
	s23 =	sadd.s32 s19, s30;
	s30 =	smul.u32 $0x2800, s22  }
0x1a: {  	s20 =	sshrl.u32 s20, $0x3;
	s22 =	simm.s32 $0x17880;
	s15 =	sadd.s32 s21, s26  }
0x1b: {  	s16 =	sadd.s32 s21, s29;
	s25 =	sadd.s32 s19, s25;
	s29 =	sshrl.u32 s23, $0x3  }
0x1c: {  	s26 =	smul.u32 $0x2800, s18;
	s17 =	sshrl.u32 s25, $0x3;
	s18 =	sadd.s32 s21, s29  }
0x1d: {  	s23 =	sadd.s32 s19, s30;
	s25 =	simm.s32 $0x50;
	s17 =	sadd.s32 s21, s17  }
0x1e: {  	s24 =	sadd.s32 s19, s26;
	s19 =	sadd.s32 s21, s20;
	s23 =	sshrl.u32 s23, $0x3  }
0x1f: {  	s26 =	simm.s32 $0x2;
	s31 =	sshrl.u32 s24, $0x3;
	s24 =	simm.s32 $0x13880  }
0x20: {  	v0 =	vimm.f32 $0.0e+00;
	v1 =	vimm.f32 $1.000000000e+00;
	s20 =	sadd.s32 s21, s31;
	s21 =	sadd.s32 s21, s23;
	s23 =	simm.s32 $0x1  }
.LBB2_1:
0x21: {  	s29 =	simm.s32 $0x70;
	s30 =	simm.s32 $0x3C0  }
.LBB2_2:
0x22: {  	p1 =	sne.s32 s30, $0x9FC0;
	[tilespmem:s29+$0x17880] =	vst v0  }
0x23: {  	[tilespmem:s29+$0x17810] =	vst v0  }
0x24: {  	[tilespmem:s29+$0x17820] =	vst v0  }
.Ltmp0:
0x25: {  	[tilespmem:s29+$0x17830] =	vst v0;
	(pc) =	sbr.rel @p1 .LBB2_2-.Ltmp0, $4  }
0x26: {  	[tilespmem:s29+$0x17840] =	vst v0  }
0x27: {  	[tilespmem:s29+$0x17850] =	vst v0  }
0x28: {  	[tilespmem:s29+$0x17860] =	vst v0  }
0x29: {  	[tilespmem:s29+$0x17870] =	vst v0;
	s29 =	sshra.s32 s30, $0x2;
	s30 =	sadd.s32 $0x200, s30  }
0x2a: {  	[tilespmem:s29+$0x17880] =	vst v0  }
0x2b: {  	[tilespmem:s29+$0x17810] =	vst v0  }
0x2c: {  	[tilespmem:s29+$0x17820] =	vst v0  }
0x2d: {  	[tilespmem:s29+$0x17830] =	vst v0  }
0x2e: {  	[tilespmem:s29+$0x17840] =	vst v0  }
0x2f: {  	[tilespmem:s29+$0x17850] =	vst v0  }
0x30: {  	[tilespmem:s29+$0x17860] =	vst v0  }
0x31: {  	[tilespmem:s29+$0x17870] =	vst v0  }
0x32: {  	[spmem:s6] =	stream.linear.scatter [tilespmem:s22], [sflag:$0x1], $0x2800, $0x38;
	[tilespmem:$0x1A080] =	vst v63  }
0x33: {  	_ =	swait.ge [sflag:s23], $0x2800  }
0x34: {  	[sflag:s23] =	ssyncset.done $0x0  }
0x35: {  	[sflag:s23] =	ssyncadd.s32 $0xFFFFD800  }
0x36: {  	[spmem:s7] =	stream.linear.scatter [tilespmem:s22], [sflag:$0x1], $0x2800, $0x38;
	[tilespmem:$0x1A080] =	vst v63  }
0x37: {  	_ =	swait.ge [sflag:s23], $0x2800  }
0x38: {  	[sflag:s23] =	ssyncset.done $0x0  }
0x39: {  	[sflag:s23] =	ssyncadd.s32 $0xFFFFD800  }
0x3a: {  	[spmem:s8] =	stream.linear.scatter [tilespmem:s22], [sflag:$0x1], $0x2800, $0x38;
	[tilespmem:$0x1A080] =	vst v63  }
0x3b: {  	_ =	swait.ge [sflag:s23], $0x2800  }
0x3c: {  	[sflag:s23] =	ssyncset.done $0x0  }
0x3d: {  	[sflag:s23] =	ssyncadd.s32 $0xFFFFD800  }
0x3e: {  	[spmem:s9] =	stream.linear.scatter [tilespmem:s22], [sflag:$0x1], $0x2800, $0x38;
	[tilespmem:$0x1A080] =	vst v63  }
0x3f: {  	_ =	swait.ge [sflag:s23], $0x2800  }
0x40: {  	[sflag:s23] =	ssyncset.done $0x0  }
0x41: {  	[sflag:s23] =	ssyncadd.s32 $0xFFFFD800  }
0x42: {  	[spmem:s10] =	stream.linear.scatter [tilespmem:s22], [sflag:$0x1], $0x2800, $0x38;
	[tilespmem:$0x1A080] =	vst v63  }
0x43: {  	_ =	swait.ge [sflag:s23], $0x2800  }
0x44: {  	[sflag:s23] =	ssyncset.done $0x0  }
0x45: {  	[sflag:s23] =	ssyncadd.s32 $0xFFFFD800  }
0x46: {  	[spmem:s11] =	stream.linear.scatter [tilespmem:s22], [sflag:$0x1], $0x2800, $0x38;
	[tilespmem:$0x1A080] =	vst v63  }
0x47: {  	_ =	swait.ge [sflag:s23], $0x2800  }
0x48: {  	[sflag:s23] =	ssyncset.done $0x0  }
0x49: {  	[sflag:s23] =	ssyncadd.s32 $0xFFFFD800  }
0x4a: {  	[spmem:s12] =	stream.linear.scatter [tilespmem:s22], [sflag:$0x1], $0x2800, $0x38;
	[tilespmem:$0x1A080] =	vst v63  }
0x4b: {  	_ =	swait.ge [sflag:s23], $0x2800  }
0x4c: {  	[sflag:s23] =	ssyncset.done $0x0  }
0x4d: {  	s29 =	simm.s32 @!p0 $0x17880;
	[sflag:s23] =	ssyncadd.s32 $0xFFFFD800  }
0x4e: {  	[spmem:s13] =	stream.linear.scatter @!p0 [tilespmem:s29], [sflag:$0x1], $0x2800, $0x38;
	[tilespmem:$0x1A080] =	vst v63  }
0x4f: {  	s29 =	simm.s32 @!p0 $0x1  }
0x50: {  	_ =	swait.ge @!p0 [sflag:s29], $0x2800  }
0x51: {  	[sflag:s29] =	ssyncset.done @!p0 $0x0  }
0x52: {  	[sflag:s29] =	ssyncadd.s32 @!p0 $0xFFFFD800  }
0x53: {  	s30 =	simm.s32 $0x3C0;
	s29 =	simm.s32 $0x70;
	[bflag:$0x0] =	sbarrier.arrive $0xFFFF  }
.LBB2_4:
0x54: {  	p1 =	sne.s32 s30, $0x9FC0;
	[tilespmem:s29+$0x17880] =	vst v1  }
0x55: {  	[tilespmem:s29+$0x17810] =	vst v1  }
0x56: {  	[tilespmem:s29+$0x17820] =	vst v1  }
.Ltmp1:
0x57: {  	[tilespmem:s29+$0x17830] =	vst v1;
	(pc) =	sbr.rel @p1 .LBB2_4-.Ltmp1, $4  }
0x58: {  	[tilespmem:s29+$0x17840] =	vst v1  }
0x59: {  	[tilespmem:s29+$0x17850] =	vst v1  }
0x5a: {  	[tilespmem:s29+$0x17860] =	vst v1  }
0x5b: {  	[tilespmem:s29+$0x17870] =	vst v1;
	s29 =	sshra.s32 s30, $0x2;
	s30 =	sadd.s32 $0x200, s30  }
0x5c: {  	[tilespmem:s29+$0x17880] =	vst v1  }
0x5d: {  	[tilespmem:s29+$0x17810] =	vst v1  }
0x5e: {  	[tilespmem:s29+$0x17820] =	vst v1  }
0x5f: {  	[tilespmem:s29+$0x17830] =	vst v1  }
0x60: {  	[tilespmem:s29+$0x17840] =	vst v1  }
0x61: {  	[tilespmem:s29+$0x17850] =	vst v1  }
0x62: {  	[tilespmem:s29+$0x17860] =	vst v1  }
0x63: {  	[tilespmem:s29+$0x17870] =	vst v1;
	s29 =	simm.s32 $0x0  }
0x64: {  	[tilespmem:s24], [sflag:$0x1] =	stream.linear.gather [hbm4b:s4+s29], $0x3E80, $0x38;
	[tilespmem:$0x1A080] =	vst v63  }
0x65: {  	_ =	swait.ge [sflag:s23], $0x3E80  }
0x66: {  	[sflag:s23] =	ssyncset.done $0x0  }
0x67: {  	s29 =	simm.s32 $0x13880;
	[sflag:s23] =	ssyncadd.s32 $0xFFFFC180  }
0x68: {  	[spmem:s1] =	stream.indirect.scatter.add.f32 [tilespmem:s22], [sflag:$0x1], $0x80, s29, s25, $0xb8;
	[tilespmem:$0x1A080] =	vst v63  }
0x69: {  	s29 =	simm.s32 $0x200;
	_ =	swait.ge [sflag:s23], $0x2800  }
.LBB2_6:
0x6a: {  	s30 =	sshra.s32 s29, $0x2;
	[sflag:s23] =	ssyncset.done $0x0;
	p1 =	sne.s32 s29, $0xF800  }
.Ltmp2:
0x6b: {  	s30 =	sadd.s32 $0x13880, s30;
	[sflag:s23] =	ssyncadd.s32 $0xFFFFD800;
	(pc) =	sbr.rel @p1 .LBB2_6-.Ltmp2, $3  }
0x6c: {  	[spmem:s1] =	stream.indirect.scatter.add.f32 [tilespmem:s22], [sflag:$0x1], $0x80, s30, s25, $0xb8;
	[tilespmem:$0x1A080] =	vst v63  }
0x6d: {  	s29 =	sadd.s32 $0x200, s29;
	_ =	sdelay $0x1  }
0x6e: {  	_ =	swait.ge [sflag:s23], $0x2800  }
0x6f: {  	[sflag:s23] =	ssyncset.done $0x0  }
0x70: {  	[sflag:s23] =	ssyncadd.s32 $0xFFFFD800  }
0x71: {  	[bflag:$0x0] =	sbarrier.arrive $0xFFFF  }
0x72: {  	[tilespmem:s22], [sflag:$0x2] =	stream.linear.gather [spmem:s6], $0x2800, $0x38;
	[tilespmem:$0x1A080] =	vst v63  }
0x73: {  	_ =	swait.ge [sflag:s26], $0x2800  }
0x74: {  	[sflag:s26] =	ssyncset.done $0x0  }
0x75: {  	[sflag:s26] =	ssyncadd.s32 $0xFFFFD800  }
0x76: {  	[hbm4b:s14+s2] =	stream.linear.scatter [tilespmem:s22], [sflag:$0x1], $0x2800, $0x38;
	[tilespmem:$0x1A080] =	vst v63  }
0x77: {  	_ =	swait.ge [sflag:s23], $0x2800  }
0x78: {  	[sflag:s23] =	ssyncset.done $0x0  }
0x79: {  	[sflag:s23] =	ssyncadd.s32 $0xFFFFD800  }
0x7a: {  	[tilespmem:s22], [sflag:$0x2] =	stream.linear.gather [spmem:s7], $0x2800, $0x38;
	[tilespmem:$0x1A080] =	vst v63  }
0x7b: {  	_ =	swait.ge [sflag:s26], $0x2800  }
0x7c: {  	[sflag:s26] =	ssyncset.done $0x0  }
0x7d: {  	[sflag:s26] =	ssyncadd.s32 $0xFFFFD800  }
0x7e: {  	[hbm4b:s15+s2] =	stream.linear.scatter [tilespmem:s22], [sflag:$0x1], $0x2800, $0x38;
	[tilespmem:$0x1A080] =	vst v63  }
0x7f: {  	_ =	swait.ge [sflag:s23], $0x2800  }
0x80: {  	[sflag:s23] =	ssyncset.done $0x0  }
0x81: {  	[sflag:s23] =	ssyncadd.s32 $0xFFFFD800  }
0x82: {  	[tilespmem:s22], [sflag:$0x2] =	stream.linear.gather [spmem:s8], $0x2800, $0x38;
	[tilespmem:$0x1A080] =	vst v63  }
0x83: {  	_ =	swait.ge [sflag:s26], $0x2800  }
0x84: {  	[sflag:s26] =	ssyncset.done $0x0  }
0x85: {  	[sflag:s26] =	ssyncadd.s32 $0xFFFFD800  }
0x86: {  	[hbm4b:s16+s2] =	stream.linear.scatter [tilespmem:s22], [sflag:$0x1], $0x2800, $0x38;
	[tilespmem:$0x1A080] =	vst v63  }
0x87: {  	_ =	swait.ge [sflag:s23], $0x2800  }
0x88: {  	[sflag:s23] =	ssyncset.done $0x0  }
0x89: {  	[sflag:s23] =	ssyncadd.s32 $0xFFFFD800  }
0x8a: {  	[tilespmem:s22], [sflag:$0x2] =	stream.linear.gather [spmem:s9], $0x2800, $0x38;
	[tilespmem:$0x1A080] =	vst v63  }
0x8b: {  	_ =	swait.ge [sflag:s26], $0x2800  }
0x8c: {  	[sflag:s26] =	ssyncset.done $0x0  }
0x8d: {  	[sflag:s26] =	ssyncadd.s32 $0xFFFFD800  }
0x8e: {  	[hbm4b:s17+s2] =	stream.linear.scatter [tilespmem:s22], [sflag:$0x1], $0x2800, $0x38;
	[tilespmem:$0x1A080] =	vst v63  }
0x8f: {  	_ =	swait.ge [sflag:s23], $0x2800  }
0x90: {  	[sflag:s23] =	ssyncset.done $0x0  }
0x91: {  	[sflag:s23] =	ssyncadd.s32 $0xFFFFD800  }
0x92: {  	[tilespmem:s22], [sflag:$0x2] =	stream.linear.gather [spmem:s10], $0x2800, $0x38;
	[tilespmem:$0x1A080] =	vst v63  }
0x93: {  	_ =	swait.ge [sflag:s26], $0x2800  }
0x94: {  	[sflag:s26] =	ssyncset.done $0x0  }
0x95: {  	[sflag:s26] =	ssyncadd.s32 $0xFFFFD800  }
0x96: {  	[hbm4b:s18+s2] =	stream.linear.scatter [tilespmem:s22], [sflag:$0x1], $0x2800, $0x38;
	[tilespmem:$0x1A080] =	vst v63  }
0x97: {  	_ =	swait.ge [sflag:s23], $0x2800  }
0x98: {  	[sflag:s23] =	ssyncset.done $0x0  }
0x99: {  	[sflag:s23] =	ssyncadd.s32 $0xFFFFD800  }
0x9a: {  	[tilespmem:s22], [sflag:$0x2] =	stream.linear.gather [spmem:s11], $0x2800, $0x38;
	[tilespmem:$0x1A080] =	vst v63  }
0x9b: {  	_ =	swait.ge [sflag:s26], $0x2800  }
0x9c: {  	[sflag:s26] =	ssyncset.done $0x0  }
0x9d: {  	[sflag:s26] =	ssyncadd.s32 $0xFFFFD800  }
0x9e: {  	[hbm4b:s19+s2] =	stream.linear.scatter [tilespmem:s22], [sflag:$0x1], $0x2800, $0x38;
	[tilespmem:$0x1A080] =	vst v63  }
0x9f: {  	_ =	swait.ge [sflag:s23], $0x2800  }
0xa0: {  	[sflag:s23] =	ssyncset.done $0x0  }
0xa1: {  	[sflag:s23] =	ssyncadd.s32 $0xFFFFD800  }
0xa2: {  	[tilespmem:s22], [sflag:$0x2] =	stream.linear.gather [spmem:s12], $0x2800, $0x38;
	[tilespmem:$0x1A080] =	vst v63  }
0xa3: {  	_ =	swait.ge [sflag:s26], $0x2800  }
0xa4: {  	[sflag:s26] =	ssyncset.done $0x0  }
0xa5: {  	[sflag:s26] =	ssyncadd.s32 $0xFFFFD800  }
0xa6: {  	[hbm4b:s20+s2] =	stream.linear.scatter [tilespmem:s22], [sflag:$0x1], $0x2800, $0x38;
	[tilespmem:$0x1A080] =	vst v63  }
0xa7: {  	_ =	swait.ge [sflag:s23], $0x2800  }
0xa8: {  	[sflag:s23] =	ssyncset.done $0x0  }
0xa9: {  	s29 =	simm.s32 @!p0 $0x17880;
	s30 =	simm.s32 @!p0 $0x2;
	[sflag:s23] =	ssyncadd.s32 $0xFFFFD800  }
0xaa: {  	[tilespmem:s29], [sflag:$0x2] =	stream.linear.gather @!p0 [spmem:s13], $0x2800, $0x38;
	[tilespmem:$0x1A080] =	vst v63  }
0xab: {  	_ =	swait.ge @!p0 [sflag:s30], $0x2800  }
0xac: {  	s28 =	sadd.s32 $0x1, s28;
	[sflag:s30] =	ssyncset.done @!p0 $0x0  }
0xad: {  	p1 =	sne.s32 s28, s5;
	[sflag:s30] =	ssyncadd.s32 @!p0 $0xFFFFD800;
	s30 =	simm.s32 @!p0 $0x0  }
0xae: {  	[hbm4b:s21+s30] =	stream.linear.scatter @!p0 [tilespmem:s29], [sflag:$0x1], $0x2800, $0x38;
	[tilespmem:$0x1A080] =	vst v63  }
.Ltmp3:
0xaf: {  	_ = 	snop;
	(pc) =	sbr.rel @p1 .LBB2_1-.Ltmp3, $4  }
0xb0: {  	s29 =	simm.s32 @!p0 $0x1  }
0xb1: {  	_ =	swait.ge @!p0 [sflag:s29], $0x2800  }
0xb2: {  	[sflag:s29] =	ssyncset.done @!p0 $0x0  }
0xb3: {  	[sflag:s29] =	ssyncadd.s32 @!p0 $0xFFFFD800  }
0xb4: {  	_ =	sfence.sel $0x180000  }
0xb5: {  	[bflag:$0x0] =	sbarrier.arrive $0xFFFF  }
0xb6: {  	p0 =	sne.s32 s3, $0x0;
	_ =	strace $0x90000047  }
0xb7: {  	s0 =	sadd.s32 @!p0 $0x100000, s0;
	[bflag:$0x2] =	sbarrier.arrive $0xFFFF  }
0xb8: {  	[sflag:s0] =	ssyncadd.tile.s32 @!p0 $0x1;
	_ =	shalt  }
.Lfunc_end2:
_tile_overlayer_lowered:
.L_overlay_start_2:
0xb9: {  	(tag) =	ssettag $0x2  }
0xba: {  	s0 =	rddreg [dreg:$0x0];
	s2 =	stileid.u32  }
0xbb: {  	s1 =	rddreg [dreg:$0x1];
	p0 =	sne.s32 s2, $0x0  }
0xbc: {  	s3 =	rddreg [dreg:$0x2];
	[bflag:$0x3] =	sbarrier.arrive $0xFFFF;
	s2 =	simm.s32 @!p0 $0x1C01  }
0xbd: {  	[timem:s3], [sflag:s2] =	dma.local @!p0 [hbm:s0], s1  }
0xbe: {  	s0 =	simm.s32 @!p0 $0x1  }
0xbf: {  	_ =	swait.ge @!p0 [sflag:s0], s1  }
0xc0: {  	s1 =	ssub.s32 @!p0 $0x0, s1;
	[sflag:s0] =	ssyncset.done @!p0 $0x0  }
0xc1: {  	[sflag:s0] =	ssyncadd.s32 @!p0 s1  }
0xc2: {  	[bflag:$0x3] =	sbarrier.arrive $0xFFFF  }
0xc3: {  	_ =	shalt  }

// kernel: kernel.15.cloned.1.call-start
scs
__scs_entry_jumppad:
0x0: {  	(pc) =	sbr.rel $0x88, $3  }
0x1: {  	(tag) =	ssettag $0x0;
	lr =	simm.s32 $0x1  }
0x2: {  	[smem:$0x3F97] =	sst lr;
	_ =	strace $0xD0000000  }
0x3: {  	_ = 	snop  }
0x4: {  	_ = 	snop  }
0x5: {  	_ = 	snop  }
0x6: {  	_ = 	snop  }
0x7: {  	_ = 	snop  }
__scs_overlays_trampoline_lowered:
0x8: {  	[smem:$0x3FA6] =	sst s0  }
0x9: {  	[smem:$0x3FA7] =	sst s1  }
0xa: {  	[smem:$0x3FA8] =	sst s2  }
0xb: {  	[smem:$0x3FA9] =	sst s3  }
0xc: {  	[smem:$0x3FAA] =	sst s4  }
0xd: {  	[smem:$0x3FAB] =	sst s5  }
0xe: {  	[smem:$0x3FAC] =	sst s6  }
0xf: {  	[smem:$0x3FAD] =	sst s7  }
0x10: {  	[smem:$0x3FAE] =	sst s8  }
0x11: {  	[smem:$0x3FAF] =	sst s9;
	s0 =	simm.s32 @!p0 $0x0  }
0x12: {  	s1 =	sld [smem:$0x3F95];
	s0 =	simm.s32 @p0 $0x1  }
0x13: {  	[smem:$0x3FB0] =	sst s0;
	s0 =	simm.s32 @!p1 $0x0  }
0x14: {  	s2 =	sld [smem:$0x3F94];
	s0 =	simm.s32 @p1 $0x1  }
0x15: {  	[smem:$0x3FB1] =	sst s0;
	s0 =	simm.s32 @!p2 $0x0  }
0x16: {  	s3 =	sld [smem:$0x3FDB];
	s0 =	simm.s32 @p2 $0x1  }
0x17: {  	s4 =	simm.s32 $0x1BF5;
	[smem:$0x3FB3] =	sst s0  }
0x18: {  	s0 =	sld [smem:$0x3F96];
	_ =	swait.ge [sflag:s4], $0x0  }
0x19: {  	s7 =	sld [smem:$0x3F97]  }
0x1a: {  	s8 =	sadd.s32 $0xFFFFE003, lr  }
0x1b: {  	s9 =	sadd.s32 $0xFFFFFEF7, lr;
	s5 =	simm.s32 $0xFFFFFFFF;
	p2 =	slt.u32 s8, $0xFFFFF086  }
0x1c: {  	p1 =	slt.u32 s9, $0xF7A;
	s5 =	simm.s32 @!p2 $0x0  }
0x1d: {  	s5 =	simm.s32 @p1 $0x1;
	p0 =	seq.s32 s7, s2  }
0x1e: {  	s7 =	smul.u32 @!p0 $0xF7A, s2;
	p2 =	seq.s32 @!p0 s5, $0x0  }
0x1f: {  	s9 =	smul.u32 $0xF7A, s1;
	s8 =	simm.s32 @!p0 $0x1BF5;
	p2 =	por !p2, p0  }
0x20: {  	[sflag:s8] =	ssyncset.s32 @!p0 $0xFFFFF086;
	s6 =	sadd.s32 @!p0 s3, s7;
	s7 =	simm.s32 @!p0 $0x108  }
0x21: {  	s3 =	sadd.s32 s3, s9;
	s6 =	sadd.s32 @!p0 $0x88, s6;
	s7 =	simm.s32 @p2 $0x1082  }
0x22: {  	[simem:s7], [sflag:s8] =	dma.local @!p0 [hbm:s6], $0xF7A  }
0x23: {  	s9 =	sor.u32 $0xD0000000, s2;
	s6 =	simm.s32 $0x108;
	_ =	swait.ge @!p0 [sflag:s8], $0x0  }
0x24: {  	s3 =	sadd.s32 $0x88, s3;
	s6 =	simm.s32 @!p1 $0x1082;
	[sflag:s4] =	ssyncset.s32 $0xFFFFF086  }
0x25: {  	[simem:s6], [sflag:s4] =	dma.local [hbm:s3], $0xF7A  }
0x26: {  	[smem:$0x3F97] =	sst s1;
	(tag) =	ssettag s2;
	_ =	strace s9  }
0x27: {  	s1 =	sld [smem:$0x3FA7]  }
0x28: {  	s2 =	sld [smem:$0x3FA8]  }
0x29: {  	s4 =	sld [smem:$0x3FAA]  }
0x2a: {  	p0 =	seq.s32 s5, $0x0;
	s5 =	sld [smem:$0x3FAB]  }
0x2b: {  	s6 =	sld [smem:$0x3FAC]  }
0x2c: {  	s7 =	sld [smem:$0x3FAD]  }
0x2d: {  	s3 =	simm.s32 $0x108;
	s8 =	sld [smem:$0x3FAE]  }
0x2e: {  	s3 =	simm.s32 @!p0 $0x1082;
	s9 =	sld [smem:$0x3FAF]  }
0x2f: {  	lr =	sadd.s32 s0, s3;
	s0 =	sld [smem:$0x3FA6]  }
0x30: {  	s3 =	sld [smem:$0x3FA9]  }
0x31: {  	[smem:$0x3FB2] =	sst s10  }
0x32: {  	s10 =	sld [smem:$0x3FB0];
	_ =	sdelay $0x3  }
0x33: {  	p0 =	seq.s32 s10, $0x1;
	s10 =	sld [smem:$0x3FB2];
	_ =	sdelay $0x3  }
0x34: {  	[smem:$0x3FB2] =	sst s10  }
0x35: {  	s10 =	sld [smem:$0x3FB1];
	_ =	sdelay $0x3  }
0x36: {  	p1 =	seq.s32 s10, $0x1;
	s10 =	sld [smem:$0x3FB2];
	_ =	sdelay $0x3  }
0x37: {  	[smem:$0x3FB2] =	sst s10  }
0x38: {  	s10 =	sld [smem:$0x3FB3]  }
0x39: {  	_ = 	snop;
	(pc) =	sbr.ind lr, $3  }
0x3a: {  	_ = 	snop  }
0x3b: {  	_ = 	snop  }
0x3c: {  	p2 =	seq.s32 s10, $0x1;
	s10 =	sld [smem:$0x3FB2]  }
0x3d: {  	_ =	shalt  }
0x3e: {  	_ =	shalt  }
0x3f: {  	_ =	shalt  }
0x40: {  	_ =	shalt  }
0x41: {  	_ =	shalt  }
0x42: {  	_ =	shalt  }
0x43: {  	_ =	shalt  }
0x44: {  	_ =	shalt  }
0x45: {  	_ =	shalt  }
0x46: {  	_ =	shalt  }
0x47: {  	_ =	shalt  }
0x48: {  	_ =	shalt  }
0x49: {  	_ =	shalt  }
0x4a: {  	_ =	shalt  }
0x4b: {  	_ =	shalt  }
0x4c: {  	_ =	shalt  }
0x4d: {  	_ =	shalt  }
0x4e: {  	_ =	shalt  }
0x4f: {  	_ =	shalt  }
0x50: {  	_ =	shalt  }
0x51: {  	_ =	shalt  }
0x52: {  	_ =	shalt  }
0x53: {  	_ =	shalt  }
0x54: {  	_ =	shalt  }
0x55: {  	_ =	shalt  }
0x56: {  	_ =	shalt  }
0x57: {  	_ =	shalt  }
0x58: {  	_ =	shalt  }
0x59: {  	_ =	shalt  }
0x5a: {  	_ =	shalt  }
0x5b: {  	_ =	shalt  }
0x5c: {  	_ =	shalt  }
0x5d: {  	_ =	shalt  }
0x5e: {  	_ =	shalt  }
0x5f: {  	_ =	shalt  }
0x60: {  	_ =	shalt  }
0x61: {  	_ =	shalt  }
0x62: {  	_ =	shalt  }
0x63: {  	_ =	shalt  }
0x64: {  	_ =	shalt  }
0x65: {  	_ =	shalt  }
0x66: {  	_ =	shalt  }
0x67: {  	_ =	shalt  }
0x68: {  	_ =	shalt  }
0x69: {  	_ =	shalt  }
0x6a: {  	_ =	shalt  }
0x6b: {  	_ =	shalt  }
0x6c: {  	_ =	shalt  }
0x6d: {  	_ =	shalt  }
0x6e: {  	_ =	shalt  }
0x6f: {  	_ =	shalt  }
0x70: {  	_ =	shalt  }
0x71: {  	_ =	shalt  }
0x72: {  	_ =	shalt  }
0x73: {  	_ =	shalt  }
0x74: {  	_ =	shalt  }
0x75: {  	_ =	shalt  }
0x76: {  	_ =	shalt  }
0x77: {  	_ =	shalt  }
0x78: {  	_ =	shalt  }
0x79: {  	_ =	shalt  }
0x7a: {  	_ =	shalt  }
0x7b: {  	_ =	shalt  }
0x7c: {  	_ =	shalt  }
0x7d: {  	_ =	shalt  }
0x7e: {  	_ =	shalt  }
0x7f: {  	_ =	shalt  }
0x80: {  	_ =	shalt  }
0x81: {  	_ =	shalt  }
0x82: {  	_ =	shalt  }
0x83: {  	_ =	shalt  }
0x84: {  	_ =	shalt  }
0x85: {  	_ =	shalt  }
0x86: {  	_ =	shalt  }
0x87: {  	_ =	shalt  }
.Lfunc_end0:
.L_simem_size_0:
called_computation.1_lowered:
.L_overlay_start_0:
0x88: {  	s2 =	sld [smem:$0x3FD9]  }
0x89: {  	s3 =	sld [smem:$0x3FFE];
	_ =	sdelay $0x1  }
0x8a: {  	s1 =	srdreg.scid  }
0x8b: {  	s0 =	sand.u32 $0x1, s1  }
0x8c: {  	s17 =	sshll.u32 s0, $0xA;
	s2 =	sadd.s32 s3, s2  }
0x8d: {  	s2 =	sadd.s32 s2, s17  }
0x8e: {  	[smem:$0x3FBE] =	sst s2  }
0x8f: {  	_ = 	snop  }
0x90: {  	s2 =	sld [smem:$0x3FD0];
	(tm) =	ssettm $0x1  }
0x91: {  	s18 =	sld [smem:$0x3FFB];
	_ =	sdelay $0x3  }
0x92: {  	_ =	strace s18  }
0x93: {  	s3 =	sld [smem:$0x3FFC];
	_ =	sdelay $0x3  }
0x94: {  	_ =	strace s3  }
0x95: {  	s3 =	sld [smem:$0x3FFD];
	_ =	sdelay $0x3  }
0x96: {  	_ =	strace s3  }
0x97: {  	_ =	strace $0x8FFFFFFF  }
0x98: {  	s19 =	sld [smem:$0x3FDB];
	_ =	sdelay $0x1  }
0x99: {  	s4 =	simm.s32 $_scs_section_size  }
0x9a: {  	s5 =	simm.s32 $_size__tile_overlayer_lowered;
	s6 =	simm.s32 $_tile_overlayer_lowered  }
0x9b: {  	s22 =	simm.s32 $0x1BFF;
	s21 =	sshll.u32 s6, $0x1;
	s3 =	sadd.s32 s4, s19  }
0x9c: {  	s7 =	simm.s32 $0x0;
	s20 =	sshll.u32 s5, $0x1;
	s5 =	sadd.s32 s21, s3  }
0x9d: {  	[timem:s7], [sflag:s22] =	dma.local [hbm:s5], s20  }
0x9e: {  	_ =	swait.ge [sflag:s22], s20  }
0x9f: {  	s4 =	ssub.s32 $0x0, s20;
	[sflag:s22] =	ssyncset.done $0x0  }
0xa0: {  	[sflag:s22] =	ssyncadd.s32 s4;
	_ =	sdelay $0x1  }
0xa1: {  	s23 =	simm.s32 $0x1B8B  }
0xa2: {  	_ =	swait.ge [sflag:s23], $0x1  }
0xa3: {  	[sflag:s23] =	ssyncset.done $0x0  }
0xa4: {  	s25 =	simm.s32 $0x1B8E;
	s24 =	sld [smem:$0x3FFE];
	[sflag:s23] =	ssyncadd.s32 $0xFFFFFFFF  }
0xa5: {  	s26 =	simm.s32 $execute0_lowered;
	[smem:$0x3FD2] =	sst s25  }
0xa6: {  	s5 =	sshll.u32 s26, $0x1;
	_ =	strace $0x80000049;
	[dreg:$0x1] =	wrdreg $0xFFFFFFFF  }
0xa7: {  	s28 =	simm.s32 $_size_execute0_lowered;
	s3 =	sadd.s32 s3, s5;
	[dreg:$0x0] =	wrdreg $0x0  }
0xa8: {  	s5 =	sshll.u32 s28, $0x1;
	[dreg:$0x2] =	wrdreg s3  }
0xa9: {  	[dreg:$0x3] =	wrdreg s5  }
0xaa: {  	[dreg:$0x4] =	wrdreg $0xC0  }
0xab: {  	_ =	task [dreg:s7], $0x5FFFF  }
0xac: {  	[dreg:$0x1] =	wrdreg $0xFFFFFFFF  }
0xad: {  	[dreg:$0x0] =	wrdreg $0x60  }
0xae: {  	[dreg:$0x2] =	wrdreg s2  }
0xaf: {  	[dreg:$0x3] =	wrdreg s24  }
0xb0: {  	[dreg:$0x4] =	wrdreg $0x0  }
0xb1: {  	[dreg:$0x5] =	wrdreg $0x9  }
0xb2: {  	_ =	task.clear_ibuf [dreg:s7], $0x6FFFF;
	_ =	strace $0x90000049  }
0xb3: {  	s29 =	simm.s32 $0x9;
	_ =	strace $0x8000004B  }
0xb4: {  	_ =	swait.ge [sflag:s29], $0x1  }
0xb5: {  	[sflag:s29] =	ssyncadd.s32 $0xFFFFFFFF  }
0xb6: {  	_ =	strace $0x9000004B  }
0xb7: {  	_ =	sfence  }
0xb8: {  	s30 =	sld [smem:$0x0];
	_ =	sdelay $0x2  }
0xb9: {  	s31 =	sshll.u32 s1, $0xD;
	s1 =	sshrl.u32 s1, $0x2  }
0xba: {  	s3 =	sand.u32 $0x4000, s31;
	s1 =	sadd.s32 s1, s30  }
0xbb: {  	s0 =	sor.u32 s3, s0;
	s1 =	sshll.u32 s1, $0x11  }
0xbc: {  	s0 =	sor.u32 s1, s0  }
0xbd: {  	s0 =	sadd.s32 $0x8F2B, s0  }
0xbe: {  	[sflag:s0] =	ssyncadd.remote.s32 $0x1  }
0xbf: {  	_ =	sfence.sel $0xFFFF  }
0xc0: {  	[dreg:$0x0] =	wrdreg $0xFFFFFFFF;
	(pc) =	sbr.abs _section_cstart, $3  }
0xc1: {  	[dreg:$0x1] =	wrdreg $0xFFFFFFFF  }
0xc2: {  	_ =	task.clear_ibuf [dreg:s7], $0x2FFFF;
	_ =	strace $0x9FFFFFFF  }
0xc3: {  	(tm) =	ssettm $0x7FFFFFFF  }
tec
execute0_lowered:
.L_overlay_start_1:
0x0: {  	(tag) =	ssettag $0x1  }
0x1: {  	s0 =	srdreg.scid;
	s24 =	stileid.u32  }
0x2: {  	s0 =	sand.u32 $0x1, s0;
	s9 =	smul.u32 $0x2800, s24  }
0x3: {  	s8 =	sor.u32 $0x10, s24;
	s7 =	smul.u32 $0x138800, s0  }
0x4: {  	s10 =	sor.u32 $0x20, s24;
	s11 =	smul.u32 $0x2800, s8  }
0x5: {  	s12 =	sor.u32 $0x30, s24;
	s13 =	smul.u32 $0x2800, s10  }
0x6: {  	s15 =	sor.u32 $0x40, s24;
	s16 =	smul.u32 $0x2800, s12  }
0x7: {  	s20 =	sor.u32 $0x50, s24;
	s18 =	smul.u32 $0x2800, s15  }
0x8: {  	s21 =	sor.u32 $0x70, s24;
	s19 =	smul.u32 $0x2800, s20  }
0x9: {  	s23 =	smul.u32 $0x2800, s21  }
0xa: {  	s1 =	sshll.u32 s0, $0x4;
	s14 =	ssub.s32 $0x2, s0;
	s0 =	smul.u32 $0x7D00, s0  }
0xb: {  	s6 =	rddreg [dreg:$0x1];
	s8 =	smul.u32 $0xA000, s8  }
0xc: {  	s3 =	rddreg [dreg:$0x2];
	s10 =	smul.u32 $0xA000, s10  }
0xd: {  	s28 =	simm.s32 $0x16180;
	s12 =	smul.u32 $0xA000, s12;
	s2 =	sor.u32 s24, s1  }
0xe: {  	s29 =	simm.s32 $0x7;
	s31 =	simm.s32 $0x50;
	s4 =	smul.u32 $0x4E2, s2  }
0xf: {  	p0 =	sgt.u32 s21, $0x7C;
	s17 =	sshrl.u32 s14, $0x1;
	s5 =	smul.u32 $0x7D0, s2  }
0x10: {  	s1 =	rddreg [dreg:$0x0];
	s2 =	smul.u32 $0x3E80, s2;
	s14 =	ssub.s32 s14, s17  }
0x11: {  	s17 =	sor.u32 $0x60, s24;
	s9 =	sadd.s32 s7, s9;
	s11 =	sadd.s32 s7, s11  }
0x12: {  	s13 =	sadd.s32 s7, s13;
	s16 =	sadd.s32 s7, s16;
	s18 =	sadd.s32 s7, s18  }
0x13: {  	s19 =	sadd.s32 s7, s19;
	s22 =	smul.u32 $0x2800, s17;
	s9 =	sshrl.u32 s9, $0x3  }
0x14: {  	s11 =	sshrl.u32 s11, $0x3;
	s25 =	sshrl.u32 s13, $0x3;
	s13 =	sshrl.u32 s18, $0x3  }
0x15: {  	s4 =	sadd.s32 s4, s6;
	s2 =	sshrl.u32 s2, $0x3;
	s22 =	sadd.s32 s7, s22  }
0x16: {  	s7 =	sadd.s32 s7, s23;
	s23 =	sadd.s32 $0x5C000, s6;
	s6 =	sadd.s32 $0x6BA00, s6  }
0x17: {  	s4 =	sadd.s32 $0x4000, s4;
	s5 =	sadd.s32 s23, s5;
	s26 =	sadd.s32 s6, s11  }
0x18: {  	s11 =	sshrl.u32 s16, $0x3;
	s16 =	sshrl.u32 s19, $0x3;
	s18 =	sadd.s32 s6, s13  }
0x19: {  	s7 =	sshrl.u32 s7, $0x3;
	s2 =	sadd.s32 s23, s2;
	[dreg:$0x4] =	wrdreg s5  }
0x1a: {  	s0 =	sadd.s32 s0, s23;
	s13 =	simm.s32 $0x0;
	[dreg:$0x6] =	wrdreg s26  }
0x1b: {  	s5 =	sadd.s32 s6, s9;
	s9 =	sadd.s32 s6, s25;
	[dreg:$0x9] =	wrdreg s18  }
0x1c: {  	s19 =	sadd.s32 s6, s16;
	s25 =	sshrl.u32 s22, $0x3;
	[smem:$0x7FF] =	sst s13  }
0x1d: {  	s26 =	sadd.s32 s6, s7;
	s7 =	smul.u32 $0xA000, s24;
	[dreg:$0x5] =	wrdreg s5  }
0x1e: {  	s16 =	sshrl.u32 s12, $0x2;
	s18 =	smul.u32 $0xA000, s17;
	[dreg:$0x7] =	wrdreg s9  }
0x1f: {  	s12 =	simm.s32 $0x3;
	s5 =	sadd.s32 s6, s11;
	[dreg:$0xa] =	wrdreg s19  }
0x20: {  	[dreg:$0xc] =	wrdreg s26;
	s11 =	smax.u32 s14, $0x1;
	s14 =	smul.u32 $0xA000, s15  }
0x21: {  	s9 =	sadd.s32 $0x10, s2;
	s2 =	sadd.s32 $0x20, s2;
	s15 =	smul.u32 $0xA000, s20  }
0x22: {  	s19 =	smul.u32 $0xA000, s21;
	[dreg:$0x8] =	wrdreg s5;
	s5 =	sadd.s32 s6, s25  }
0x23: {  	s21 =	sadd.s32 s16, s3;
	s6 =	smul.u32 $0x7D0, s24;
	[dreg:$0xb] =	wrdreg s5  }
0x24: {  	s25 =	sshrl.u32 s18, $0x2;
	_ =	strace $0x8000004A;
	[dreg:$0xd] =	wrdreg s4  }
0x25: {  	s5 =	sshrl.u32 s7, $0x2;
	s24 =	sshrl.u32 s15, $0x2;
	[dreg:$0xe] =	wrdreg s9  }
0x26: {  	s26 =	sshrl.u32 s19, $0x2;
	s7 =	simm.s32 $0x4;
	[dreg:$0xf] =	wrdreg s2  }
0x27: {  	s15 =	simm.s32 $0x0;
	s0 =	sadd.s32 s6, s0;
	[dreg:$0x10] =	wrdreg s11  }
0x28: {  	s30 =	sadd.s32 s5, s3;
	s4 =	sshrl.u32 s8, $0x2;
	s2 =	sshrl.u32 s10, $0x2  }
0x29: {  	s5 =	sshrl.u32 s14, $0x2;
	s23 =	sadd.s32 s24, s3;
	s24 =	sadd.s32 s25, s3  }
0x2a: {  	s25 =	sadd.s32 s26, s3;
	s6 =	simm.s32 $0x1;
	s8 =	simm.s32 $0x2  }
.Ltmp0:
0x2b: {  	s9 =	simm.s32 $0x5;
	s10 =	simm.s32 $0x8;
	(pc) =	sbr.rel .LBB2_1-.Ltmp0, $4  }
0x2c: {  	s11 =	simm.s32 $0x1B180;
	s14 =	simm.s32 $0x6;
	s4 =	sadd.s32 s4, s3  }
0x2d: {  	s20 =	sadd.s32 s2, s3;
	s22 =	sadd.s32 s5, s3;
	s0 =	sadd.s32 $0x50, s0  }
0x2e: {  	s2 =	simm.s32 $0x16000;
	s5 =	simm.s32 $0x16100;
	[dreg:$0x11] =	wrdreg s4  }
0x2f: {  	v0 =	vimm.f32 $0.0e+00;
	[dreg:$0x12] =	wrdreg s0;
	s0 =	simm.s32 $0x18980;
	s4 =	simm.s32 $0x16080  }
.LBB2_8:
0x30: {  	_ =	swait.ge [sflag:s7], $0x80  }
0x31: {  	[sflag:s7] =	ssyncset.done $0x0  }
0x32: {  	[sflag:s7] =	ssyncadd.s32 $0xFFFFFF80  }
0x33: {  	[spmem:s3] =	stream.indirect.scatter.add.f32 [tilespmem:s28], [sflag:$0x7], $0x80, s2, s31, $0xb8;
	[tilespmem:$0x1D980] =	vst v63  }
0x34: {  	_ =	swait.ge [sflag:s29], $0x2800  }
0x35: {  	[sflag:s29] =	ssyncset.done $0x0  }
0x36: {  	[sflag:s29] =	ssyncadd.s32 $0xFFFFD800  }
0x37: {  	_ =	swait.ge [sflag:s8], $0x2800  }
0x38: {  	[sflag:s8] =	ssyncset.done $0x0  }
0x39: {  	[sflag:s8] =	ssyncadd.s32 $0xFFFFD800  }
0x3a: {  	_ =	swait.ge [sflag:s9], $0x80  }
0x3b: {  	[sflag:s9] =	ssyncset.done $0x0  }
0x3c: {  	[sflag:s9] =	ssyncadd.s32 $0xFFFFFF80  }
0x3d: {  	[spmem:s3] =	stream.indirect.scatter.add.f32 [tilespmem:s0], [sflag:$0x7], $0x80, s4, s31, $0xb8;
	[tilespmem:$0x1D980] =	vst v63  }
0x3e: {  	_ =	swait.ge [sflag:s29], $0x2800  }
0x3f: {  	[sflag:s29] =	ssyncset.done $0x0  }
0x40: {  	[sflag:s29] =	ssyncadd.s32 $0xFFFFD800  }
.LBB2_6:
0x41: {  	[bflag:$0x0] =	sbarrier.arrive $0xFFFF  }
0x42: {  	[tilespmem:s28], [sflag:$0x8] =	stream.linear.gather [spmem:s19], $0x2800, $0x38;
	[tilespmem:$0x1D980] =	vst v63  }
0x43: {  	_ =	swait.ge [sflag:s10], $0x2800  }
0x44: {  	[sflag:s10] =	ssyncset.done $0x0  }
0x45: {  	s16 =	rddreg [dreg:$0x5];
	[sflag:s10] =	ssyncadd.s32 $0xFFFFD800  }
0x46: {  	[hbm4b:s16+s13] =	stream.linear.scatter [tilespmem:s28], [sflag:$0x7], $0x2800, $0x38;
	[tilespmem:$0x1D980] =	vst v63  }
0x47: {  	_ =	swait.ge [sflag:s29], $0x2800  }
0x48: {  	[sflag:s29] =	ssyncset.done $0x0  }
0x49: {  	s17 =	rddreg [dreg:$0x11];
	[sflag:s29] =	ssyncadd.s32 $0xFFFFD800  }
0x4a: {  	[tilespmem:s28], [sflag:$0x8] =	stream.linear.gather [spmem:s17], $0x2800, $0x38;
	[tilespmem:$0x1D980] =	vst v63  }
0x4b: {  	_ =	swait.ge [sflag:s10], $0x2800  }
0x4c: {  	[sflag:s10] =	ssyncset.done $0x0  }
0x4d: {  	s18 =	rddreg [dreg:$0x6];
	[sflag:s10] =	ssyncadd.s32 $0xFFFFD800  }
0x4e: {  	[hbm4b:s18+s13] =	stream.linear.scatter [tilespmem:s28], [sflag:$0x7], $0x2800, $0x38;
	[tilespmem:$0x1D980] =	vst v63  }
0x4f: {  	_ =	swait.ge [sflag:s29], $0x2800  }
0x50: {  	[sflag:s29] =	ssyncset.done $0x0  }
0x51: {  	[sflag:s29] =	ssyncadd.s32 $0xFFFFD800  }
0x52: {  	[tilespmem:s28], [sflag:$0x8] =	stream.linear.gather [spmem:s20], $0x2800, $0x38;
	[tilespmem:$0x1D980] =	vst v63  }
0x53: {  	_ =	swait.ge [sflag:s10], $0x2800  }
0x54: {  	[sflag:s10] =	ssyncset.done $0x0  }
0x55: {  	s30 =	smov.u32 s19;
	s19 =	rddreg [dreg:$0x7];
	[sflag:s10] =	ssyncadd.s32 $0xFFFFD800  }
0x56: {  	[hbm4b:s19+s13] =	stream.linear.scatter [tilespmem:s28], [sflag:$0x7], $0x2800, $0x38;
	[tilespmem:$0x1D980] =	vst v63  }
0x57: {  	_ =	swait.ge [sflag:s29], $0x2800  }
0x58: {  	[sflag:s29] =	ssyncset.done $0x0  }
0x59: {  	[sflag:s29] =	ssyncadd.s32 $0xFFFFD800  }
0x5a: {  	[tilespmem:s28], [sflag:$0x8] =	stream.linear.gather [spmem:s21], $0x2800, $0x38;
	[tilespmem:$0x1D980] =	vst v63  }
0x5b: {  	_ =	swait.ge [sflag:s10], $0x2800  }
0x5c: {  	[sflag:s10] =	ssyncset.done $0x0  }
0x5d: {  	s26 =	rddreg [dreg:$0x8];
	[sflag:s10] =	ssyncadd.s32 $0xFFFFD800  }
0x5e: {  	[hbm4b:s26+s13] =	stream.linear.scatter [tilespmem:s28], [sflag:$0x7], $0x2800, $0x38;
	[tilespmem:$0x1D980] =	vst v63  }
0x5f: {  	_ =	swait.ge [sflag:s29], $0x2800  }
0x60: {  	[sflag:s29] =	ssyncset.done $0x0  }
0x61: {  	[sflag:s29] =	ssyncadd.s32 $0xFFFFD800  }
0x62: {  	[tilespmem:s28], [sflag:$0x8] =	stream.linear.gather [spmem:s22], $0x2800, $0x38;
	[tilespmem:$0x1D980] =	vst v63  }
0x63: {  	_ =	swait.ge [sflag:s10], $0x2800  }
0x64: {  	[sflag:s10] =	ssyncset.done $0x0  }
0x65: {  	s17 =	rddreg [dreg:$0x9];
	[sflag:s10] =	ssyncadd.s32 $0xFFFFD800  }
0x66: {  	[hbm4b:s17+s13] =	stream.linear.scatter [tilespmem:s28], [sflag:$0x7], $0x2800, $0x38;
	[tilespmem:$0x1D980] =	vst v63  }
0x67: {  	_ =	swait.ge [sflag:s29], $0x2800  }
0x68: {  	[sflag:s29] =	ssyncset.done $0x0  }
0x69: {  	[sflag:s29] =	ssyncadd.s32 $0xFFFFD800  }
0x6a: {  	[tilespmem:s28], [sflag:$0x8] =	stream.linear.gather [spmem:s23], $0x2800, $0x38;
	[tilespmem:$0x1D980] =	vst v63  }
0x6b: {  	_ =	swait.ge [sflag:s10], $0x2800  }
0x6c: {  	[sflag:s10] =	ssyncset.done $0x0  }
0x6d: {  	s18 =	rddreg [dreg:$0xa];
	[sflag:s10] =	ssyncadd.s32 $0xFFFFD800  }
0x6e: {  	[hbm4b:s18+s13] =	stream.linear.scatter [tilespmem:s28], [sflag:$0x7], $0x2800, $0x38;
	[tilespmem:$0x1D980] =	vst v63  }
0x6f: {  	_ =	swait.ge [sflag:s29], $0x2800  }
0x70: {  	[sflag:s29] =	ssyncset.done $0x0  }
0x71: {  	[sflag:s29] =	ssyncadd.s32 $0xFFFFD800  }
0x72: {  	[tilespmem:s28], [sflag:$0x8] =	stream.linear.gather [spmem:s24], $0x2800, $0x38;
	[tilespmem:$0x1D980] =	vst v63  }
0x73: {  	_ =	swait.ge [sflag:s10], $0x2800  }
0x74: {  	[sflag:s10] =	ssyncset.done $0x0  }
0x75: {  	s19 =	rddreg [dreg:$0xb];
	[sflag:s10] =	ssyncadd.s32 $0xFFFFD800  }
0x76: {  	[hbm4b:s19+s13] =	stream.linear.scatter [tilespmem:s28], [sflag:$0x7], $0x2800, $0x38;
	[tilespmem:$0x1D980] =	vst v63  }
0x77: {  	_ =	swait.ge [sflag:s29], $0x2800  }
0x78: {  	[sflag:s29] =	ssyncset.done $0x0  }
0x79: {  	s16 =	simm.s32 @!p0 $0x16180;
	s17 =	simm.s32 @!p0 $0x8;
	[sflag:s29] =	ssyncadd.s32 $0xFFFFD800  }
0x7a: {  	[tilespmem:s16], [sflag:$0x8] =	stream.linear.gather @!p0 [spmem:s25], $0x2800, $0x38;
	[tilespmem:$0x1D980] =	vst v63  }
0x7b: {  	_ =	swait.ge @!p0 [sflag:s17], $0x2800  }
0x7c: {  	[sflag:s17] =	ssyncset.done @!p0 $0x0  }
0x7d: {  	s18 =	rddreg [dreg:$0xc];
	[sflag:s17] =	ssyncadd.s32 @!p0 $0xFFFFD800;
	s17 =	simm.s32 @!p0 $0x0  }
0x7e: {  	[hbm4b:s18+s17] =	stream.linear.scatter @!p0 [tilespmem:s16], [sflag:$0x7], $0x2800, $0x38;
	[tilespmem:$0x1D980] =	vst v63  }
0x7f: {  	s16 =	simm.s32 @!p0 $0x7  }
0x80: {  	_ =	swait.ge @!p0 [sflag:s16], $0x2800  }
0x81: {  	s15 =	sadd.s32 $0x1, s15;
	s26 =	rddreg [dreg:$0x10]  }
0x82: {  	p1 =	sne.s32 s15, s26  }
.Ltmp1:
0x83: {  	_ = 	snop;
	(pc) =	sbr.rel @!p1 .LBB2_7-.Ltmp1, $3  }
0x84: {  	_ =	sdelay $0x1  }
0x85: {  	[sflag:s16] =	ssyncset.done @!p0 $0x0  }
0x86: {  	[sflag:s16] =	ssyncadd.s32 @!p0 $0xFFFFD800  }
.LBB2_1:
0x87: {  	s16 =	simm.s32 $0x70;
	s26 =	simm.s32 $0x3C0  }
.LBB2_2:
0x88: {  	p1 =	sne.s32 s26, $0x9FC0;
	[tilespmem:s16+$0x16180] =	vst v0  }
0x89: {  	[tilespmem:s16+$0x16110] =	vst v0  }
0x8a: {  	[tilespmem:s16+$0x16120] =	vst v0  }
.Ltmp2:
0x8b: {  	[tilespmem:s16+$0x16130] =	vst v0;
	(pc) =	sbr.rel @p1 .LBB2_2-.Ltmp2, $4  }
0x8c: {  	[tilespmem:s16+$0x16140] =	vst v0  }
0x8d: {  	[tilespmem:s16+$0x16150] =	vst v0  }
0x8e: {  	[tilespmem:s16+$0x16160] =	vst v0  }
0x8f: {  	[tilespmem:s16+$0x16170] =	vst v0;
	s16 =	sshra.s32 s26, $0x2;
	s26 =	sadd.s32 $0x200, s26  }
0x90: {  	[tilespmem:s16+$0x16180] =	vst v0  }
0x91: {  	[tilespmem:s16+$0x16110] =	vst v0  }
0x92: {  	[tilespmem:s16+$0x16120] =	vst v0  }
0x93: {  	[tilespmem:s16+$0x16130] =	vst v0  }
0x94: {  	[tilespmem:s16+$0x16140] =	vst v0  }
0x95: {  	[tilespmem:s16+$0x16150] =	vst v0  }
0x96: {  	[tilespmem:s16+$0x16160] =	vst v0  }
0x97: {  	[tilespmem:s16+$0x16170] =	vst v0  }
0x98: {  	[spmem:s30] =	stream.linear.scatter [tilespmem:s28], [sflag:$0x7], $0x2800, $0x38;
	[tilespmem:$0x1D980] =	vst v63  }
0x99: {  	_ =	swait.ge [sflag:s29], $0x2800  }
0x9a: {  	[sflag:s29] =	ssyncset.done $0x0  }
0x9b: {  	s17 =	rddreg [dreg:$0x11];
	[sflag:s29] =	ssyncadd.s32 $0xFFFFD800  }
0x9c: {  	[spmem:s17] =	stream.linear.scatter [tilespmem:s28], [sflag:$0x7], $0x2800, $0x38;
	[tilespmem:$0x1D980] =	vst v63  }
0x9d: {  	_ =	swait.ge [sflag:s29], $0x2800  }
0x9e: {  	[sflag:s29] =	ssyncset.done $0x0  }
0x9f: {  	[sflag:s29] =	ssyncadd.s32 $0xFFFFD800  }
0xa0: {  	[spmem:s20] =	stream.linear.scatter [tilespmem:s28], [sflag:$0x7], $0x2800, $0x38;
	[tilespmem:$0x1D980] =	vst v63  }
0xa1: {  	_ =	swait.ge [sflag:s29], $0x2800  }
0xa2: {  	[sflag:s29] =	ssyncset.done $0x0  }
0xa3: {  	[sflag:s29] =	ssyncadd.s32 $0xFFFFD800  }
0xa4: {  	[spmem:s21] =	stream.linear.scatter [tilespmem:s28], [sflag:$0x7], $0x2800, $0x38;
	[tilespmem:$0x1D980] =	vst v63  }
0xa5: {  	_ =	swait.ge [sflag:s29], $0x2800  }
0xa6: {  	[sflag:s29] =	ssyncset.done $0x0  }
0xa7: {  	[sflag:s29] =	ssyncadd.s32 $0xFFFFD800  }
0xa8: {  	[spmem:s22] =	stream.linear.scatter [tilespmem:s28], [sflag:$0x7], $0x2800, $0x38;
	[tilespmem:$0x1D980] =	vst v63  }
0xa9: {  	_ =	swait.ge [sflag:s29], $0x2800  }
0xaa: {  	[sflag:s29] =	ssyncset.done $0x0  }
0xab: {  	[sflag:s29] =	ssyncadd.s32 $0xFFFFD800  }
0xac: {  	[spmem:s23] =	stream.linear.scatter [tilespmem:s28], [sflag:$0x7], $0x2800, $0x38;
	[tilespmem:$0x1D980] =	vst v63  }
0xad: {  	_ =	swait.ge [sflag:s29], $0x2800  }
0xae: {  	[sflag:s29] =	ssyncset.done $0x0  }
0xaf: {  	[sflag:s29] =	ssyncadd.s32 $0xFFFFD800  }
0xb0: {  	[spmem:s24] =	stream.linear.scatter [tilespmem:s28], [sflag:$0x7], $0x2800, $0x38;
	[tilespmem:$0x1D980] =	vst v63  }
0xb1: {  	_ =	swait.ge [sflag:s29], $0x2800  }
0xb2: {  	[sflag:s29] =	ssyncset.done $0x0  }
0xb3: {  	s16 =	simm.s32 @!p0 $0x16180;
	[sflag:s29] =	ssyncadd.s32 $0xFFFFD800  }
0xb4: {  	[spmem:s25] =	stream.linear.scatter @!p0 [tilespmem:s16], [sflag:$0x7], $0x2800, $0x38;
	[tilespmem:$0x1D980] =	vst v63  }
0xb5: {  	s16 =	simm.s32 @!p0 $0x7  }
0xb6: {  	_ =	swait.ge @!p0 [sflag:s16], $0x2800  }
0xb7: {  	[sflag:s16] =	ssyncset.done @!p0 $0x0  }
0xb8: {  	[sflag:s16] =	ssyncadd.s32 @!p0 $0xFFFFD800  }
0xb9: {  	[bflag:$0x0] =	sbarrier.arrive $0xFFFF  }
0xba: {  	s18 =	simm.s32 $0x13880;
	s16 =	simm.s32 $0x0;
	s17 =	rddreg [dreg:$0xd]  }
0xbb: {  	[tilespmem:s18], [sflag:$0x7] =	stream.linear.gather [hbm4b:s17+s16], $0x2710, $0x38;
	[tilespmem:$0x1D980] =	vst v63  }
0xbc: {  	_ =	swait.ge [sflag:s29], $0x2710  }
0xbd: {  	[sflag:s29] =	ssyncset.done $0x0  }
0xbe: {  	[sflag:s29] =	ssyncadd.s32 $0xFFFFD8F0  }
0xbf: {  	[tilespmem:s28], [sflag:$0x1] =	stream.indirect.gather [hbm4b:s1+s31], $0x80, s18, s31, $0xb8;
	[tilespmem:$0x1D980] =	vst v63  }
0xc0: {  	s18 =	simm.s32 $0x138D0  }
0xc1: {  	[tilespmem:s0], [sflag:$0x2] =	stream.indirect.gather [hbm4b:s1+s31], $0x80, s18, s31, $0xb8;
	[tilespmem:$0x1D980] =	vst v63  }
0xc2: {  	s26 =	rddreg [dreg:$0x4]  }
0xc3: {  	[tilespmem:s2], [sflag:$0x4] =	stream.linear.gather [hbm4b:s26+s16], $0x80, $0x38;
	[tilespmem:$0x1D980] =	vst v63  }
0xc4: {  	s18 =	rddreg [dreg:$0xe]  }
0xc5: {  	[tilespmem:s4], [sflag:$0x5] =	stream.linear.gather [hbm4b:s18+s16], $0x80, $0x38;
	[tilespmem:$0x1D980] =	vst v63  }
0xc6: {  	s26 =	rddreg [dreg:$0xf]  }
0xc7: {  	[tilespmem:s5], [sflag:$0x6] =	stream.linear.gather [hbm4b:s26+s16], $0x80, $0x38;
	[tilespmem:$0x1D980] =	vst v63  }
0xc8: {  	s19 =	smov.u32 s30;
	s30 =	simm.s32 $0x0;
	s26 =	rddreg [dreg:$0x12]  }
.LBB2_4:
0xc9: {  	p1 =	seq.s32 s16, $0x99C0  }
.Ltmp3:
0xca: {  	_ = 	snop;
	(pc) =	sbr.rel @p1 .LBB2_8-.Ltmp3, $4  }
0xcb: {  	_ = 	snop  }
0xcc: {  	_ =	swait.ge [sflag:s6], $0x2800  }
0xcd: {  	[sflag:s6] =	ssyncset.done $0x0  }
0xce: {  	[sflag:s6] =	ssyncadd.s32 $0xFFFFD800  }
0xcf: {  	s17 =	sshra.s32 s16, $0x2  }
0xd0: {  	s18 =	sadd.s32 $0x13920, s17  }
0xd1: {  	[tilespmem:s11], [sflag:$0x3] =	stream.indirect.gather [hbm4b:s1+s31], $0x80, s18, s31, $0xb8;
	[tilespmem:$0x1D980] =	vst v63  }
0xd2: {  	_ =	swait.ge [sflag:s7], $0x80  }
0xd3: {  	[sflag:s7] =	ssyncset.done $0x0  }
0xd4: {  	[sflag:s7] =	ssyncadd.s32 $0xFFFFFF80  }
0xd5: {  	[spmem:s3] =	stream.indirect.scatter.add.f32 [tilespmem:s28], [sflag:$0x7], $0x80, s2, s31, $0xb8;
	[tilespmem:$0x1D980] =	vst v63  }
0xd6: {  	_ =	swait.ge [sflag:s29], $0x2800  }
0xd7: {  	[sflag:s29] =	ssyncset.done $0x0  }
0xd8: {  	s18 =	sadd.s32 $0xFFFFFFE0, s26;
	[sflag:s29] =	ssyncadd.s32 $0xFFFFD800  }
0xd9: {  	[tilespmem:s2], [sflag:$0x4] =	stream.linear.gather [hbm4b:s18+s13], $0x80, $0x38;
	[tilespmem:$0x1D980] =	vst v63  }
0xda: {  	_ =	swait.ge [sflag:s8], $0x2800  }
0xdb: {  	[sflag:s8] =	ssyncset.done $0x0  }
0xdc: {  	s18 =	sadd.s32 $0x13970, s17;
	[sflag:s8] =	ssyncadd.s32 $0xFFFFD800  }
0xdd: {  	[tilespmem:s28], [sflag:$0x1] =	stream.indirect.gather [hbm4b:s1+s31], $0x80, s18, s31, $0xb8;
	[tilespmem:$0x1D980] =	vst v63  }
0xde: {  	_ =	swait.ge [sflag:s9], $0x80  }
0xdf: {  	[sflag:s9] =	ssyncset.done $0x0  }
0xe0: {  	[sflag:s9] =	ssyncadd.s32 $0xFFFFFF80  }
0xe1: {  	[spmem:s3] =	stream.indirect.scatter.add.f32 [tilespmem:s0], [sflag:$0x7], $0x80, s4, s31, $0xb8;
	[tilespmem:$0x1D980] =	vst v63  }
0xe2: {  	_ =	swait.ge [sflag:s29], $0x2800  }
0xe3: {  	[sflag:s29] =	ssyncset.done $0x0  }
0xe4: {  	s18 =	sadd.s32 $0xFFFFFFF0, s26;
	[sflag:s29] =	ssyncadd.s32 $0xFFFFD800  }
0xe5: {  	[tilespmem:s4], [sflag:$0x5] =	stream.linear.gather [hbm4b:s18+s13], $0x80, $0x38;
	[tilespmem:$0x1D980] =	vst v63  }
0xe6: {  	_ =	swait.ge [sflag:s12], $0x2800  }
0xe7: {  	[sflag:s12] =	ssyncset.done $0x0  }
0xe8: {  	s17 =	sadd.s32 $0x139C0, s17;
	[sflag:s12] =	ssyncadd.s32 $0xFFFFD800  }
0xe9: {  	[tilespmem:s0], [sflag:$0x2] =	stream.indirect.gather [hbm4b:s1+s31], $0x80, s17, s31, $0xb8;
	[tilespmem:$0x1D980] =	vst v63  }
0xea: {  	_ =	swait.ge [sflag:s14], $0x80  }
0xeb: {  	[sflag:s14] =	ssyncset.done $0x0  }
0xec: {  	[sflag:s14] =	ssyncadd.s32 $0xFFFFFF80  }
0xed: {  	[spmem:s3] =	stream.indirect.scatter.add.f32 [tilespmem:s11], [sflag:$0x7], $0x80, s5, s31, $0xb8;
	[tilespmem:$0x1D980] =	vst v63  }
0xee: {  	_ =	swait.ge [sflag:s29], $0x2800  }
0xef: {  	p1 =	sgt.u32 s30, $0x27;
	s16 =	sadd.s32 $0x3C0, s16;
	[sflag:s29] =	ssyncset.done $0x0  }
0xf0: {  	s18 =	simm.s32 @!p1 $0x16100;
	s17 =	simm.s32 @!p1 $0x0;
	[sflag:s29] =	ssyncadd.s32 $0xFFFFD800  }
0xf1: {  	[tilespmem:s18], [sflag:$0x6] =	stream.linear.gather @!p1 [hbm4b:s26+s17], $0x80, $0x38;
	[tilespmem:$0x1D980] =	vst v63  }
0xf2: {  	p1 =	sne.s32 s16, $0x9D80  }
.Ltmp4:
0xf3: {  	_ = 	snop;
	(pc) =	sbr.rel @p1 .LBB2_4-.Ltmp4, $4  }
.Ltmp5:
0xf4: {  	_ = 	snop;
	(pc) =	sbr.rel @!p1 .LBB2_6-.Ltmp5, $4  }
0xf5: {  	_ = 	snop  }
0xf6: {  	_ = 	snop  }
0xf7: {  	s30 =	sadd.s32 $0x1, s30;
	s26 =	sadd.s32 $0x30, s26  }
0xf8: {  	_ = 	snop  }
.LBB2_7:
0xf9: {  	_ =	sfence.sel $0x180000  }
0xfa: {  	[bflag:$0x0] =	sbarrier.arrive $0xFFFF  }
0xfb: {  	_ =	strace $0x9000004A  }
0xfc: {  	s0 =	stileid.u32;
	[bflag:$0x2] =	sbarrier.arrive $0xFFFF  }
0xfd: {  	p0 =	sne.s32 s0, $0x0;
	s0 =	rddreg [dreg:$0x3]  }
0xfe: {  	s0 =	sadd.s32 @!p0 $0x100000, s0  }
0xff: {  	[sflag:s0] =	ssyncadd.tile.s32 @!p0 $0x1;
	_ =	shalt  }
.Lfunc_end2:
_tile_overlayer_lowered:
.L_overlay_start_2:
0x100: {  	(tag) =	ssettag $0x2  }
0x101: {  	s0 =	rddreg [dreg:$0x0];
	s2 =	stileid.u32  }
0x102: {  	s1 =	rddreg [dreg:$0x1];
	p0 =	sne.s32 s2, $0x0  }
0x103: {  	s3 =	rddreg [dreg:$0x2];
	[bflag:$0x3] =	sbarrier.arrive $0xFFFF;
	s2 =	simm.s32 @!p0 $0x1C07  }
0x104: {  	[timem:s3], [sflag:s2] =	dma.local @!p0 [hbm:s0], s1  }
0x105: {  	s0 =	simm.s32 @!p0 $0x7  }
0x106: {  	_ =	swait.ge @!p0 [sflag:s0], s1  }
0x107: {  	s1 =	ssub.s32 @!p0 $0x0, s1;
	[sflag:s0] =	ssyncset.done @!p0 $0x0  }
0x108: {  	[sflag:s0] =	ssyncadd.s32 @!p0 s1  }
0x109: {  	[bflag:$0x3] =	sbarrier.arrive $0xFFFF  }
0x10a: {  	_ =	shalt  }

// kernel: kernel.18.cloned.1.call-start
scs
__scs_entry_jumppad:
0x0: {  	(pc) =	sbr.rel $0x88, $3  }
0x1: {  	(tag) =	ssettag $0x0;
	lr =	simm.s32 $0x1  }
0x2: {  	[smem:$0x3F97] =	sst lr;
	_ =	strace $0xD0000000  }
0x3: {  	_ = 	snop  }
0x4: {  	_ = 	snop  }
0x5: {  	_ = 	snop  }
0x6: {  	_ = 	snop  }
0x7: {  	_ = 	snop  }
__scs_overlays_trampoline_lowered:
0x8: {  	[smem:$0x3FA6] =	sst s0  }
0x9: {  	[smem:$0x3FA7] =	sst s1  }
0xa: {  	[smem:$0x3FA8] =	sst s2  }
0xb: {  	[smem:$0x3FA9] =	sst s3  }
0xc: {  	[smem:$0x3FAA] =	sst s4  }
0xd: {  	[smem:$0x3FAB] =	sst s5  }
0xe: {  	[smem:$0x3FAC] =	sst s6  }
0xf: {  	[smem:$0x3FAD] =	sst s7  }
0x10: {  	[smem:$0x3FAE] =	sst s8  }
0x11: {  	[smem:$0x3FAF] =	sst s9;
	s0 =	simm.s32 @!p0 $0x0  }
0x12: {  	s1 =	sld [smem:$0x3F95];
	s0 =	simm.s32 @p0 $0x1  }
0x13: {  	[smem:$0x3FB0] =	sst s0;
	s0 =	simm.s32 @!p1 $0x0  }
0x14: {  	s2 =	sld [smem:$0x3F94];
	s0 =	simm.s32 @p1 $0x1  }
0x15: {  	[smem:$0x3FB1] =	sst s0;
	s0 =	simm.s32 @!p2 $0x0  }
0x16: {  	s3 =	sld [smem:$0x3FDB];
	s0 =	simm.s32 @p2 $0x1  }
0x17: {  	s4 =	simm.s32 $0x1BF5;
	[smem:$0x3FB3] =	sst s0  }
0x18: {  	s0 =	sld [smem:$0x3F96];
	_ =	swait.ge [sflag:s4], $0x0  }
0x19: {  	s7 =	sld [smem:$0x3F97]  }
0x1a: {  	s8 =	sadd.s32 $0xFFFFE003, lr  }
0x1b: {  	s9 =	sadd.s32 $0xFFFFFEF7, lr;
	s5 =	simm.s32 $0xFFFFFFFF;
	p2 =	slt.u32 s8, $0xFFFFF086  }
0x1c: {  	p1 =	slt.u32 s9, $0xF7A;
	s5 =	simm.s32 @!p2 $0x0  }
0x1d: {  	s5 =	simm.s32 @p1 $0x1;
	p0 =	seq.s32 s7, s2  }
0x1e: {  	s7 =	smul.u32 @!p0 $0xF7A, s2;
	p2 =	seq.s32 @!p0 s5, $0x0  }
0x1f: {  	s9 =	smul.u32 $0xF7A, s1;
	s8 =	simm.s32 @!p0 $0x1BF5;
	p2 =	por !p2, p0  }
0x20: {  	[sflag:s8] =	ssyncset.s32 @!p0 $0xFFFFF086;
	s6 =	sadd.s32 @!p0 s3, s7;
	s7 =	simm.s32 @!p0 $0x108  }
0x21: {  	s3 =	sadd.s32 s3, s9;
	s6 =	sadd.s32 @!p0 $0x88, s6;
	s7 =	simm.s32 @p2 $0x1082  }
0x22: {  	[simem:s7], [sflag:s8] =	dma.local @!p0 [hbm:s6], $0xF7A  }
0x23: {  	s9 =	sor.u32 $0xD0000000, s2;
	s6 =	simm.s32 $0x108;
	_ =	swait.ge @!p0 [sflag:s8], $0x0  }
0x24: {  	s3 =	sadd.s32 $0x88, s3;
	s6 =	simm.s32 @!p1 $0x1082;
	[sflag:s4] =	ssyncset.s32 $0xFFFFF086  }
0x25: {  	[simem:s6], [sflag:s4] =	dma.local [hbm:s3], $0xF7A  }
0x26: {  	[smem:$0x3F97] =	sst s1;
	(tag) =	ssettag s2;
	_ =	strace s9  }
0x27: {  	s1 =	sld [smem:$0x3FA7]  }
0x28: {  	s2 =	sld [smem:$0x3FA8]  }
0x29: {  	s4 =	sld [smem:$0x3FAA]  }
0x2a: {  	p0 =	seq.s32 s5, $0x0;
	s5 =	sld [smem:$0x3FAB]  }
0x2b: {  	s6 =	sld [smem:$0x3FAC]  }
0x2c: {  	s7 =	sld [smem:$0x3FAD]  }
0x2d: {  	s3 =	simm.s32 $0x108;
	s8 =	sld [smem:$0x3FAE]  }
0x2e: {  	s3 =	simm.s32 @!p0 $0x1082;
	s9 =	sld [smem:$0x3FAF]  }
0x2f: {  	lr =	sadd.s32 s0, s3;
	s0 =	sld [smem:$0x3FA6]  }
0x30: {  	s3 =	sld [smem:$0x3FA9]  }
0x31: {  	[smem:$0x3FB2] =	sst s10  }
0x32: {  	s10 =	sld [smem:$0x3FB0];
	_ =	sdelay $0x3  }
0x33: {  	p0 =	seq.s32 s10, $0x1;
	s10 =	sld [smem:$0x3FB2];
	_ =	sdelay $0x3  }
0x34: {  	[smem:$0x3FB2] =	sst s10  }
0x35: {  	s10 =	sld [smem:$0x3FB1];
	_ =	sdelay $0x3  }
0x36: {  	p1 =	seq.s32 s10, $0x1;
	s10 =	sld [smem:$0x3FB2];
	_ =	sdelay $0x3  }
0x37: {  	[smem:$0x3FB2] =	sst s10  }
0x38: {  	s10 =	sld [smem:$0x3FB3]  }
0x39: {  	_ = 	snop;
	(pc) =	sbr.ind lr, $3  }
0x3a: {  	_ = 	snop  }
0x3b: {  	_ = 	snop  }
0x3c: {  	p2 =	seq.s32 s10, $0x1;
	s10 =	sld [smem:$0x3FB2]  }
0x3d: {  	_ =	shalt  }
0x3e: {  	_ =	shalt  }
0x3f: {  	_ =	shalt  }
0x40: {  	_ =	shalt  }
0x41: {  	_ =	shalt  }
0x42: {  	_ =	shalt  }
0x43: {  	_ =	shalt  }
0x44: {  	_ =	shalt  }
0x45: {  	_ =	shalt  }
0x46: {  	_ =	shalt  }
0x47: {  	_ =	shalt  }
0x48: {  	_ =	shalt  }
0x49: {  	_ =	shalt  }
0x4a: {  	_ =	shalt  }
0x4b: {  	_ =	shalt  }
0x4c: {  	_ =	shalt  }
0x4d: {  	_ =	shalt  }
0x4e: {  	_ =	shalt  }
0x4f: {  	_ =	shalt  }
0x50: {  	_ =	shalt  }
0x51: {  	_ =	shalt  }
0x52: {  	_ =	shalt  }
0x53: {  	_ =	shalt  }
0x54: {  	_ =	shalt  }
0x55: {  	_ =	shalt  }
0x56: {  	_ =	shalt  }
0x57: {  	_ =	shalt  }
0x58: {  	_ =	shalt  }
0x59: {  	_ =	shalt  }
0x5a: {  	_ =	shalt  }
0x5b: {  	_ =	shalt  }
0x5c: {  	_ =	shalt  }
0x5d: {  	_ =	shalt  }
0x5e: {  	_ =	shalt  }
0x5f: {  	_ =	shalt  }
0x60: {  	_ =	shalt  }
0x61: {  	_ =	shalt  }
0x62: {  	_ =	shalt  }
0x63: {  	_ =	shalt  }
0x64: {  	_ =	shalt  }
0x65: {  	_ =	shalt  }
0x66: {  	_ =	shalt  }
0x67: {  	_ =	shalt  }
0x68: {  	_ =	shalt  }
0x69: {  	_ =	shalt  }
0x6a: {  	_ =	shalt  }
0x6b: {  	_ =	shalt  }
0x6c: {  	_ =	shalt  }
0x6d: {  	_ =	shalt  }
0x6e: {  	_ =	shalt  }
0x6f: {  	_ =	shalt  }
0x70: {  	_ =	shalt  }
0x71: {  	_ =	shalt  }
0x72: {  	_ =	shalt  }
0x73: {  	_ =	shalt  }
0x74: {  	_ =	shalt  }
0x75: {  	_ =	shalt  }
0x76: {  	_ =	shalt  }
0x77: {  	_ =	shalt  }
0x78: {  	_ =	shalt  }
0x79: {  	_ =	shalt  }
0x7a: {  	_ =	shalt  }
0x7b: {  	_ =	shalt  }
0x7c: {  	_ =	shalt  }
0x7d: {  	_ =	shalt  }
0x7e: {  	_ =	shalt  }
0x7f: {  	_ =	shalt  }
0x80: {  	_ =	shalt  }
0x81: {  	_ =	shalt  }
0x82: {  	_ =	shalt  }
0x83: {  	_ =	shalt  }
0x84: {  	_ =	shalt  }
0x85: {  	_ =	shalt  }
0x86: {  	_ =	shalt  }
0x87: {  	_ =	shalt  }
.Lfunc_end0:
.L_simem_size_0:
called_computation.2_lowered:
.L_overlay_start_0:
0x88: {  	s2 =	sld [smem:$0x3FD9]  }
0x89: {  	s3 =	sld [smem:$0x3FFE];
	_ =	sdelay $0x1  }
0x8a: {  	s1 =	srdreg.scid  }
0x8b: {  	s0 =	sand.u32 $0x1, s1  }
0x8c: {  	s17 =	sshll.u32 s0, $0xA;
	s2 =	sadd.s32 s3, s2  }
0x8d: {  	s2 =	sadd.s32 s2, s17  }
0x8e: {  	[smem:$0x3FBE] =	sst s2  }
0x8f: {  	_ = 	snop  }
0x90: {  	s2 =	sld [smem:$0x3FD0];
	(tm) =	ssettm $0x1  }
0x91: {  	s18 =	sld [smem:$0x3FFB];
	_ =	sdelay $0x3  }
0x92: {  	_ =	strace s18  }
0x93: {  	s3 =	sld [smem:$0x3FFC];
	_ =	sdelay $0x3  }
0x94: {  	_ =	strace s3  }
0x95: {  	s3 =	sld [smem:$0x3FFD];
	_ =	sdelay $0x3  }
0x96: {  	_ =	strace s3  }
0x97: {  	_ =	strace $0x8FFFFFFF  }
0x98: {  	s19 =	sld [smem:$0x3FDB];
	_ =	sdelay $0x1  }
0x99: {  	s4 =	simm.s32 $_scs_section_size  }
0x9a: {  	s5 =	simm.s32 $_size__tile_overlayer_lowered;
	s6 =	simm.s32 $_tile_overlayer_lowered  }
0x9b: {  	s22 =	simm.s32 $0x1BFF;
	s21 =	sshll.u32 s6, $0x1;
	s3 =	sadd.s32 s4, s19  }
0x9c: {  	s7 =	simm.s32 $0x0;
	s20 =	sshll.u32 s5, $0x1;
	s5 =	sadd.s32 s21, s3  }
0x9d: {  	[timem:s7], [sflag:s22] =	dma.local [hbm:s5], s20  }
0x9e: {  	_ =	swait.ge [sflag:s22], s20  }
0x9f: {  	s4 =	ssub.s32 $0x0, s20;
	[sflag:s22] =	ssyncset.done $0x0  }
0xa0: {  	[sflag:s22] =	ssyncadd.s32 s4;
	_ =	sdelay $0x1  }
0xa1: {  	s23 =	simm.s32 $0x1B8B  }
0xa2: {  	_ =	swait.ge [sflag:s23], $0x1  }
0xa3: {  	[sflag:s23] =	ssyncset.done $0x0  }
0xa4: {  	s25 =	simm.s32 $0x1B8E;
	s24 =	sld [smem:$0x3FFE];
	[sflag:s23] =	ssyncadd.s32 $0xFFFFFFFF  }
0xa5: {  	s26 =	simm.s32 $execute0_lowered;
	[smem:$0x3FD2] =	sst s25  }
0xa6: {  	s5 =	sshll.u32 s26, $0x1;
	_ =	strace $0x8000004C;
	[dreg:$0x1] =	wrdreg $0xFFFFFFFF  }
0xa7: {  	s28 =	simm.s32 $_size_execute0_lowered;
	s3 =	sadd.s32 s3, s5;
	[dreg:$0x0] =	wrdreg $0x0  }
0xa8: {  	s5 =	sshll.u32 s28, $0x1;
	[dreg:$0x2] =	wrdreg s3  }
0xa9: {  	[dreg:$0x3] =	wrdreg s5  }
0xaa: {  	[dreg:$0x4] =	wrdreg $0xC0  }
0xab: {  	_ =	task [dreg:s7], $0x5FFFF  }
0xac: {  	[dreg:$0x1] =	wrdreg $0xFFFFFFFF  }
0xad: {  	[dreg:$0x0] =	wrdreg $0x60  }
0xae: {  	[dreg:$0x2] =	wrdreg s2  }
0xaf: {  	[dreg:$0x3] =	wrdreg s24  }
0xb0: {  	[dreg:$0x4] =	wrdreg $0x0  }
0xb1: {  	[dreg:$0x5] =	wrdreg $0x9  }
0xb2: {  	_ =	task.clear_ibuf [dreg:s7], $0x6FFFF;
	_ =	strace $0x9000004C  }
0xb3: {  	s29 =	simm.s32 $0x9;
	_ =	strace $0x8000004E  }
0xb4: {  	_ =	swait.ge [sflag:s29], $0x1  }
0xb5: {  	[sflag:s29] =	ssyncadd.s32 $0xFFFFFFFF  }
0xb6: {  	_ =	strace $0x9000004E  }
0xb7: {  	_ =	sfence  }
0xb8: {  	s30 =	sld [smem:$0x0];
	_ =	sdelay $0x2  }
0xb9: {  	s31 =	sshll.u32 s1, $0xD;
	s1 =	sshrl.u32 s1, $0x2  }
0xba: {  	s3 =	sand.u32 $0x4000, s31;
	s1 =	sadd.s32 s1, s30  }
0xbb: {  	s0 =	sor.u32 s3, s0;
	s1 =	sshll.u32 s1, $0x11  }
0xbc: {  	s0 =	sor.u32 s1, s0  }
0xbd: {  	s0 =	sadd.s32 $0x8F2B, s0  }
0xbe: {  	[sflag:s0] =	ssyncadd.remote.s32 $0x1  }
0xbf: {  	_ =	sfence.sel $0xFFFF  }
0xc0: {  	[dreg:$0x0] =	wrdreg $0xFFFFFFFF;
	(pc) =	sbr.abs _section_cstart, $3  }
0xc1: {  	[dreg:$0x1] =	wrdreg $0xFFFFFFFF  }
0xc2: {  	_ =	task.clear_ibuf [dreg:s7], $0x2FFFF;
	_ =	strace $0x9FFFFFFF  }
0xc3: {  	(tm) =	ssettm $0x7FFFFFFF  }
tec
execute0_lowered:
.L_overlay_start_1:
0x0: {  	(tag) =	ssettag $0x1  }
0x1: {  	s0 =	srdreg.scid;
	s24 =	stileid.u32  }
0x2: {  	s0 =	sand.u32 $0x1, s0;
	s9 =	smul.u32 $0x2800, s24  }
0x3: {  	s8 =	sor.u32 $0x10, s24;
	s7 =	smul.u32 $0x138800, s0  }
0x4: {  	s10 =	sor.u32 $0x20, s24;
	s11 =	smul.u32 $0x2800, s8  }
0x5: {  	s12 =	sor.u32 $0x30, s24;
	s13 =	smul.u32 $0x2800, s10  }
0x6: {  	s15 =	sor.u32 $0x40, s24;
	s16 =	smul.u32 $0x2800, s12  }
0x7: {  	s20 =	sor.u32 $0x50, s24;
	s18 =	smul.u32 $0x2800, s15  }
0x8: {  	s21 =	sor.u32 $0x70, s24;
	s19 =	smul.u32 $0x2800, s20  }
0x9: {  	s23 =	smul.u32 $0x2800, s21  }
0xa: {  	s1 =	sshll.u32 s0, $0x4;
	s14 =	ssub.s32 $0x2, s0;
	s0 =	smul.u32 $0x7D00, s0  }
0xb: {  	s6 =	rddreg [dreg:$0x1];
	s8 =	smul.u32 $0xA000, s8  }
0xc: {  	s3 =	rddreg [dreg:$0x2];
	s10 =	smul.u32 $0xA000, s10  }
0xd: {  	s28 =	simm.s32 $0x16180;
	s12 =	smul.u32 $0xA000, s12;
	s2 =	sor.u32 s24, s1  }
0xe: {  	s29 =	simm.s32 $0x7;
	s31 =	simm.s32 $0x50;
	s4 =	smul.u32 $0x4E2, s2  }
0xf: {  	p0 =	sgt.u32 s21, $0x7C;
	s17 =	sshrl.u32 s14, $0x1;
	s5 =	smul.u32 $0x7D0, s2  }
0x10: {  	s1 =	rddreg [dreg:$0x0];
	s2 =	smul.u32 $0x3E80, s2;
	s14 =	ssub.s32 s14, s17  }
0x11: {  	s17 =	sor.u32 $0x60, s24;
	s9 =	sadd.s32 s7, s9;
	s11 =	sadd.s32 s7, s11  }
0x12: {  	s13 =	sadd.s32 s7, s13;
	s16 =	sadd.s32 s7, s16;
	s18 =	sadd.s32 s7, s18  }
0x13: {  	s19 =	sadd.s32 s7, s19;
	s22 =	smul.u32 $0x2800, s17;
	s9 =	sshrl.u32 s9, $0x3  }
0x14: {  	s11 =	sshrl.u32 s11, $0x3;
	s25 =	sshrl.u32 s13, $0x3;
	s13 =	sshrl.u32 s18, $0x3  }
0x15: {  	s4 =	sadd.s32 s4, s6;
	s2 =	sshrl.u32 s2, $0x3;
	s22 =	sadd.s32 s7, s22  }
0x16: {  	s7 =	sadd.s32 s7, s23;
	s23 =	sadd.s32 $0x5C000, s6;
	s6 =	sadd.s32 $0x6BA00, s6  }
0x17: {  	s4 =	sadd.s32 $0x4000, s4;
	s5 =	sadd.s32 s23, s5;
	s26 =	sadd.s32 s6, s11  }
0x18: {  	s11 =	sshrl.u32 s16, $0x3;
	s16 =	sshrl.u32 s19, $0x3;
	s18 =	sadd.s32 s6, s13  }
0x19: {  	s7 =	sshrl.u32 s7, $0x3;
	s2 =	sadd.s32 s23, s2;
	[dreg:$0x4] =	wrdreg s5  }
0x1a: {  	s0 =	sadd.s32 s0, s23;
	s13 =	simm.s32 $0x0;
	[dreg:$0x6] =	wrdreg s26  }
0x1b: {  	s5 =	sadd.s32 s6, s9;
	s9 =	sadd.s32 s6, s25;
	[dreg:$0x9] =	wrdreg s18  }
0x1c: {  	s19 =	sadd.s32 s6, s16;
	s25 =	sshrl.u32 s22, $0x3;
	[smem:$0x7FF] =	sst s13  }
0x1d: {  	s26 =	sadd.s32 s6, s7;
	s7 =	smul.u32 $0xA000, s24;
	[dreg:$0x5] =	wrdreg s5  }
0x1e: {  	s16 =	sshrl.u32 s12, $0x2;
	s18 =	smul.u32 $0xA000, s17;
	[dreg:$0x7] =	wrdreg s9  }
0x1f: {  	s12 =	simm.s32 $0x3;
	s5 =	sadd.s32 s6, s11;
	[dreg:$0xa] =	wrdreg s19  }
0x20: {  	[dreg:$0xc] =	wrdreg s26;
	s11 =	smax.u32 s14, $0x1;
	s14 =	smul.u32 $0xA000, s15  }
0x21: {  	s9 =	sadd.s32 $0x10, s2;
	s2 =	sadd.s32 $0x20, s2;
	s15 =	smul.u32 $0xA000, s20  }
0x22: {  	s19 =	smul.u32 $0xA000, s21;
	[dreg:$0x8] =	wrdreg s5;
	s5 =	sadd.s32 s6, s25  }
0x23: {  	s21 =	sadd.s32 s16, s3;
	s6 =	smul.u32 $0x7D0, s24;
	[dreg:$0xb] =	wrdreg s5  }
0x24: {  	s25 =	sshrl.u32 s18, $0x2;
	_ =	strace $0x8000004D;
	[dreg:$0xd] =	wrdreg s4  }
0x25: {  	s5 =	sshrl.u32 s7, $0x2;
	s24 =	sshrl.u32 s15, $0x2;
	[dreg:$0xe] =	wrdreg s9  }
0x26: {  	s26 =	sshrl.u32 s19, $0x2;
	s7 =	simm.s32 $0x4;
	[dreg:$0xf] =	wrdreg s2  }
0x27: {  	s15 =	simm.s32 $0x0;
	s0 =	sadd.s32 s6, s0;
	[dreg:$0x10] =	wrdreg s11  }
0x28: {  	s30 =	sadd.s32 s5, s3;
	s4 =	sshrl.u32 s8, $0x2;
	s2 =	sshrl.u32 s10, $0x2  }
0x29: {  	s5 =	sshrl.u32 s14, $0x2;
	s23 =	sadd.s32 s24, s3;
	s24 =	sadd.s32 s25, s3  }
0x2a: {  	s25 =	sadd.s32 s26, s3;
	s6 =	simm.s32 $0x1;
	s8 =	simm.s32 $0x2  }
.Ltmp0:
0x2b: {  	s9 =	simm.s32 $0x5;
	s10 =	simm.s32 $0x8;
	(pc) =	sbr.rel .LBB2_1-.Ltmp0, $4  }
0x2c: {  	s11 =	simm.s32 $0x1B180;
	s14 =	simm.s32 $0x6;
	s4 =	sadd.s32 s4, s3  }
0x2d: {  	s20 =	sadd.s32 s2, s3;
	s22 =	sadd.s32 s5, s3;
	s0 =	sadd.s32 $0x50, s0  }
0x2e: {  	s2 =	simm.s32 $0x16000;
	s5 =	simm.s32 $0x16100;
	[dreg:$0x11] =	wrdreg s4  }
0x2f: {  	v0 =	vimm.f32 $0.0e+00;
	[dreg:$0x12] =	wrdreg s0;
	s0 =	simm.s32 $0x18980;
	s4 =	simm.s32 $0x16080  }
.LBB2_8:
0x30: {  	_ =	swait.ge [sflag:s7], $0x80  }
0x31: {  	[sflag:s7] =	ssyncset.done $0x0  }
0x32: {  	[sflag:s7] =	ssyncadd.s32 $0xFFFFFF80  }
0x33: {  	[spmem:s3] =	stream.indirect.scatter.add.f32 [tilespmem:s28], [sflag:$0x7], $0x80, s2, s31, $0xb8;
	[tilespmem:$0x1D980] =	vst v63  }
0x34: {  	_ =	swait.ge [sflag:s29], $0x2800  }
0x35: {  	[sflag:s29] =	ssyncset.done $0x0  }
0x36: {  	[sflag:s29] =	ssyncadd.s32 $0xFFFFD800  }
0x37: {  	_ =	swait.ge [sflag:s8], $0x2800  }
0x38: {  	[sflag:s8] =	ssyncset.done $0x0  }
0x39: {  	[sflag:s8] =	ssyncadd.s32 $0xFFFFD800  }
0x3a: {  	_ =	swait.ge [sflag:s9], $0x80  }
0x3b: {  	[sflag:s9] =	ssyncset.done $0x0  }
0x3c: {  	[sflag:s9] =	ssyncadd.s32 $0xFFFFFF80  }
0x3d: {  	[spmem:s3] =	stream.indirect.scatter.add.f32 [tilespmem:s0], [sflag:$0x7], $0x80, s4, s31, $0xb8;
	[tilespmem:$0x1D980] =	vst v63  }
0x3e: {  	_ =	swait.ge [sflag:s29], $0x2800  }
0x3f: {  	[sflag:s29] =	ssyncset.done $0x0  }
0x40: {  	[sflag:s29] =	ssyncadd.s32 $0xFFFFD800  }
.LBB2_6:
0x41: {  	[bflag:$0x0] =	sbarrier.arrive $0xFFFF  }
0x42: {  	[tilespmem:s28], [sflag:$0x8] =	stream.linear.gather [spmem:s19], $0x2800, $0x38;
	[tilespmem:$0x1D980] =	vst v63  }
0x43: {  	_ =	swait.ge [sflag:s10], $0x2800  }
0x44: {  	[sflag:s10] =	ssyncset.done $0x0  }
0x45: {  	s16 =	rddreg [dreg:$0x5];
	[sflag:s10] =	ssyncadd.s32 $0xFFFFD800  }
0x46: {  	[hbm4b:s16+s13] =	stream.linear.scatter [tilespmem:s28], [sflag:$0x7], $0x2800, $0x38;
	[tilespmem:$0x1D980] =	vst v63  }
0x47: {  	_ =	swait.ge [sflag:s29], $0x2800  }
0x48: {  	[sflag:s29] =	ssyncset.done $0x0  }
0x49: {  	s17 =	rddreg [dreg:$0x11];
	[sflag:s29] =	ssyncadd.s32 $0xFFFFD800  }
0x4a: {  	[tilespmem:s28], [sflag:$0x8] =	stream.linear.gather [spmem:s17], $0x2800, $0x38;
	[tilespmem:$0x1D980] =	vst v63  }
0x4b: {  	_ =	swait.ge [sflag:s10], $0x2800  }
0x4c: {  	[sflag:s10] =	ssyncset.done $0x0  }
0x4d: {  	s18 =	rddreg [dreg:$0x6];
	[sflag:s10] =	ssyncadd.s32 $0xFFFFD800  }
0x4e: {  	[hbm4b:s18+s13] =	stream.linear.scatter [tilespmem:s28], [sflag:$0x7], $0x2800, $0x38;
	[tilespmem:$0x1D980] =	vst v63  }
0x4f: {  	_ =	swait.ge [sflag:s29], $0x2800  }
0x50: {  	[sflag:s29] =	ssyncset.done $0x0  }
0x51: {  	[sflag:s29] =	ssyncadd.s32 $0xFFFFD800  }
0x52: {  	[tilespmem:s28], [sflag:$0x8] =	stream.linear.gather [spmem:s20], $0x2800, $0x38;
	[tilespmem:$0x1D980] =	vst v63  }
0x53: {  	_ =	swait.ge [sflag:s10], $0x2800  }
0x54: {  	[sflag:s10] =	ssyncset.done $0x0  }
0x55: {  	s30 =	smov.u32 s19;
	s19 =	rddreg [dreg:$0x7];
	[sflag:s10] =	ssyncadd.s32 $0xFFFFD800  }
0x56: {  	[hbm4b:s19+s13] =	stream.linear.scatter [tilespmem:s28], [sflag:$0x7], $0x2800, $0x38;
	[tilespmem:$0x1D980] =	vst v63  }
0x57: {  	_ =	swait.ge [sflag:s29], $0x2800  }
0x58: {  	[sflag:s29] =	ssyncset.done $0x0  }
0x59: {  	[sflag:s29] =	ssyncadd.s32 $0xFFFFD800  }
0x5a: {  	[tilespmem:s28], [sflag:$0x8] =	stream.linear.gather [spmem:s21], $0x2800, $0x38;
	[tilespmem:$0x1D980] =	vst v63  }
0x5b: {  	_ =	swait.ge [sflag:s10], $0x2800  }
0x5c: {  	[sflag:s10] =	ssyncset.done $0x0  }
0x5d: {  	s26 =	rddreg [dreg:$0x8];
	[sflag:s10] =	ssyncadd.s32 $0xFFFFD800  }
0x5e: {  	[hbm4b:s26+s13] =	stream.linear.scatter [tilespmem:s28], [sflag:$0x7], $0x2800, $0x38;
	[tilespmem:$0x1D980] =	vst v63  }
0x5f: {  	_ =	swait.ge [sflag:s29], $0x2800  }
0x60: {  	[sflag:s29] =	ssyncset.done $0x0  }
0x61: {  	[sflag:s29] =	ssyncadd.s32 $0xFFFFD800  }
0x62: {  	[tilespmem:s28], [sflag:$0x8] =	stream.linear.gather [spmem:s22], $0x2800, $0x38;
	[tilespmem:$0x1D980] =	vst v63  }
0x63: {  	_ =	swait.ge [sflag:s10], $0x2800  }
0x64: {  	[sflag:s10] =	ssyncset.done $0x0  }
0x65: {  	s17 =	rddreg [dreg:$0x9];
	[sflag:s10] =	ssyncadd.s32 $0xFFFFD800  }
0x66: {  	[hbm4b:s17+s13] =	stream.linear.scatter [tilespmem:s28], [sflag:$0x7], $0x2800, $0x38;
	[tilespmem:$0x1D980] =	vst v63  }
0x67: {  	_ =	swait.ge [sflag:s29], $0x2800  }
0x68: {  	[sflag:s29] =	ssyncset.done $0x0  }
0x69: {  	[sflag:s29] =	ssyncadd.s32 $0xFFFFD800  }
0x6a: {  	[tilespmem:s28], [sflag:$0x8] =	stream.linear.gather [spmem:s23], $0x2800, $0x38;
	[tilespmem:$0x1D980] =	vst v63  }
0x6b: {  	_ =	swait.ge [sflag:s10], $0x2800  }
0x6c: {  	[sflag:s10] =	ssyncset.done $0x0  }
0x6d: {  	s18 =	rddreg [dreg:$0xa];
	[sflag:s10] =	ssyncadd.s32 $0xFFFFD800  }
0x6e: {  	[hbm4b:s18+s13] =	stream.linear.scatter [tilespmem:s28], [sflag:$0x7], $0x2800, $0x38;
	[tilespmem:$0x1D980] =	vst v63  }
0x6f: {  	_ =	swait.ge [sflag:s29], $0x2800  }
0x70: {  	[sflag:s29] =	ssyncset.done $0x0  }
0x71: {  	[sflag:s29] =	ssyncadd.s32 $0xFFFFD800  }
0x72: {  	[tilespmem:s28], [sflag:$0x8] =	stream.linear.gather [spmem:s24], $0x2800, $0x38;
	[tilespmem:$0x1D980] =	vst v63  }
0x73: {  	_ =	swait.ge [sflag:s10], $0x2800  }
0x74: {  	[sflag:s10] =	ssyncset.done $0x0  }
0x75: {  	s19 =	rddreg [dreg:$0xb];
	[sflag:s10] =	ssyncadd.s32 $0xFFFFD800  }
0x76: {  	[hbm4b:s19+s13] =	stream.linear.scatter [tilespmem:s28], [sflag:$0x7], $0x2800, $0x38;
	[tilespmem:$0x1D980] =	vst v63  }
0x77: {  	_ =	swait.ge [sflag:s29], $0x2800  }
0x78: {  	[sflag:s29] =	ssyncset.done $0x0  }
0x79: {  	s16 =	simm.s32 @!p0 $0x16180;
	s17 =	simm.s32 @!p0 $0x8;
	[sflag:s29] =	ssyncadd.s32 $0xFFFFD800  }
0x7a: {  	[tilespmem:s16], [sflag:$0x8] =	stream.linear.gather @!p0 [spmem:s25], $0x2800, $0x38;
	[tilespmem:$0x1D980] =	vst v63  }
0x7b: {  	_ =	swait.ge @!p0 [sflag:s17], $0x2800  }
0x7c: {  	[sflag:s17] =	ssyncset.done @!p0 $0x0  }
0x7d: {  	s18 =	rddreg [dreg:$0xc];
	[sflag:s17] =	ssyncadd.s32 @!p0 $0xFFFFD800;
	s17 =	simm.s32 @!p0 $0x0  }
0x7e: {  	[hbm4b:s18+s17] =	stream.linear.scatter @!p0 [tilespmem:s16], [sflag:$0x7], $0x2800, $0x38;
	[tilespmem:$0x1D980] =	vst v63  }
0x7f: {  	s16 =	simm.s32 @!p0 $0x7  }
0x80: {  	_ =	swait.ge @!p0 [sflag:s16], $0x2800  }
0x81: {  	s15 =	sadd.s32 $0x1, s15;
	s26 =	rddreg [dreg:$0x10]  }
0x82: {  	p1 =	sne.s32 s15, s26  }
.Ltmp1:
0x83: {  	_ = 	snop;
	(pc) =	sbr.rel @!p1 .LBB2_7-.Ltmp1, $3  }
0x84: {  	_ =	sdelay $0x1  }
0x85: {  	[sflag:s16] =	ssyncset.done @!p0 $0x0  }
0x86: {  	[sflag:s16] =	ssyncadd.s32 @!p0 $0xFFFFD800  }
.LBB2_1:
0x87: {  	s16 =	simm.s32 $0x70;
	s26 =	simm.s32 $0x3C0  }
.LBB2_2:
0x88: {  	p1 =	sne.s32 s26, $0x9FC0;
	[tilespmem:s16+$0x16180] =	vst v0  }
0x89: {  	[tilespmem:s16+$0x16110] =	vst v0  }
0x8a: {  	[tilespmem:s16+$0x16120] =	vst v0  }
.Ltmp2:
0x8b: {  	[tilespmem:s16+$0x16130] =	vst v0;
	(pc) =	sbr.rel @p1 .LBB2_2-.Ltmp2, $4  }
0x8c: {  	[tilespmem:s16+$0x16140] =	vst v0  }
0x8d: {  	[tilespmem:s16+$0x16150] =	vst v0  }
0x8e: {  	[tilespmem:s16+$0x16160] =	vst v0  }
0x8f: {  	[tilespmem:s16+$0x16170] =	vst v0;
	s16 =	sshra.s32 s26, $0x2;
	s26 =	sadd.s32 $0x200, s26  }
0x90: {  	[tilespmem:s16+$0x16180] =	vst v0  }
0x91: {  	[tilespmem:s16+$0x16110] =	vst v0  }
0x92: {  	[tilespmem:s16+$0x16120] =	vst v0  }
0x93: {  	[tilespmem:s16+$0x16130] =	vst v0  }
0x94: {  	[tilespmem:s16+$0x16140] =	vst v0  }
0x95: {  	[tilespmem:s16+$0x16150] =	vst v0  }
0x96: {  	[tilespmem:s16+$0x16160] =	vst v0  }
0x97: {  	[tilespmem:s16+$0x16170] =	vst v0  }
0x98: {  	[spmem:s30] =	stream.linear.scatter [tilespmem:s28], [sflag:$0x7], $0x2800, $0x38;
	[tilespmem:$0x1D980] =	vst v63  }
0x99: {  	_ =	swait.ge [sflag:s29], $0x2800  }
0x9a: {  	[sflag:s29] =	ssyncset.done $0x0  }
0x9b: {  	s17 =	rddreg [dreg:$0x11];
	[sflag:s29] =	ssyncadd.s32 $0xFFFFD800  }
0x9c: {  	[spmem:s17] =	stream.linear.scatter [tilespmem:s28], [sflag:$0x7], $0x2800, $0x38;
	[tilespmem:$0x1D980] =	vst v63  }
0x9d: {  	_ =	swait.ge [sflag:s29], $0x2800  }
0x9e: {  	[sflag:s29] =	ssyncset.done $0x0  }
0x9f: {  	[sflag:s29] =	ssyncadd.s32 $0xFFFFD800  }
0xa0: {  	[spmem:s20] =	stream.linear.scatter [tilespmem:s28], [sflag:$0x7], $0x2800, $0x38;
	[tilespmem:$0x1D980] =	vst v63  }
0xa1: {  	_ =	swait.ge [sflag:s29], $0x2800  }
0xa2: {  	[sflag:s29] =	ssyncset.done $0x0  }
0xa3: {  	[sflag:s29] =	ssyncadd.s32 $0xFFFFD800  }
0xa4: {  	[spmem:s21] =	stream.linear.scatter [tilespmem:s28], [sflag:$0x7], $0x2800, $0x38;
	[tilespmem:$0x1D980] =	vst v63  }
0xa5: {  	_ =	swait.ge [sflag:s29], $0x2800  }
0xa6: {  	[sflag:s29] =	ssyncset.done $0x0  }
0xa7: {  	[sflag:s29] =	ssyncadd.s32 $0xFFFFD800  }
0xa8: {  	[spmem:s22] =	stream.linear.scatter [tilespmem:s28], [sflag:$0x7], $0x2800, $0x38;
	[tilespmem:$0x1D980] =	vst v63  }
0xa9: {  	_ =	swait.ge [sflag:s29], $0x2800  }
0xaa: {  	[sflag:s29] =	ssyncset.done $0x0  }
0xab: {  	[sflag:s29] =	ssyncadd.s32 $0xFFFFD800  }
0xac: {  	[spmem:s23] =	stream.linear.scatter [tilespmem:s28], [sflag:$0x7], $0x2800, $0x38;
	[tilespmem:$0x1D980] =	vst v63  }
0xad: {  	_ =	swait.ge [sflag:s29], $0x2800  }
0xae: {  	[sflag:s29] =	ssyncset.done $0x0  }
0xaf: {  	[sflag:s29] =	ssyncadd.s32 $0xFFFFD800  }
0xb0: {  	[spmem:s24] =	stream.linear.scatter [tilespmem:s28], [sflag:$0x7], $0x2800, $0x38;
	[tilespmem:$0x1D980] =	vst v63  }
0xb1: {  	_ =	swait.ge [sflag:s29], $0x2800  }
0xb2: {  	[sflag:s29] =	ssyncset.done $0x0  }
0xb3: {  	s16 =	simm.s32 @!p0 $0x16180;
	[sflag:s29] =	ssyncadd.s32 $0xFFFFD800  }
0xb4: {  	[spmem:s25] =	stream.linear.scatter @!p0 [tilespmem:s16], [sflag:$0x7], $0x2800, $0x38;
	[tilespmem:$0x1D980] =	vst v63  }
0xb5: {  	s16 =	simm.s32 @!p0 $0x7  }
0xb6: {  	_ =	swait.ge @!p0 [sflag:s16], $0x2800  }
0xb7: {  	[sflag:s16] =	ssyncset.done @!p0 $0x0  }
0xb8: {  	[sflag:s16] =	ssyncadd.s32 @!p0 $0xFFFFD800  }
0xb9: {  	[bflag:$0x0] =	sbarrier.arrive $0xFFFF  }
0xba: {  	s18 =	simm.s32 $0x13880;
	s16 =	simm.s32 $0x0;
	s17 =	rddreg [dreg:$0xd]  }
0xbb: {  	[tilespmem:s18], [sflag:$0x7] =	stream.linear.gather [hbm4b:s17+s16], $0x2710, $0x38;
	[tilespmem:$0x1D980] =	vst v63  }
0xbc: {  	_ =	swait.ge [sflag:s29], $0x2710  }
0xbd: {  	[sflag:s29] =	ssyncset.done $0x0  }
0xbe: {  	[sflag:s29] =	ssyncadd.s32 $0xFFFFD8F0  }
0xbf: {  	[tilespmem:s28], [sflag:$0x1] =	stream.indirect.gather [hbm4b:s1+s31], $0x80, s18, s31, $0xb8;
	[tilespmem:$0x1D980] =	vst v63  }
0xc0: {  	s18 =	simm.s32 $0x138D0  }
0xc1: {  	[tilespmem:s0], [sflag:$0x2] =	stream.indirect.gather [hbm4b:s1+s31], $0x80, s18, s31, $0xb8;
	[tilespmem:$0x1D980] =	vst v63  }
0xc2: {  	s26 =	rddreg [dreg:$0x4]  }
0xc3: {  	[tilespmem:s2], [sflag:$0x4] =	stream.linear.gather [hbm4b:s26+s16], $0x80, $0x38;
	[tilespmem:$0x1D980] =	vst v63  }
0xc4: {  	s18 =	rddreg [dreg:$0xe]  }
0xc5: {  	[tilespmem:s4], [sflag:$0x5] =	stream.linear.gather [hbm4b:s18+s16], $0x80, $0x38;
	[tilespmem:$0x1D980] =	vst v63  }
0xc6: {  	s26 =	rddreg [dreg:$0xf]  }
0xc7: {  	[tilespmem:s5], [sflag:$0x6] =	stream.linear.gather [hbm4b:s26+s16], $0x80, $0x38;
	[tilespmem:$0x1D980] =	vst v63  }
0xc8: {  	s19 =	smov.u32 s30;
	s30 =	simm.s32 $0x0;
	s26 =	rddreg [dreg:$0x12]  }
.LBB2_4:
0xc9: {  	p1 =	seq.s32 s16, $0x99C0  }
.Ltmp3:
0xca: {  	_ = 	snop;
	(pc) =	sbr.rel @p1 .LBB2_8-.Ltmp3, $4  }
0xcb: {  	_ = 	snop  }
0xcc: {  	_ =	swait.ge [sflag:s6], $0x2800  }
0xcd: {  	[sflag:s6] =	ssyncset.done $0x0  }
0xce: {  	[sflag:s6] =	ssyncadd.s32 $0xFFFFD800  }
0xcf: {  	s17 =	sshra.s32 s16, $0x2  }
0xd0: {  	s18 =	sadd.s32 $0x13920, s17  }
0xd1: {  	[tilespmem:s11], [sflag:$0x3] =	stream.indirect.gather [hbm4b:s1+s31], $0x80, s18, s31, $0xb8;
	[tilespmem:$0x1D980] =	vst v63  }
0xd2: {  	_ =	swait.ge [sflag:s7], $0x80  }
0xd3: {  	[sflag:s7] =	ssyncset.done $0x0  }
0xd4: {  	[sflag:s7] =	ssyncadd.s32 $0xFFFFFF80  }
0xd5: {  	[spmem:s3] =	stream.indirect.scatter.add.f32 [tilespmem:s28], [sflag:$0x7], $0x80, s2, s31, $0xb8;
	[tilespmem:$0x1D980] =	vst v63  }
0xd6: {  	_ =	swait.ge [sflag:s29], $0x2800  }
0xd7: {  	[sflag:s29] =	ssyncset.done $0x0  }
0xd8: {  	s18 =	sadd.s32 $0xFFFFFFE0, s26;
	[sflag:s29] =	ssyncadd.s32 $0xFFFFD800  }
0xd9: {  	[tilespmem:s2], [sflag:$0x4] =	stream.linear.gather [hbm4b:s18+s13], $0x80, $0x38;
	[tilespmem:$0x1D980] =	vst v63  }
0xda: {  	_ =	swait.ge [sflag:s8], $0x2800  }
0xdb: {  	[sflag:s8] =	ssyncset.done $0x0  }
0xdc: {  	s18 =	sadd.s32 $0x13970, s17;
	[sflag:s8] =	ssyncadd.s32 $0xFFFFD800  }
0xdd: {  	[tilespmem:s28], [sflag:$0x1] =	stream.indirect.gather [hbm4b:s1+s31], $0x80, s18, s31, $0xb8;
	[tilespmem:$0x1D980] =	vst v63  }
0xde: {  	_ =	swait.ge [sflag:s9], $0x80  }
0xdf: {  	[sflag:s9] =	ssyncset.done $0x0  }
0xe0: {  	[sflag:s9] =	ssyncadd.s32 $0xFFFFFF80  }
0xe1: {  	[spmem:s3] =	stream.indirect.scatter.add.f32 [tilespmem:s0], [sflag:$0x7], $0x80, s4, s31, $0xb8;
	[tilespmem:$0x1D980] =	vst v63  }
0xe2: {  	_ =	swait.ge [sflag:s29], $0x2800  }
0xe3: {  	[sflag:s29] =	ssyncset.done $0x0  }
0xe4: {  	s18 =	sadd.s32 $0xFFFFFFF0, s26;
	[sflag:s29] =	ssyncadd.s32 $0xFFFFD800  }
0xe5: {  	[tilespmem:s4], [sflag:$0x5] =	stream.linear.gather [hbm4b:s18+s13], $0x80, $0x38;
	[tilespmem:$0x1D980] =	vst v63  }
0xe6: {  	_ =	swait.ge [sflag:s12], $0x2800  }
0xe7: {  	[sflag:s12] =	ssyncset.done $0x0  }
0xe8: {  	s17 =	sadd.s32 $0x139C0, s17;
	[sflag:s12] =	ssyncadd.s32 $0xFFFFD800  }
0xe9: {  	[tilespmem:s0], [sflag:$0x2] =	stream.indirect.gather [hbm4b:s1+s31], $0x80, s17, s31, $0xb8;
	[tilespmem:$0x1D980] =	vst v63  }
0xea: {  	_ =	swait.ge [sflag:s14], $0x80  }
0xeb: {  	[sflag:s14] =	ssyncset.done $0x0  }
0xec: {  	[sflag:s14] =	ssyncadd.s32 $0xFFFFFF80  }
0xed: {  	[spmem:s3] =	stream.indirect.scatter.add.f32 [tilespmem:s11], [sflag:$0x7], $0x80, s5, s31, $0xb8;
	[tilespmem:$0x1D980] =	vst v63  }
0xee: {  	_ =	swait.ge [sflag:s29], $0x2800  }
0xef: {  	p1 =	sgt.u32 s30, $0x27;
	s16 =	sadd.s32 $0x3C0, s16;
	[sflag:s29] =	ssyncset.done $0x0  }
0xf0: {  	s18 =	simm.s32 @!p1 $0x16100;
	s17 =	simm.s32 @!p1 $0x0;
	[sflag:s29] =	ssyncadd.s32 $0xFFFFD800  }
0xf1: {  	[tilespmem:s18], [sflag:$0x6] =	stream.linear.gather @!p1 [hbm4b:s26+s17], $0x80, $0x38;
	[tilespmem:$0x1D980] =	vst v63  }
0xf2: {  	p1 =	sne.s32 s16, $0x9D80  }
.Ltmp4:
0xf3: {  	_ = 	snop;
	(pc) =	sbr.rel @p1 .LBB2_4-.Ltmp4, $4  }
.Ltmp5:
0xf4: {  	_ = 	snop;
	(pc) =	sbr.rel @!p1 .LBB2_6-.Ltmp5, $4  }
0xf5: {  	_ = 	snop  }
0xf6: {  	_ = 	snop  }
0xf7: {  	s30 =	sadd.s32 $0x1, s30;
	s26 =	sadd.s32 $0x30, s26  }
0xf8: {  	_ = 	snop  }
.LBB2_7:
0xf9: {  	_ =	sfence.sel $0x180000  }
0xfa: {  	[bflag:$0x0] =	sbarrier.arrive $0xFFFF  }
0xfb: {  	_ =	strace $0x9000004D  }
0xfc: {  	s0 =	stileid.u32;
	[bflag:$0x2] =	sbarrier.arrive $0xFFFF  }
0xfd: {  	p0 =	sne.s32 s0, $0x0;
	s0 =	rddreg [dreg:$0x3]  }
0xfe: {  	s0 =	sadd.s32 @!p0 $0x100000, s0  }
0xff: {  	[sflag:s0] =	ssyncadd.tile.s32 @!p0 $0x1;
	_ =	shalt  }
.Lfunc_end2:
_tile_overlayer_lowered:
.L_overlay_start_2:
0x100: {  	(tag) =	ssettag $0x2  }
0x101: {  	s0 =	rddreg [dreg:$0x0];
	s2 =	stileid.u32  }
0x102: {  	s1 =	rddreg [dreg:$0x1];
	p0 =	sne.s32 s2, $0x0  }
0x103: {  	s3 =	rddreg [dreg:$0x2];
	[bflag:$0x3] =	sbarrier.arrive $0xFFFF;
	s2 =	simm.s32 @!p0 $0x1C07  }
0x104: {  	[timem:s3], [sflag:s2] =	dma.local @!p0 [hbm:s0], s1  }
0x105: {  	s0 =	simm.s32 @!p0 $0x7  }
0x106: {  	_ =	swait.ge @!p0 [sflag:s0], s1  }
0x107: {  	s1 =	ssub.s32 @!p0 $0x0, s1;
	[sflag:s0] =	ssyncset.done @!p0 $0x0  }
0x108: {  	[sflag:s0] =	ssyncadd.s32 @!p0 s1  }
0x109: {  	[bflag:$0x3] =	sbarrier.arrive $0xFFFF  }
0x10a: {  	_ =	shalt  }

// kernel: kernel.21.cloned.1.call-start
scs
__scs_entry_jumppad:
0x0: {  	(pc) =	sbr.rel $0x88, $3  }
0x1: {  	(tag) =	ssettag $0x0;
	lr =	simm.s32 $0x1  }
0x2: {  	[smem:$0x3F97] =	sst lr;
	_ =	strace $0xD0000000  }
0x3: {  	_ = 	snop  }
0x4: {  	_ = 	snop  }
0x5: {  	_ = 	snop  }
0x6: {  	_ = 	snop  }
0x7: {  	_ = 	snop  }
__scs_overlays_trampoline_lowered:
0x8: {  	[smem:$0x3FA6] =	sst s0  }
0x9: {  	[smem:$0x3FA7] =	sst s1  }
0xa: {  	[smem:$0x3FA8] =	sst s2  }
0xb: {  	[smem:$0x3FA9] =	sst s3  }
0xc: {  	[smem:$0x3FAA] =	sst s4  }
0xd: {  	[smem:$0x3FAB] =	sst s5  }
0xe: {  	[smem:$0x3FAC] =	sst s6  }
0xf: {  	[smem:$0x3FAD] =	sst s7  }
0x10: {  	[smem:$0x3FAE] =	sst s8  }
0x11: {  	[smem:$0x3FAF] =	sst s9;
	s0 =	simm.s32 @!p0 $0x0  }
0x12: {  	s1 =	sld [smem:$0x3F95];
	s0 =	simm.s32 @p0 $0x1  }
0x13: {  	[smem:$0x3FB0] =	sst s0;
	s0 =	simm.s32 @!p1 $0x0  }
0x14: {  	s2 =	sld [smem:$0x3F94];
	s0 =	simm.s32 @p1 $0x1  }
0x15: {  	[smem:$0x3FB1] =	sst s0;
	s0 =	simm.s32 @!p2 $0x0  }
0x16: {  	s3 =	sld [smem:$0x3FDB];
	s0 =	simm.s32 @p2 $0x1  }
0x17: {  	s4 =	simm.s32 $0x1BF5;
	[smem:$0x3FB3] =	sst s0  }
0x18: {  	s0 =	sld [smem:$0x3F96];
	_ =	swait.ge [sflag:s4], $0x0  }
0x19: {  	s7 =	sld [smem:$0x3F97]  }
0x1a: {  	s8 =	sadd.s32 $0xFFFFE003, lr  }
0x1b: {  	s9 =	sadd.s32 $0xFFFFFEF7, lr;
	s5 =	simm.s32 $0xFFFFFFFF;
	p2 =	slt.u32 s8, $0xFFFFF086  }
0x1c: {  	p1 =	slt.u32 s9, $0xF7A;
	s5 =	simm.s32 @!p2 $0x0  }
0x1d: {  	s5 =	simm.s32 @p1 $0x1;
	p0 =	seq.s32 s7, s2  }
0x1e: {  	s7 =	smul.u32 @!p0 $0xF7A, s2;
	p2 =	seq.s32 @!p0 s5, $0x0  }
0x1f: {  	s9 =	smul.u32 $0xF7A, s1;
	s8 =	simm.s32 @!p0 $0x1BF5;
	p2 =	por !p2, p0  }
0x20: {  	[sflag:s8] =	ssyncset.s32 @!p0 $0xFFFFF086;
	s6 =	sadd.s32 @!p0 s3, s7;
	s7 =	simm.s32 @!p0 $0x108  }
0x21: {  	s3 =	sadd.s32 s3, s9;
	s6 =	sadd.s32 @!p0 $0x88, s6;
	s7 =	simm.s32 @p2 $0x1082  }
0x22: {  	[simem:s7], [sflag:s8] =	dma.local @!p0 [hbm:s6], $0xF7A  }
0x23: {  	s9 =	sor.u32 $0xD0000000, s2;
	s6 =	simm.s32 $0x108;
	_ =	swait.ge @!p0 [sflag:s8], $0x0  }
0x24: {  	s3 =	sadd.s32 $0x88, s3;
	s6 =	simm.s32 @!p1 $0x1082;
	[sflag:s4] =	ssyncset.s32 $0xFFFFF086  }
0x25: {  	[simem:s6], [sflag:s4] =	dma.local [hbm:s3], $0xF7A  }
0x26: {  	[smem:$0x3F97] =	sst s1;
	(tag) =	ssettag s2;
	_ =	strace s9  }
0x27: {  	s1 =	sld [smem:$0x3FA7]  }
0x28: {  	s2 =	sld [smem:$0x3FA8]  }
0x29: {  	s4 =	sld [smem:$0x3FAA]  }
0x2a: {  	p0 =	seq.s32 s5, $0x0;
	s5 =	sld [smem:$0x3FAB]  }
0x2b: {  	s6 =	sld [smem:$0x3FAC]  }
0x2c: {  	s7 =	sld [smem:$0x3FAD]  }
0x2d: {  	s3 =	simm.s32 $0x108;
	s8 =	sld [smem:$0x3FAE]  }
0x2e: {  	s3 =	simm.s32 @!p0 $0x1082;
	s9 =	sld [smem:$0x3FAF]  }
0x2f: {  	lr =	sadd.s32 s0, s3;
	s0 =	sld [smem:$0x3FA6]  }
0x30: {  	s3 =	sld [smem:$0x3FA9]  }
0x31: {  	[smem:$0x3FB2] =	sst s10  }
0x32: {  	s10 =	sld [smem:$0x3FB0];
	_ =	sdelay $0x3  }
0x33: {  	p0 =	seq.s32 s10, $0x1;
	s10 =	sld [smem:$0x3FB2];
	_ =	sdelay $0x3  }
0x34: {  	[smem:$0x3FB2] =	sst s10  }
0x35: {  	s10 =	sld [smem:$0x3FB1];
	_ =	sdelay $0x3  }
0x36: {  	p1 =	seq.s32 s10, $0x1;
	s10 =	sld [smem:$0x3FB2];
	_ =	sdelay $0x3  }
0x37: {  	[smem:$0x3FB2] =	sst s10  }
0x38: {  	s10 =	sld [smem:$0x3FB3]  }
0x39: {  	_ = 	snop;
	(pc) =	sbr.ind lr, $3  }
0x3a: {  	_ = 	snop  }
0x3b: {  	_ = 	snop  }
0x3c: {  	p2 =	seq.s32 s10, $0x1;
	s10 =	sld [smem:$0x3FB2]  }
0x3d: {  	_ =	shalt  }
0x3e: {  	_ =	shalt  }
0x3f: {  	_ =	shalt  }
0x40: {  	_ =	shalt  }
0x41: {  	_ =	shalt  }
0x42: {  	_ =	shalt  }
0x43: {  	_ =	shalt  }
0x44: {  	_ =	shalt  }
0x45: {  	_ =	shalt  }
0x46: {  	_ =	shalt  }
0x47: {  	_ =	shalt  }
0x48: {  	_ =	shalt  }
0x49: {  	_ =	shalt  }
0x4a: {  	_ =	shalt  }
0x4b: {  	_ =	shalt  }
0x4c: {  	_ =	shalt  }
0x4d: {  	_ =	shalt  }
0x4e: {  	_ =	shalt  }
0x4f: {  	_ =	shalt  }
0x50: {  	_ =	shalt  }
0x51: {  	_ =	shalt  }
0x52: {  	_ =	shalt  }
0x53: {  	_ =	shalt  }
0x54: {  	_ =	shalt  }
0x55: {  	_ =	shalt  }
0x56: {  	_ =	shalt  }
0x57: {  	_ =	shalt  }
0x58: {  	_ =	shalt  }
0x59: {  	_ =	shalt  }
0x5a: {  	_ =	shalt  }
0x5b: {  	_ =	shalt  }
0x5c: {  	_ =	shalt  }
0x5d: {  	_ =	shalt  }
0x5e: {  	_ =	shalt  }
0x5f: {  	_ =	shalt  }
0x60: {  	_ =	shalt  }
0x61: {  	_ =	shalt  }
0x62: {  	_ =	shalt  }
0x63: {  	_ =	shalt  }
0x64: {  	_ =	shalt  }
0x65: {  	_ =	shalt  }
0x66: {  	_ =	shalt  }
0x67: {  	_ =	shalt  }
0x68: {  	_ =	shalt  }
0x69: {  	_ =	shalt  }
0x6a: {  	_ =	shalt  }
0x6b: {  	_ =	shalt  }
0x6c: {  	_ =	shalt  }
0x6d: {  	_ =	shalt  }
0x6e: {  	_ =	shalt  }
0x6f: {  	_ =	shalt  }
0x70: {  	_ =	shalt  }
0x71: {  	_ =	shalt  }
0x72: {  	_ =	shalt  }
0x73: {  	_ =	shalt  }
0x74: {  	_ =	shalt  }
0x75: {  	_ =	shalt  }
0x76: {  	_ =	shalt  }
0x77: {  	_ =	shalt  }
0x78: {  	_ =	shalt  }
0x79: {  	_ =	shalt  }
0x7a: {  	_ =	shalt  }
0x7b: {  	_ =	shalt  }
0x7c: {  	_ =	shalt  }
0x7d: {  	_ =	shalt  }
0x7e: {  	_ =	shalt  }
0x7f: {  	_ =	shalt  }
0x80: {  	_ =	shalt  }
0x81: {  	_ =	shalt  }
0x82: {  	_ =	shalt  }
0x83: {  	_ =	shalt  }
0x84: {  	_ =	shalt  }
0x85: {  	_ =	shalt  }
0x86: {  	_ =	shalt  }
0x87: {  	_ =	shalt  }
.Lfunc_end0:
.L_simem_size_0:
called_computation.3_lowered:
.L_overlay_start_0:
0x88: {  	s2 =	sld [smem:$0x3FD9]  }
0x89: {  	s3 =	sld [smem:$0x3FFE];
	_ =	sdelay $0x1  }
0x8a: {  	s1 =	srdreg.scid  }
0x8b: {  	s0 =	sand.u32 $0x1, s1  }
0x8c: {  	s17 =	sshll.u32 s0, $0xA;
	s2 =	sadd.s32 s3, s2  }
0x8d: {  	s2 =	sadd.s32 s2, s17  }
0x8e: {  	[smem:$0x3FBE] =	sst s2  }
0x8f: {  	_ = 	snop  }
0x90: {  	s2 =	sld [smem:$0x3FD0];
	(tm) =	ssettm $0x1  }
0x91: {  	s18 =	sld [smem:$0x3FFB];
	_ =	sdelay $0x3  }
0x92: {  	_ =	strace s18  }
0x93: {  	s3 =	sld [smem:$0x3FFC];
	_ =	sdelay $0x3  }
0x94: {  	_ =	strace s3  }
0x95: {  	s3 =	sld [smem:$0x3FFD];
	_ =	sdelay $0x3  }
0x96: {  	_ =	strace s3  }
0x97: {  	_ =	strace $0x8FFFFFFF  }
0x98: {  	s19 =	sld [smem:$0x3FDB];
	_ =	sdelay $0x1  }
0x99: {  	s4 =	simm.s32 $_scs_section_size  }
0x9a: {  	s5 =	simm.s32 $_size__tile_overlayer_lowered;
	s6 =	simm.s32 $_tile_overlayer_lowered  }
0x9b: {  	s22 =	simm.s32 $0x1BFF;
	s21 =	sshll.u32 s6, $0x1;
	s3 =	sadd.s32 s4, s19  }
0x9c: {  	s7 =	simm.s32 $0x0;
	s20 =	sshll.u32 s5, $0x1;
	s5 =	sadd.s32 s21, s3  }
0x9d: {  	[timem:s7], [sflag:s22] =	dma.local [hbm:s5], s20  }
0x9e: {  	_ =	swait.ge [sflag:s22], s20  }
0x9f: {  	s4 =	ssub.s32 $0x0, s20;
	[sflag:s22] =	ssyncset.done $0x0  }
0xa0: {  	[sflag:s22] =	ssyncadd.s32 s4;
	_ =	sdelay $0x1  }
0xa1: {  	s23 =	simm.s32 $0x1B8B  }
0xa2: {  	_ =	swait.ge [sflag:s23], $0x1  }
0xa3: {  	[sflag:s23] =	ssyncset.done $0x0  }
0xa4: {  	s25 =	simm.s32 $0x1B8E;
	s24 =	sld [smem:$0x3FFE];
	[sflag:s23] =	ssyncadd.s32 $0xFFFFFFFF  }
0xa5: {  	s26 =	simm.s32 $execute0_lowered;
	[smem:$0x3FD2] =	sst s25  }
0xa6: {  	s5 =	sshll.u32 s26, $0x1;
	_ =	strace $0x8000004F;
	[dreg:$0x1] =	wrdreg $0xFFFFFFFF  }
0xa7: {  	s28 =	simm.s32 $_size_execute0_lowered;
	s3 =	sadd.s32 s3, s5;
	[dreg:$0x0] =	wrdreg $0x0  }
0xa8: {  	s5 =	sshll.u32 s28, $0x1;
	[dreg:$0x2] =	wrdreg s3  }
0xa9: {  	[dreg:$0x3] =	wrdreg s5  }
0xaa: {  	[dreg:$0x4] =	wrdreg $0xC0  }
0xab: {  	_ =	task [dreg:s7], $0x5FFFF  }
0xac: {  	[dreg:$0x1] =	wrdreg $0xFFFFFFFF  }
0xad: {  	[dreg:$0x0] =	wrdreg $0x60  }
0xae: {  	[dreg:$0x2] =	wrdreg s2  }
0xaf: {  	[dreg:$0x3] =	wrdreg s24  }
0xb0: {  	[dreg:$0x4] =	wrdreg $0x0  }
0xb1: {  	[dreg:$0x5] =	wrdreg $0x9  }
0xb2: {  	_ =	task.clear_ibuf [dreg:s7], $0x6FFFF;
	_ =	strace $0x9000004F  }
0xb3: {  	s29 =	simm.s32 $0x9;
	_ =	strace $0x80000051  }
0xb4: {  	_ =	swait.ge [sflag:s29], $0x1  }
0xb5: {  	[sflag:s29] =	ssyncadd.s32 $0xFFFFFFFF  }
0xb6: {  	_ =	strace $0x90000051  }
0xb7: {  	_ =	sfence  }
0xb8: {  	s30 =	sld [smem:$0x0];
	_ =	sdelay $0x2  }
0xb9: {  	s31 =	sshll.u32 s1, $0xD;
	s1 =	sshrl.u32 s1, $0x2  }
0xba: {  	s3 =	sand.u32 $0x4000, s31;
	s1 =	sadd.s32 s1, s30  }
0xbb: {  	s0 =	sor.u32 s3, s0;
	s1 =	sshll.u32 s1, $0x11  }
0xbc: {  	s0 =	sor.u32 s1, s0  }
0xbd: {  	s0 =	sadd.s32 $0x8F2B, s0  }
0xbe: {  	[sflag:s0] =	ssyncadd.remote.s32 $0x1  }
0xbf: {  	_ =	sfence.sel $0xFFFF  }
0xc0: {  	[dreg:$0x0] =	wrdreg $0xFFFFFFFF;
	(pc) =	sbr.abs _section_cstart, $3  }
0xc1: {  	[dreg:$0x1] =	wrdreg $0xFFFFFFFF  }
0xc2: {  	_ =	task.clear_ibuf [dreg:s7], $0x2FFFF;
	_ =	strace $0x9FFFFFFF  }
0xc3: {  	(tm) =	ssettm $0x7FFFFFFF  }
tec
execute0_lowered:
.L_overlay_start_1:
0x0: {  	(tag) =	ssettag $0x1  }
0x1: {  	s0 =	srdreg.scid;
	s24 =	stileid.u32  }
0x2: {  	s0 =	sand.u32 $0x1, s0;
	s9 =	smul.u32 $0x2800, s24  }
0x3: {  	s8 =	sor.u32 $0x10, s24;
	s7 =	smul.u32 $0x138800, s0  }
0x4: {  	s10 =	sor.u32 $0x20, s24;
	s11 =	smul.u32 $0x2800, s8  }
0x5: {  	s12 =	sor.u32 $0x30, s24;
	s13 =	smul.u32 $0x2800, s10  }
0x6: {  	s15 =	sor.u32 $0x40, s24;
	s16 =	smul.u32 $0x2800, s12  }
0x7: {  	s20 =	sor.u32 $0x50, s24;
	s18 =	smul.u32 $0x2800, s15  }
0x8: {  	s21 =	sor.u32 $0x70, s24;
	s19 =	smul.u32 $0x2800, s20  }
0x9: {  	s23 =	smul.u32 $0x2800, s21  }
0xa: {  	s1 =	sshll.u32 s0, $0x4;
	s14 =	ssub.s32 $0x2, s0;
	s0 =	smul.u32 $0x7D00, s0  }
0xb: {  	s6 =	rddreg [dreg:$0x1];
	s8 =	smul.u32 $0xA000, s8  }
0xc: {  	s3 =	rddreg [dreg:$0x2];
	s10 =	smul.u32 $0xA000, s10  }
0xd: {  	s28 =	simm.s32 $0x16180;
	s12 =	smul.u32 $0xA000, s12;
	s2 =	sor.u32 s24, s1  }
0xe: {  	s29 =	simm.s32 $0x7;
	s31 =	simm.s32 $0x50;
	s4 =	smul.u32 $0x4E2, s2  }
0xf: {  	p0 =	sgt.u32 s21, $0x7C;
	s17 =	sshrl.u32 s14, $0x1;
	s5 =	smul.u32 $0x7D0, s2  }
0x10: {  	s1 =	rddreg [dreg:$0x0];
	s2 =	smul.u32 $0x3E80, s2;
	s14 =	ssub.s32 s14, s17  }
0x11: {  	s17 =	sor.u32 $0x60, s24;
	s9 =	sadd.s32 s7, s9;
	s11 =	sadd.s32 s7, s11  }
0x12: {  	s13 =	sadd.s32 s7, s13;
	s16 =	sadd.s32 s7, s16;
	s18 =	sadd.s32 s7, s18  }
0x13: {  	s19 =	sadd.s32 s7, s19;
	s22 =	smul.u32 $0x2800, s17;
	s9 =	sshrl.u32 s9, $0x3  }
0x14: {  	s11 =	sshrl.u32 s11, $0x3;
	s25 =	sshrl.u32 s13, $0x3;
	s13 =	sshrl.u32 s18, $0x3  }
0x15: {  	s4 =	sadd.s32 s4, s6;
	s2 =	sshrl.u32 s2, $0x3;
	s22 =	sadd.s32 s7, s22  }
0x16: {  	s7 =	sadd.s32 s7, s23;
	s23 =	sadd.s32 $0x5C000, s6;
	s6 =	sadd.s32 $0x6BA00, s6  }
0x17: {  	s4 =	sadd.s32 $0x4000, s4;
	s5 =	sadd.s32 s23, s5;
	s26 =	sadd.s32 s6, s11  }
0x18: {  	s11 =	sshrl.u32 s16, $0x3;
	s16 =	sshrl.u32 s19, $0x3;
	s18 =	sadd.s32 s6, s13  }
0x19: {  	s7 =	sshrl.u32 s7, $0x3;
	s2 =	sadd.s32 s23, s2;
	[dreg:$0x4] =	wrdreg s5  }
0x1a: {  	s0 =	sadd.s32 s0, s23;
	s13 =	simm.s32 $0x0;
	[dreg:$0x6] =	wrdreg s26  }
0x1b: {  	s5 =	sadd.s32 s6, s9;
	s9 =	sadd.s32 s6, s25;
	[dreg:$0x9] =	wrdreg s18  }
0x1c: {  	s19 =	sadd.s32 s6, s16;
	s25 =	sshrl.u32 s22, $0x3;
	[smem:$0x7FF] =	sst s13  }
0x1d: {  	s26 =	sadd.s32 s6, s7;
	s7 =	smul.u32 $0xA000, s24;
	[dreg:$0x5] =	wrdreg s5  }
0x1e: {  	s16 =	sshrl.u32 s12, $0x2;
	s18 =	smul.u32 $0xA000, s17;
	[dreg:$0x7] =	wrdreg s9  }
0x1f: {  	s12 =	simm.s32 $0x3;
	s5 =	sadd.s32 s6, s11;
	[dreg:$0xa] =	wrdreg s19  }
0x20: {  	[dreg:$0xc] =	wrdreg s26;
	s11 =	smax.u32 s14, $0x1;
	s14 =	smul.u32 $0xA000, s15  }
0x21: {  	s9 =	sadd.s32 $0x10, s2;
	s2 =	sadd.s32 $0x20, s2;
	s15 =	smul.u32 $0xA000, s20  }
0x22: {  	s19 =	smul.u32 $0xA000, s21;
	[dreg:$0x8] =	wrdreg s5;
	s5 =	sadd.s32 s6, s25  }
0x23: {  	s21 =	sadd.s32 s16, s3;
	s6 =	smul.u32 $0x7D0, s24;
	[dreg:$0xb] =	wrdreg s5  }
0x24: {  	s25 =	sshrl.u32 s18, $0x2;
	_ =	strace $0x80000050;
	[dreg:$0xd] =	wrdreg s4  }
0x25: {  	s5 =	sshrl.u32 s7, $0x2;
	s24 =	sshrl.u32 s15, $0x2;
	[dreg:$0xe] =	wrdreg s9  }
0x26: {  	s26 =	sshrl.u32 s19, $0x2;
	s7 =	simm.s32 $0x4;
	[dreg:$0xf] =	wrdreg s2  }
0x27: {  	s15 =	simm.s32 $0x0;
	s0 =	sadd.s32 s6, s0;
	[dreg:$0x10] =	wrdreg s11  }
0x28: {  	s30 =	sadd.s32 s5, s3;
	s4 =	sshrl.u32 s8, $0x2;
	s2 =	sshrl.u32 s10, $0x2  }
0x29: {  	s5 =	sshrl.u32 s14, $0x2;
	s23 =	sadd.s32 s24, s3;
	s24 =	sadd.s32 s25, s3  }
0x2a: {  	s25 =	sadd.s32 s26, s3;
	s6 =	simm.s32 $0x1;
	s8 =	simm.s32 $0x2  }
.Ltmp0:
0x2b: {  	s9 =	simm.s32 $0x5;
	s10 =	simm.s32 $0x8;
	(pc) =	sbr.rel .LBB2_1-.Ltmp0, $4  }
0x2c: {  	s11 =	simm.s32 $0x1B180;
	s14 =	simm.s32 $0x6;
	s4 =	sadd.s32 s4, s3  }
0x2d: {  	s20 =	sadd.s32 s2, s3;
	s22 =	sadd.s32 s5, s3;
	s0 =	sadd.s32 $0x50, s0  }
0x2e: {  	s2 =	simm.s32 $0x16000;
	s5 =	simm.s32 $0x16100;
	[dreg:$0x11] =	wrdreg s4  }
0x2f: {  	v0 =	vimm.f32 $0.0e+00;
	[dreg:$0x12] =	wrdreg s0;
	s0 =	simm.s32 $0x18980;
	s4 =	simm.s32 $0x16080  }
.LBB2_8:
0x30: {  	_ =	swait.ge [sflag:s7], $0x80  }
0x31: {  	[sflag:s7] =	ssyncset.done $0x0  }
0x32: {  	[sflag:s7] =	ssyncadd.s32 $0xFFFFFF80  }
0x33: {  	[spmem:s3] =	stream.indirect.scatter.add.f32 [tilespmem:s28], [sflag:$0x7], $0x80, s2, s31, $0xb8;
	[tilespmem:$0x1D980] =	vst v63  }
0x34: {  	_ =	swait.ge [sflag:s29], $0x2800  }
0x35: {  	[sflag:s29] =	ssyncset.done $0x0  }
0x36: {  	[sflag:s29] =	ssyncadd.s32 $0xFFFFD800  }
0x37: {  	_ =	swait.ge [sflag:s8], $0x2800  }
0x38: {  	[sflag:s8] =	ssyncset.done $0x0  }
0x39: {  	[sflag:s8] =	ssyncadd.s32 $0xFFFFD800  }
0x3a: {  	_ =	swait.ge [sflag:s9], $0x80  }
0x3b: {  	[sflag:s9] =	ssyncset.done $0x0  }
0x3c: {  	[sflag:s9] =	ssyncadd.s32 $0xFFFFFF80  }
0x3d: {  	[spmem:s3] =	stream.indirect.scatter.add.f32 [tilespmem:s0], [sflag:$0x7], $0x80, s4, s31, $0xb8;
	[tilespmem:$0x1D980] =	vst v63  }
0x3e: {  	_ =	swait.ge [sflag:s29], $0x2800  }
0x3f: {  	[sflag:s29] =	ssyncset.done $0x0  }
0x40: {  	[sflag:s29] =	ssyncadd.s32 $0xFFFFD800  }
.LBB2_6:
0x41: {  	[bflag:$0x0] =	sbarrier.arrive $0xFFFF  }
0x42: {  	[tilespmem:s28], [sflag:$0x8] =	stream.linear.gather [spmem:s19], $0x2800, $0x38;
	[tilespmem:$0x1D980] =	vst v63  }
0x43: {  	_ =	swait.ge [sflag:s10], $0x2800  }
0x44: {  	[sflag:s10] =	ssyncset.done $0x0  }
0x45: {  	s16 =	rddreg [dreg:$0x5];
	[sflag:s10] =	ssyncadd.s32 $0xFFFFD800  }
0x46: {  	[hbm4b:s16+s13] =	stream.linear.scatter [tilespmem:s28], [sflag:$0x7], $0x2800, $0x38;
	[tilespmem:$0x1D980] =	vst v63  }
0x47: {  	_ =	swait.ge [sflag:s29], $0x2800  }
0x48: {  	[sflag:s29] =	ssyncset.done $0x0  }
0x49: {  	s17 =	rddreg [dreg:$0x11];
	[sflag:s29] =	ssyncadd.s32 $0xFFFFD800  }
0x4a: {  	[tilespmem:s28], [sflag:$0x8] =	stream.linear.gather [spmem:s17], $0x2800, $0x38;
	[tilespmem:$0x1D980] =	vst v63  }
0x4b: {  	_ =	swait.ge [sflag:s10], $0x2800  }
0x4c: {  	[sflag:s10] =	ssyncset.done $0x0  }
0x4d: {  	s18 =	rddreg [dreg:$0x6];
	[sflag:s10] =	ssyncadd.s32 $0xFFFFD800  }
0x4e: {  	[hbm4b:s18+s13] =	stream.linear.scatter [tilespmem:s28], [sflag:$0x7], $0x2800, $0x38;
	[tilespmem:$0x1D980] =	vst v63  }
0x4f: {  	_ =	swait.ge [sflag:s29], $0x2800  }
0x50: {  	[sflag:s29] =	ssyncset.done $0x0  }
0x51: {  	[sflag:s29] =	ssyncadd.s32 $0xFFFFD800  }
0x52: {  	[tilespmem:s28], [sflag:$0x8] =	stream.linear.gather [spmem:s20], $0x2800, $0x38;
	[tilespmem:$0x1D980] =	vst v63  }
0x53: {  	_ =	swait.ge [sflag:s10], $0x2800  }
0x54: {  	[sflag:s10] =	ssyncset.done $0x0  }
0x55: {  	s30 =	smov.u32 s19;
	s19 =	rddreg [dreg:$0x7];
	[sflag:s10] =	ssyncadd.s32 $0xFFFFD800  }
0x56: {  	[hbm4b:s19+s13] =	stream.linear.scatter [tilespmem:s28], [sflag:$0x7], $0x2800, $0x38;
	[tilespmem:$0x1D980] =	vst v63  }
0x57: {  	_ =	swait.ge [sflag:s29], $0x2800  }
0x58: {  	[sflag:s29] =	ssyncset.done $0x0  }
0x59: {  	[sflag:s29] =	ssyncadd.s32 $0xFFFFD800  }
0x5a: {  	[tilespmem:s28], [sflag:$0x8] =	stream.linear.gather [spmem:s21], $0x2800, $0x38;
	[tilespmem:$0x1D980] =	vst v63  }
0x5b: {  	_ =	swait.ge [sflag:s10], $0x2800  }
0x5c: {  	[sflag:s10] =	ssyncset.done $0x0  }
0x5d: {  	s26 =	rddreg [dreg:$0x8];
	[sflag:s10] =	ssyncadd.s32 $0xFFFFD800  }
0x5e: {  	[hbm4b:s26+s13] =	stream.linear.scatter [tilespmem:s28], [sflag:$0x7], $0x2800, $0x38;
	[tilespmem:$0x1D980] =	vst v63  }
0x5f: {  	_ =	swait.ge [sflag:s29], $0x2800  }
0x60: {  	[sflag:s29] =	ssyncset.done $0x0  }
0x61: {  	[sflag:s29] =	ssyncadd.s32 $0xFFFFD800  }
0x62: {  	[tilespmem:s28], [sflag:$0x8] =	stream.linear.gather [spmem:s22], $0x2800, $0x38;
	[tilespmem:$0x1D980] =	vst v63  }
0x63: {  	_ =	swait.ge [sflag:s10], $0x2800  }
0x64: {  	[sflag:s10] =	ssyncset.done $0x0  }
0x65: {  	s17 =	rddreg [dreg:$0x9];
	[sflag:s10] =	ssyncadd.s32 $0xFFFFD800  }
0x66: {  	[hbm4b:s17+s13] =	stream.linear.scatter [tilespmem:s28], [sflag:$0x7], $0x2800, $0x38;
	[tilespmem:$0x1D980] =	vst v63  }
0x67: {  	_ =	swait.ge [sflag:s29], $0x2800  }
0x68: {  	[sflag:s29] =	ssyncset.done $0x0  }
0x69: {  	[sflag:s29] =	ssyncadd.s32 $0xFFFFD800  }
0x6a: {  	[tilespmem:s28], [sflag:$0x8] =	stream.linear.gather [spmem:s23], $0x2800, $0x38;
	[tilespmem:$0x1D980] =	vst v63  }
0x6b: {  	_ =	swait.ge [sflag:s10], $0x2800  }
0x6c: {  	[sflag:s10] =	ssyncset.done $0x0  }
0x6d: {  	s18 =	rddreg [dreg:$0xa];
	[sflag:s10] =	ssyncadd.s32 $0xFFFFD800  }
0x6e: {  	[hbm4b:s18+s13] =	stream.linear.scatter [tilespmem:s28], [sflag:$0x7], $0x2800, $0x38;
	[tilespmem:$0x1D980] =	vst v63  }
0x6f: {  	_ =	swait.ge [sflag:s29], $0x2800  }
0x70: {  	[sflag:s29] =	ssyncset.done $0x0  }
0x71: {  	[sflag:s29] =	ssyncadd.s32 $0xFFFFD800  }
0x72: {  	[tilespmem:s28], [sflag:$0x8] =	stream.linear.gather [spmem:s24], $0x2800, $0x38;
	[tilespmem:$0x1D980] =	vst v63  }
0x73: {  	_ =	swait.ge [sflag:s10], $0x2800  }
0x74: {  	[sflag:s10] =	ssyncset.done $0x0  }
0x75: {  	s19 =	rddreg [dreg:$0xb];
	[sflag:s10] =	ssyncadd.s32 $0xFFFFD800  }
0x76: {  	[hbm4b:s19+s13] =	stream.linear.scatter [tilespmem:s28], [sflag:$0x7], $0x2800, $0x38;
	[tilespmem:$0x1D980] =	vst v63  }
0x77: {  	_ =	swait.ge [sflag:s29], $0x2800  }
0x78: {  	[sflag:s29] =	ssyncset.done $0x0  }
0x79: {  	s16 =	simm.s32 @!p0 $0x16180;
	s17 =	simm.s32 @!p0 $0x8;
	[sflag:s29] =	ssyncadd.s32 $0xFFFFD800  }
0x7a: {  	[tilespmem:s16], [sflag:$0x8] =	stream.linear.gather @!p0 [spmem:s25], $0x2800, $0x38;
	[tilespmem:$0x1D980] =	vst v63  }
0x7b: {  	_ =	swait.ge @!p0 [sflag:s17], $0x2800  }
0x7c: {  	[sflag:s17] =	ssyncset.done @!p0 $0x0  }
0x7d: {  	s18 =	rddreg [dreg:$0xc];
	[sflag:s17] =	ssyncadd.s32 @!p0 $0xFFFFD800;
	s17 =	simm.s32 @!p0 $0x0  }
0x7e: {  	[hbm4b:s18+s17] =	stream.linear.scatter @!p0 [tilespmem:s16], [sflag:$0x7], $0x2800, $0x38;
	[tilespmem:$0x1D980] =	vst v63  }
0x7f: {  	s16 =	simm.s32 @!p0 $0x7  }
0x80: {  	_ =	swait.ge @!p0 [sflag:s16], $0x2800  }
0x81: {  	s15 =	sadd.s32 $0x1, s15;
	s26 =	rddreg [dreg:$0x10]  }
0x82: {  	p1 =	sne.s32 s15, s26  }
.Ltmp1:
0x83: {  	_ = 	snop;
	(pc) =	sbr.rel @!p1 .LBB2_7-.Ltmp1, $3  }
0x84: {  	_ =	sdelay $0x1  }
0x85: {  	[sflag:s16] =	ssyncset.done @!p0 $0x0  }
0x86: {  	[sflag:s16] =	ssyncadd.s32 @!p0 $0xFFFFD800  }
.LBB2_1:
0x87: {  	s16 =	simm.s32 $0x70;
	s26 =	simm.s32 $0x3C0  }
.LBB2_2:
0x88: {  	p1 =	sne.s32 s26, $0x9FC0;
	[tilespmem:s16+$0x16180] =	vst v0  }
0x89: {  	[tilespmem:s16+$0x16110] =	vst v0  }
0x8a: {  	[tilespmem:s16+$0x16120] =	vst v0  }
.Ltmp2:
0x8b: {  	[tilespmem:s16+$0x16130] =	vst v0;
	(pc) =	sbr.rel @p1 .LBB2_2-.Ltmp2, $4  }
0x8c: {  	[tilespmem:s16+$0x16140] =	vst v0  }
0x8d: {  	[tilespmem:s16+$0x16150] =	vst v0  }
0x8e: {  	[tilespmem:s16+$0x16160] =	vst v0  }
0x8f: {  	[tilespmem:s16+$0x16170] =	vst v0;
	s16 =	sshra.s32 s26, $0x2;
	s26 =	sadd.s32 $0x200, s26  }
0x90: {  	[tilespmem:s16+$0x16180] =	vst v0  }
0x91: {  	[tilespmem:s16+$0x16110] =	vst v0  }
0x92: {  	[tilespmem:s16+$0x16120] =	vst v0  }
0x93: {  	[tilespmem:s16+$0x16130] =	vst v0  }
0x94: {  	[tilespmem:s16+$0x16140] =	vst v0  }
0x95: {  	[tilespmem:s16+$0x16150] =	vst v0  }
0x96: {  	[tilespmem:s16+$0x16160] =	vst v0  }
0x97: {  	[tilespmem:s16+$0x16170] =	vst v0  }
0x98: {  	[spmem:s30] =	stream.linear.scatter [tilespmem:s28], [sflag:$0x7], $0x2800, $0x38;
	[tilespmem:$0x1D980] =	vst v63  }
0x99: {  	_ =	swait.ge [sflag:s29], $0x2800  }
0x9a: {  	[sflag:s29] =	ssyncset.done $0x0  }
0x9b: {  	s17 =	rddreg [dreg:$0x11];
	[sflag:s29] =	ssyncadd.s32 $0xFFFFD800  }
0x9c: {  	[spmem:s17] =	stream.linear.scatter [tilespmem:s28], [sflag:$0x7], $0x2800, $0x38;
	[tilespmem:$0x1D980] =	vst v63  }
0x9d: {  	_ =	swait.ge [sflag:s29], $0x2800  }
0x9e: {  	[sflag:s29] =	ssyncset.done $0x0  }
0x9f: {  	[sflag:s29] =	ssyncadd.s32 $0xFFFFD800  }
0xa0: {  	[spmem:s20] =	stream.linear.scatter [tilespmem:s28], [sflag:$0x7], $0x2800, $0x38;
	[tilespmem:$0x1D980] =	vst v63  }
0xa1: {  	_ =	swait.ge [sflag:s29], $0x2800  }
0xa2: {  	[sflag:s29] =	ssyncset.done $0x0  }
0xa3: {  	[sflag:s29] =	ssyncadd.s32 $0xFFFFD800  }
0xa4: {  	[spmem:s21] =	stream.linear.scatter [tilespmem:s28], [sflag:$0x7], $0x2800, $0x38;
	[tilespmem:$0x1D980] =	vst v63  }
0xa5: {  	_ =	swait.ge [sflag:s29], $0x2800  }
0xa6: {  	[sflag:s29] =	ssyncset.done $0x0  }
0xa7: {  	[sflag:s29] =	ssyncadd.s32 $0xFFFFD800  }
0xa8: {  	[spmem:s22] =	stream.linear.scatter [tilespmem:s28], [sflag:$0x7], $0x2800, $0x38;
	[tilespmem:$0x1D980] =	vst v63  }
0xa9: {  	_ =	swait.ge [sflag:s29], $0x2800  }
0xaa: {  	[sflag:s29] =	ssyncset.done $0x0  }
0xab: {  	[sflag:s29] =	ssyncadd.s32 $0xFFFFD800  }
0xac: {  	[spmem:s23] =	stream.linear.scatter [tilespmem:s28], [sflag:$0x7], $0x2800, $0x38;
	[tilespmem:$0x1D980] =	vst v63  }
0xad: {  	_ =	swait.ge [sflag:s29], $0x2800  }
0xae: {  	[sflag:s29] =	ssyncset.done $0x0  }
0xaf: {  	[sflag:s29] =	ssyncadd.s32 $0xFFFFD800  }
0xb0: {  	[spmem:s24] =	stream.linear.scatter [tilespmem:s28], [sflag:$0x7], $0x2800, $0x38;
	[tilespmem:$0x1D980] =	vst v63  }
0xb1: {  	_ =	swait.ge [sflag:s29], $0x2800  }
0xb2: {  	[sflag:s29] =	ssyncset.done $0x0  }
0xb3: {  	s16 =	simm.s32 @!p0 $0x16180;
	[sflag:s29] =	ssyncadd.s32 $0xFFFFD800  }
0xb4: {  	[spmem:s25] =	stream.linear.scatter @!p0 [tilespmem:s16], [sflag:$0x7], $0x2800, $0x38;
	[tilespmem:$0x1D980] =	vst v63  }
0xb5: {  	s16 =	simm.s32 @!p0 $0x7  }
0xb6: {  	_ =	swait.ge @!p0 [sflag:s16], $0x2800  }
0xb7: {  	[sflag:s16] =	ssyncset.done @!p0 $0x0  }
0xb8: {  	[sflag:s16] =	ssyncadd.s32 @!p0 $0xFFFFD800  }
0xb9: {  	[bflag:$0x0] =	sbarrier.arrive $0xFFFF  }
0xba: {  	s18 =	simm.s32 $0x13880;
	s16 =	simm.s32 $0x0;
	s17 =	rddreg [dreg:$0xd]  }
0xbb: {  	[tilespmem:s18], [sflag:$0x7] =	stream.linear.gather [hbm4b:s17+s16], $0x2710, $0x38;
	[tilespmem:$0x1D980] =	vst v63  }
0xbc: {  	_ =	swait.ge [sflag:s29], $0x2710  }
0xbd: {  	[sflag:s29] =	ssyncset.done $0x0  }
0xbe: {  	[sflag:s29] =	ssyncadd.s32 $0xFFFFD8F0  }
0xbf: {  	[tilespmem:s28], [sflag:$0x1] =	stream.indirect.gather [hbm4b:s1+s31], $0x80, s18, s31, $0xb8;
	[tilespmem:$0x1D980] =	vst v63  }
0xc0: {  	s18 =	simm.s32 $0x138D0  }
0xc1: {  	[tilespmem:s0], [sflag:$0x2] =	stream.indirect.gather [hbm4b:s1+s31], $0x80, s18, s31, $0xb8;
	[tilespmem:$0x1D980] =	vst v63  }
0xc2: {  	s26 =	rddreg [dreg:$0x4]  }
0xc3: {  	[tilespmem:s2], [sflag:$0x4] =	stream.linear.gather [hbm4b:s26+s16], $0x80, $0x38;
	[tilespmem:$0x1D980] =	vst v63  }
0xc4: {  	s18 =	rddreg [dreg:$0xe]  }
0xc5: {  	[tilespmem:s4], [sflag:$0x5] =	stream.linear.gather [hbm4b:s18+s16], $0x80, $0x38;
	[tilespmem:$0x1D980] =	vst v63  }
0xc6: {  	s26 =	rddreg [dreg:$0xf]  }
0xc7: {  	[tilespmem:s5], [sflag:$0x6] =	stream.linear.gather [hbm4b:s26+s16], $0x80, $0x38;
	[tilespmem:$0x1D980] =	vst v63  }
0xc8: {  	s19 =	smov.u32 s30;
	s30 =	simm.s32 $0x0;
	s26 =	rddreg [dreg:$0x12]  }
.LBB2_4:
0xc9: {  	p1 =	seq.s32 s16, $0x99C0  }
.Ltmp3:
0xca: {  	_ = 	snop;
	(pc) =	sbr.rel @p1 .LBB2_8-.Ltmp3, $4  }
0xcb: {  	_ = 	snop  }
0xcc: {  	_ =	swait.ge [sflag:s6], $0x2800  }
0xcd: {  	[sflag:s6] =	ssyncset.done $0x0  }
0xce: {  	[sflag:s6] =	ssyncadd.s32 $0xFFFFD800  }
0xcf: {  	s17 =	sshra.s32 s16, $0x2  }
0xd0: {  	s18 =	sadd.s32 $0x13920, s17  }
0xd1: {  	[tilespmem:s11], [sflag:$0x3] =	stream.indirect.gather [hbm4b:s1+s31], $0x80, s18, s31, $0xb8;
	[tilespmem:$0x1D980] =	vst v63  }
0xd2: {  	_ =	swait.ge [sflag:s7], $0x80  }
0xd3: {  	[sflag:s7] =	ssyncset.done $0x0  }
0xd4: {  	[sflag:s7] =	ssyncadd.s32 $0xFFFFFF80  }
0xd5: {  	[spmem:s3] =	stream.indirect.scatter.add.f32 [tilespmem:s28], [sflag:$0x7], $0x80, s2, s31, $0xb8;
	[tilespmem:$0x1D980] =	vst v63  }
0xd6: {  	_ =	swait.ge [sflag:s29], $0x2800  }
0xd7: {  	[sflag:s29] =	ssyncset.done $0x0  }
0xd8: {  	s18 =	sadd.s32 $0xFFFFFFE0, s26;
	[sflag:s29] =	ssyncadd.s32 $0xFFFFD800  }
0xd9: {  	[tilespmem:s2], [sflag:$0x4] =	stream.linear.gather [hbm4b:s18+s13], $0x80, $0x38;
	[tilespmem:$0x1D980] =	vst v63  }
0xda: {  	_ =	swait.ge [sflag:s8], $0x2800  }
0xdb: {  	[sflag:s8] =	ssyncset.done $0x0  }
0xdc: {  	s18 =	sadd.s32 $0x13970, s17;
	[sflag:s8] =	ssyncadd.s32 $0xFFFFD800  }
0xdd: {  	[tilespmem:s28], [sflag:$0x1] =	stream.indirect.gather [hbm4b:s1+s31], $0x80, s18, s31, $0xb8;
	[tilespmem:$0x1D980] =	vst v63  }
0xde: {  	_ =	swait.ge [sflag:s9], $0x80  }
0xdf: {  	[sflag:s9] =	ssyncset.done $0x0  }
0xe0: {  	[sflag:s9] =	ssyncadd.s32 $0xFFFFFF80  }
0xe1: {  	[spmem:s3] =	stream.indirect.scatter.add.f32 [tilespmem:s0], [sflag:$0x7], $0x80, s4, s31, $0xb8;
	[tilespmem:$0x1D980] =	vst v63  }
0xe2: {  	_ =	swait.ge [sflag:s29], $0x2800  }
0xe3: {  	[sflag:s29] =	ssyncset.done $0x0  }
0xe4: {  	s18 =	sadd.s32 $0xFFFFFFF0, s26;
	[sflag:s29] =	ssyncadd.s32 $0xFFFFD800  }
0xe5: {  	[tilespmem:s4], [sflag:$0x5] =	stream.linear.gather [hbm4b:s18+s13], $0x80, $0x38;
	[tilespmem:$0x1D980] =	vst v63  }
0xe6: {  	_ =	swait.ge [sflag:s12], $0x2800  }
0xe7: {  	[sflag:s12] =	ssyncset.done $0x0  }
0xe8: {  	s17 =	sadd.s32 $0x139C0, s17;
	[sflag:s12] =	ssyncadd.s32 $0xFFFFD800  }
0xe9: {  	[tilespmem:s0], [sflag:$0x2] =	stream.indirect.gather [hbm4b:s1+s31], $0x80, s17, s31, $0xb8;
	[tilespmem:$0x1D980] =	vst v63  }
0xea: {  	_ =	swait.ge [sflag:s14], $0x80  }
0xeb: {  	[sflag:s14] =	ssyncset.done $0x0  }
0xec: {  	[sflag:s14] =	ssyncadd.s32 $0xFFFFFF80  }
0xed: {  	[spmem:s3] =	stream.indirect.scatter.add.f32 [tilespmem:s11], [sflag:$0x7], $0x80, s5, s31, $0xb8;
	[tilespmem:$0x1D980] =	vst v63  }
0xee: {  	_ =	swait.ge [sflag:s29], $0x2800  }
0xef: {  	p1 =	sgt.u32 s30, $0x27;
	s16 =	sadd.s32 $0x3C0, s16;
	[sflag:s29] =	ssyncset.done $0x0  }
0xf0: {  	s18 =	simm.s32 @!p1 $0x16100;
	s17 =	simm.s32 @!p1 $0x0;
	[sflag:s29] =	ssyncadd.s32 $0xFFFFD800  }
0xf1: {  	[tilespmem:s18], [sflag:$0x6] =	stream.linear.gather @!p1 [hbm4b:s26+s17], $0x80, $0x38;
	[tilespmem:$0x1D980] =	vst v63  }
0xf2: {  	p1 =	sne.s32 s16, $0x9D80  }
.Ltmp4:
0xf3: {  	_ = 	snop;
	(pc) =	sbr.rel @p1 .LBB2_4-.Ltmp4, $4  }
.Ltmp5:
0xf4: {  	_ = 	snop;
	(pc) =	sbr.rel @!p1 .LBB2_6-.Ltmp5, $4  }
0xf5: {  	_ = 	snop  }
0xf6: {  	_ = 	snop  }
0xf7: {  	s30 =	sadd.s32 $0x1, s30;
	s26 =	sadd.s32 $0x30, s26  }
0xf8: {  	_ = 	snop  }
.LBB2_7:
0xf9: {  	_ =	sfence.sel $0x180000  }
0xfa: {  	[bflag:$0x0] =	sbarrier.arrive $0xFFFF  }
0xfb: {  	_ =	strace $0x90000050  }
0xfc: {  	s0 =	stileid.u32;
	[bflag:$0x2] =	sbarrier.arrive $0xFFFF  }
0xfd: {  	p0 =	sne.s32 s0, $0x0;
	s0 =	rddreg [dreg:$0x3]  }
0xfe: {  	s0 =	sadd.s32 @!p0 $0x100000, s0  }
0xff: {  	[sflag:s0] =	ssyncadd.tile.s32 @!p0 $0x1;
	_ =	shalt  }
.Lfunc_end2:
_tile_overlayer_lowered:
.L_overlay_start_2:
0x100: {  	(tag) =	ssettag $0x2  }
0x101: {  	s0 =	rddreg [dreg:$0x0];
	s2 =	stileid.u32  }
0x102: {  	s1 =	rddreg [dreg:$0x1];
	p0 =	sne.s32 s2, $0x0  }
0x103: {  	s3 =	rddreg [dreg:$0x2];
	[bflag:$0x3] =	sbarrier.arrive $0xFFFF;
	s2 =	simm.s32 @!p0 $0x1C07  }
0x104: {  	[timem:s3], [sflag:s2] =	dma.local @!p0 [hbm:s0], s1  }
0x105: {  	s0 =	simm.s32 @!p0 $0x7  }
0x106: {  	_ =	swait.ge @!p0 [sflag:s0], s1  }
0x107: {  	s1 =	ssub.s32 @!p0 $0x0, s1;
	[sflag:s0] =	ssyncset.done @!p0 $0x0  }
0x108: {  	[sflag:s0] =	ssyncadd.s32 @!p0 s1  }
0x109: {  	[bflag:$0x3] =	sbarrier.arrive $0xFFFF  }
0x10a: {  	_ =	shalt  }

// kernel: kernel.24.cloned.1.call-start
scs
__scs_entry_jumppad:
0x0: {  	(pc) =	sbr.rel $0x88, $3  }
0x1: {  	(tag) =	ssettag $0x0;
	lr =	simm.s32 $0x1  }
0x2: {  	[smem:$0x3F97] =	sst lr;
	_ =	strace $0xD0000000  }
0x3: {  	_ = 	snop  }
0x4: {  	_ = 	snop  }
0x5: {  	_ = 	snop  }
0x6: {  	_ = 	snop  }
0x7: {  	_ = 	snop  }
__scs_overlays_trampoline_lowered:
0x8: {  	[smem:$0x3FA6] =	sst s0  }
0x9: {  	[smem:$0x3FA7] =	sst s1  }
0xa: {  	[smem:$0x3FA8] =	sst s2  }
0xb: {  	[smem:$0x3FA9] =	sst s3  }
0xc: {  	[smem:$0x3FAA] =	sst s4  }
0xd: {  	[smem:$0x3FAB] =	sst s5  }
0xe: {  	[smem:$0x3FAC] =	sst s6  }
0xf: {  	[smem:$0x3FAD] =	sst s7  }
0x10: {  	[smem:$0x3FAE] =	sst s8  }
0x11: {  	[smem:$0x3FAF] =	sst s9;
	s0 =	simm.s32 @!p0 $0x0  }
0x12: {  	s1 =	sld [smem:$0x3F95];
	s0 =	simm.s32 @p0 $0x1  }
0x13: {  	[smem:$0x3FB0] =	sst s0;
	s0 =	simm.s32 @!p1 $0x0  }
0x14: {  	s2 =	sld [smem:$0x3F94];
	s0 =	simm.s32 @p1 $0x1  }
0x15: {  	[smem:$0x3FB1] =	sst s0;
	s0 =	simm.s32 @!p2 $0x0  }
0x16: {  	s3 =	sld [smem:$0x3FDB];
	s0 =	simm.s32 @p2 $0x1  }
0x17: {  	s4 =	simm.s32 $0x1BF5;
	[smem:$0x3FB3] =	sst s0  }
0x18: {  	s0 =	sld [smem:$0x3F96];
	_ =	swait.ge [sflag:s4], $0x0  }
0x19: {  	s7 =	sld [smem:$0x3F97]  }
0x1a: {  	s8 =	sadd.s32 $0xFFFFE003, lr  }
0x1b: {  	s9 =	sadd.s32 $0xFFFFFEF7, lr;
	s5 =	simm.s32 $0xFFFFFFFF;
	p2 =	slt.u32 s8, $0xFFFFF086  }
0x1c: {  	p1 =	slt.u32 s9, $0xF7A;
	s5 =	simm.s32 @!p2 $0x0  }
0x1d: {  	s5 =	simm.s32 @p1 $0x1;
	p0 =	seq.s32 s7, s2  }
0x1e: {  	s7 =	smul.u32 @!p0 $0xF7A, s2;
	p2 =	seq.s32 @!p0 s5, $0x0  }
0x1f: {  	s9 =	smul.u32 $0xF7A, s1;
	s8 =	simm.s32 @!p0 $0x1BF5;
	p2 =	por !p2, p0  }
0x20: {  	[sflag:s8] =	ssyncset.s32 @!p0 $0xFFFFF086;
	s6 =	sadd.s32 @!p0 s3, s7;
	s7 =	simm.s32 @!p0 $0x108  }
0x21: {  	s3 =	sadd.s32 s3, s9;
	s6 =	sadd.s32 @!p0 $0x88, s6;
	s7 =	simm.s32 @p2 $0x1082  }
0x22: {  	[simem:s7], [sflag:s8] =	dma.local @!p0 [hbm:s6], $0xF7A  }
0x23: {  	s9 =	sor.u32 $0xD0000000, s2;
	s6 =	simm.s32 $0x108;
	_ =	swait.ge @!p0 [sflag:s8], $0x0  }
0x24: {  	s3 =	sadd.s32 $0x88, s3;
	s6 =	simm.s32 @!p1 $0x1082;
	[sflag:s4] =	ssyncset.s32 $0xFFFFF086  }
0x25: {  	[simem:s6], [sflag:s4] =	dma.local [hbm:s3], $0xF7A  }
0x26: {  	[smem:$0x3F97] =	sst s1;
	(tag) =	ssettag s2;
	_ =	strace s9  }
0x27: {  	s1 =	sld [smem:$0x3FA7]  }
0x28: {  	s2 =	sld [smem:$0x3FA8]  }
0x29: {  	s4 =	sld [smem:$0x3FAA]  }
0x2a: {  	p0 =	seq.s32 s5, $0x0;
	s5 =	sld [smem:$0x3FAB]  }
0x2b: {  	s6 =	sld [smem:$0x3FAC]  }
0x2c: {  	s7 =	sld [smem:$0x3FAD]  }
0x2d: {  	s3 =	simm.s32 $0x108;
	s8 =	sld [smem:$0x3FAE]  }
0x2e: {  	s3 =	simm.s32 @!p0 $0x1082;
	s9 =	sld [smem:$0x3FAF]  }
0x2f: {  	lr =	sadd.s32 s0, s3;
	s0 =	sld [smem:$0x3FA6]  }
0x30: {  	s3 =	sld [smem:$0x3FA9]  }
0x31: {  	[smem:$0x3FB2] =	sst s10  }
0x32: {  	s10 =	sld [smem:$0x3FB0];
	_ =	sdelay $0x3  }
0x33: {  	p0 =	seq.s32 s10, $0x1;
	s10 =	sld [smem:$0x3FB2];
	_ =	sdelay $0x3  }
0x34: {  	[smem:$0x3FB2] =	sst s10  }
0x35: {  	s10 =	sld [smem:$0x3FB1];
	_ =	sdelay $0x3  }
0x36: {  	p1 =	seq.s32 s10, $0x1;
	s10 =	sld [smem:$0x3FB2];
	_ =	sdelay $0x3  }
0x37: {  	[smem:$0x3FB2] =	sst s10  }
0x38: {  	s10 =	sld [smem:$0x3FB3]  }
0x39: {  	_ = 	snop;
	(pc) =	sbr.ind lr, $3  }
0x3a: {  	_ = 	snop  }
0x3b: {  	_ = 	snop  }
0x3c: {  	p2 =	seq.s32 s10, $0x1;
	s10 =	sld [smem:$0x3FB2]  }
0x3d: {  	_ =	shalt  }
0x3e: {  	_ =	shalt  }
0x3f: {  	_ =	shalt  }
0x40: {  	_ =	shalt  }
0x41: {  	_ =	shalt  }
0x42: {  	_ =	shalt  }
0x43: {  	_ =	shalt  }
0x44: {  	_ =	shalt  }
0x45: {  	_ =	shalt  }
0x46: {  	_ =	shalt  }
0x47: {  	_ =	shalt  }
0x48: {  	_ =	shalt  }
0x49: {  	_ =	shalt  }
0x4a: {  	_ =	shalt  }
0x4b: {  	_ =	shalt  }
0x4c: {  	_ =	shalt  }
0x4d: {  	_ =	shalt  }
0x4e: {  	_ =	shalt  }
0x4f: {  	_ =	shalt  }
0x50: {  	_ =	shalt  }
0x51: {  	_ =	shalt  }
0x52: {  	_ =	shalt  }
0x53: {  	_ =	shalt  }
0x54: {  	_ =	shalt  }
0x55: {  	_ =	shalt  }
0x56: {  	_ =	shalt  }
0x57: {  	_ =	shalt  }
0x58: {  	_ =	shalt  }
0x59: {  	_ =	shalt  }
0x5a: {  	_ =	shalt  }
0x5b: {  	_ =	shalt  }
0x5c: {  	_ =	shalt  }
0x5d: {  	_ =	shalt  }
0x5e: {  	_ =	shalt  }
0x5f: {  	_ =	shalt  }
0x60: {  	_ =	shalt  }
0x61: {  	_ =	shalt  }
0x62: {  	_ =	shalt  }
0x63: {  	_ =	shalt  }
0x64: {  	_ =	shalt  }
0x65: {  	_ =	shalt  }
0x66: {  	_ =	shalt  }
0x67: {  	_ =	shalt  }
0x68: {  	_ =	shalt  }
0x69: {  	_ =	shalt  }
0x6a: {  	_ =	shalt  }
0x6b: {  	_ =	shalt  }
0x6c: {  	_ =	shalt  }
0x6d: {  	_ =	shalt  }
0x6e: {  	_ =	shalt  }
0x6f: {  	_ =	shalt  }
0x70: {  	_ =	shalt  }
0x71: {  	_ =	shalt  }
0x72: {  	_ =	shalt  }
0x73: {  	_ =	shalt  }
0x74: {  	_ =	shalt  }
0x75: {  	_ =	shalt  }
0x76: {  	_ =	shalt  }
0x77: {  	_ =	shalt  }
0x78: {  	_ =	shalt  }
0x79: {  	_ =	shalt  }
0x7a: {  	_ =	shalt  }
0x7b: {  	_ =	shalt  }
0x7c: {  	_ =	shalt  }
0x7d: {  	_ =	shalt  }
0x7e: {  	_ =	shalt  }
0x7f: {  	_ =	shalt  }
0x80: {  	_ =	shalt  }
0x81: {  	_ =	shalt  }
0x82: {  	_ =	shalt  }
0x83: {  	_ =	shalt  }
0x84: {  	_ =	shalt  }
0x85: {  	_ =	shalt  }
0x86: {  	_ =	shalt  }
0x87: {  	_ =	shalt  }
.Lfunc_end0:
.L_simem_size_0:
called_computation.4_lowered:
.L_overlay_start_0:
0x88: {  	s2 =	sld [smem:$0x3FD9]  }
0x89: {  	s3 =	sld [smem:$0x3FFE];
	_ =	sdelay $0x1  }
0x8a: {  	s1 =	srdreg.scid  }
0x8b: {  	s0 =	sand.u32 $0x1, s1  }
0x8c: {  	s17 =	sshll.u32 s0, $0xA;
	s2 =	sadd.s32 s3, s2  }
0x8d: {  	s2 =	sadd.s32 s2, s17  }
0x8e: {  	[smem:$0x3FBE] =	sst s2  }
0x8f: {  	_ = 	snop  }
0x90: {  	s2 =	sld [smem:$0x3FD0];
	(tm) =	ssettm $0x1  }
0x91: {  	s18 =	sld [smem:$0x3FFB];
	_ =	sdelay $0x3  }
0x92: {  	_ =	strace s18  }
0x93: {  	s3 =	sld [smem:$0x3FFC];
	_ =	sdelay $0x3  }
0x94: {  	_ =	strace s3  }
0x95: {  	s3 =	sld [smem:$0x3FFD];
	_ =	sdelay $0x3  }
0x96: {  	_ =	strace s3  }
0x97: {  	_ =	strace $0x8FFFFFFF  }
0x98: {  	s19 =	sld [smem:$0x3FDB];
	_ =	sdelay $0x1  }
0x99: {  	s4 =	simm.s32 $_scs_section_size  }
0x9a: {  	s5 =	simm.s32 $_size__tile_overlayer_lowered;
	s6 =	simm.s32 $_tile_overlayer_lowered  }
0x9b: {  	s22 =	simm.s32 $0x1BFF;
	s21 =	sshll.u32 s6, $0x1;
	s3 =	sadd.s32 s4, s19  }
0x9c: {  	s7 =	simm.s32 $0x0;
	s20 =	sshll.u32 s5, $0x1;
	s5 =	sadd.s32 s21, s3  }
0x9d: {  	[timem:s7], [sflag:s22] =	dma.local [hbm:s5], s20  }
0x9e: {  	_ =	swait.ge [sflag:s22], s20  }
0x9f: {  	s4 =	ssub.s32 $0x0, s20;
	[sflag:s22] =	ssyncset.done $0x0  }
0xa0: {  	[sflag:s22] =	ssyncadd.s32 s4;
	_ =	sdelay $0x1  }
0xa1: {  	s23 =	simm.s32 $0x1B8B  }
0xa2: {  	_ =	swait.ge [sflag:s23], $0x1  }
0xa3: {  	[sflag:s23] =	ssyncset.done $0x0  }
0xa4: {  	s25 =	simm.s32 $0x1B8E;
	s24 =	sld [smem:$0x3FFE];
	[sflag:s23] =	ssyncadd.s32 $0xFFFFFFFF  }
0xa5: {  	s26 =	simm.s32 $execute0_lowered;
	[smem:$0x3FD2] =	sst s25  }
0xa6: {  	s5 =	sshll.u32 s26, $0x1;
	_ =	strace $0x80000052;
	[dreg:$0x1] =	wrdreg $0xFFFFFFFF  }
0xa7: {  	s28 =	simm.s32 $_size_execute0_lowered;
	s3 =	sadd.s32 s3, s5;
	[dreg:$0x0] =	wrdreg $0x0  }
0xa8: {  	s5 =	sshll.u32 s28, $0x1;
	[dreg:$0x2] =	wrdreg s3  }
0xa9: {  	[dreg:$0x3] =	wrdreg s5  }
0xaa: {  	[dreg:$0x4] =	wrdreg $0xC0  }
0xab: {  	_ =	task [dreg:s7], $0x5FFFF  }
0xac: {  	[dreg:$0x1] =	wrdreg $0xFFFFFFFF  }
0xad: {  	[dreg:$0x0] =	wrdreg $0x60  }
0xae: {  	[dreg:$0x2] =	wrdreg s2  }
0xaf: {  	[dreg:$0x3] =	wrdreg s24  }
0xb0: {  	[dreg:$0x4] =	wrdreg $0x0  }
0xb1: {  	[dreg:$0x5] =	wrdreg $0x9  }
0xb2: {  	_ =	task.clear_ibuf [dreg:s7], $0x6FFFF;
	_ =	strace $0x90000052  }
0xb3: {  	s29 =	simm.s32 $0x9;
	_ =	strace $0x80000054  }
0xb4: {  	_ =	swait.ge [sflag:s29], $0x1  }
0xb5: {  	[sflag:s29] =	ssyncadd.s32 $0xFFFFFFFF  }
0xb6: {  	_ =	strace $0x90000054  }
0xb7: {  	_ =	sfence  }
0xb8: {  	s30 =	sld [smem:$0x0];
	_ =	sdelay $0x2  }
0xb9: {  	s31 =	sshll.u32 s1, $0xD;
	s1 =	sshrl.u32 s1, $0x2  }
0xba: {  	s3 =	sand.u32 $0x4000, s31;
	s1 =	sadd.s32 s1, s30  }
0xbb: {  	s0 =	sor.u32 s3, s0;
	s1 =	sshll.u32 s1, $0x11  }
0xbc: {  	s0 =	sor.u32 s1, s0  }
0xbd: {  	s0 =	sadd.s32 $0x8F2B, s0  }
0xbe: {  	[sflag:s0] =	ssyncadd.remote.s32 $0x1  }
0xbf: {  	_ =	sfence.sel $0xFFFF  }
0xc0: {  	[dreg:$0x0] =	wrdreg $0xFFFFFFFF;
	(pc) =	sbr.abs _section_cstart, $3  }
0xc1: {  	[dreg:$0x1] =	wrdreg $0xFFFFFFFF  }
0xc2: {  	_ =	task.clear_ibuf [dreg:s7], $0x2FFFF;
	_ =	strace $0x9FFFFFFF  }
0xc3: {  	(tm) =	ssettm $0x7FFFFFFF  }
tec
execute0_lowered:
.L_overlay_start_1:
0x0: {  	(tag) =	ssettag $0x1  }
0x1: {  	s0 =	srdreg.scid;
	s24 =	stileid.u32  }
0x2: {  	s0 =	sand.u32 $0x1, s0;
	s9 =	smul.u32 $0x2800, s24  }
0x3: {  	s8 =	sor.u32 $0x10, s24;
	s7 =	smul.u32 $0x138800, s0  }
0x4: {  	s10 =	sor.u32 $0x20, s24;
	s11 =	smul.u32 $0x2800, s8  }
0x5: {  	s12 =	sor.u32 $0x30, s24;
	s13 =	smul.u32 $0x2800, s10  }
0x6: {  	s15 =	sor.u32 $0x40, s24;
	s16 =	smul.u32 $0x2800, s12  }
0x7: {  	s20 =	sor.u32 $0x50, s24;
	s18 =	smul.u32 $0x2800, s15  }
0x8: {  	s21 =	sor.u32 $0x70, s24;
	s19 =	smul.u32 $0x2800, s20  }
0x9: {  	s23 =	smul.u32 $0x2800, s21  }
0xa: {  	s1 =	sshll.u32 s0, $0x4;
	s14 =	ssub.s32 $0x2, s0;
	s0 =	smul.u32 $0x7D00, s0  }
0xb: {  	s6 =	rddreg [dreg:$0x1];
	s8 =	smul.u32 $0xA000, s8  }
0xc: {  	s3 =	rddreg [dreg:$0x2];
	s10 =	smul.u32 $0xA000, s10  }
0xd: {  	s28 =	simm.s32 $0x16180;
	s12 =	smul.u32 $0xA000, s12;
	s2 =	sor.u32 s24, s1  }
0xe: {  	s29 =	simm.s32 $0x7;
	s31 =	simm.s32 $0x50;
	s4 =	smul.u32 $0x4E2, s2  }
0xf: {  	p0 =	sgt.u32 s21, $0x7C;
	s17 =	sshrl.u32 s14, $0x1;
	s5 =	smul.u32 $0x7D0, s2  }
0x10: {  	s1 =	rddreg [dreg:$0x0];
	s2 =	smul.u32 $0x3E80, s2;
	s14 =	ssub.s32 s14, s17  }
0x11: {  	s17 =	sor.u32 $0x60, s24;
	s9 =	sadd.s32 s7, s9;
	s11 =	sadd.s32 s7, s11  }
0x12: {  	s13 =	sadd.s32 s7, s13;
	s16 =	sadd.s32 s7, s16;
	s18 =	sadd.s32 s7, s18  }
0x13: {  	s19 =	sadd.s32 s7, s19;
	s22 =	smul.u32 $0x2800, s17;
	s9 =	sshrl.u32 s9, $0x3  }
0x14: {  	s11 =	sshrl.u32 s11, $0x3;
	s25 =	sshrl.u32 s13, $0x3;
	s13 =	sshrl.u32 s18, $0x3  }
0x15: {  	s4 =	sadd.s32 s4, s6;
	s2 =	sshrl.u32 s2, $0x3;
	s22 =	sadd.s32 s7, s22  }
0x16: {  	s7 =	sadd.s32 s7, s23;
	s23 =	sadd.s32 $0x5C000, s6;
	s6 =	sadd.s32 $0xDE00, s6  }
0x17: {  	s4 =	sadd.s32 $0x4000, s4;
	s5 =	sadd.s32 s23, s5;
	s26 =	sadd.s32 s6, s11  }
0x18: {  	s11 =	sshrl.u32 s16, $0x3;
	s16 =	sshrl.u32 s19, $0x3;
	s18 =	sadd.s32 s6, s13  }
0x19: {  	s7 =	sshrl.u32 s7, $0x3;
	s2 =	sadd.s32 s23, s2;
	[dreg:$0x4] =	wrdreg s5  }
0x1a: {  	s0 =	sadd.s32 s0, s23;
	s13 =	simm.s32 $0x0;
	[dreg:$0x6] =	wrdreg s26  }
0x1b: {  	s5 =	sadd.s32 s6, s9;
	s9 =	sadd.s32 s6, s25;
	[dreg:$0x9] =	wrdreg s18  }
0x1c: {  	s19 =	sadd.s32 s6, s16;
	s25 =	sshrl.u32 s22, $0x3;
	[smem:$0x7FF] =	sst s13  }
0x1d: {  	s26 =	sadd.s32 s6, s7;
	s7 =	smul.u32 $0xA000, s24;
	[dreg:$0x5] =	wrdreg s5  }
0x1e: {  	s16 =	sshrl.u32 s12, $0x2;
	s18 =	smul.u32 $0xA000, s17;
	[dreg:$0x7] =	wrdreg s9  }
0x1f: {  	s12 =	simm.s32 $0x3;
	s5 =	sadd.s32 s6, s11;
	[dreg:$0xa] =	wrdreg s19  }
0x20: {  	[dreg:$0xc] =	wrdreg s26;
	s11 =	smax.u32 s14, $0x1;
	s14 =	smul.u32 $0xA000, s15  }
0x21: {  	s9 =	sadd.s32 $0x10, s2;
	s2 =	sadd.s32 $0x20, s2;
	s15 =	smul.u32 $0xA000, s20  }
0x22: {  	s19 =	smul.u32 $0xA000, s21;
	[dreg:$0x8] =	wrdreg s5;
	s5 =	sadd.s32 s6, s25  }
0x23: {  	s21 =	sadd.s32 s16, s3;
	s6 =	smul.u32 $0x7D0, s24;
	[dreg:$0xb] =	wrdreg s5  }
0x24: {  	s25 =	sshrl.u32 s18, $0x2;
	_ =	strace $0x80000053;
	[dreg:$0xd] =	wrdreg s4  }
0x25: {  	s5 =	sshrl.u32 s7, $0x2;
	s24 =	sshrl.u32 s15, $0x2;
	[dreg:$0xe] =	wrdreg s9  }
0x26: {  	s26 =	sshrl.u32 s19, $0x2;
	s7 =	simm.s32 $0x4;
	[dreg:$0xf] =	wrdreg s2  }
0x27: {  	s15 =	simm.s32 $0x0;
	s0 =	sadd.s32 s6, s0;
	[dreg:$0x10] =	wrdreg s11  }
0x28: {  	s30 =	sadd.s32 s5, s3;
	s4 =	sshrl.u32 s8, $0x2;
	s2 =	sshrl.u32 s10, $0x2  }
0x29: {  	s5 =	sshrl.u32 s14, $0x2;
	s23 =	sadd.s32 s24, s3;
	s24 =	sadd.s32 s25, s3  }
0x2a: {  	s25 =	sadd.s32 s26, s3;
	s6 =	simm.s32 $0x1;
	s8 =	simm.s32 $0x2  }
.Ltmp0:
0x2b: {  	s9 =	simm.s32 $0x5;
	s10 =	simm.s32 $0x8;
	(pc) =	sbr.rel .LBB2_1-.Ltmp0, $4  }
0x2c: {  	s11 =	simm.s32 $0x1B180;
	s14 =	simm.s32 $0x6;
	s4 =	sadd.s32 s4, s3  }
0x2d: {  	s20 =	sadd.s32 s2, s3;
	s22 =	sadd.s32 s5, s3;
	s0 =	sadd.s32 $0x50, s0  }
0x2e: {  	s2 =	simm.s32 $0x16000;
	s5 =	simm.s32 $0x16100;
	[dreg:$0x11] =	wrdreg s4  }
0x2f: {  	v0 =	vimm.f32 $0.0e+00;
	[dreg:$0x12] =	wrdreg s0;
	s0 =	simm.s32 $0x18980;
	s4 =	simm.s32 $0x16080  }
.LBB2_8:
0x30: {  	_ =	swait.ge [sflag:s7], $0x80  }
0x31: {  	[sflag:s7] =	ssyncset.done $0x0  }
0x32: {  	[sflag:s7] =	ssyncadd.s32 $0xFFFFFF80  }
0x33: {  	[spmem:s3] =	stream.indirect.scatter.add.f32 [tilespmem:s28], [sflag:$0x7], $0x80, s2, s31, $0xb8;
	[tilespmem:$0x1D980] =	vst v63  }
0x34: {  	_ =	swait.ge [sflag:s29], $0x2800  }
0x35: {  	[sflag:s29] =	ssyncset.done $0x0  }
0x36: {  	[sflag:s29] =	ssyncadd.s32 $0xFFFFD800  }
0x37: {  	_ =	swait.ge [sflag:s8], $0x2800  }
0x38: {  	[sflag:s8] =	ssyncset.done $0x0  }
0x39: {  	[sflag:s8] =	ssyncadd.s32 $0xFFFFD800  }
0x3a: {  	_ =	swait.ge [sflag:s9], $0x80  }
0x3b: {  	[sflag:s9] =	ssyncset.done $0x0  }
0x3c: {  	[sflag:s9] =	ssyncadd.s32 $0xFFFFFF80  }
0x3d: {  	[spmem:s3] =	stream.indirect.scatter.add.f32 [tilespmem:s0], [sflag:$0x7], $0x80, s4, s31, $0xb8;
	[tilespmem:$0x1D980] =	vst v63  }
0x3e: {  	_ =	swait.ge [sflag:s29], $0x2800  }
0x3f: {  	[sflag:s29] =	ssyncset.done $0x0  }
0x40: {  	[sflag:s29] =	ssyncadd.s32 $0xFFFFD800  }
.LBB2_6:
0x41: {  	[bflag:$0x0] =	sbarrier.arrive $0xFFFF  }
0x42: {  	[tilespmem:s28], [sflag:$0x8] =	stream.linear.gather [spmem:s19], $0x2800, $0x38;
	[tilespmem:$0x1D980] =	vst v63  }
0x43: {  	_ =	swait.ge [sflag:s10], $0x2800  }
0x44: {  	[sflag:s10] =	ssyncset.done $0x0  }
0x45: {  	s16 =	rddreg [dreg:$0x5];
	[sflag:s10] =	ssyncadd.s32 $0xFFFFD800  }
0x46: {  	[hbm4b:s16+s13] =	stream.linear.scatter [tilespmem:s28], [sflag:$0x7], $0x2800, $0x38;
	[tilespmem:$0x1D980] =	vst v63  }
0x47: {  	_ =	swait.ge [sflag:s29], $0x2800  }
0x48: {  	[sflag:s29] =	ssyncset.done $0x0  }
0x49: {  	s17 =	rddreg [dreg:$0x11];
	[sflag:s29] =	ssyncadd.s32 $0xFFFFD800  }
0x4a: {  	[tilespmem:s28], [sflag:$0x8] =	stream.linear.gather [spmem:s17], $0x2800, $0x38;
	[tilespmem:$0x1D980] =	vst v63  }
0x4b: {  	_ =	swait.ge [sflag:s10], $0x2800  }
0x4c: {  	[sflag:s10] =	ssyncset.done $0x0  }
0x4d: {  	s18 =	rddreg [dreg:$0x6];
	[sflag:s10] =	ssyncadd.s32 $0xFFFFD800  }
0x4e: {  	[hbm4b:s18+s13] =	stream.linear.scatter [tilespmem:s28], [sflag:$0x7], $0x2800, $0x38;
	[tilespmem:$0x1D980] =	vst v63  }
0x4f: {  	_ =	swait.ge [sflag:s29], $0x2800  }
0x50: {  	[sflag:s29] =	ssyncset.done $0x0  }
0x51: {  	[sflag:s29] =	ssyncadd.s32 $0xFFFFD800  }
0x52: {  	[tilespmem:s28], [sflag:$0x8] =	stream.linear.gather [spmem:s20], $0x2800, $0x38;
	[tilespmem:$0x1D980] =	vst v63  }
0x53: {  	_ =	swait.ge [sflag:s10], $0x2800  }
0x54: {  	[sflag:s10] =	ssyncset.done $0x0  }
0x55: {  	s30 =	smov.u32 s19;
	s19 =	rddreg [dreg:$0x7];
	[sflag:s10] =	ssyncadd.s32 $0xFFFFD800  }
0x56: {  	[hbm4b:s19+s13] =	stream.linear.scatter [tilespmem:s28], [sflag:$0x7], $0x2800, $0x38;
	[tilespmem:$0x1D980] =	vst v63  }
0x57: {  	_ =	swait.ge [sflag:s29], $0x2800  }
0x58: {  	[sflag:s29] =	ssyncset.done $0x0  }
0x59: {  	[sflag:s29] =	ssyncadd.s32 $0xFFFFD800  }
0x5a: {  	[tilespmem:s28], [sflag:$0x8] =	stream.linear.gather [spmem:s21], $0x2800, $0x38;
	[tilespmem:$0x1D980] =	vst v63  }
0x5b: {  	_ =	swait.ge [sflag:s10], $0x2800  }
0x5c: {  	[sflag:s10] =	ssyncset.done $0x0  }
0x5d: {  	s26 =	rddreg [dreg:$0x8];
	[sflag:s10] =	ssyncadd.s32 $0xFFFFD800  }
0x5e: {  	[hbm4b:s26+s13] =	stream.linear.scatter [tilespmem:s28], [sflag:$0x7], $0x2800, $0x38;
	[tilespmem:$0x1D980] =	vst v63  }
0x5f: {  	_ =	swait.ge [sflag:s29], $0x2800  }
0x60: {  	[sflag:s29] =	ssyncset.done $0x0  }
0x61: {  	[sflag:s29] =	ssyncadd.s32 $0xFFFFD800  }
0x62: {  	[tilespmem:s28], [sflag:$0x8] =	stream.linear.gather [spmem:s22], $0x2800, $0x38;
	[tilespmem:$0x1D980] =	vst v63  }
0x63: {  	_ =	swait.ge [sflag:s10], $0x2800  }
0x64: {  	[sflag:s10] =	ssyncset.done $0x0  }
0x65: {  	s17 =	rddreg [dreg:$0x9];
	[sflag:s10] =	ssyncadd.s32 $0xFFFFD800  }
0x66: {  	[hbm4b:s17+s13] =	stream.linear.scatter [tilespmem:s28], [sflag:$0x7], $0x2800, $0x38;
	[tilespmem:$0x1D980] =	vst v63  }
0x67: {  	_ =	swait.ge [sflag:s29], $0x2800  }
0x68: {  	[sflag:s29] =	ssyncset.done $0x0  }
0x69: {  	[sflag:s29] =	ssyncadd.s32 $0xFFFFD800  }
0x6a: {  	[tilespmem:s28], [sflag:$0x8] =	stream.linear.gather [spmem:s23], $0x2800, $0x38;
	[tilespmem:$0x1D980] =	vst v63  }
0x6b: {  	_ =	swait.ge [sflag:s10], $0x2800  }
0x6c: {  	[sflag:s10] =	ssyncset.done $0x0  }
0x6d: {  	s18 =	rddreg [dreg:$0xa];
	[sflag:s10] =	ssyncadd.s32 $0xFFFFD800  }
0x6e: {  	[hbm4b:s18+s13] =	stream.linear.scatter [tilespmem:s28], [sflag:$0x7], $0x2800, $0x38;
	[tilespmem:$0x1D980] =	vst v63  }
0x6f: {  	_ =	swait.ge [sflag:s29], $0x2800  }
0x70: {  	[sflag:s29] =	ssyncset.done $0x0  }
0x71: {  	[sflag:s29] =	ssyncadd.s32 $0xFFFFD800  }
0x72: {  	[tilespmem:s28], [sflag:$0x8] =	stream.linear.gather [spmem:s24], $0x2800, $0x38;
	[tilespmem:$0x1D980] =	vst v63  }
0x73: {  	_ =	swait.ge [sflag:s10], $0x2800  }
0x74: {  	[sflag:s10] =	ssyncset.done $0x0  }
0x75: {  	s19 =	rddreg [dreg:$0xb];
	[sflag:s10] =	ssyncadd.s32 $0xFFFFD800  }
0x76: {  	[hbm4b:s19+s13] =	stream.linear.scatter [tilespmem:s28], [sflag:$0x7], $0x2800, $0x38;
	[tilespmem:$0x1D980] =	vst v63  }
0x77: {  	_ =	swait.ge [sflag:s29], $0x2800  }
0x78: {  	[sflag:s29] =	ssyncset.done $0x0  }
0x79: {  	s16 =	simm.s32 @!p0 $0x16180;
	s17 =	simm.s32 @!p0 $0x8;
	[sflag:s29] =	ssyncadd.s32 $0xFFFFD800  }
0x7a: {  	[tilespmem:s16], [sflag:$0x8] =	stream.linear.gather @!p0 [spmem:s25], $0x2800, $0x38;
	[tilespmem:$0x1D980] =	vst v63  }
0x7b: {  	_ =	swait.ge @!p0 [sflag:s17], $0x2800  }
0x7c: {  	[sflag:s17] =	ssyncset.done @!p0 $0x0  }
0x7d: {  	s18 =	rddreg [dreg:$0xc];
	[sflag:s17] =	ssyncadd.s32 @!p0 $0xFFFFD800;
	s17 =	simm.s32 @!p0 $0x0  }
0x7e: {  	[hbm4b:s18+s17] =	stream.linear.scatter @!p0 [tilespmem:s16], [sflag:$0x7], $0x2800, $0x38;
	[tilespmem:$0x1D980] =	vst v63  }
0x7f: {  	s16 =	simm.s32 @!p0 $0x7  }
0x80: {  	_ =	swait.ge @!p0 [sflag:s16], $0x2800  }
0x81: {  	s15 =	sadd.s32 $0x1, s15;
	s26 =	rddreg [dreg:$0x10]  }
0x82: {  	p1 =	sne.s32 s15, s26  }
.Ltmp1:
0x83: {  	_ = 	snop;
	(pc) =	sbr.rel @!p1 .LBB2_7-.Ltmp1, $3  }
0x84: {  	_ =	sdelay $0x1  }
0x85: {  	[sflag:s16] =	ssyncset.done @!p0 $0x0  }
0x86: {  	[sflag:s16] =	ssyncadd.s32 @!p0 $0xFFFFD800  }
.LBB2_1:
0x87: {  	s16 =	simm.s32 $0x70;
	s26 =	simm.s32 $0x3C0  }
.LBB2_2:
0x88: {  	p1 =	sne.s32 s26, $0x9FC0;
	[tilespmem:s16+$0x16180] =	vst v0  }
0x89: {  	[tilespmem:s16+$0x16110] =	vst v0  }
0x8a: {  	[tilespmem:s16+$0x16120] =	vst v0  }
.Ltmp2:
0x8b: {  	[tilespmem:s16+$0x16130] =	vst v0;
	(pc) =	sbr.rel @p1 .LBB2_2-.Ltmp2, $4  }
0x8c: {  	[tilespmem:s16+$0x16140] =	vst v0  }
0x8d: {  	[tilespmem:s16+$0x16150] =	vst v0  }
0x8e: {  	[tilespmem:s16+$0x16160] =	vst v0  }
0x8f: {  	[tilespmem:s16+$0x16170] =	vst v0;
	s16 =	sshra.s32 s26, $0x2;
	s26 =	sadd.s32 $0x200, s26  }
0x90: {  	[tilespmem:s16+$0x16180] =	vst v0  }
0x91: {  	[tilespmem:s16+$0x16110] =	vst v0  }
0x92: {  	[tilespmem:s16+$0x16120] =	vst v0  }
0x93: {  	[tilespmem:s16+$0x16130] =	vst v0  }
0x94: {  	[tilespmem:s16+$0x16140] =	vst v0  }
0x95: {  	[tilespmem:s16+$0x16150] =	vst v0  }
0x96: {  	[tilespmem:s16+$0x16160] =	vst v0  }
0x97: {  	[tilespmem:s16+$0x16170] =	vst v0  }
0x98: {  	[spmem:s30] =	stream.linear.scatter [tilespmem:s28], [sflag:$0x7], $0x2800, $0x38;
	[tilespmem:$0x1D980] =	vst v63  }
0x99: {  	_ =	swait.ge [sflag:s29], $0x2800  }
0x9a: {  	[sflag:s29] =	ssyncset.done $0x0  }
0x9b: {  	s17 =	rddreg [dreg:$0x11];
	[sflag:s29] =	ssyncadd.s32 $0xFFFFD800  }
0x9c: {  	[spmem:s17] =	stream.linear.scatter [tilespmem:s28], [sflag:$0x7], $0x2800, $0x38;
	[tilespmem:$0x1D980] =	vst v63  }
0x9d: {  	_ =	swait.ge [sflag:s29], $0x2800  }
0x9e: {  	[sflag:s29] =	ssyncset.done $0x0  }
0x9f: {  	[sflag:s29] =	ssyncadd.s32 $0xFFFFD800  }
0xa0: {  	[spmem:s20] =	stream.linear.scatter [tilespmem:s28], [sflag:$0x7], $0x2800, $0x38;
	[tilespmem:$0x1D980] =	vst v63  }
0xa1: {  	_ =	swait.ge [sflag:s29], $0x2800  }
0xa2: {  	[sflag:s29] =	ssyncset.done $0x0  }
0xa3: {  	[sflag:s29] =	ssyncadd.s32 $0xFFFFD800  }
0xa4: {  	[spmem:s21] =	stream.linear.scatter [tilespmem:s28], [sflag:$0x7], $0x2800, $0x38;
	[tilespmem:$0x1D980] =	vst v63  }
0xa5: {  	_ =	swait.ge [sflag:s29], $0x2800  }
0xa6: {  	[sflag:s29] =	ssyncset.done $0x0  }
0xa7: {  	[sflag:s29] =	ssyncadd.s32 $0xFFFFD800  }
0xa8: {  	[spmem:s22] =	stream.linear.scatter [tilespmem:s28], [sflag:$0x7], $0x2800, $0x38;
	[tilespmem:$0x1D980] =	vst v63  }
0xa9: {  	_ =	swait.ge [sflag:s29], $0x2800  }
0xaa: {  	[sflag:s29] =	ssyncset.done $0x0  }
0xab: {  	[sflag:s29] =	ssyncadd.s32 $0xFFFFD800  }
0xac: {  	[spmem:s23] =	stream.linear.scatter [tilespmem:s28], [sflag:$0x7], $0x2800, $0x38;
	[tilespmem:$0x1D980] =	vst v63  }
0xad: {  	_ =	swait.ge [sflag:s29], $0x2800  }
0xae: {  	[sflag:s29] =	ssyncset.done $0x0  }
0xaf: {  	[sflag:s29] =	ssyncadd.s32 $0xFFFFD800  }
0xb0: {  	[spmem:s24] =	stream.linear.scatter [tilespmem:s28], [sflag:$0x7], $0x2800, $0x38;
	[tilespmem:$0x1D980] =	vst v63  }
0xb1: {  	_ =	swait.ge [sflag:s29], $0x2800  }
0xb2: {  	[sflag:s29] =	ssyncset.done $0x0  }
0xb3: {  	s16 =	simm.s32 @!p0 $0x16180;
	[sflag:s29] =	ssyncadd.s32 $0xFFFFD800  }
0xb4: {  	[spmem:s25] =	stream.linear.scatter @!p0 [tilespmem:s16], [sflag:$0x7], $0x2800, $0x38;
	[tilespmem:$0x1D980] =	vst v63  }
0xb5: {  	s16 =	simm.s32 @!p0 $0x7  }
0xb6: {  	_ =	swait.ge @!p0 [sflag:s16], $0x2800  }
0xb7: {  	[sflag:s16] =	ssyncset.done @!p0 $0x0  }
0xb8: {  	[sflag:s16] =	ssyncadd.s32 @!p0 $0xFFFFD800  }
0xb9: {  	[bflag:$0x0] =	sbarrier.arrive $0xFFFF  }
0xba: {  	s18 =	simm.s32 $0x13880;
	s16 =	simm.s32 $0x0;
	s17 =	rddreg [dreg:$0xd]  }
0xbb: {  	[tilespmem:s18], [sflag:$0x7] =	stream.linear.gather [hbm4b:s17+s16], $0x2710, $0x38;
	[tilespmem:$0x1D980] =	vst v63  }
0xbc: {  	_ =	swait.ge [sflag:s29], $0x2710  }
0xbd: {  	[sflag:s29] =	ssyncset.done $0x0  }
0xbe: {  	[sflag:s29] =	ssyncadd.s32 $0xFFFFD8F0  }
0xbf: {  	[tilespmem:s28], [sflag:$0x1] =	stream.indirect.gather [hbm4b:s1+s31], $0x80, s18, s31, $0xb8;
	[tilespmem:$0x1D980] =	vst v63  }
0xc0: {  	s18 =	simm.s32 $0x138D0  }
0xc1: {  	[tilespmem:s0], [sflag:$0x2] =	stream.indirect.gather [hbm4b:s1+s31], $0x80, s18, s31, $0xb8;
	[tilespmem:$0x1D980] =	vst v63  }
0xc2: {  	s26 =	rddreg [dreg:$0x4]  }
0xc3: {  	[tilespmem:s2], [sflag:$0x4] =	stream.linear.gather [hbm4b:s26+s16], $0x80, $0x38;
	[tilespmem:$0x1D980] =	vst v63  }
0xc4: {  	s18 =	rddreg [dreg:$0xe]  }
0xc5: {  	[tilespmem:s4], [sflag:$0x5] =	stream.linear.gather [hbm4b:s18+s16], $0x80, $0x38;
	[tilespmem:$0x1D980] =	vst v63  }
0xc6: {  	s26 =	rddreg [dreg:$0xf]  }
0xc7: {  	[tilespmem:s5], [sflag:$0x6] =	stream.linear.gather [hbm4b:s26+s16], $0x80, $0x38;
	[tilespmem:$0x1D980] =	vst v63  }
0xc8: {  	s19 =	smov.u32 s30;
	s30 =	simm.s32 $0x0;
	s26 =	rddreg [dreg:$0x12]  }
.LBB2_4:
0xc9: {  	p1 =	seq.s32 s16, $0x99C0  }
.Ltmp3:
0xca: {  	_ = 	snop;
	(pc) =	sbr.rel @p1 .LBB2_8-.Ltmp3, $4  }
0xcb: {  	_ = 	snop  }
0xcc: {  	_ =	swait.ge [sflag:s6], $0x2800  }
0xcd: {  	[sflag:s6] =	ssyncset.done $0x0  }
0xce: {  	[sflag:s6] =	ssyncadd.s32 $0xFFFFD800  }
0xcf: {  	s17 =	sshra.s32 s16, $0x2  }
0xd0: {  	s18 =	sadd.s32 $0x13920, s17  }
0xd1: {  	[tilespmem:s11], [sflag:$0x3] =	stream.indirect.gather [hbm4b:s1+s31], $0x80, s18, s31, $0xb8;
	[tilespmem:$0x1D980] =	vst v63  }
0xd2: {  	_ =	swait.ge [sflag:s7], $0x80  }
0xd3: {  	[sflag:s7] =	ssyncset.done $0x0  }
0xd4: {  	[sflag:s7] =	ssyncadd.s32 $0xFFFFFF80  }
0xd5: {  	[spmem:s3] =	stream.indirect.scatter.add.f32 [tilespmem:s28], [sflag:$0x7], $0x80, s2, s31, $0xb8;
	[tilespmem:$0x1D980] =	vst v63  }
0xd6: {  	_ =	swait.ge [sflag:s29], $0x2800  }
0xd7: {  	[sflag:s29] =	ssyncset.done $0x0  }
0xd8: {  	s18 =	sadd.s32 $0xFFFFFFE0, s26;
	[sflag:s29] =	ssyncadd.s32 $0xFFFFD800  }
0xd9: {  	[tilespmem:s2], [sflag:$0x4] =	stream.linear.gather [hbm4b:s18+s13], $0x80, $0x38;
	[tilespmem:$0x1D980] =	vst v63  }
0xda: {  	_ =	swait.ge [sflag:s8], $0x2800  }
0xdb: {  	[sflag:s8] =	ssyncset.done $0x0  }
0xdc: {  	s18 =	sadd.s32 $0x13970, s17;
	[sflag:s8] =	ssyncadd.s32 $0xFFFFD800  }
0xdd: {  	[tilespmem:s28], [sflag:$0x1] =	stream.indirect.gather [hbm4b:s1+s31], $0x80, s18, s31, $0xb8;
	[tilespmem:$0x1D980] =	vst v63  }
0xde: {  	_ =	swait.ge [sflag:s9], $0x80  }
0xdf: {  	[sflag:s9] =	ssyncset.done $0x0  }
0xe0: {  	[sflag:s9] =	ssyncadd.s32 $0xFFFFFF80  }
0xe1: {  	[spmem:s3] =	stream.indirect.scatter.add.f32 [tilespmem:s0], [sflag:$0x7], $0x80, s4, s31, $0xb8;
	[tilespmem:$0x1D980] =	vst v63  }
0xe2: {  	_ =	swait.ge [sflag:s29], $0x2800  }
0xe3: {  	[sflag:s29] =	ssyncset.done $0x0  }
0xe4: {  	s18 =	sadd.s32 $0xFFFFFFF0, s26;
	[sflag:s29] =	ssyncadd.s32 $0xFFFFD800  }
0xe5: {  	[tilespmem:s4], [sflag:$0x5] =	stream.linear.gather [hbm4b:s18+s13], $0x80, $0x38;
	[tilespmem:$0x1D980] =	vst v63  }
0xe6: {  	_ =	swait.ge [sflag:s12], $0x2800  }
0xe7: {  	[sflag:s12] =	ssyncset.done $0x0  }
0xe8: {  	s17 =	sadd.s32 $0x139C0, s17;
	[sflag:s12] =	ssyncadd.s32 $0xFFFFD800  }
0xe9: {  	[tilespmem:s0], [sflag:$0x2] =	stream.indirect.gather [hbm4b:s1+s31], $0x80, s17, s31, $0xb8;
	[tilespmem:$0x1D980] =	vst v63  }
0xea: {  	_ =	swait.ge [sflag:s14], $0x80  }
0xeb: {  	[sflag:s14] =	ssyncset.done $0x0  }
0xec: {  	[sflag:s14] =	ssyncadd.s32 $0xFFFFFF80  }
0xed: {  	[spmem:s3] =	stream.indirect.scatter.add.f32 [tilespmem:s11], [sflag:$0x7], $0x80, s5, s31, $0xb8;
	[tilespmem:$0x1D980] =	vst v63  }
0xee: {  	_ =	swait.ge [sflag:s29], $0x2800  }
0xef: {  	p1 =	sgt.u32 s30, $0x27;
	s16 =	sadd.s32 $0x3C0, s16;
	[sflag:s29] =	ssyncset.done $0x0  }
0xf0: {  	s18 =	simm.s32 @!p1 $0x16100;
	s17 =	simm.s32 @!p1 $0x0;
	[sflag:s29] =	ssyncadd.s32 $0xFFFFD800  }
0xf1: {  	[tilespmem:s18], [sflag:$0x6] =	stream.linear.gather @!p1 [hbm4b:s26+s17], $0x80, $0x38;
	[tilespmem:$0x1D980] =	vst v63  }
0xf2: {  	p1 =	sne.s32 s16, $0x9D80  }
.Ltmp4:
0xf3: {  	_ = 	snop;
	(pc) =	sbr.rel @p1 .LBB2_4-.Ltmp4, $4  }
.Ltmp5:
0xf4: {  	_ = 	snop;
	(pc) =	sbr.rel @!p1 .LBB2_6-.Ltmp5, $4  }
0xf5: {  	_ = 	snop  }
0xf6: {  	_ = 	snop  }
0xf7: {  	s30 =	sadd.s32 $0x1, s30;
	s26 =	sadd.s32 $0x30, s26  }
0xf8: {  	_ = 	snop  }
.LBB2_7:
0xf9: {  	_ =	sfence.sel $0x180000  }
0xfa: {  	[bflag:$0x0] =	sbarrier.arrive $0xFFFF  }
0xfb: {  	_ =	strace $0x90000053  }
0xfc: {  	s0 =	stileid.u32;
	[bflag:$0x2] =	sbarrier.arrive $0xFFFF  }
0xfd: {  	p0 =	sne.s32 s0, $0x0;
	s0 =	rddreg [dreg:$0x3]  }
0xfe: {  	s0 =	sadd.s32 @!p0 $0x100000, s0  }
0xff: {  	[sflag:s0] =	ssyncadd.tile.s32 @!p0 $0x1;
	_ =	shalt  }
.Lfunc_end2:
_tile_overlayer_lowered:
.L_overlay_start_2:
0x100: {  	(tag) =	ssettag $0x2  }
0x101: {  	s0 =	rddreg [dreg:$0x0];
	s2 =	stileid.u32  }
0x102: {  	s1 =	rddreg [dreg:$0x1];
	p0 =	sne.s32 s2, $0x0  }
0x103: {  	s3 =	rddreg [dreg:$0x2];
	[bflag:$0x3] =	sbarrier.arrive $0xFFFF;
	s2 =	simm.s32 @!p0 $0x1C07  }
0x104: {  	[timem:s3], [sflag:s2] =	dma.local @!p0 [hbm:s0], s1  }
0x105: {  	s0 =	simm.s32 @!p0 $0x7  }
0x106: {  	_ =	swait.ge @!p0 [sflag:s0], s1  }
0x107: {  	s1 =	ssub.s32 @!p0 $0x0, s1;
	[sflag:s0] =	ssyncset.done @!p0 $0x0  }
0x108: {  	[sflag:s0] =	ssyncadd.s32 @!p0 s1  }
0x109: {  	[bflag:$0x3] =	sbarrier.arrive $0xFFFF  }
0x10a: {  	_ =	shalt  }

</sc_bundles>
